<compile_context>
chip_gen: v7x
topology: tpu7x:2x2x1
jax: 0.10.2.dev20260603
libtpu: 0.0.44.dev20260713+nightly
codegen_flags: <defaults>
</compile_context>

<pallas_src>
import functools

import jax
import jax.numpy as jnp
from jax import lax
from jax.experimental import pallas as pl
from jax.experimental.pallas import tpu as pltpu
from jax.experimental.pallas import tpu_sc as plsc

_L = 16
_D = 128


def _sc_hist_body(NP, SH, CH, NS, NC, E, edge_ref, sd_ref, out_ref,
                  sd_v, srcc_a, dstc_a, srcc_b, dstc_b, sem_a, sem_b, sem_w,
                  deg_v, cs_v, cd_v):
    c = lax.axis_index("c")
    sid = lax.axis_index("s")
    wid = c * NS + sid
    z16 = jnp.zeros((_L,), jnp.float32)
    NCH = SH // CH
    bufs = [(srcc_a, dstc_a, sem_a), (srcc_b, dstc_b, sem_b)]

    def load(ch, b):
        base = wid * SH + ch * CH
        return (pltpu.async_copy(edge_ref.at[pl.ds(base, CH)], b[0], b[2]),
                pltpu.async_copy(edge_ref.at[pl.ds(E + base, CH)], b[1], b[2]))

    pend = load(0, bufs[0])
    pltpu.sync_copy(sd_ref, sd_v)

    def zero_body(i, _):
        deg_v[pl.ds(i * _L, _L)] = z16
        cs_v[pl.ds(i * _L, _L)] = z16
        cd_v[pl.ds(i * _L, _L)] = z16
        return 0
    lax.fori_loop(0, NP // _L, zero_body, 0)

    s_splat = sd_v[pl.ds(0, _L)]
    d_splat = sd_v[pl.ds(_L, _L)]
    ones16 = jnp.ones((_L,), jnp.float32)

    for ch in range(NCH):
        cur = bufs[ch % 2]
        nxt = None
        if ch + 1 < NCH:
            nxt = load(ch + 1, bufs[(ch + 1) % 2])
        for h in pend:
            h.wait()

        def body(k, _):
            for u in range(5):
                i = k * 5 + u
                sv = cur[0][pl.ds(i * _L, _L)]
                dv = cur[1][pl.ds(i * _L, _L)]
                plsc.addupdate_scatter(deg_v, [dv], ones16, mask=dv >= 0)
                plsc.addupdate_scatter(cs_v, [sv], ones16, mask=dv == s_splat)
                plsc.addupdate_scatter(cd_v, [sv], ones16, mask=dv == d_splat)
            return 0
        lax.fori_loop(0, CH // _L // 5, body, 0)
        pend = nxt

    nw = NC * NS
    hw = [pltpu.async_copy(deg_v, out_ref.at[pl.ds((0 * nw + wid) * NP, NP)], sem_w),
          pltpu.async_copy(cs_v, out_ref.at[pl.ds((1 * nw + wid) * NP, NP)], sem_w),
          pltpu.async_copy(cd_v, out_ref.at[pl.ds((2 * nw + wid) * NP, NP)], sem_w)]
    for h in hw:
        h.wait()


def _sc_msg_body(NP, E, RBP, CH, NS, edge_ref, mdis_ref, g_ref, zz_ref,
                 out_ref, mdis_v, srcc_a, dstc_a, srcc_b, dstc_b, packed,
                 src_stage, dst_stage, rowbuf, sem_a, sem_b, sem_g, sem_z,
                 acc):
    c = lax.axis_index("c")
    sid = lax.axis_index("s")
    SH = E // NS
    ACCR = NP + _D
    G = 32
    iota16 = lax.iota(jnp.int32, _L)
    NCH = SH // CH
    head_base = c * NP
    bufs = [(srcc_a, dstc_a, sem_a), (srcc_b, dstc_b, sem_b)]

    def load(ch, b):
        base = sid * SH + ch * CH
        return (pltpu.async_copy(edge_ref.at[pl.ds(base, CH)], b[0], b[2]),
                pltpu.async_copy(edge_ref.at[pl.ds(E + base, CH)], b[1], b[2]))

    pend = load(0, bufs[0])
    pltpu.sync_copy(mdis_ref, mdis_v)

    rows_pt = ACCR // NS
    done = 0
    hz = []
    for chunk in [_D] * (rows_pt // _D) + ([rows_pt % _D] if rows_pt % _D else []):
        hz.append(pltpu.async_copy(zz_ref.at[pl.ds(0, chunk)],
                                   acc.at[pl.ds(sid * rows_pt + done, chunk)],
                                   sem_z))
        done += chunk
    for h in hz:
        h.wait()
    plsc.subcore_barrier()

    off = jnp.int32(0)
    UN = 5
    for ch in range(NCH):
        cur = bufs[ch % 2]
        nxt = None
        if ch + 1 < NCH:
            nxt = load(ch + 1, bufs[(ch + 1) % 2])
        for h in pend:
            h.wait()

        def body(k, off):
            for u in range(UN):
                i = k * UN + u
                sv = cur[0][pl.ds(i * _L, _L)]
                dv = cur[1][pl.ds(i * _L, _L)]
                mk = plsc.load_gather(mdis_v, [dv])
                m = mk > 0.0
                plsc.store_compressed(packed.at[pl.ds(off, _L)],
                                      dv * 16384 + sv, mask=m)
                off = off + plsc.all_reduce_population_count(m)[0]
            return off
        off = lax.fori_loop(0, CH // _L // UN, body, off)
        pend = nxt

    zero16 = jnp.zeros((_L,), jnp.int32)
    nch = jnp.right_shift(off + (G - 1), 5)

    def chunk_body(i, _):
        def upk(j, _):
            pos = i * G + j * _L + iota16
            valid = pos < off
            pv = plsc.load_gather(packed, [pos])
            dv = jnp.where(valid, jnp.right_shift(pv, 14), NP)
            sv = jnp.where(valid, jnp.bitwise_and(pv, 16383), 0)
            src_stage[pl.ds(j * _L, _L)] = sv + head_base
            plsc.store_scatter(dst_stage, [zero16, j * _L + iota16], dv)
            return 0
        lax.fori_loop(0, G // _L, upk, 0)
        pltpu.async_copy(g_ref.at[src_stage], rowbuf, sem_g).wait()
        pltpu.sync_copy(rowbuf, acc.at[dst_stage.at[0]], add=True)
        return 0
    lax.fori_loop(0, nch, chunk_body, 0)

    plsc.subcore_barrier()

    rows_wb = NP // NS
    done = 0
    hw = []
    for _unused in range(rows_wb // _D):
        hw.append(pltpu.async_copy(acc.at[pl.ds(sid * rows_wb + done, _D)],
                                   out_ref.at[c, pl.ds(sid * rows_wb + done, _D)],
                                   sem_z))
        done += _D
    for h in hw:
        h.wait()


def _col(row_mat, ey):
    parts = [lax.dot_general(ey, row_mat[t:t + 1, :], (((1,), (1,)), ((), ())),
                             preferred_element_type=jnp.float32)
             for t in range(row_mat.shape[0])]
    return jnp.concatenate(parts, axis=0)


def _tc_prep_body(BR, x_ref, hist_ref, w1_ref, w2_ref, sd_ref,
                  g_ref, dis_ref, mdis_ref, ws_ref, wd_ref):
    S = BR // _D
    pid = pl.program_id(0)
    h = hist_ref[:, 0]
    nw = h.shape[0] // 3
    deg = jnp.sum(h[0:nw], axis=0) + 1.0
    cs = jnp.sum(h[nw:2 * nw], axis=0)
    cd = jnp.sum(h[2 * nw:], axis=0)
    dis = 1.0 / jnp.sqrt(deg)
    ids = (pid * BR + lax.broadcasted_iota(jnp.int32, (S, _D), 0) * _D
           + lax.broadcasted_iota(jnp.int32, (S, _D), 1))
    s = sd_ref[0, 0]
    d = sd_ref[0, 1]
    marked = (cs + cd > 0.0) | (ids == s) | (ids == d)
    dis_ref[0] = dis
    mdis_ref[0] = jnp.where(marked, dis, -dis)
    ws_ref[0] = cs * dis
    wd_ref[0] = cd * dis
    ey = (lax.broadcasted_iota(jnp.int32, (_D, _D), 0)
          == lax.broadcasted_iota(jnp.int32, (_D, _D), 1)).astype(jnp.float32)
    dis_col = _col(dis, ey)
    xb = x_ref[...]
    g_ref[0] = jnp.dot(xb, w1_ref[...], preferred_element_type=jnp.float32) * dis_col
    g_ref[1] = jnp.dot(xb, w2_ref[...], preferred_element_type=jnp.float32) * dis_col


def _tc_epi_body(BR, acc_ref, g_ref, dis_ref, ws_ref, wd_ref, b1a_ref, b2a_ref,
                 w1b_ref, w2b_ref, sd_ref, out_ref, yscr, t1scr, t2scr):
    pid = pl.program_id(0)
    nb = pl.num_programs(0)

    @pl.when(pid == 0)
    def _():
        yscr[...] = jnp.zeros((8, _D), jnp.float32)

    ey = (lax.broadcasted_iota(jnp.int32, (_D, _D), 0)
          == lax.broadcasted_iota(jnp.int32, (_D, _D), 1)).astype(jnp.float32)
    dis_col = _col(dis_ref[0], ey)
    ws_col = _col(ws_ref[0], ey)
    wd_col = _col(wd_ref[0], ey)
    z1 = (acc_ref[0] + g_ref[0]) * dis_col + b1a_ref[...]
    z2 = (acc_ref[1] + g_ref[1]) * dis_col + b2a_ref[...]
    t1 = jnp.dot(jax.nn.relu(z1), w1b_ref[...], preferred_element_type=jnp.float32)
    t2 = jnp.dot(jax.nn.relu(z2), w2b_ref[...], preferred_element_type=jnp.float32)
    cdim = (((0,), (0,)), ((), ()))
    y = jnp.concatenate(
        [lax.dot_general(ws_col, t1, cdim, preferred_element_type=jnp.float32),
         lax.dot_general(wd_col, t1, cdim, preferred_element_type=jnp.float32),
         lax.dot_general(ws_col, t2, cdim, preferred_element_type=jnp.float32),
         lax.dot_general(wd_col, t2, cdim, preferred_element_type=jnp.float32)],
        axis=0)
    yscr[0:4, :] = yscr[0:4, :] + y
    t1scr[...] = t1
    t2scr[...] = t2
    s = sd_ref[0, 0]
    d = sd_ref[0, 1]
    BRl = t1scr.shape[0]
    sl = s - pid * BRl

    @pl.when((sl >= 0) & (sl < BRl))
    def _():
        yscr[4:5, :] = t1scr[pl.ds(sl, 1), :]
        yscr[6:7, :] = t2scr[pl.ds(sl, 1), :]

    dl = d - pid * BRl

    @pl.when((dl >= 0) & (dl < BRl))
    def _():
        yscr[5:6, :] = t1scr[pl.ds(dl, 1), :]
        yscr[7:8, :] = t2scr[pl.ds(dl, 1), :]

    @pl.when(pid == nb - 1)
    def _():
        out_ref[...] = yscr[...]


def kernel(x, edge_index, src, dst, W1a, b1a, W1b, b1b, W2a, b2a, W2b, b2b):
    N, D = x.shape
    E = edge_index.shape[1]
    assert D == _D
    NP = ((N + 2047) // 2048) * 2048
    NB = NP // _D
    info = plsc.get_sparse_core_info()
    NC, NS = info.num_cores, info.num_subcores
    assert NC == 2 and E % (NC * NS) == 0 and NP <= 16384

    CH = 2000 if E % (NC * NS * 2000) == 0 else E // (NC * NS)
    SH1 = E // (NC * NS)
    RB = (E // NS + _D - 1) // _D

    src = jnp.asarray(src, jnp.int32)
    dst = jnp.asarray(dst, jnp.int32)
    sd32 = jnp.concatenate([jnp.full((_L,), src, jnp.int32),
                            jnp.full((_L,), dst, jnp.int32)])
    sd_tc = jnp.stack([src, dst]).reshape(1, 2)

    mesh = plsc.VectorSubcoreMesh(core_axis_name="c", subcore_axis_name="s")
    sc_params = pltpu.CompilerParams(needs_layout_passes=False)

    hist = pl.kernel(
        functools.partial(_sc_hist_body, NP, SH1, CH, NS, NC, E),
        out_type=jax.ShapeDtypeStruct((NC * NS * 3 * NP,), jnp.float32),
        mesh=mesh,
        compiler_params=sc_params,
        scratch_types=[
            pltpu.VMEM((2 * _L,), jnp.int32),
            pltpu.VMEM((CH,), jnp.int32),
            pltpu.VMEM((CH,), jnp.int32),
            pltpu.VMEM((CH,), jnp.int32),
            pltpu.VMEM((CH,), jnp.int32),
            pltpu.SemaphoreType.DMA,
            pltpu.SemaphoreType.DMA,
            pltpu.SemaphoreType.DMA,
            pltpu.VMEM((NP,), jnp.float32),
            pltpu.VMEM((NP,), jnp.float32),
            pltpu.VMEM((NP,), jnp.float32),
        ],
    )(edge_index.reshape(-1), sd32)

    BR = 1024
    NBB = NP // BR
    S = BR // _D
    xp = jnp.zeros((NP, D), jnp.float32).at[:N].set(x)
    hist4 = hist.reshape(3 * NC * NS, NBB, S, _D)
    g, dis8, mdis8, ws8, wd8 = pl.pallas_call(
        functools.partial(_tc_prep_body, BR),
        grid=(NBB,),
        in_specs=[
            pl.BlockSpec((BR, D), lambda b: (b, 0)),
            pl.BlockSpec((3 * NC * NS, 1, S, _D), lambda b: (0, b, 0, 0)),
            pl.BlockSpec((D, D), lambda b: (0, 0)),
            pl.BlockSpec((D, D), lambda b: (0, 0)),
            pl.BlockSpec(memory_space=pltpu.SMEM),
        ],
        out_specs=[
            pl.BlockSpec((2, BR, D), lambda b: (0, b, 0)),
            pl.BlockSpec((1, S, _D), lambda b: (b, 0, 0)),
            pl.BlockSpec((1, S, _D), lambda b: (b, 0, 0)),
            pl.BlockSpec((1, S, _D), lambda b: (b, 0, 0)),
            pl.BlockSpec((1, S, _D), lambda b: (b, 0, 0)),
        ],
        out_shape=[
            jax.ShapeDtypeStruct((2, NP, D), jnp.float32),
            jax.ShapeDtypeStruct((NBB, S, _D), jnp.float32),
            jax.ShapeDtypeStruct((NBB, S, _D), jnp.float32),
            jax.ShapeDtypeStruct((NBB, S, _D), jnp.float32),
            jax.ShapeDtypeStruct((NBB, S, _D), jnp.float32),
        ],
    )(xp, hist4, W1a, W2a, sd_tc)

    mdisf = mdis8.reshape(-1)
    disf = dis8.reshape(-1)
    gflat = g.reshape(2 * NP, D)
    zz = jnp.zeros((_D, D), jnp.float32)
    RBP = (E // NS + _D - 1) // _D

    accs = pl.kernel(
        functools.partial(_sc_msg_body, NP, E, RBP, CH, NS),
        out_type=jax.ShapeDtypeStruct((2, NP, D), jnp.float32),
        mesh=mesh,
        compiler_params=sc_params,
        scratch_types=[
            pltpu.VMEM((NP,), jnp.float32),
            pltpu.VMEM((CH,), jnp.int32),
            pltpu.VMEM((CH,), jnp.int32),
            pltpu.VMEM((CH,), jnp.int32),
            pltpu.VMEM((CH,), jnp.int32),
            pltpu.VMEM((RBP * _D,), jnp.int32),
            pltpu.VMEM((32,), jnp.int32),
            pltpu.VMEM((1, 32), jnp.int32),
            pltpu.VMEM((32, _D), jnp.float32),
            pltpu.SemaphoreType.DMA,
            pltpu.SemaphoreType.DMA,
            pltpu.SemaphoreType.DMA,
            pltpu.SemaphoreType.DMA,
            pltpu.VMEM_SHARED((NP + _D, D), jnp.float32),
        ],
    )(edge_index.reshape(-1), mdisf, gflat, zz)

    res = pl.pallas_call(
        functools.partial(_tc_epi_body, BR),
        grid=(NBB,),
        in_specs=[
            pl.BlockSpec((2, BR, D), lambda b: (0, b, 0)),
            pl.BlockSpec((2, BR, D), lambda b: (0, b, 0)),
            pl.BlockSpec((1, S, _D), lambda b: (b, 0, 0)),
            pl.BlockSpec((1, S, _D), lambda b: (b, 0, 0)),
            pl.BlockSpec((1, S, _D), lambda b: (b, 0, 0)),
            pl.BlockSpec((1, D), lambda b: (0, 0)),
            pl.BlockSpec((1, D), lambda b: (0, 0)),
            pl.BlockSpec((D, D), lambda b: (0, 0)),
            pl.BlockSpec((D, D), lambda b: (0, 0)),
            pl.BlockSpec(memory_space=pltpu.SMEM),
        ],
        out_specs=pl.BlockSpec((8, _D), lambda b: (0, 0)),
        out_shape=jax.ShapeDtypeStruct((8, _D), jnp.float32),
        scratch_shapes=[
            pltpu.VMEM((8, _D), jnp.float32),
            pltpu.VMEM((BR, D), jnp.float32),
            pltpu.VMEM((BR, D), jnp.float32),
        ],
    )(accs, g, dis8, ws8, wd8, b1a.reshape(1, D), b2a.reshape(1, D),
      W1b, W2b, sd_tc)

    dis_s = disf[src]
    dis_d = disf[dst]
    y1s = dis_s * res[0] + dis_s * dis_s * res[4] + b1b
    y1d = dis_d * res[1] + dis_d * dis_d * res[5] + b1b
    y2s = dis_s * res[2] + dis_s * dis_s * res[6] + b2b
    y2d = dis_d * res[3] + dis_d * dis_d * res[7] + b2b
    l1 = jnp.sum(y1s * y1d)
    l2 = jnp.sum(y2s * y2d)
    return jnp.stack([l1, l2])

# --- scband reference (transcript-rebuilt; emitter-appended) ---
"""Pipeline reference for scband-gnnpolicy-7713761264034 (READ-ONLY COPY).

The authoritative reference and input builder live on the scoring server;
editing this copy changes nothing except your own understanding.
"""

import jax, jax.numpy as jnp
import numpy as np

N = 10000
E = 320000
D = 128


def gcn_conv(x, edge_index, W, b):
    # PyG-style GCNConv: linear transform, add self-loops, symmetric normalization, scatter-add
    n = x.shape[0]
    src = edge_index[0]
    dst = edge_index[1]
    sl = jnp.arange(n, dtype=src.dtype)
    src_full = jnp.concatenate([src, sl])
    dst_full = jnp.concatenate([dst, sl])
    deg = jnp.zeros((n,), dtype=x.dtype).at[dst_full].add(1.0)
    deg_inv_sqrt = jnp.where(deg > 0, 1.0 / jnp.sqrt(deg), 0.0)
    norm = deg_inv_sqrt[src_full] * deg_inv_sqrt[dst_full]
    h = x @ W
    msg = h[src_full] * norm[:, None]
    out = jax.ops.segment_sum(msg, dst_full, num_segments=n)
    return out + b


def setup_inputs(seed: int = 0):
    key = jax.random.key(seed)
    ks = jax.random.split(key, 12)
    x = jax.random.normal(ks[0], (N, D), dtype=jnp.float32)
    edge_index = jax.random.randint(ks[1], (2, E), 0, N, dtype=jnp.int32)
    scale = 1.0 / np.sqrt(D)
    W1a = jax.random.normal(ks[2], (D, D), dtype=jnp.float32) * scale
    b1a = jnp.zeros((D,), dtype=jnp.float32)
    W1b = jax.random.normal(ks[3], (D, D), dtype=jnp.float32) * scale
    b1b = jnp.zeros((D,), dtype=jnp.float32)
    W2a = jax.random.normal(ks[4], (D, D), dtype=jnp.float32) * scale
    b2a = jnp.zeros((D,), dtype=jnp.float32)
    W2b = jax.random.normal(ks[5], (D, D), dtype=jnp.float32) * scale
    b2b = jnp.zeros((D,), dtype=jnp.float32)
    return {"x": x, "edge_index": edge_index, "src": 1234, "dst": 5678,
            "W1a": W1a, "b1a": b1a, "W1b": W1b, "b1b": b1b,
            "W2a": W2a, "b2a": b2a, "W2b": W2b, "b2b": b2b}


def reference(x, edge_index, src, dst, W1a, b1a, W1b, b1b, W2a, b2a, W2b, b2b):
    # gcn1: conv -> relu -> conv
    h1 = jax.nn.relu(gcn_conv(x, edge_index, W1a, b1a))
    y1 = gcn_conv(h1, edge_index, W1b, b1b)
    # gcn2: conv -> relu -> conv
    h2 = jax.nn.relu(gcn_conv(x, edge_index, W2a, b2a))
    y2 = gcn_conv(h2, edge_index, W2b, b2b)
    # score for a (src, dst) node pair from each head
    l1 = jnp.sum(y1[src] * y1[dst])
    l2 = jnp.sum(y2[src] * y2[dst])
    return jnp.stack([l1, l2])

if __name__ == "__main__":
    import jax
    _d = setup_inputs()
    print(jax.jit(kernel)(*tuple(_d.values())))

</pallas_src>

<mosaic_0001>
#map = affine_map<(d0, d1) -> (0)>
#map1 = affine_map<(d0, d1) -> (0, 0)>
#map2 = affine_map<(d0, d1) -> (0, 0, 0)>
module attributes {stable_mosaic.version = 14 : i64} {
  func.func @_sc_msg_body(%arg0: i32, %arg1: i32, %arg2: memref<640000xi32, #tpu.memory_space<hbm>>, %arg3: memref<10240xf32, #tpu.memory_space<hbm>>, %arg4: memref<20480x128xf32, #tpu.memory_space<hbm>>, %arg5: memref<128x128xf32, #tpu.memory_space<hbm>>, %arg6: memref<2x10240x128xf32, #tpu.memory_space<hbm>>, %arg7: memref<10240xf32, #tpu.memory_space<vmem>>, %arg8: memref<2000xi32, #tpu.memory_space<vmem>>, %arg9: memref<2000xi32, #tpu.memory_space<vmem>>, %arg10: memref<2000xi32, #tpu.memory_space<vmem>>, %arg11: memref<2000xi32, #tpu.memory_space<vmem>>, %arg12: memref<20096xi32, #tpu.memory_space<vmem>>, %arg13: memref<32xi32, #tpu.memory_space<vmem>>, %arg14: memref<1x32xi32, #tpu.memory_space<vmem>>, %arg15: memref<32x128xf32, #tpu.memory_space<vmem>>, %arg16: memref<!tpu.dma_semaphore, #tpu.memory_space<semaphore_mem>>, %arg17: memref<!tpu.dma_semaphore, #tpu.memory_space<semaphore_mem>>, %arg18: memref<!tpu.dma_semaphore, #tpu.memory_space<semaphore_mem>>, %arg19: memref<!tpu.dma_semaphore, #tpu.memory_space<semaphore_mem>>, %arg20: memref<10368x128xf32, #tpu.memory_space<vmem_shared>>) attributes {dimension_semantics = [#tpu.dimension_semantics<core_parallel>, #tpu.dimension_semantics<subcore_parallel>], iteration_bounds = array<i64: 2, 16>, scalar_prefetch = 0 : i64, scratch_operands = 14 : i64, tpu.core_type = #tpu.core_type<sc_vector_subcore>, window_params = [{transform_indices = #map}, {transform_indices = #map}, {transform_indices = #map1}, {transform_indices = #map1}, {transform_indices = #map2}]} {
    %iota3A = tpu.iota {dimensions = array<i32: 0>} : vector<16xi32>
    %mul3A = arith.constant 10240 : i32
    %mul3A_0 = arith.muli %arg0, %mul3A : i32
    %mul3A_1 = arith.constant 20000 : i32
    %mul3A_2 = arith.muli %arg1, %mul3A_1 : i32
    %add3A = arith.constant 0 : i32
    %add3A_3 = arith.addi %mul3A_2, %add3A : i32
    %dma_start3A = tpu.memref_slice %arg2[%add3A_3] : memref<640000xi32, #tpu.memory_space<hbm>> -> memref<2000xi32, #tpu.memory_space<hbm>>
    %dma_start3A_4 = tpu.memref_slice %arg2[%add3A_3] : memref<640000xi32, #tpu.memory_space<hbm>> -> memref<2000xi32, #tpu.memory_space<hbm>>
    tpu.enqueue_dma source(%dma_start3A_4 : memref<2000xi32, #tpu.memory_space<hbm>>) target(%arg8 : memref<2000xi32, #tpu.memory_space<vmem>>) target_semaphore(%arg16 : memref<!tpu.dma_semaphore, #tpu.memory_space<semaphore_mem>>)
    %add3A_5 = arith.constant 320000 : i32
    %add3A_6 = arith.addi %add3A_5, %add3A_3 : i32
    %dma_start3A_7 = tpu.memref_slice %arg2[%add3A_6] : memref<640000xi32, #tpu.memory_space<hbm>> -> memref<2000xi32, #tpu.memory_space<hbm>>
    %dma_start3A_8 = tpu.memref_slice %arg2[%add3A_6] : memref<640000xi32, #tpu.memory_space<hbm>> -> memref<2000xi32, #tpu.memory_space<hbm>>
    tpu.enqueue_dma source(%dma_start3A_8 : memref<2000xi32, #tpu.memory_space<hbm>>) target(%arg9 : memref<2000xi32, #tpu.memory_space<vmem>>) target_semaphore(%arg16 : memref<!tpu.dma_semaphore, #tpu.memory_space<semaphore_mem>>)
    "tpu.region"() ({
      %run_scoped3A = tpu.sem_alloc : memref<!tpu.dma_semaphore, #tpu.memory_space<semaphore_mem>>
      tpu.enqueue_dma source(%arg3 : memref<10240xf32, #tpu.memory_space<hbm>>) target(%arg7 : memref<10240xf32, #tpu.memory_space<vmem>>) target_semaphore(%run_scoped3A : memref<!tpu.dma_semaphore, #tpu.memory_space<semaphore_mem>>)
      tpu.wait_dma2 semaphore(%run_scoped3A : memref<!tpu.dma_semaphore, #tpu.memory_space<semaphore_mem>>) src(%arg3 : memref<10240xf32, #tpu.memory_space<hbm>>) dst(%arg7 : memref<10240xf32, #tpu.memory_space<vmem>>)
      tpu.yield
    }) : () -> ()
    %mul3A_9 = arith.constant 648 : i32
    %mul3A_10 = arith.muli %arg1, %mul3A_9 : i32
    %add3A_11 = arith.constant 0 : i32
    %add3A_12 = arith.addi %mul3A_10, %add3A_11 : i32
    %dma_start3A_13 = arith.constant 0 : i32
    %dma_start3A_14 = tpu.memref_slice %arg20[%add3A_12, %dma_start3A_13] : memref<10368x128xf32, #tpu.memory_space<vmem_shared>> -> memref<128x128xf32, #tpu.memory_space<vmem_shared>>
    %dma_start3A_15 = arith.constant 0 : i32
    %dma_start3A_16 = arith.constant 0 : i32
    %dma_start3A_17 = tpu.memref_slice %arg5[%dma_start3A_15, %dma_start3A_16] : memref<128x128xf32, #tpu.memory_space<hbm>> -> memref<128x128xf32, #tpu.memory_space<hbm>>
    tpu.enqueue_dma source(%dma_start3A_17 : memref<128x128xf32, #tpu.memory_space<hbm>>) target(%dma_start3A_14 : memref<128x128xf32, #tpu.memory_space<vmem_shared>>) target_semaphore(%arg19 : memref<!tpu.dma_semaphore, #tpu.memory_space<semaphore_mem>>)
    %mul3A_18 = arith.constant 648 : i32
    %mul3A_19 = arith.muli %arg1, %mul3A_18 : i32
    %add3A_20 = arith.constant 128 : i32
    %add3A_21 = arith.addi %mul3A_19, %add3A_20 : i32
    %dma_start3A_22 = arith.constant 0 : i32
    %dma_start3A_23 = tpu.memref_slice %arg20[%add3A_21, %dma_start3A_22] : memref<10368x128xf32, #tpu.memory_space<vmem_shared>> -> memref<128x128xf32, #tpu.memory_space<vmem_shared>>
    %dma_start3A_24 = arith.constant 0 : i32
    %dma_start3A_25 = arith.constant 0 : i32
    %dma_start3A_26 = tpu.memref_slice %arg5[%dma_start3A_24, %dma_start3A_25] : memref<128x128xf32, #tpu.memory_space<hbm>> -> memref<128x128xf32, #tpu.memory_space<hbm>>
    tpu.enqueue_dma source(%dma_start3A_26 : memref<128x128xf32, #tpu.memory_space<hbm>>) target(%dma_start3A_23 : memref<128x128xf32, #tpu.memory_space<vmem_shared>>) target_semaphore(%arg19 : memref<!tpu.dma_semaphore, #tpu.memory_space<semaphore_mem>>)
    %mul3A_27 = arith.constant 648 : i32
    %mul3A_28 = arith.muli %arg1, %mul3A_27 : i32
    %add3A_29 = arith.constant 256 : i32
    %add3A_30 = arith.addi %mul3A_28, %add3A_29 : i32
    %dma_start3A_31 = arith.constant 0 : i32
    %dma_start3A_32 = tpu.memref_slice %arg20[%add3A_30, %dma_start3A_31] : memref<10368x128xf32, #tpu.memory_space<vmem_shared>> -> memref<128x128xf32, #tpu.memory_space<vmem_shared>>
    %dma_start3A_33 = arith.constant 0 : i32
    %dma_start3A_34 = arith.constant 0 : i32
    %dma_start3A_35 = tpu.memref_slice %arg5[%dma_start3A_33, %dma_start3A_34] : memref<128x128xf32, #tpu.memory_space<hbm>> -> memref<128x128xf32, #tpu.memory_space<hbm>>
    tpu.enqueue_dma source(%dma_start3A_35 : memref<128x128xf32, #tpu.memory_space<hbm>>) target(%dma_start3A_32 : memref<128x128xf32, #tpu.memory_space<vmem_shared>>) target_semaphore(%arg19 : memref<!tpu.dma_semaphore, #tpu.memory_space<semaphore_mem>>)
    %mul3A_36 = arith.constant 648 : i32
    %mul3A_37 = arith.muli %arg1, %mul3A_36 : i32
    %add3A_38 = arith.constant 384 : i32
    %add3A_39 = arith.addi %mul3A_37, %add3A_38 : i32
    %dma_start3A_40 = arith.constant 0 : i32
    %dma_start3A_41 = tpu.memref_slice %arg20[%add3A_39, %dma_start3A_40] : memref<10368x128xf32, #tpu.memory_space<vmem_shared>> -> memref<128x128xf32, #tpu.memory_space<vmem_shared>>
    %dma_start3A_42 = arith.constant 0 : i32
    %dma_start3A_43 = arith.constant 0 : i32
    %dma_start3A_44 = tpu.memref_slice %arg5[%dma_start3A_42, %dma_start3A_43] : memref<128x128xf32, #tpu.memory_space<hbm>> -> memref<128x128xf32, #tpu.memory_space<hbm>>
    tpu.enqueue_dma source(%dma_start3A_44 : memref<128x128xf32, #tpu.memory_space<hbm>>) target(%dma_start3A_41 : memref<128x128xf32, #tpu.memory_space<vmem_shared>>) target_semaphore(%arg19 : memref<!tpu.dma_semaphore, #tpu.memory_space<semaphore_mem>>)
    %mul3A_45 = arith.constant 648 : i32
    %mul3A_46 = arith.muli %arg1, %mul3A_45 : i32
    %add3A_47 = arith.constant 512 : i32
    %add3A_48 = arith.addi %mul3A_46, %add3A_47 : i32
    %dma_start3A_49 = arith.constant 0 : i32
    %dma_start3A_50 = tpu.memref_slice %arg20[%add3A_48, %dma_start3A_49] : memref<10368x128xf32, #tpu.memory_space<vmem_shared>> -> memref<128x128xf32, #tpu.memory_space<vmem_shared>>
    %dma_start3A_51 = arith.constant 0 : i32
    %dma_start3A_52 = arith.constant 0 : i32
    %dma_start3A_53 = tpu.memref_slice %arg5[%dma_start3A_51, %dma_start3A_52] : memref<128x128xf32, #tpu.memory_space<hbm>> -> memref<128x128xf32, #tpu.memory_space<hbm>>
    tpu.enqueue_dma source(%dma_start3A_53 : memref<128x128xf32, #tpu.memory_space<hbm>>) target(%dma_start3A_50 : memref<128x128xf32, #tpu.memory_space<vmem_shared>>) target_semaphore(%arg19 : memref<!tpu.dma_semaphore, #tpu.memory_space<semaphore_mem>>)
    %mul3A_54 = arith.constant 648 : i32
    %mul3A_55 = arith.muli %arg1, %mul3A_54 : i32
    %add3A_56 = arith.constant 640 : i32
    %add3A_57 = arith.addi %mul3A_55, %add3A_56 : i32
    %dma_start3A_58 = arith.constant 0 : i32
    %dma_start3A_59 = tpu.memref_slice %arg20[%add3A_57, %dma_start3A_58] : memref<10368x128xf32, #tpu.memory_space<vmem_shared>> -> memref<8x128xf32, #tpu.memory_space<vmem_shared>>
    %dma_start3A_60 = arith.constant 0 : i32
    %dma_start3A_61 = arith.constant 0 : i32
    %dma_start3A_62 = tpu.memref_slice %arg5[%dma_start3A_60, %dma_start3A_61] : memref<128x128xf32, #tpu.memory_space<hbm>> -> memref<8x128xf32, #tpu.memory_space<hbm>>
    tpu.enqueue_dma source(%dma_start3A_62 : memref<8x128xf32, #tpu.memory_space<hbm>>) target(%dma_start3A_59 : memref<8x128xf32, #tpu.memory_space<vmem_shared>>) target_semaphore(%arg19 : memref<!tpu.dma_semaphore, #tpu.memory_space<semaphore_mem>>)
    %dma_wait3A = arith.constant 0 : i32
    %dma_wait3A_63 = tpu.memref_slice %arg20[%add3A_12, %dma_wait3A] : memref<10368x128xf32, #tpu.memory_space<vmem_shared>> -> memref<128x128xf32, #tpu.memory_space<vmem_shared>>
    %dma_wait3A_64 = arith.constant 0 : i32
    %dma_wait3A_65 = arith.constant 0 : i32
    %dma_wait3A_66 = tpu.memref_slice %arg5[%dma_wait3A_64, %dma_wait3A_65] : memref<128x128xf32, #tpu.memory_space<hbm>> -> memref<128x128xf32, #tpu.memory_space<hbm>>
    tpu.wait_dma2 semaphore(%arg19 : memref<!tpu.dma_semaphore, #tpu.memory_space<semaphore_mem>>) src(%dma_wait3A_66 : memref<128x128xf32, #tpu.memory_space<hbm>>) dst(%dma_wait3A_63 : memref<128x128xf32, #tpu.memory_space<vmem_shared>>)
    %dma_wait3A_67 = arith.constant 0 : i32
    %dma_wait3A_68 = tpu.memref_slice %arg20[%add3A_21, %dma_wait3A_67] : memref<10368x128xf32, #tpu.memory_space<vmem_shared>> -> memref<128x128xf32, #tpu.memory_space<vmem_shared>>
    %dma_wait3A_69 = arith.constant 0 : i32
    %dma_wait3A_70 = arith.constant 0 : i32
    %dma_wait3A_71 = tpu.memref_slice %arg5[%dma_wait3A_69, %dma_wait3A_70] : memref<128x128xf32, #tpu.memory_space<hbm>> -> memref<128x128xf32, #tpu.memory_space<hbm>>
    tpu.wait_dma2 semaphore(%arg19 : memref<!tpu.dma_semaphore, #tpu.memory_space<semaphore_mem>>) src(%dma_wait3A_71 : memref<128x128xf32, #tpu.memory_space<hbm>>) dst(%dma_wait3A_68 : memref<128x128xf32, #tpu.memory_space<vmem_shared>>)
    %dma_wait3A_72 = arith.constant 0 : i32
    %dma_wait3A_73 = tpu.memref_slice %arg20[%add3A_30, %dma_wait3A_72] : memref<10368x128xf32, #tpu.memory_space<vmem_shared>> -> memref<128x128xf32, #tpu.memory_space<vmem_shared>>
    %dma_wait3A_74 = arith.constant 0 : i32
    %dma_wait3A_75 = arith.constant 0 : i32
    %dma_wait3A_76 = tpu.memref_slice %arg5[%dma_wait3A_74, %dma_wait3A_75] : memref<128x128xf32, #tpu.memory_space<hbm>> -> memref<128x128xf32, #tpu.memory_space<hbm>>
    tpu.wait_dma2 semaphore(%arg19 : memref<!tpu.dma_semaphore, #tpu.memory_space<semaphore_mem>>) src(%dma_wait3A_76 : memref<128x128xf32, #tpu.memory_space<hbm>>) dst(%dma_wait3A_73 : memref<128x128xf32, #tpu.memory_space<vmem_shared>>)
    %dma_wait3A_77 = arith.constant 0 : i32
    %dma_wait3A_78 = tpu.memref_slice %arg20[%add3A_39, %dma_wait3A_77] : memref<10368x128xf32, #tpu.memory_space<vmem_shared>> -> memref<128x128xf32, #tpu.memory_space<vmem_shared>>
    %dma_wait3A_79 = arith.constant 0 : i32
    %dma_wait3A_80 = arith.constant 0 : i32
    %dma_wait3A_81 = tpu.memref_slice %arg5[%dma_wait3A_79, %dma_wait3A_80] : memref<128x128xf32, #tpu.memory_space<hbm>> -> memref<128x128xf32, #tpu.memory_space<hbm>>
    tpu.wait_dma2 semaphore(%arg19 : memref<!tpu.dma_semaphore, #tpu.memory_space<semaphore_mem>>) src(%dma_wait3A_81 : memref<128x128xf32, #tpu.memory_space<hbm>>) dst(%dma_wait3A_78 : memref<128x128xf32, #tpu.memory_space<vmem_shared>>)
    %dma_wait3A_82 = arith.constant 0 : i32
    %dma_wait3A_83 = tpu.memref_slice %arg20[%add3A_48, %dma_wait3A_82] : memref<10368x128xf32, #tpu.memory_space<vmem_shared>> -> memref<128x128xf32, #tpu.memory_space<vmem_shared>>
    %dma_wait3A_84 = arith.constant 0 : i32
    %dma_wait3A_85 = arith.constant 0 : i32
    %dma_wait3A_86 = tpu.memref_slice %arg5[%dma_wait3A_84, %dma_wait3A_85] : memref<128x128xf32, #tpu.memory_space<hbm>> -> memref<128x128xf32, #tpu.memory_space<hbm>>
    tpu.wait_dma2 semaphore(%arg19 : memref<!tpu.dma_semaphore, #tpu.memory_space<semaphore_mem>>) src(%dma_wait3A_86 : memref<128x128xf32, #tpu.memory_space<hbm>>) dst(%dma_wait3A_83 : memref<128x128xf32, #tpu.memory_space<vmem_shared>>)
    %dma_wait3A_87 = arith.constant 0 : i32
    %dma_wait3A_88 = tpu.memref_slice %arg20[%add3A_57, %dma_wait3A_87] : memref<10368x128xf32, #tpu.memory_space<vmem_shared>> -> memref<8x128xf32, #tpu.memory_space<vmem_shared>>
    %dma_wait3A_89 = arith.constant 0 : i32
    %dma_wait3A_90 = arith.constant 0 : i32
    %dma_wait3A_91 = tpu.memref_slice %arg5[%dma_wait3A_89, %dma_wait3A_90] : memref<128x128xf32, #tpu.memory_space<hbm>> -> memref<8x128xf32, #tpu.memory_space<hbm>>
    tpu.wait_dma2 semaphore(%arg19 : memref<!tpu.dma_semaphore, #tpu.memory_space<semaphore_mem>>) src(%dma_wait3A_91 : memref<8x128xf32, #tpu.memory_space<hbm>>) dst(%dma_wait3A_88 : memref<8x128xf32, #tpu.memory_space<vmem_shared>>)
    %barrier3A = arith.constant 0 : index
    tpu.barrier barrier_id(%barrier3A)
    %mul3A_92 = arith.constant 20000 : i32
    %mul3A_93 = arith.muli %arg1, %mul3A_92 : i32
    %add3A_94 = arith.constant 2000 : i32
    %add3A_95 = arith.addi %mul3A_93, %add3A_94 : i32
    %dma_start3A_96 = tpu.memref_slice %arg2[%add3A_95] : memref<640000xi32, #tpu.memory_space<hbm>> -> memref<2000xi32, #tpu.memory_space<hbm>>
    %dma_start3A_97 = tpu.memref_slice %arg2[%add3A_95] : memref<640000xi32, #tpu.memory_space<hbm>> -> memref<2000xi32, #tpu.memory_space<hbm>>
    tpu.enqueue_dma source(%dma_start3A_97 : memref<2000xi32, #tpu.memory_space<hbm>>) target(%arg10 : memref<2000xi32, #tpu.memory_space<vmem>>) target_semaphore(%arg17 : memref<!tpu.dma_semaphore, #tpu.memory_space<semaphore_mem>>)
    %add3A_98 = arith.constant 320000 : i32
    %add3A_99 = arith.addi %add3A_98, %add3A_95 : i32
    %dma_start3A_100 = tpu.memref_slice %arg2[%add3A_99] : memref<640000xi32, #tpu.memory_space<hbm>> -> memref<2000xi32, #tpu.memory_space<hbm>>
    %dma_start3A_101 = tpu.memref_slice %arg2[%add3A_99] : memref<640000xi32, #tpu.memory_space<hbm>> -> memref<2000xi32, #tpu.memory_space<hbm>>
    tpu.enqueue_dma source(%dma_start3A_101 : memref<2000xi32, #tpu.memory_space<hbm>>) target(%arg11 : memref<2000xi32, #tpu.memory_space<vmem>>) target_semaphore(%arg17 : memref<!tpu.dma_semaphore, #tpu.memory_space<semaphore_mem>>)
    %dma_wait3A_102 = tpu.memref_slice %arg2[%add3A_3] : memref<640000xi32, #tpu.memory_space<hbm>> -> memref<2000xi32, #tpu.memory_space<hbm>>
    %dma_wait3A_103 = tpu.memref_slice %arg2[%add3A_3] : memref<640000xi32, #tpu.memory_space<hbm>> -> memref<2000xi32, #tpu.memory_space<hbm>>
    tpu.wait_dma2 semaphore(%arg16 : memref<!tpu.dma_semaphore, #tpu.memory_space<semaphore_mem>>) src(%dma_wait3A_103 : memref<2000xi32, #tpu.memory_space<hbm>>) dst(%arg8 : memref<2000xi32, #tpu.memory_space<vmem>>)
    %dma_wait3A_104 = tpu.memref_slice %arg2[%add3A_6] : memref<640000xi32, #tpu.memory_space<hbm>> -> memref<2000xi32, #tpu.memory_space<hbm>>
    %dma_wait3A_105 = tpu.memref_slice %arg2[%add3A_6] : memref<640000xi32, #tpu.memory_space<hbm>> -> memref<2000xi32, #tpu.memory_space<hbm>>
    tpu.wait_dma2 semaphore(%arg16 : memref<!tpu.dma_semaphore, #tpu.memory_space<semaphore_mem>>) src(%dma_wait3A_105 : memref<2000xi32, #tpu.memory_space<hbm>>) dst(%arg9 : memref<2000xi32, #tpu.memory_space<vmem>>)
    %scan3A = arith.constant 0 : i32
    %scan3A_106 = arith.constant 0 : i32
    %scan3A_107 = arith.constant 25 : i32
    %scan3A_108 = arith.addi %scan3A_106, %scan3A_107 : i32
    %scan3A_109 = arith.constant 1 : i32
    %scan3A_110 = scf.for %scan3A_388 = %scan3A_106 to %scan3A_108 step %scan3A_109 iter_args(%scan3A_389 = %scan3A) -> (i32)  : i32 {
      %mul3A_390 = arith.constant 5 : i32
      %mul3A_391 = arith.muli %scan3A_388, %mul3A_390 : i32
      %add3A_392 = arith.constant 0 : i32
      %add3A_393 = arith.addi %mul3A_391, %add3A_392 : i32
      %mul3A_394 = arith.constant 16 : i32
      %mul3A_395 = arith.muli %add3A_393, %mul3A_394 : i32
      %get3A = arith.index_cast %mul3A_395 : i32 to index
      %get3A_396 = tpu.vector_load %arg8[%get3A] {strides = array<i32>} : memref<2000xi32, #tpu.memory_space<vmem>>, vector<16xi32>,
      %mul3A_397 = arith.constant 16 : i32
      %mul3A_398 = arith.muli %add3A_393, %mul3A_397 : i32
      %get3A_399 = arith.index_cast %mul3A_398 : i32 to index
      %get3A_400 = tpu.vector_load %arg9[%get3A_399] {strides = array<i32>} : memref<2000xi32, #tpu.memory_space<vmem>>, vector<16xi32>,
      %gather3A = tpu.vector_load_idx %arg7[%get3A_400] : memref<10240xf32, #tpu.memory_space<vmem>>[vector<16xi32>], vector<16xf32>,
      %gt3A = arith.constant 0.000000e+00 : f32
      %gt3A_401 = vector.broadcast %gt3A : f32 to vector<16xf32>
      %gt3A_402 = arith.cmpf ogt, %gather3A, %gt3A_401 : vector<16xf32>
      %mul3A_403 = arith.constant 16384 : i32
      %mul3A_404 = vector.broadcast %mul3A_403 : i32 to vector<16xi32>
      %mul3A_405 = arith.muli %get3A_400, %mul3A_404 : vector<16xi32>
      %add3A_406 = arith.addi %mul3A_405, %get3A_396 : vector<16xi32>
      %swap3A = arith.index_cast %scan3A_389 : i32 to index
      %swap3A_407 = tpu.vector_load %arg12[%swap3A] masked %gt3A_402 {strides = array<i32>} : memref<20096xi32, #tpu.memory_space<vmem>>, vector<16xi32>, vector<16xi1>
      tpu.vector_store %arg12[%swap3A], %add3A_406 masked %gt3A_402 {strides = array<i32>} : memref<20096xi32, #tpu.memory_space<vmem>>, vector<16xi32>, vector<16xi1>
      %all_reduce_population_count3A = tpu.all_reduce %gt3A_402 {dim = 0 : i64, kind = #tpu.reduction_kind<sum>} : vector<16xi1> -> vector<16xi32>
      %slice3A = vector.extract_strided_slice %all_reduce_population_count3A {offsets = [0], sizes = [1], strides = [1]} : vector<16xi32> to vector<1xi32>
      %squeeze3A = vector.extract %slice3A[0] : i32 from vector<1xi32>
      %add3A_408 = arith.addi %scan3A_389, %squeeze3A : i32
      %mul3A_409 = arith.constant 5 : i32
      %mul3A_410 = arith.muli %scan3A_388, %mul3A_409 : i32
      %add3A_411 = arith.constant 1 : i32
      %add3A_412 = arith.addi %mul3A_410, %add3A_411 : i32
      %mul3A_413 = arith.constant 16 : i32
      %mul3A_414 = arith.muli %add3A_412, %mul3A_413 : i32
      %get3A_415 = arith.index_cast %mul3A_414 : i32 to index
      %get3A_416 = tpu.vector_load %arg8[%get3A_415] {strides = array<i32>} : memref<2000xi32, #tpu.memory_space<vmem>>, vector<16xi32>,
      %mul3A_417 = arith.constant 16 : i32
      %mul3A_418 = arith.muli %add3A_412, %mul3A_417 : i32
      %get3A_419 = arith.index_cast %mul3A_418 : i32 to index
      %get3A_420 = tpu.vector_load %arg9[%get3A_419] {strides = array<i32>} : memref<2000xi32, #tpu.memory_space<vmem>>, vector<16xi32>,
      %gather3A_421 = tpu.vector_load_idx %arg7[%get3A_420] : memref<10240xf32, #tpu.memory_space<vmem>>[vector<16xi32>], vector<16xf32>,
      %gt3A_422 = arith.constant 0.000000e+00 : f32
      %gt3A_423 = vector.broadcast %gt3A_422 : f32 to vector<16xf32>
      %gt3A_424 = arith.cmpf ogt, %gather3A_421, %gt3A_423 : vector<16xf32>
      %mul3A_425 = arith.constant 16384 : i32
      %mul3A_426 = vector.broadcast %mul3A_425 : i32 to vector<16xi32>
      %mul3A_427 = arith.muli %get3A_420, %mul3A_426 : vector<16xi32>
      %add3A_428 = arith.addi %mul3A_427, %get3A_416 : vector<16xi32>
      %swap3A_429 = arith.index_cast %add3A_408 : i32 to index
      %swap3A_430 = tpu.vector_load %arg12[%swap3A_429] masked %gt3A_424 {strides = array<i32>} : memref<20096xi32, #tpu.memory_space<vmem>>, vector<16xi32>, vector<16xi1>
      tpu.vector_store %arg12[%swap3A_429], %add3A_428 masked %gt3A_424 {strides = array<i32>} : memref<20096xi32, #tpu.memory_space<vmem>>, vector<16xi32>, vector<16xi1>
      %all_reduce_population_count3A_431 = tpu.all_reduce %gt3A_424 {dim = 0 : i64, kind = #tpu.reduction_kind<sum>} : vector<16xi1> -> vector<16xi32>
      %slice3A_432 = vector.extract_strided_slice %all_reduce_population_count3A_431 {offsets = [0], sizes = [1], strides = [1]} : vector<16xi32> to vector<1xi32>
      %squeeze3A_433 = vector.extract %slice3A_432[0] : i32 from vector<1xi32>
      %add3A_434 = arith.addi %add3A_408, %squeeze3A_433 : i32
      %mul3A_435 = arith.constant 5 : i32
      %mul3A_436 = arith.muli %scan3A_388, %mul3A_435 : i32
      %add3A_437 = arith.constant 2 : i32
      %add3A_438 = arith.addi %mul3A_436, %add3A_437 : i32
      %mul3A_439 = arith.constant 16 : i32
      %mul3A_440 = arith.muli %add3A_438, %mul3A_439 : i32
      %get3A_441 = arith.index_cast %mul3A_440 : i32 to index
      %get3A_442 = tpu.vector_load %arg8[%get3A_441] {strides = array<i32>} : memref<2000xi32, #tpu.memory_space<vmem>>, vector<16xi32>,
      %mul3A_443 = arith.constant 16 : i32
      %mul3A_444 = arith.muli %add3A_438, %mul3A_443 : i32
      %get3A_445 = arith.index_cast %mul3A_444 : i32 to index
      %get3A_446 = tpu.vector_load %arg9[%get3A_445] {strides = array<i32>} : memref<2000xi32, #tpu.memory_space<vmem>>, vector<16xi32>,
      %gather3A_447 = tpu.vector_load_idx %arg7[%get3A_446] : memref<10240xf32, #tpu.memory_space<vmem>>[vector<16xi32>], vector<16xf32>,
      %gt3A_448 = arith.constant 0.000000e+00 : f32
      %gt3A_449 = vector.broadcast %gt3A_448 : f32 to vector<16xf32>
      %gt3A_450 = arith.cmpf ogt, %gather3A_447, %gt3A_449 : vector<16xf32>
      %mul3A_451 = arith.constant 16384 : i32
      %mul3A_452 = vector.broadcast %mul3A_451 : i32 to vector<16xi32>
      %mul3A_453 = arith.muli %get3A_446, %mul3A_452 : vector<16xi32>
      %add3A_454 = arith.addi %mul3A_453, %get3A_442 : vector<16xi32>
      %swap3A_455 = arith.index_cast %add3A_434 : i32 to index
      %swap3A_456 = tpu.vector_load %arg12[%swap3A_455] masked %gt3A_450 {strides = array<i32>} : memref<20096xi32, #tpu.memory_space<vmem>>, vector<16xi32>, vector<16xi1>
      tpu.vector_store %arg12[%swap3A_455], %add3A_454 masked %gt3A_450 {strides = array<i32>} : memref<20096xi32, #tpu.memory_space<vmem>>, vector<16xi32>, vector<16xi1>
      %all_reduce_population_count3A_457 = tpu.all_reduce %gt3A_450 {dim = 0 : i64, kind = #tpu.reduction_kind<sum>} : vector<16xi1> -> vector<16xi32>
      %slice3A_458 = vector.extract_strided_slice %all_reduce_population_count3A_457 {offsets = [0], sizes = [1], strides = [1]} : vector<16xi32> to vector<1xi32>
      %squeeze3A_459 = vector.extract %slice3A_458[0] : i32 from vector<1xi32>
      %add3A_460 = arith.addi %add3A_434, %squeeze3A_459 : i32
      %mul3A_461 = arith.constant 5 : i32
      %mul3A_462 = arith.muli %scan3A_388, %mul3A_461 : i32
      %add3A_463 = arith.constant 3 : i32
      %add3A_464 = arith.addi %mul3A_462, %add3A_463 : i32
      %mul3A_465 = arith.constant 16 : i32
      %mul3A_466 = arith.muli %add3A_464, %mul3A_465 : i32
      %get3A_467 = arith.index_cast %mul3A_466 : i32 to index
      %get3A_468 = tpu.vector_load %arg8[%get3A_467] {strides = array<i32>} : memref<2000xi32, #tpu.memory_space<vmem>>, vector<16xi32>,
      %mul3A_469 = arith.constant 16 : i32
      %mul3A_470 = arith.muli %add3A_464, %mul3A_469 : i32
      %get3A_471 = arith.index_cast %mul3A_470 : i32 to index
      %get3A_472 = tpu.vector_load %arg9[%get3A_471] {strides = array<i32>} : memref<2000xi32, #tpu.memory_space<vmem>>, vector<16xi32>,
      %gather3A_473 = tpu.vector_load_idx %arg7[%get3A_472] : memref<10240xf32, #tpu.memory_space<vmem>>[vector<16xi32>], vector<16xf32>,
      %gt3A_474 = arith.constant 0.000000e+00 : f32
      %gt3A_475 = vector.broadcast %gt3A_474 : f32 to vector<16xf32>
      %gt3A_476 = arith.cmpf ogt, %gather3A_473, %gt3A_475 : vector<16xf32>
      %mul3A_477 = arith.constant 16384 : i32
      %mul3A_478 = vector.broadcast %mul3A_477 : i32 to vector<16xi32>
      %mul3A_479 = arith.muli %get3A_472, %mul3A_478 : vector<16xi32>
      %add3A_480 = arith.addi %mul3A_479, %get3A_468 : vector<16xi32>
      %swap3A_481 = arith.index_cast %add3A_460 : i32 to index
      %swap3A_482 = tpu.vector_load %arg12[%swap3A_481] masked %gt3A_476 {strides = array<i32>} : memref<20096xi32, #tpu.memory_space<vmem>>, vector<16xi32>, vector<16xi1>
      tpu.vector_store %arg12[%swap3A_481], %add3A_480 masked %gt3A_476 {strides = array<i32>} : memref<20096xi32, #tpu.memory_space<vmem>>, vector<16xi32>, vector<16xi1>
      %all_reduce_population_count3A_483 = tpu.all_reduce %gt3A_476 {dim = 0 : i64, kind = #tpu.reduction_kind<sum>} : vector<16xi1> -> vector<16xi32>
      %slice3A_484 = vector.extract_strided_slice %all_reduce_population_count3A_483 {offsets = [0], sizes = [1], strides = [1]} : vector<16xi32> to vector<1xi32>
      %squeeze3A_485 = vector.extract %slice3A_484[0] : i32 from vector<1xi32>
      %add3A_486 = arith.addi %add3A_460, %squeeze3A_485 : i32
      %mul3A_487 = arith.constant 5 : i32
      %mul3A_488 = arith.muli %scan3A_388, %mul3A_487 : i32
      %add3A_489 = arith.constant 4 : i32
      %add3A_490 = arith.addi %mul3A_488, %add3A_489 : i32
      %mul3A_491 = arith.constant 16 : i32
      %mul3A_492 = arith.muli %add3A_490, %mul3A_491 : i32
      %get3A_493 = arith.index_cast %mul3A_492 : i32 to index
      %get3A_494 = tpu.vector_load %arg8[%get3A_493] {strides = array<i32>} : memref<2000xi32, #tpu.memory_space<vmem>>, vector<16xi32>,
      %mul3A_495 = arith.constant 16 : i32
      %mul3A_496 = arith.muli %add3A_490, %mul3A_495 : i32
      %get3A_497 = arith.index_cast %mul3A_496 : i32 to index
      %get3A_498 = tpu.vector_load %arg9[%get3A_497] {strides = array<i32>} : memref<2000xi32, #tpu.memory_space<vmem>>, vector<16xi32>,
      %gather3A_499 = tpu.vector_load_idx %arg7[%get3A_498] : memref<10240xf32, #tpu.memory_space<vmem>>[vector<16xi32>], vector<16xf32>,
      %gt3A_500 = arith.constant 0.000000e+00 : f32
      %gt3A_501 = vector.broadcast %gt3A_500 : f32 to vector<16xf32>
      %gt3A_502 = arith.cmpf ogt, %gather3A_499, %gt3A_501 : vector<16xf32>
      %mul3A_503 = arith.constant 16384 : i32
      %mul3A_504 = vector.broadcast %mul3A_503 : i32 to vector<16xi32>
      %mul3A_505 = arith.muli %get3A_498, %mul3A_504 : vector<16xi32>
      %add3A_506 = arith.addi %mul3A_505, %get3A_494 : vector<16xi32>
      %swap3A_507 = arith.index_cast %add3A_486 : i32 to index
      %swap3A_508 = tpu.vector_load %arg12[%swap3A_507] masked %gt3A_502 {strides = array<i32>} : memref<20096xi32, #tpu.memory_space<vmem>>, vector<16xi32>, vector<16xi1>
      tpu.vector_store %arg12[%swap3A_507], %add3A_506 masked %gt3A_502 {strides = array<i32>} : memref<20096xi32, #tpu.memory_space<vmem>>, vector<16xi32>, vector<16xi1>
      %all_reduce_population_count3A_509 = tpu.all_reduce %gt3A_502 {dim = 0 : i64, kind = #tpu.reduction_kind<sum>} : vector<16xi1> -> vector<16xi32>
      %slice3A_510 = vector.extract_strided_slice %all_reduce_population_count3A_509 {offsets = [0], sizes = [1], strides = [1]} : vector<16xi32> to vector<1xi32>
      %squeeze3A_511 = vector.extract %slice3A_510[0] : i32 from vector<1xi32>
      %add3A_512 = arith.addi %add3A_486, %squeeze3A_511 : i32
      scf.yield %add3A_512 : i32
    }
    %scan3A_111 = arith.constant 25 : i32
    %mul3A_112 = arith.constant 20000 : i32
    %mul3A_113 = arith.muli %arg1, %mul3A_112 : i32
    %add3A_114 = arith.constant 4000 : i32
    %add3A_115 = arith.addi %mul3A_113, %add3A_114 : i32
    %dma_start3A_116 = tpu.memref_slice %arg2[%add3A_115] : memref<640000xi32, #tpu.memory_space<hbm>> -> memref<2000xi32, #tpu.memory_space<hbm>>
    %dma_start3A_117 = tpu.memref_slice %arg2[%add3A_115] : memref<640000xi32, #tpu.memory_space<hbm>> -> memref<2000xi32, #tpu.memory_space<hbm>>
    tpu.enqueue_dma source(%dma_start3A_117 : memref<2000xi32, #tpu.memory_space<hbm>>) target(%arg8 : memref<2000xi32, #tpu.memory_space<vmem>>) target_semaphore(%arg16 : memref<!tpu.dma_semaphore, #tpu.memory_space<semaphore_mem>>)
    %add3A_118 = arith.constant 320000 : i32
    %add3A_119 = arith.addi %add3A_118, %add3A_115 : i32
    %dma_start3A_120 = tpu.memref_slice %arg2[%add3A_119] : memref<640000xi32, #tpu.memory_space<hbm>> -> memref<2000xi32, #tpu.memory_space<hbm>>
    %dma_start3A_121 = tpu.memref_slice %arg2[%add3A_119] : memref<640000xi32, #tpu.memory_space<hbm>> -> memref<2000xi32, #tpu.memory_space<hbm>>
    tpu.enqueue_dma source(%dma_start3A_121 : memref<2000xi32, #tpu.memory_space<hbm>>) target(%arg9 : memref<2000xi32, #tpu.memory_space<vmem>>) target_semaphore(%arg16 : memref<!tpu.dma_semaphore, #tpu.memory_space<semaphore_mem>>)
    %dma_wait3A_122 = tpu.memref_slice %arg2[%add3A_95] : memref<640000xi32, #tpu.memory_space<hbm>> -> memref<2000xi32, #tpu.memory_space<hbm>>
    %dma_wait3A_123 = tpu.memref_slice %arg2[%add3A_95] : memref<640000xi32, #tpu.memory_space<hbm>> -> memref<2000xi32, #tpu.memory_space<hbm>>
    tpu.wait_dma2 semaphore(%arg17 : memref<!tpu.dma_semaphore, #tpu.memory_space<semaphore_mem>>) src(%dma_wait3A_123 : memref<2000xi32, #tpu.memory_space<hbm>>) dst(%arg10 : memref<2000xi32, #tpu.memory_space<vmem>>)
    %dma_wait3A_124 = tpu.memref_slice %arg2[%add3A_99] : memref<640000xi32, #tpu.memory_space<hbm>> -> memref<2000xi32, #tpu.memory_space<hbm>>
    %dma_wait3A_125 = tpu.memref_slice %arg2[%add3A_99] : memref<640000xi32, #tpu.memory_space<hbm>> -> memref<2000xi32, #tpu.memory_space<hbm>>
    tpu.wait_dma2 semaphore(%arg17 : memref<!tpu.dma_semaphore, #tpu.memory_space<semaphore_mem>>) src(%dma_wait3A_125 : memref<2000xi32, #tpu.memory_space<hbm>>) dst(%arg11 : memref<2000xi32, #tpu.memory_space<vmem>>)
    %scan3A_126 = arith.constant 0 : i32
    %scan3A_127 = arith.constant 25 : i32
    %scan3A_128 = arith.addi %scan3A_126, %scan3A_127 : i32
    %scan3A_129 = arith.constant 1 : i32
    %scan3A_130 = scf.for %scan3A_388 = %scan3A_126 to %scan3A_128 step %scan3A_129 iter_args(%scan3A_389 = %scan3A_110) -> (i32)  : i32 {
      %mul3A_390 = arith.constant 5 : i32
      %mul3A_391 = arith.muli %scan3A_388, %mul3A_390 : i32
      %add3A_392 = arith.constant 0 : i32
      %add3A_393 = arith.addi %mul3A_391, %add3A_392 : i32
      %mul3A_394 = arith.constant 16 : i32
      %mul3A_395 = arith.muli %add3A_393, %mul3A_394 : i32
      %get3A = arith.index_cast %mul3A_395 : i32 to index
      %get3A_396 = tpu.vector_load %arg10[%get3A] {strides = array<i32>} : memref<2000xi32, #tpu.memory_space<vmem>>, vector<16xi32>,
      %mul3A_397 = arith.constant 16 : i32
      %mul3A_398 = arith.muli %add3A_393, %mul3A_397 : i32
      %get3A_399 = arith.index_cast %mul3A_398 : i32 to index
      %get3A_400 = tpu.vector_load %arg11[%get3A_399] {strides = array<i32>} : memref<2000xi32, #tpu.memory_space<vmem>>, vector<16xi32>,
      %gather3A = tpu.vector_load_idx %arg7[%get3A_400] : memref<10240xf32, #tpu.memory_space<vmem>>[vector<16xi32>], vector<16xf32>,
      %gt3A = arith.constant 0.000000e+00 : f32
      %gt3A_401 = vector.broadcast %gt3A : f32 to vector<16xf32>
      %gt3A_402 = arith.cmpf ogt, %gather3A, %gt3A_401 : vector<16xf32>
      %mul3A_403 = arith.constant 16384 : i32
      %mul3A_404 = vector.broadcast %mul3A_403 : i32 to vector<16xi32>
      %mul3A_405 = arith.muli %get3A_400, %mul3A_404 : vector<16xi32>
      %add3A_406 = arith.addi %mul3A_405, %get3A_396 : vector<16xi32>
      %swap3A = arith.index_cast %scan3A_389 : i32 to index
      %swap3A_407 = tpu.vector_load %arg12[%swap3A] masked %gt3A_402 {strides = array<i32>} : memref<20096xi32, #tpu.memory_space<vmem>>, vector<16xi32>, vector<16xi1>
      tpu.vector_store %arg12[%swap3A], %add3A_406 masked %gt3A_402 {strides = array<i32>} : memref<20096xi32, #tpu.memory_space<vmem>>, vector<16xi32>, vector<16xi1>
      %all_reduce_population_count3A = tpu.all_reduce %gt3A_402 {dim = 0 : i64, kind = #tpu.reduction_kind<sum>} : vector<16xi1> -> vector<16xi32>
      %slice3A = vector.extract_strided_slice %all_reduce_population_count3A {offsets = [0], sizes = [1], strides = [1]} : vector<16xi32> to vector<1xi32>
      %squeeze3A = vector.extract %slice3A[0] : i32 from vector<1xi32>
      %add3A_408 = arith.addi %scan3A_389, %squeeze3A : i32
      %mul3A_409 = arith.constant 5 : i32
      %mul3A_410 = arith.muli %scan3A_388, %mul3A_409 : i32
      %add3A_411 = arith.constant 1 : i32
      %add3A_412 = arith.addi %mul3A_410, %add3A_411 : i32
      %mul3A_413 = arith.constant 16 : i32
      %mul3A_414 = arith.muli %add3A_412, %mul3A_413 : i32
      %get3A_415 = arith.index_cast %mul3A_414 : i32 to index
      %get3A_416 = tpu.vector_load %arg10[%get3A_415] {strides = array<i32>} : memref<2000xi32, #tpu.memory_space<vmem>>, vector<16xi32>,
      %mul3A_417 = arith.constant 16 : i32
      %mul3A_418 = arith.muli %add3A_412, %mul3A_417 : i32
      %get3A_419 = arith.index_cast %mul3A_418 : i32 to index
      %get3A_420 = tpu.vector_load %arg11[%get3A_419] {strides = array<i32>} : memref<2000xi32, #tpu.memory_space<vmem>>, vector<16xi32>,
      %gather3A_421 = tpu.vector_load_idx %arg7[%get3A_420] : memref<10240xf32, #tpu.memory_space<vmem>>[vector<16xi32>], vector<16xf32>,
      %gt3A_422 = arith.constant 0.000000e+00 : f32
      %gt3A_423 = vector.broadcast %gt3A_422 : f32 to vector<16xf32>
      %gt3A_424 = arith.cmpf ogt, %gather3A_421, %gt3A_423 : vector<16xf32>
      %mul3A_425 = arith.constant 16384 : i32
      %mul3A_426 = vector.broadcast %mul3A_425 : i32 to vector<16xi32>
      %mul3A_427 = arith.muli %get3A_420, %mul3A_426 : vector<16xi32>
      %add3A_428 = arith.addi %mul3A_427, %get3A_416 : vector<16xi32>
      %swap3A_429 = arith.index_cast %add3A_408 : i32 to index
      %swap3A_430 = tpu.vector_load %arg12[%swap3A_429] masked %gt3A_424 {strides = array<i32>} : memref<20096xi32, #tpu.memory_space<vmem>>, vector<16xi32>, vector<16xi1>
      tpu.vector_store %arg12[%swap3A_429], %add3A_428 masked %gt3A_424 {strides = array<i32>} : memref<20096xi32, #tpu.memory_space<vmem>>, vector<16xi32>, vector<16xi1>
      %all_reduce_population_count3A_431 = tpu.all_reduce %gt3A_424 {dim = 0 : i64, kind = #tpu.reduction_kind<sum>} : vector<16xi1> -> vector<16xi32>
      %slice3A_432 = vector.extract_strided_slice %all_reduce_population_count3A_431 {offsets = [0], sizes = [1], strides = [1]} : vector<16xi32> to vector<1xi32>
      %squeeze3A_433 = vector.extract %slice3A_432[0] : i32 from vector<1xi32>
      %add3A_434 = arith.addi %add3A_408, %squeeze3A_433 : i32
      %mul3A_435 = arith.constant 5 : i32
      %mul3A_436 = arith.muli %scan3A_388, %mul3A_435 : i32
      %add3A_437 = arith.constant 2 : i32
      %add3A_438 = arith.addi %mul3A_436, %add3A_437 : i32
      %mul3A_439 = arith.constant 16 : i32
      %mul3A_440 = arith.muli %add3A_438, %mul3A_439 : i32
      %get3A_441 = arith.index_cast %mul3A_440 : i32 to index
      %get3A_442 = tpu.vector_load %arg10[%get3A_441] {strides = array<i32>} : memref<2000xi32, #tpu.memory_space<vmem>>, vector<16xi32>,
      %mul3A_443 = arith.constant 16 : i32
      %mul3A_444 = arith.muli %add3A_438, %mul3A_443 : i32
      %get3A_445 = arith.index_cast %mul3A_444 : i32 to index
      %get3A_446 = tpu.vector_load %arg11[%get3A_445] {strides = array<i32>} : memref<2000xi32, #tpu.memory_space<vmem>>, vector<16xi32>,
      %gather3A_447 = tpu.vector_load_idx %arg7[%get3A_446] : memref<10240xf32, #tpu.memory_space<vmem>>[vector<16xi32>], vector<16xf32>,
      %gt3A_448 = arith.constant 0.000000e+00 : f32
      %gt3A_449 = vector.broadcast %gt3A_448 : f32 to vector<16xf32>
      %gt3A_450 = arith.cmpf ogt, %gather3A_447, %gt3A_449 : vector<16xf32>
      %mul3A_451 = arith.constant 16384 : i32
      %mul3A_452 = vector.broadcast %mul3A_451 : i32 to vector<16xi32>
      %mul3A_453 = arith.muli %get3A_446, %mul3A_452 : vector<16xi32>
      %add3A_454 = arith.addi %mul3A_453, %get3A_442 : vector<16xi32>
      %swap3A_455 = arith.index_cast %add3A_434 : i32 to index
      %swap3A_456 = tpu.vector_load %arg12[%swap3A_455] masked %gt3A_450 {strides = array<i32>} : memref<20096xi32, #tpu.memory_space<vmem>>, vector<16xi32>, vector<16xi1>
      tpu.vector_store %arg12[%swap3A_455], %add3A_454 masked %gt3A_450 {strides = array<i32>} : memref<20096xi32, #tpu.memory_space<vmem>>, vector<16xi32>, vector<16xi1>
      %all_reduce_population_count3A_457 = tpu.all_reduce %gt3A_450 {dim = 0 : i64, kind = #tpu.reduction_kind<sum>} : vector<16xi1> -> vector<16xi32>
      %slice3A_458 = vector.extract_strided_slice %all_reduce_population_count3A_457 {offsets = [0], sizes = [1], strides = [1]} : vector<16xi32> to vector<1xi32>
      %squeeze3A_459 = vector.extract %slice3A_458[0] : i32 from vector<1xi32>
      %add3A_460 = arith.addi %add3A_434, %squeeze3A_459 : i32
      %mul3A_461 = arith.constant 5 : i32
      %mul3A_462 = arith.muli %scan3A_388, %mul3A_461 : i32
      %add3A_463 = arith.constant 3 : i32
      %add3A_464 = arith.addi %mul3A_462, %add3A_463 : i32
      %mul3A_465 = arith.constant 16 : i32
      %mul3A_466 = arith.muli %add3A_464, %mul3A_465 : i32
      %get3A_467 = arith.index_cast %mul3A_466 : i32 to index
      %get3A_468 = tpu.vector_load %arg10[%get3A_467] {strides = array<i32>} : memref<2000xi32, #tpu.memory_space<vmem>>, vector<16xi32>,
      %mul3A_469 = arith.constant 16 : i32
      %mul3A_470 = arith.muli %add3A_464, %mul3A_469 : i32
      %get3A_471 = arith.index_cast %mul3A_470 : i32 to index
      %get3A_472 = tpu.vector_load %arg11[%get3A_471] {strides = array<i32>} : memref<2000xi32, #tpu.memory_space<vmem>>, vector<16xi32>,
      %gather3A_473 = tpu.vector_load_idx %arg7[%get3A_472] : memref<10240xf32, #tpu.memory_space<vmem>>[vector<16xi32>], vector<16xf32>,
      %gt3A_474 = arith.constant 0.000000e+00 : f32
      %gt3A_475 = vector.broadcast %gt3A_474 : f32 to vector<16xf32>
      %gt3A_476 = arith.cmpf ogt, %gather3A_473, %gt3A_475 : vector<16xf32>
      %mul3A_477 = arith.constant 16384 : i32
      %mul3A_478 = vector.broadcast %mul3A_477 : i32 to vector<16xi32>
      %mul3A_479 = arith.muli %get3A_472, %mul3A_478 : vector<16xi32>
      %add3A_480 = arith.addi %mul3A_479, %get3A_468 : vector<16xi32>
      %swap3A_481 = arith.index_cast %add3A_460 : i32 to index
      %swap3A_482 = tpu.vector_load %arg12[%swap3A_481] masked %gt3A_476 {strides = array<i32>} : memref<20096xi32, #tpu.memory_space<vmem>>, vector<16xi32>, vector<16xi1>
      tpu.vector_store %arg12[%swap3A_481], %add3A_480 masked %gt3A_476 {strides = array<i32>} : memref<20096xi32, #tpu.memory_space<vmem>>, vector<16xi32>, vector<16xi1>
      %all_reduce_population_count3A_483 = tpu.all_reduce %gt3A_476 {dim = 0 : i64, kind = #tpu.reduction_kind<sum>} : vector<16xi1> -> vector<16xi32>
      %slice3A_484 = vector.extract_strided_slice %all_reduce_population_count3A_483 {offsets = [0], sizes = [1], strides = [1]} : vector<16xi32> to vector<1xi32>
      %squeeze3A_485 = vector.extract %slice3A_484[0] : i32 from vector<1xi32>
      %add3A_486 = arith.addi %add3A_460, %squeeze3A_485 : i32
      %mul3A_487 = arith.constant 5 : i32
      %mul3A_488 = arith.muli %scan3A_388, %mul3A_487 : i32
      %add3A_489 = arith.constant 4 : i32
      %add3A_490 = arith.addi %mul3A_488, %add3A_489 : i32
      %mul3A_491 = arith.constant 16 : i32
      %mul3A_492 = arith.muli %add3A_490, %mul3A_491 : i32
      %get3A_493 = arith.index_cast %mul3A_492 : i32 to index
      %get3A_494 = tpu.vector_load %arg10[%get3A_493] {strides = array<i32>} : memref<2000xi32, #tpu.memory_space<vmem>>, vector<16xi32>,
      %mul3A_495 = arith.constant 16 : i32
      %mul3A_496 = arith.muli %add3A_490, %mul3A_495 : i32
      %get3A_497 = arith.index_cast %mul3A_496 : i32 to index
      %get3A_498 = tpu.vector_load %arg11[%get3A_497] {strides = array<i32>} : memref<2000xi32, #tpu.memory_space<vmem>>, vector<16xi32>,
      %gather3A_499 = tpu.vector_load_idx %arg7[%get3A_498] : memref<10240xf32, #tpu.memory_space<vmem>>[vector<16xi32>], vector<16xf32>,
      %gt3A_500 = arith.constant 0.000000e+00 : f32
      %gt3A_501 = vector.broadcast %gt3A_500 : f32 to vector<16xf32>
      %gt3A_502 = arith.cmpf ogt, %gather3A_499, %gt3A_501 : vector<16xf32>
      %mul3A_503 = arith.constant 16384 : i32
      %mul3A_504 = vector.broadcast %mul3A_503 : i32 to vector<16xi32>
      %mul3A_505 = arith.muli %get3A_498, %mul3A_504 : vector<16xi32>
      %add3A_506 = arith.addi %mul3A_505, %get3A_494 : vector<16xi32>
      %swap3A_507 = arith.index_cast %add3A_486 : i32 to index
      %swap3A_508 = tpu.vector_load %arg12[%swap3A_507] masked %gt3A_502 {strides = array<i32>} : memref<20096xi32, #tpu.memory_space<vmem>>, vector<16xi32>, vector<16xi1>
      tpu.vector_store %arg12[%swap3A_507], %add3A_506 masked %gt3A_502 {strides = array<i32>} : memref<20096xi32, #tpu.memory_space<vmem>>, vector<16xi32>, vector<16xi1>
      %all_reduce_population_count3A_509 = tpu.all_reduce %gt3A_502 {dim = 0 : i64, kind = #tpu.reduction_kind<sum>} : vector<16xi1> -> vector<16xi32>
      %slice3A_510 = vector.extract_strided_slice %all_reduce_population_count3A_509 {offsets = [0], sizes = [1], strides = [1]} : vector<16xi32> to vector<1xi32>
      %squeeze3A_511 = vector.extract %slice3A_510[0] : i32 from vector<1xi32>
      %add3A_512 = arith.addi %add3A_486, %squeeze3A_511 : i32
      scf.yield %add3A_512 : i32
    }
    %scan3A_131 = arith.constant 25 : i32
    %mul3A_132 = arith.constant 20000 : i32
    %mul3A_133 = arith.muli %arg1, %mul3A_132 : i32
    %add3A_134 = arith.constant 6000 : i32
    %add3A_135 = arith.addi %mul3A_133, %add3A_134 : i32
    %dma_start3A_136 = tpu.memref_slice %arg2[%add3A_135] : memref<640000xi32, #tpu.memory_space<hbm>> -> memref<2000xi32, #tpu.memory_space<hbm>>
    %dma_start3A_137 = tpu.memref_slice %arg2[%add3A_135] : memref<640000xi32, #tpu.memory_space<hbm>> -> memref<2000xi32, #tpu.memory_space<hbm>>
    tpu.enqueue_dma source(%dma_start3A_137 : memref<2000xi32, #tpu.memory_space<hbm>>) target(%arg10 : memref<2000xi32, #tpu.memory_space<vmem>>) target_semaphore(%arg17 : memref<!tpu.dma_semaphore, #tpu.memory_space<semaphore_mem>>)
    %add3A_138 = arith.constant 320000 : i32
    %add3A_139 = arith.addi %add3A_138, %add3A_135 : i32
    %dma_start3A_140 = tpu.memref_slice %arg2[%add3A_139] : memref<640000xi32, #tpu.memory_space<hbm>> -> memref<2000xi32, #tpu.memory_space<hbm>>
    %dma_start3A_141 = tpu.memref_slice %arg2[%add3A_139] : memref<640000xi32, #tpu.memory_space<hbm>> -> memref<2000xi32, #tpu.memory_space<hbm>>
    tpu.enqueue_dma source(%dma_start3A_141 : memref<2000xi32, #tpu.memory_space<hbm>>) target(%arg11 : memref<2000xi32, #tpu.memory_space<vmem>>) target_semaphore(%arg17 : memref<!tpu.dma_semaphore, #tpu.memory_space<semaphore_mem>>)
    %dma_wait3A_142 = tpu.memref_slice %arg2[%add3A_115] : memref<640000xi32, #tpu.memory_space<hbm>> -> memref<2000xi32, #tpu.memory_space<hbm>>
    %dma_wait3A_143 = tpu.memref_slice %arg2[%add3A_115] : memref<640000xi32, #tpu.memory_space<hbm>> -> memref<2000xi32, #tpu.memory_space<hbm>>
    tpu.wait_dma2 semaphore(%arg16 : memref<!tpu.dma_semaphore, #tpu.memory_space<semaphore_mem>>) src(%dma_wait3A_143 : memref<2000xi32, #tpu.memory_space<hbm>>) dst(%arg8 : memref<2000xi32, #tpu.memory_space<vmem>>)
    %dma_wait3A_144 = tpu.memref_slice %arg2[%add3A_119] : memref<640000xi32, #tpu.memory_space<hbm>> -> memref<2000xi32, #tpu.memory_space<hbm>>
    %dma_wait3A_145 = tpu.memref_slice %arg2[%add3A_119] : memref<640000xi32, #tpu.memory_space<hbm>> -> memref<2000xi32, #tpu.memory_space<hbm>>
    tpu.wait_dma2 semaphore(%arg16 : memref<!tpu.dma_semaphore, #tpu.memory_space<semaphore_mem>>) src(%dma_wait3A_145 : memref<2000xi32, #tpu.memory_space<hbm>>) dst(%arg9 : memref<2000xi32, #tpu.memory_space<vmem>>)
    %scan3A_146 = arith.constant 0 : i32
    %scan3A_147 = arith.constant 25 : i32
    %scan3A_148 = arith.addi %scan3A_146, %scan3A_147 : i32
    %scan3A_149 = arith.constant 1 : i32
    %scan3A_150 = scf.for %scan3A_388 = %scan3A_146 to %scan3A_148 step %scan3A_149 iter_args(%scan3A_389 = %scan3A_130) -> (i32)  : i32 {
      %mul3A_390 = arith.constant 5 : i32
      %mul3A_391 = arith.muli %scan3A_388, %mul3A_390 : i32
      %add3A_392 = arith.constant 0 : i32
      %add3A_393 = arith.addi %mul3A_391, %add3A_392 : i32
      %mul3A_394 = arith.constant 16 : i32
      %mul3A_395 = arith.muli %add3A_393, %mul3A_394 : i32
      %get3A = arith.index_cast %mul3A_395 : i32 to index
      %get3A_396 = tpu.vector_load %arg8[%get3A] {strides = array<i32>} : memref<2000xi32, #tpu.memory_space<vmem>>, vector<16xi32>,
      %mul3A_397 = arith.constant 16 : i32
      %mul3A_398 = arith.muli %add3A_393, %mul3A_397 : i32
      %get3A_399 = arith.index_cast %mul3A_398 : i32 to index
      %get3A_400 = tpu.vector_load %arg9[%get3A_399] {strides = array<i32>} : memref<2000xi32, #tpu.memory_space<vmem>>, vector<16xi32>,
      %gather3A = tpu.vector_load_idx %arg7[%get3A_400] : memref<10240xf32, #tpu.memory_space<vmem>>[vector<16xi32>], vector<16xf32>,
      %gt3A = arith.constant 0.000000e+00 : f32
      %gt3A_401 = vector.broadcast %gt3A : f32 to vector<16xf32>
      %gt3A_402 = arith.cmpf ogt, %gather3A, %gt3A_401 : vector<16xf32>
      %mul3A_403 = arith.constant 16384 : i32
      %mul3A_404 = vector.broadcast %mul3A_403 : i32 to vector<16xi32>
      %mul3A_405 = arith.muli %get3A_400, %mul3A_404 : vector<16xi32>
      %add3A_406 = arith.addi %mul3A_405, %get3A_396 : vector<16xi32>
      %swap3A = arith.index_cast %scan3A_389 : i32 to index
      %swap3A_407 = tpu.vector_load %arg12[%swap3A] masked %gt3A_402 {strides = array<i32>} : memref<20096xi32, #tpu.memory_space<vmem>>, vector<16xi32>, vector<16xi1>
      tpu.vector_store %arg12[%swap3A], %add3A_406 masked %gt3A_402 {strides = array<i32>} : memref<20096xi32, #tpu.memory_space<vmem>>, vector<16xi32>, vector<16xi1>
      %all_reduce_population_count3A = tpu.all_reduce %gt3A_402 {dim = 0 : i64, kind = #tpu.reduction_kind<sum>} : vector<16xi1> -> vector<16xi32>
      %slice3A = vector.extract_strided_slice %all_reduce_population_count3A {offsets = [0], sizes = [1], strides = [1]} : vector<16xi32> to vector<1xi32>
      %squeeze3A = vector.extract %slice3A[0] : i32 from vector<1xi32>
      %add3A_408 = arith.addi %scan3A_389, %squeeze3A : i32
      %mul3A_409 = arith.constant 5 : i32
      %mul3A_410 = arith.muli %scan3A_388, %mul3A_409 : i32
      %add3A_411 = arith.constant 1 : i32
      %add3A_412 = arith.addi %mul3A_410, %add3A_411 : i32
      %mul3A_413 = arith.constant 16 : i32
      %mul3A_414 = arith.muli %add3A_412, %mul3A_413 : i32
      %get3A_415 = arith.index_cast %mul3A_414 : i32 to index
      %get3A_416 = tpu.vector_load %arg8[%get3A_415] {strides = array<i32>} : memref<2000xi32, #tpu.memory_space<vmem>>, vector<16xi32>,
      %mul3A_417 = arith.constant 16 : i32
      %mul3A_418 = arith.muli %add3A_412, %mul3A_417 : i32
      %get3A_419 = arith.index_cast %mul3A_418 : i32 to index
      %get3A_420 = tpu.vector_load %arg9[%get3A_419] {strides = array<i32>} : memref<2000xi32, #tpu.memory_space<vmem>>, vector<16xi32>,
      %gather3A_421 = tpu.vector_load_idx %arg7[%get3A_420] : memref<10240xf32, #tpu.memory_space<vmem>>[vector<16xi32>], vector<16xf32>,
      %gt3A_422 = arith.constant 0.000000e+00 : f32
      %gt3A_423 = vector.broadcast %gt3A_422 : f32 to vector<16xf32>
      %gt3A_424 = arith.cmpf ogt, %gather3A_421, %gt3A_423 : vector<16xf32>
      %mul3A_425 = arith.constant 16384 : i32
      %mul3A_426 = vector.broadcast %mul3A_425 : i32 to vector<16xi32>
      %mul3A_427 = arith.muli %get3A_420, %mul3A_426 : vector<16xi32>
      %add3A_428 = arith.addi %mul3A_427, %get3A_416 : vector<16xi32>
      %swap3A_429 = arith.index_cast %add3A_408 : i32 to index
      %swap3A_430 = tpu.vector_load %arg12[%swap3A_429] masked %gt3A_424 {strides = array<i32>} : memref<20096xi32, #tpu.memory_space<vmem>>, vector<16xi32>, vector<16xi1>
      tpu.vector_store %arg12[%swap3A_429], %add3A_428 masked %gt3A_424 {strides = array<i32>} : memref<20096xi32, #tpu.memory_space<vmem>>, vector<16xi32>, vector<16xi1>
      %all_reduce_population_count3A_431 = tpu.all_reduce %gt3A_424 {dim = 0 : i64, kind = #tpu.reduction_kind<sum>} : vector<16xi1> -> vector<16xi32>
      %slice3A_432 = vector.extract_strided_slice %all_reduce_population_count3A_431 {offsets = [0], sizes = [1], strides = [1]} : vector<16xi32> to vector<1xi32>
      %squeeze3A_433 = vector.extract %slice3A_432[0] : i32 from vector<1xi32>
      %add3A_434 = arith.addi %add3A_408, %squeeze3A_433 : i32
      %mul3A_435 = arith.constant 5 : i32
      %mul3A_436 = arith.muli %scan3A_388, %mul3A_435 : i32
      %add3A_437 = arith.constant 2 : i32
      %add3A_438 = arith.addi %mul3A_436, %add3A_437 : i32
      %mul3A_439 = arith.constant 16 : i32
      %mul3A_440 = arith.muli %add3A_438, %mul3A_439 : i32
      %get3A_441 = arith.index_cast %mul3A_440 : i32 to index
      %get3A_442 = tpu.vector_load %arg8[%get3A_441] {strides = array<i32>} : memref<2000xi32, #tpu.memory_space<vmem>>, vector<16xi32>,
      %mul3A_443 = arith.constant 16 : i32
      %mul3A_444 = arith.muli %add3A_438, %mul3A_443 : i32
      %get3A_445 = arith.index_cast %mul3A_444 : i32 to index
      %get3A_446 = tpu.vector_load %arg9[%get3A_445] {strides = array<i32>} : memref<2000xi32, #tpu.memory_space<vmem>>, vector<16xi32>,
      %gather3A_447 = tpu.vector_load_idx %arg7[%get3A_446] : memref<10240xf32, #tpu.memory_space<vmem>>[vector<16xi32>], vector<16xf32>,
      %gt3A_448 = arith.constant 0.000000e+00 : f32
      %gt3A_449 = vector.broadcast %gt3A_448 : f32 to vector<16xf32>
      %gt3A_450 = arith.cmpf ogt, %gather3A_447, %gt3A_449 : vector<16xf32>
      %mul3A_451 = arith.constant 16384 : i32
      %mul3A_452 = vector.broadcast %mul3A_451 : i32 to vector<16xi32>
      %mul3A_453 = arith.muli %get3A_446, %mul3A_452 : vector<16xi32>
      %add3A_454 = arith.addi %mul3A_453, %get3A_442 : vector<16xi32>
      %swap3A_455 = arith.index_cast %add3A_434 : i32 to index
      %swap3A_456 = tpu.vector_load %arg12[%swap3A_455] masked %gt3A_450 {strides = array<i32>} : memref<20096xi32, #tpu.memory_space<vmem>>, vector<16xi32>, vector<16xi1>
      tpu.vector_store %arg12[%swap3A_455], %add3A_454 masked %gt3A_450 {strides = array<i32>} : memref<20096xi32, #tpu.memory_space<vmem>>, vector<16xi32>, vector<16xi1>
      %all_reduce_population_count3A_457 = tpu.all_reduce %gt3A_450 {dim = 0 : i64, kind = #tpu.reduction_kind<sum>} : vector<16xi1> -> vector<16xi32>
      %slice3A_458 = vector.extract_strided_slice %all_reduce_population_count3A_457 {offsets = [0], sizes = [1], strides = [1]} : vector<16xi32> to vector<1xi32>
      %squeeze3A_459 = vector.extract %slice3A_458[0] : i32 from vector<1xi32>
      %add3A_460 = arith.addi %add3A_434, %squeeze3A_459 : i32
      %mul3A_461 = arith.constant 5 : i32
      %mul3A_462 = arith.muli %scan3A_388, %mul3A_461 : i32
      %add3A_463 = arith.constant 3 : i32
      %add3A_464 = arith.addi %mul3A_462, %add3A_463 : i32
      %mul3A_465 = arith.constant 16 : i32
      %mul3A_466 = arith.muli %add3A_464, %mul3A_465 : i32
      %get3A_467 = arith.index_cast %mul3A_466 : i32 to index
      %get3A_468 = tpu.vector_load %arg8[%get3A_467] {strides = array<i32>} : memref<2000xi32, #tpu.memory_space<vmem>>, vector<16xi32>,
      %mul3A_469 = arith.constant 16 : i32
      %mul3A_470 = arith.muli %add3A_464, %mul3A_469 : i32
      %get3A_471 = arith.index_cast %mul3A_470 : i32 to index
      %get3A_472 = tpu.vector_load %arg9[%get3A_471] {strides = array<i32>} : memref<2000xi32, #tpu.memory_space<vmem>>, vector<16xi32>,
      %gather3A_473 = tpu.vector_load_idx %arg7[%get3A_472] : memref<10240xf32, #tpu.memory_space<vmem>>[vector<16xi32>], vector<16xf32>,
      %gt3A_474 = arith.constant 0.000000e+00 : f32
      %gt3A_475 = vector.broadcast %gt3A_474 : f32 to vector<16xf32>
      %gt3A_476 = arith.cmpf ogt, %gather3A_473, %gt3A_475 : vector<16xf32>
      %mul3A_477 = arith.constant 16384 : i32
      %mul3A_478 = vector.broadcast %mul3A_477 : i32 to vector<16xi32>
      %mul3A_479 = arith.muli %get3A_472, %mul3A_478 : vector<16xi32>
      %add3A_480 = arith.addi %mul3A_479, %get3A_468 : vector<16xi32>
      %swap3A_481 = arith.index_cast %add3A_460 : i32 to index
      %swap3A_482 = tpu.vector_load %arg12[%swap3A_481] masked %gt3A_476 {strides = array<i32>} : memref<20096xi32, #tpu.memory_space<vmem>>, vector<16xi32>, vector<16xi1>
      tpu.vector_store %arg12[%swap3A_481], %add3A_480 masked %gt3A_476 {strides = array<i32>} : memref<20096xi32, #tpu.memory_space<vmem>>, vector<16xi32>, vector<16xi1>
      %all_reduce_population_count3A_483 = tpu.all_reduce %gt3A_476 {dim = 0 : i64, kind = #tpu.reduction_kind<sum>} : vector<16xi1> -> vector<16xi32>
      %slice3A_484 = vector.extract_strided_slice %all_reduce_population_count3A_483 {offsets = [0], sizes = [1], strides = [1]} : vector<16xi32> to vector<1xi32>
      %squeeze3A_485 = vector.extract %slice3A_484[0] : i32 from vector<1xi32>
      %add3A_486 = arith.addi %add3A_460, %squeeze3A_485 : i32
      %mul3A_487 = arith.constant 5 : i32
      %mul3A_488 = arith.muli %scan3A_388, %mul3A_487 : i32
      %add3A_489 = arith.constant 4 : i32
      %add3A_490 = arith.addi %mul3A_488, %add3A_489 : i32
      %mul3A_491 = arith.constant 16 : i32
      %mul3A_492 = arith.muli %add3A_490, %mul3A_491 : i32
      %get3A_493 = arith.index_cast %mul3A_492 : i32 to index
      %get3A_494 = tpu.vector_load %arg8[%get3A_493] {strides = array<i32>} : memref<2000xi32, #tpu.memory_space<vmem>>, vector<16xi32>,
      %mul3A_495 = arith.constant 16 : i32
      %mul3A_496 = arith.muli %add3A_490, %mul3A_495 : i32
      %get3A_497 = arith.index_cast %mul3A_496 : i32 to index
      %get3A_498 = tpu.vector_load %arg9[%get3A_497] {strides = array<i32>} : memref<2000xi32, #tpu.memory_space<vmem>>, vector<16xi32>,
      %gather3A_499 = tpu.vector_load_idx %arg7[%get3A_498] : memref<10240xf32, #tpu.memory_space<vmem>>[vector<16xi32>], vector<16xf32>,
      %gt3A_500 = arith.constant 0.000000e+00 : f32
      %gt3A_501 = vector.broadcast %gt3A_500 : f32 to vector<16xf32>
      %gt3A_502 = arith.cmpf ogt, %gather3A_499, %gt3A_501 : vector<16xf32>
      %mul3A_503 = arith.constant 16384 : i32
      %mul3A_504 = vector.broadcast %mul3A_503 : i32 to vector<16xi32>
      %mul3A_505 = arith.muli %get3A_498, %mul3A_504 : vector<16xi32>
      %add3A_506 = arith.addi %mul3A_505, %get3A_494 : vector<16xi32>
      %swap3A_507 = arith.index_cast %add3A_486 : i32 to index
      %swap3A_508 = tpu.vector_load %arg12[%swap3A_507] masked %gt3A_502 {strides = array<i32>} : memref<20096xi32, #tpu.memory_space<vmem>>, vector<16xi32>, vector<16xi1>
      tpu.vector_store %arg12[%swap3A_507], %add3A_506 masked %gt3A_502 {strides = array<i32>} : memref<20096xi32, #tpu.memory_space<vmem>>, vector<16xi32>, vector<16xi1>
      %all_reduce_population_count3A_509 = tpu.all_reduce %gt3A_502 {dim = 0 : i64, kind = #tpu.reduction_kind<sum>} : vector<16xi1> -> vector<16xi32>
      %slice3A_510 = vector.extract_strided_slice %all_reduce_population_count3A_509 {offsets = [0], sizes = [1], strides = [1]} : vector<16xi32> to vector<1xi32>
      %squeeze3A_511 = vector.extract %slice3A_510[0] : i32 from vector<1xi32>
      %add3A_512 = arith.addi %add3A_486, %squeeze3A_511 : i32
      scf.yield %add3A_512 : i32
    }
    %scan3A_151 = arith.constant 25 : i32
    %mul3A_152 = arith.constant 20000 : i32
    %mul3A_153 = arith.muli %arg1, %mul3A_152 : i32
    %add3A_154 = arith.constant 8000 : i32
    %add3A_155 = arith.addi %mul3A_153, %add3A_154 : i32
    %dma_start3A_156 = tpu.memref_slice %arg2[%add3A_155] : memref<640000xi32, #tpu.memory_space<hbm>> -> memref<2000xi32, #tpu.memory_space<hbm>>
    %dma_start3A_157 = tpu.memref_slice %arg2[%add3A_155] : memref<640000xi32, #tpu.memory_space<hbm>> -> memref<2000xi32, #tpu.memory_space<hbm>>
    tpu.enqueue_dma source(%dma_start3A_157 : memref<2000xi32, #tpu.memory_space<hbm>>) target(%arg8 : memref<2000xi32, #tpu.memory_space<vmem>>) target_semaphore(%arg16 : memref<!tpu.dma_semaphore, #tpu.memory_space<semaphore_mem>>)
    %add3A_158 = arith.constant 320000 : i32
    %add3A_159 = arith.addi %add3A_158, %add3A_155 : i32
    %dma_start3A_160 = tpu.memref_slice %arg2[%add3A_159] : memref<640000xi32, #tpu.memory_space<hbm>> -> memref<2000xi32, #tpu.memory_space<hbm>>
    %dma_start3A_161 = tpu.memref_slice %arg2[%add3A_159] : memref<640000xi32, #tpu.memory_space<hbm>> -> memref<2000xi32, #tpu.memory_space<hbm>>
    tpu.enqueue_dma source(%dma_start3A_161 : memref<2000xi32, #tpu.memory_space<hbm>>) target(%arg9 : memref<2000xi32, #tpu.memory_space<vmem>>) target_semaphore(%arg16 : memref<!tpu.dma_semaphore, #tpu.memory_space<semaphore_mem>>)
    %dma_wait3A_162 = tpu.memref_slice %arg2[%add3A_135] : memref<640000xi32, #tpu.memory_space<hbm>> -> memref<2000xi32, #tpu.memory_space<hbm>>
    %dma_wait3A_163 = tpu.memref_slice %arg2[%add3A_135] : memref<640000xi32, #tpu.memory_space<hbm>> -> memref<2000xi32, #tpu.memory_space<hbm>>
    tpu.wait_dma2 semaphore(%arg17 : memref<!tpu.dma_semaphore, #tpu.memory_space<semaphore_mem>>) src(%dma_wait3A_163 : memref<2000xi32, #tpu.memory_space<hbm>>) dst(%arg10 : memref<2000xi32, #tpu.memory_space<vmem>>)
    %dma_wait3A_164 = tpu.memref_slice %arg2[%add3A_139] : memref<640000xi32, #tpu.memory_space<hbm>> -> memref<2000xi32, #tpu.memory_space<hbm>>
    %dma_wait3A_165 = tpu.memref_slice %arg2[%add3A_139] : memref<640000xi32, #tpu.memory_space<hbm>> -> memref<2000xi32, #tpu.memory_space<hbm>>
    tpu.wait_dma2 semaphore(%arg17 : memref<!tpu.dma_semaphore, #tpu.memory_space<semaphore_mem>>) src(%dma_wait3A_165 : memref<2000xi32, #tpu.memory_space<hbm>>) dst(%arg11 : memref<2000xi32, #tpu.memory_space<vmem>>)
    %scan3A_166 = arith.constant 0 : i32
    %scan3A_167 = arith.constant 25 : i32
    %scan3A_168 = arith.addi %scan3A_166, %scan3A_167 : i32
    %scan3A_169 = arith.constant 1 : i32
    %scan3A_170 = scf.for %scan3A_388 = %scan3A_166 to %scan3A_168 step %scan3A_169 iter_args(%scan3A_389 = %scan3A_150) -> (i32)  : i32 {
      %mul3A_390 = arith.constant 5 : i32
      %mul3A_391 = arith.muli %scan3A_388, %mul3A_390 : i32
      %add3A_392 = arith.constant 0 : i32
      %add3A_393 = arith.addi %mul3A_391, %add3A_392 : i32
      %mul3A_394 = arith.constant 16 : i32
      %mul3A_395 = arith.muli %add3A_393, %mul3A_394 : i32
      %get3A = arith.index_cast %mul3A_395 : i32 to index
      %get3A_396 = tpu.vector_load %arg10[%get3A] {strides = array<i32>} : memref<2000xi32, #tpu.memory_space<vmem>>, vector<16xi32>,
      %mul3A_397 = arith.constant 16 : i32
      %mul3A_398 = arith.muli %add3A_393, %mul3A_397 : i32
      %get3A_399 = arith.index_cast %mul3A_398 : i32 to index
      %get3A_400 = tpu.vector_load %arg11[%get3A_399] {strides = array<i32>} : memref<2000xi32, #tpu.memory_space<vmem>>, vector<16xi32>,
      %gather3A = tpu.vector_load_idx %arg7[%get3A_400] : memref<10240xf32, #tpu.memory_space<vmem>>[vector<16xi32>], vector<16xf32>,
      %gt3A = arith.constant 0.000000e+00 : f32
      %gt3A_401 = vector.broadcast %gt3A : f32 to vector<16xf32>
      %gt3A_402 = arith.cmpf ogt, %gather3A, %gt3A_401 : vector<16xf32>
      %mul3A_403 = arith.constant 16384 : i32
      %mul3A_404 = vector.broadcast %mul3A_403 : i32 to vector<16xi32>
      %mul3A_405 = arith.muli %get3A_400, %mul3A_404 : vector<16xi32>
      %add3A_406 = arith.addi %mul3A_405, %get3A_396 : vector<16xi32>
      %swap3A = arith.index_cast %scan3A_389 : i32 to index
      %swap3A_407 = tpu.vector_load %arg12[%swap3A] masked %gt3A_402 {strides = array<i32>} : memref<20096xi32, #tpu.memory_space<vmem>>, vector<16xi32>, vector<16xi1>
      tpu.vector_store %arg12[%swap3A], %add3A_406 masked %gt3A_402 {strides = array<i32>} : memref<20096xi32, #tpu.memory_space<vmem>>, vector<16xi32>, vector<16xi1>
      %all_reduce_population_count3A = tpu.all_reduce %gt3A_402 {dim = 0 : i64, kind = #tpu.reduction_kind<sum>} : vector<16xi1> -> vector<16xi32>
      %slice3A = vector.extract_strided_slice %all_reduce_population_count3A {offsets = [0], sizes = [1], strides = [1]} : vector<16xi32> to vector<1xi32>
      %squeeze3A = vector.extract %slice3A[0] : i32 from vector<1xi32>
      %add3A_408 = arith.addi %scan3A_389, %squeeze3A : i32
      %mul3A_409 = arith.constant 5 : i32
      %mul3A_410 = arith.muli %scan3A_388, %mul3A_409 : i32
      %add3A_411 = arith.constant 1 : i32
      %add3A_412 = arith.addi %mul3A_410, %add3A_411 : i32
      %mul3A_413 = arith.constant 16 : i32
      %mul3A_414 = arith.muli %add3A_412, %mul3A_413 : i32
      %get3A_415 = arith.index_cast %mul3A_414 : i32 to index
      %get3A_416 = tpu.vector_load %arg10[%get3A_415] {strides = array<i32>} : memref<2000xi32, #tpu.memory_space<vmem>>, vector<16xi32>,
      %mul3A_417 = arith.constant 16 : i32
      %mul3A_418 = arith.muli %add3A_412, %mul3A_417 : i32
      %get3A_419 = arith.index_cast %mul3A_418 : i32 to index
      %get3A_420 = tpu.vector_load %arg11[%get3A_419] {strides = array<i32>} : memref<2000xi32, #tpu.memory_space<vmem>>, vector<16xi32>,
      %gather3A_421 = tpu.vector_load_idx %arg7[%get3A_420] : memref<10240xf32, #tpu.memory_space<vmem>>[vector<16xi32>], vector<16xf32>,
      %gt3A_422 = arith.constant 0.000000e+00 : f32
      %gt3A_423 = vector.broadcast %gt3A_422 : f32 to vector<16xf32>
      %gt3A_424 = arith.cmpf ogt, %gather3A_421, %gt3A_423 : vector<16xf32>
      %mul3A_425 = arith.constant 16384 : i32
      %mul3A_426 = vector.broadcast %mul3A_425 : i32 to vector<16xi32>
      %mul3A_427 = arith.muli %get3A_420, %mul3A_426 : vector<16xi32>
      %add3A_428 = arith.addi %mul3A_427, %get3A_416 : vector<16xi32>
      %swap3A_429 = arith.index_cast %add3A_408 : i32 to index
      %swap3A_430 = tpu.vector_load %arg12[%swap3A_429] masked %gt3A_424 {strides = array<i32>} : memref<20096xi32, #tpu.memory_space<vmem>>, vector<16xi32>, vector<16xi1>
      tpu.vector_store %arg12[%swap3A_429], %add3A_428 masked %gt3A_424 {strides = array<i32>} : memref<20096xi32, #tpu.memory_space<vmem>>, vector<16xi32>, vector<16xi1>
      %all_reduce_population_count3A_431 = tpu.all_reduce %gt3A_424 {dim = 0 : i64, kind = #tpu.reduction_kind<sum>} : vector<16xi1> -> vector<16xi32>
      %slice3A_432 = vector.extract_strided_slice %all_reduce_population_count3A_431 {offsets = [0], sizes = [1], strides = [1]} : vector<16xi32> to vector<1xi32>
      %squeeze3A_433 = vector.extract %slice3A_432[0] : i32 from vector<1xi32>
      %add3A_434 = arith.addi %add3A_408, %squeeze3A_433 : i32
      %mul3A_435 = arith.constant 5 : i32
      %mul3A_436 = arith.muli %scan3A_388, %mul3A_435 : i32
      %add3A_437 = arith.constant 2 : i32
      %add3A_438 = arith.addi %mul3A_436, %add3A_437 : i32
      %mul3A_439 = arith.constant 16 : i32
      %mul3A_440 = arith.muli %add3A_438, %mul3A_439 : i32
      %get3A_441 = arith.index_cast %mul3A_440 : i32 to index
      %get3A_442 = tpu.vector_load %arg10[%get3A_441] {strides = array<i32>} : memref<2000xi32, #tpu.memory_space<vmem>>, vector<16xi32>,
      %mul3A_443 = arith.constant 16 : i32
      %mul3A_444 = arith.muli %add3A_438, %mul3A_443 : i32
      %get3A_445 = arith.index_cast %mul3A_444 : i32 to index
      %get3A_446 = tpu.vector_load %arg11[%get3A_445] {strides = array<i32>} : memref<2000xi32, #tpu.memory_space<vmem>>, vector<16xi32>,
      %gather3A_447 = tpu.vector_load_idx %arg7[%get3A_446] : memref<10240xf32, #tpu.memory_space<vmem>>[vector<16xi32>], vector<16xf32>,
      %gt3A_448 = arith.constant 0.000000e+00 : f32
      %gt3A_449 = vector.broadcast %gt3A_448 : f32 to vector<16xf32>
      %gt3A_450 = arith.cmpf ogt, %gather3A_447, %gt3A_449 : vector<16xf32>
      %mul3A_451 = arith.constant 16384 : i32
      %mul3A_452 = vector.broadcast %mul3A_451 : i32 to vector<16xi32>
      %mul3A_453 = arith.muli %get3A_446, %mul3A_452 : vector<16xi32>
      %add3A_454 = arith.addi %mul3A_453, %get3A_442 : vector<16xi32>
      %swap3A_455 = arith.index_cast %add3A_434 : i32 to index
      %swap3A_456 = tpu.vector_load %arg12[%swap3A_455] masked %gt3A_450 {strides = array<i32>} : memref<20096xi32, #tpu.memory_space<vmem>>, vector<16xi32>, vector<16xi1>
      tpu.vector_store %arg12[%swap3A_455], %add3A_454 masked %gt3A_450 {strides = array<i32>} : memref<20096xi32, #tpu.memory_space<vmem>>, vector<16xi32>, vector<16xi1>
      %all_reduce_population_count3A_457 = tpu.all_reduce %gt3A_450 {dim = 0 : i64, kind = #tpu.reduction_kind<sum>} : vector<16xi1> -> vector<16xi32>
      %slice3A_458 = vector.extract_strided_slice %all_reduce_population_count3A_457 {offsets = [0], sizes = [1], strides = [1]} : vector<16xi32> to vector<1xi32>
      %squeeze3A_459 = vector.extract %slice3A_458[0] : i32 from vector<1xi32>
      %add3A_460 = arith.addi %add3A_434, %squeeze3A_459 : i32
      %mul3A_461 = arith.constant 5 : i32
      %mul3A_462 = arith.muli %scan3A_388, %mul3A_461 : i32
      %add3A_463 = arith.constant 3 : i32
      %add3A_464 = arith.addi %mul3A_462, %add3A_463 : i32
      %mul3A_465 = arith.constant 16 : i32
      %mul3A_466 = arith.muli %add3A_464, %mul3A_465 : i32
      %get3A_467 = arith.index_cast %mul3A_466 : i32 to index
      %get3A_468 = tpu.vector_load %arg10[%get3A_467] {strides = array<i32>} : memref<2000xi32, #tpu.memory_space<vmem>>, vector<16xi32>,
      %mul3A_469 = arith.constant 16 : i32
      %mul3A_470 = arith.muli %add3A_464, %mul3A_469 : i32
      %get3A_471 = arith.index_cast %mul3A_470 : i32 to index
      %get3A_472 = tpu.vector_load %arg11[%get3A_471] {strides = array<i32>} : memref<2000xi32, #tpu.memory_space<vmem>>, vector<16xi32>,
      %gather3A_473 = tpu.vector_load_idx %arg7[%get3A_472] : memref<10240xf32, #tpu.memory_space<vmem>>[vector<16xi32>], vector<16xf32>,
      %gt3A_474 = arith.constant 0.000000e+00 : f32
      %gt3A_475 = vector.broadcast %gt3A_474 : f32 to vector<16xf32>
      %gt3A_476 = arith.cmpf ogt, %gather3A_473, %gt3A_475 : vector<16xf32>
      %mul3A_477 = arith.constant 16384 : i32
      %mul3A_478 = vector.broadcast %mul3A_477 : i32 to vector<16xi32>
      %mul3A_479 = arith.muli %get3A_472, %mul3A_478 : vector<16xi32>
      %add3A_480 = arith.addi %mul3A_479, %get3A_468 : vector<16xi32>
      %swap3A_481 = arith.index_cast %add3A_460 : i32 to index
      %swap3A_482 = tpu.vector_load %arg12[%swap3A_481] masked %gt3A_476 {strides = array<i32>} : memref<20096xi32, #tpu.memory_space<vmem>>, vector<16xi32>, vector<16xi1>
      tpu.vector_store %arg12[%swap3A_481], %add3A_480 masked %gt3A_476 {strides = array<i32>} : memref<20096xi32, #tpu.memory_space<vmem>>, vector<16xi32>, vector<16xi1>
      %all_reduce_population_count3A_483 = tpu.all_reduce %gt3A_476 {dim = 0 : i64, kind = #tpu.reduction_kind<sum>} : vector<16xi1> -> vector<16xi32>
      %slice3A_484 = vector.extract_strided_slice %all_reduce_population_count3A_483 {offsets = [0], sizes = [1], strides = [1]} : vector<16xi32> to vector<1xi32>
      %squeeze3A_485 = vector.extract %slice3A_484[0] : i32 from vector<1xi32>
      %add3A_486 = arith.addi %add3A_460, %squeeze3A_485 : i32
      %mul3A_487 = arith.constant 5 : i32
      %mul3A_488 = arith.muli %scan3A_388, %mul3A_487 : i32
      %add3A_489 = arith.constant 4 : i32
      %add3A_490 = arith.addi %mul3A_488, %add3A_489 : i32
      %mul3A_491 = arith.constant 16 : i32
      %mul3A_492 = arith.muli %add3A_490, %mul3A_491 : i32
      %get3A_493 = arith.index_cast %mul3A_492 : i32 to index
      %get3A_494 = tpu.vector_load %arg10[%get3A_493] {strides = array<i32>} : memref<2000xi32, #tpu.memory_space<vmem>>, vector<16xi32>,
      %mul3A_495 = arith.constant 16 : i32
      %mul3A_496 = arith.muli %add3A_490, %mul3A_495 : i32
      %get3A_497 = arith.index_cast %mul3A_496 : i32 to index
      %get3A_498 = tpu.vector_load %arg11[%get3A_497] {strides = array<i32>} : memref<2000xi32, #tpu.memory_space<vmem>>, vector<16xi32>,
      %gather3A_499 = tpu.vector_load_idx %arg7[%get3A_498] : memref<10240xf32, #tpu.memory_space<vmem>>[vector<16xi32>], vector<16xf32>,
      %gt3A_500 = arith.constant 0.000000e+00 : f32
      %gt3A_501 = vector.broadcast %gt3A_500 : f32 to vector<16xf32>
      %gt3A_502 = arith.cmpf ogt, %gather3A_499, %gt3A_501 : vector<16xf32>
      %mul3A_503 = arith.constant 16384 : i32
      %mul3A_504 = vector.broadcast %mul3A_503 : i32 to vector<16xi32>
      %mul3A_505 = arith.muli %get3A_498, %mul3A_504 : vector<16xi32>
      %add3A_506 = arith.addi %mul3A_505, %get3A_494 : vector<16xi32>
      %swap3A_507 = arith.index_cast %add3A_486 : i32 to index
      %swap3A_508 = tpu.vector_load %arg12[%swap3A_507] masked %gt3A_502 {strides = array<i32>} : memref<20096xi32, #tpu.memory_space<vmem>>, vector<16xi32>, vector<16xi1>
      tpu.vector_store %arg12[%swap3A_507], %add3A_506 masked %gt3A_502 {strides = array<i32>} : memref<20096xi32, #tpu.memory_space<vmem>>, vector<16xi32>, vector<16xi1>
      %all_reduce_population_count3A_509 = tpu.all_reduce %gt3A_502 {dim = 0 : i64, kind = #tpu.reduction_kind<sum>} : vector<16xi1> -> vector<16xi32>
      %slice3A_510 = vector.extract_strided_slice %all_reduce_population_count3A_509 {offsets = [0], sizes = [1], strides = [1]} : vector<16xi32> to vector<1xi32>
      %squeeze3A_511 = vector.extract %slice3A_510[0] : i32 from vector<1xi32>
      %add3A_512 = arith.addi %add3A_486, %squeeze3A_511 : i32
      scf.yield %add3A_512 : i32
    }
    %scan3A_171 = arith.constant 25 : i32
    %mul3A_172 = arith.constant 20000 : i32
    %mul3A_173 = arith.muli %arg1, %mul3A_172 : i32
    %add3A_174 = arith.constant 10000 : i32
    %add3A_175 = arith.addi %mul3A_173, %add3A_174 : i32
    %dma_start3A_176 = tpu.memref_slice %arg2[%add3A_175] : memref<640000xi32, #tpu.memory_space<hbm>> -> memref<2000xi32, #tpu.memory_space<hbm>>
    %dma_start3A_177 = tpu.memref_slice %arg2[%add3A_175] : memref<640000xi32, #tpu.memory_space<hbm>> -> memref<2000xi32, #tpu.memory_space<hbm>>
    tpu.enqueue_dma source(%dma_start3A_177 : memref<2000xi32, #tpu.memory_space<hbm>>) target(%arg10 : memref<2000xi32, #tpu.memory_space<vmem>>) target_semaphore(%arg17 : memref<!tpu.dma_semaphore, #tpu.memory_space<semaphore_mem>>)
    %add3A_178 = arith.constant 320000 : i32
    %add3A_179 = arith.addi %add3A_178, %add3A_175 : i32
    %dma_start3A_180 = tpu.memref_slice %arg2[%add3A_179] : memref<640000xi32, #tpu.memory_space<hbm>> -> memref<2000xi32, #tpu.memory_space<hbm>>
    %dma_start3A_181 = tpu.memref_slice %arg2[%add3A_179] : memref<640000xi32, #tpu.memory_space<hbm>> -> memref<2000xi32, #tpu.memory_space<hbm>>
    tpu.enqueue_dma source(%dma_start3A_181 : memref<2000xi32, #tpu.memory_space<hbm>>) target(%arg11 : memref<2000xi32, #tpu.memory_space<vmem>>) target_semaphore(%arg17 : memref<!tpu.dma_semaphore, #tpu.memory_space<semaphore_mem>>)
    %dma_wait3A_182 = tpu.memref_slice %arg2[%add3A_155] : memref<640000xi32, #tpu.memory_space<hbm>> -> memref<2000xi32, #tpu.memory_space<hbm>>
    %dma_wait3A_183 = tpu.memref_slice %arg2[%add3A_155] : memref<640000xi32, #tpu.memory_space<hbm>> -> memref<2000xi32, #tpu.memory_space<hbm>>
    tpu.wait_dma2 semaphore(%arg16 : memref<!tpu.dma_semaphore, #tpu.memory_space<semaphore_mem>>) src(%dma_wait3A_183 : memref<2000xi32, #tpu.memory_space<hbm>>) dst(%arg8 : memref<2000xi32, #tpu.memory_space<vmem>>)
    %dma_wait3A_184 = tpu.memref_slice %arg2[%add3A_159] : memref<640000xi32, #tpu.memory_space<hbm>> -> memref<2000xi32, #tpu.memory_space<hbm>>
    %dma_wait3A_185 = tpu.memref_slice %arg2[%add3A_159] : memref<640000xi32, #tpu.memory_space<hbm>> -> memref<2000xi32, #tpu.memory_space<hbm>>
    tpu.wait_dma2 semaphore(%arg16 : memref<!tpu.dma_semaphore, #tpu.memory_space<semaphore_mem>>) src(%dma_wait3A_185 : memref<2000xi32, #tpu.memory_space<hbm>>) dst(%arg9 : memref<2000xi32, #tpu.memory_space<vmem>>)
    %scan3A_186 = arith.constant 0 : i32
    %scan3A_187 = arith.constant 25 : i32
    %scan3A_188 = arith.addi %scan3A_186, %scan3A_187 : i32
    %scan3A_189 = arith.constant 1 : i32
    %scan3A_190 = scf.for %scan3A_388 = %scan3A_186 to %scan3A_188 step %scan3A_189 iter_args(%scan3A_389 = %scan3A_170) -> (i32)  : i32 {
      %mul3A_390 = arith.constant 5 : i32
      %mul3A_391 = arith.muli %scan3A_388, %mul3A_390 : i32
      %add3A_392 = arith.constant 0 : i32
      %add3A_393 = arith.addi %mul3A_391, %add3A_392 : i32
      %mul3A_394 = arith.constant 16 : i32
      %mul3A_395 = arith.muli %add3A_393, %mul3A_394 : i32
      %get3A = arith.index_cast %mul3A_395 : i32 to index
      %get3A_396 = tpu.vector_load %arg8[%get3A] {strides = array<i32>} : memref<2000xi32, #tpu.memory_space<vmem>>, vector<16xi32>,
      %mul3A_397 = arith.constant 16 : i32
      %mul3A_398 = arith.muli %add3A_393, %mul3A_397 : i32
      %get3A_399 = arith.index_cast %mul3A_398 : i32 to index
      %get3A_400 = tpu.vector_load %arg9[%get3A_399] {strides = array<i32>} : memref<2000xi32, #tpu.memory_space<vmem>>, vector<16xi32>,
      %gather3A = tpu.vector_load_idx %arg7[%get3A_400] : memref<10240xf32, #tpu.memory_space<vmem>>[vector<16xi32>], vector<16xf32>,
      %gt3A = arith.constant 0.000000e+00 : f32
      %gt3A_401 = vector.broadcast %gt3A : f32 to vector<16xf32>
      %gt3A_402 = arith.cmpf ogt, %gather3A, %gt3A_401 : vector<16xf32>
      %mul3A_403 = arith.constant 16384 : i32
      %mul3A_404 = vector.broadcast %mul3A_403 : i32 to vector<16xi32>
      %mul3A_405 = arith.muli %get3A_400, %mul3A_404 : vector<16xi32>
      %add3A_406 = arith.addi %mul3A_405, %get3A_396 : vector<16xi32>
      %swap3A = arith.index_cast %scan3A_389 : i32 to index
      %swap3A_407 = tpu.vector_load %arg12[%swap3A] masked %gt3A_402 {strides = array<i32>} : memref<20096xi32, #tpu.memory_space<vmem>>, vector<16xi32>, vector<16xi1>
      tpu.vector_store %arg12[%swap3A], %add3A_406 masked %gt3A_402 {strides = array<i32>} : memref<20096xi32, #tpu.memory_space<vmem>>, vector<16xi32>, vector<16xi1>
      %all_reduce_population_count3A = tpu.all_reduce %gt3A_402 {dim = 0 : i64, kind = #tpu.reduction_kind<sum>} : vector<16xi1> -> vector<16xi32>
      %slice3A = vector.extract_strided_slice %all_reduce_population_count3A {offsets = [0], sizes = [1], strides = [1]} : vector<16xi32> to vector<1xi32>
      %squeeze3A = vector.extract %slice3A[0] : i32 from vector<1xi32>
      %add3A_408 = arith.addi %scan3A_389, %squeeze3A : i32
      %mul3A_409 = arith.constant 5 : i32
      %mul3A_410 = arith.muli %scan3A_388, %mul3A_409 : i32
      %add3A_411 = arith.constant 1 : i32
      %add3A_412 = arith.addi %mul3A_410, %add3A_411 : i32
      %mul3A_413 = arith.constant 16 : i32
      %mul3A_414 = arith.muli %add3A_412, %mul3A_413 : i32
      %get3A_415 = arith.index_cast %mul3A_414 : i32 to index
      %get3A_416 = tpu.vector_load %arg8[%get3A_415] {strides = array<i32>} : memref<2000xi32, #tpu.memory_space<vmem>>, vector<16xi32>,
      %mul3A_417 = arith.constant 16 : i32
      %mul3A_418 = arith.muli %add3A_412, %mul3A_417 : i32
      %get3A_419 = arith.index_cast %mul3A_418 : i32 to index
      %get3A_420 = tpu.vector_load %arg9[%get3A_419] {strides = array<i32>} : memref<2000xi32, #tpu.memory_space<vmem>>, vector<16xi32>,
      %gather3A_421 = tpu.vector_load_idx %arg7[%get3A_420] : memref<10240xf32, #tpu.memory_space<vmem>>[vector<16xi32>], vector<16xf32>,
      %gt3A_422 = arith.constant 0.000000e+00 : f32
      %gt3A_423 = vector.broadcast %gt3A_422 : f32 to vector<16xf32>
      %gt3A_424 = arith.cmpf ogt, %gather3A_421, %gt3A_423 : vector<16xf32>
      %mul3A_425 = arith.constant 16384 : i32
      %mul3A_426 = vector.broadcast %mul3A_425 : i32 to vector<16xi32>
      %mul3A_427 = arith.muli %get3A_420, %mul3A_426 : vector<16xi32>
      %add3A_428 = arith.addi %mul3A_427, %get3A_416 : vector<16xi32>
      %swap3A_429 = arith.index_cast %add3A_408 : i32 to index
      %swap3A_430 = tpu.vector_load %arg12[%swap3A_429] masked %gt3A_424 {strides = array<i32>} : memref<20096xi32, #tpu.memory_space<vmem>>, vector<16xi32>, vector<16xi1>
      tpu.vector_store %arg12[%swap3A_429], %add3A_428 masked %gt3A_424 {strides = array<i32>} : memref<20096xi32, #tpu.memory_space<vmem>>, vector<16xi32>, vector<16xi1>
      %all_reduce_population_count3A_431 = tpu.all_reduce %gt3A_424 {dim = 0 : i64, kind = #tpu.reduction_kind<sum>} : vector<16xi1> -> vector<16xi32>
      %slice3A_432 = vector.extract_strided_slice %all_reduce_population_count3A_431 {offsets = [0], sizes = [1], strides = [1]} : vector<16xi32> to vector<1xi32>
      %squeeze3A_433 = vector.extract %slice3A_432[0] : i32 from vector<1xi32>
      %add3A_434 = arith.addi %add3A_408, %squeeze3A_433 : i32
      %mul3A_435 = arith.constant 5 : i32
      %mul3A_436 = arith.muli %scan3A_388, %mul3A_435 : i32
      %add3A_437 = arith.constant 2 : i32
      %add3A_438 = arith.addi %mul3A_436, %add3A_437 : i32
      %mul3A_439 = arith.constant 16 : i32
      %mul3A_440 = arith.muli %add3A_438, %mul3A_439 : i32
      %get3A_441 = arith.index_cast %mul3A_440 : i32 to index
      %get3A_442 = tpu.vector_load %arg8[%get3A_441] {strides = array<i32>} : memref<2000xi32, #tpu.memory_space<vmem>>, vector<16xi32>,
      %mul3A_443 = arith.constant 16 : i32
      %mul3A_444 = arith.muli %add3A_438, %mul3A_443 : i32
      %get3A_445 = arith.index_cast %mul3A_444 : i32 to index
      %get3A_446 = tpu.vector_load %arg9[%get3A_445] {strides = array<i32>} : memref<2000xi32, #tpu.memory_space<vmem>>, vector<16xi32>,
      %gather3A_447 = tpu.vector_load_idx %arg7[%get3A_446] : memref<10240xf32, #tpu.memory_space<vmem>>[vector<16xi32>], vector<16xf32>,
      %gt3A_448 = arith.constant 0.000000e+00 : f32
      %gt3A_449 = vector.broadcast %gt3A_448 : f32 to vector<16xf32>
      %gt3A_450 = arith.cmpf ogt, %gather3A_447, %gt3A_449 : vector<16xf32>
      %mul3A_451 = arith.constant 16384 : i32
      %mul3A_452 = vector.broadcast %mul3A_451 : i32 to vector<16xi32>
      %mul3A_453 = arith.muli %get3A_446, %mul3A_452 : vector<16xi32>
      %add3A_454 = arith.addi %mul3A_453, %get3A_442 : vector<16xi32>
      %swap3A_455 = arith.index_cast %add3A_434 : i32 to index
      %swap3A_456 = tpu.vector_load %arg12[%swap3A_455] masked %gt3A_450 {strides = array<i32>} : memref<20096xi32, #tpu.memory_space<vmem>>, vector<16xi32>, vector<16xi1>
      tpu.vector_store %arg12[%swap3A_455], %add3A_454 masked %gt3A_450 {strides = array<i32>} : memref<20096xi32, #tpu.memory_space<vmem>>, vector<16xi32>, vector<16xi1>
      %all_reduce_population_count3A_457 = tpu.all_reduce %gt3A_450 {dim = 0 : i64, kind = #tpu.reduction_kind<sum>} : vector<16xi1> -> vector<16xi32>
      %slice3A_458 = vector.extract_strided_slice %all_reduce_population_count3A_457 {offsets = [0], sizes = [1], strides = [1]} : vector<16xi32> to vector<1xi32>
      %squeeze3A_459 = vector.extract %slice3A_458[0] : i32 from vector<1xi32>
      %add3A_460 = arith.addi %add3A_434, %squeeze3A_459 : i32
      %mul3A_461 = arith.constant 5 : i32
      %mul3A_462 = arith.muli %scan3A_388, %mul3A_461 : i32
      %add3A_463 = arith.constant 3 : i32
      %add3A_464 = arith.addi %mul3A_462, %add3A_463 : i32
      %mul3A_465 = arith.constant 16 : i32
      %mul3A_466 = arith.muli %add3A_464, %mul3A_465 : i32
      %get3A_467 = arith.index_cast %mul3A_466 : i32 to index
      %get3A_468 = tpu.vector_load %arg8[%get3A_467] {strides = array<i32>} : memref<2000xi32, #tpu.memory_space<vmem>>, vector<16xi32>,
      %mul3A_469 = arith.constant 16 : i32
      %mul3A_470 = arith.muli %add3A_464, %mul3A_469 : i32
      %get3A_471 = arith.index_cast %mul3A_470 : i32 to index
      %get3A_472 = tpu.vector_load %arg9[%get3A_471] {strides = array<i32>} : memref<2000xi32, #tpu.memory_space<vmem>>, vector<16xi32>,
      %gather3A_473 = tpu.vector_load_idx %arg7[%get3A_472] : memref<10240xf32, #tpu.memory_space<vmem>>[vector<16xi32>], vector<16xf32>,
      %gt3A_474 = arith.constant 0.000000e+00 : f32
      %gt3A_475 = vector.broadcast %gt3A_474 : f32 to vector<16xf32>
      %gt3A_476 = arith.cmpf ogt, %gather3A_473, %gt3A_475 : vector<16xf32>
      %mul3A_477 = arith.constant 16384 : i32
      %mul3A_478 = vector.broadcast %mul3A_477 : i32 to vector<16xi32>
      %mul3A_479 = arith.muli %get3A_472, %mul3A_478 : vector<16xi32>
      %add3A_480 = arith.addi %mul3A_479, %get3A_468 : vector<16xi32>
      %swap3A_481 = arith.index_cast %add3A_460 : i32 to index
      %swap3A_482 = tpu.vector_load %arg12[%swap3A_481] masked %gt3A_476 {strides = array<i32>} : memref<20096xi32, #tpu.memory_space<vmem>>, vector<16xi32>, vector<16xi1>
      tpu.vector_store %arg12[%swap3A_481], %add3A_480 masked %gt3A_476 {strides = array<i32>} : memref<20096xi32, #tpu.memory_space<vmem>>, vector<16xi32>, vector<16xi1>
      %all_reduce_population_count3A_483 = tpu.all_reduce %gt3A_476 {dim = 0 : i64, kind = #tpu.reduction_kind<sum>} : vector<16xi1> -> vector<16xi32>
      %slice3A_484 = vector.extract_strided_slice %all_reduce_population_count3A_483 {offsets = [0], sizes = [1], strides = [1]} : vector<16xi32> to vector<1xi32>
      %squeeze3A_485 = vector.extract %slice3A_484[0] : i32 from vector<1xi32>
      %add3A_486 = arith.addi %add3A_460, %squeeze3A_485 : i32
      %mul3A_487 = arith.constant 5 : i32
      %mul3A_488 = arith.muli %scan3A_388, %mul3A_487 : i32
      %add3A_489 = arith.constant 4 : i32
      %add3A_490 = arith.addi %mul3A_488, %add3A_489 : i32
      %mul3A_491 = arith.constant 16 : i32
      %mul3A_492 = arith.muli %add3A_490, %mul3A_491 : i32
      %get3A_493 = arith.index_cast %mul3A_492 : i32 to index
      %get3A_494 = tpu.vector_load %arg8[%get3A_493] {strides = array<i32>} : memref<2000xi32, #tpu.memory_space<vmem>>, vector<16xi32>,
      %mul3A_495 = arith.constant 16 : i32
      %mul3A_496 = arith.muli %add3A_490, %mul3A_495 : i32
      %get3A_497 = arith.index_cast %mul3A_496 : i32 to index
      %get3A_498 = tpu.vector_load %arg9[%get3A_497] {strides = array<i32>} : memref<2000xi32, #tpu.memory_space<vmem>>, vector<16xi32>,
      %gather3A_499 = tpu.vector_load_idx %arg7[%get3A_498] : memref<10240xf32, #tpu.memory_space<vmem>>[vector<16xi32>], vector<16xf32>,
      %gt3A_500 = arith.constant 0.000000e+00 : f32
      %gt3A_501 = vector.broadcast %gt3A_500 : f32 to vector<16xf32>
      %gt3A_502 = arith.cmpf ogt, %gather3A_499, %gt3A_501 : vector<16xf32>
      %mul3A_503 = arith.constant 16384 : i32
      %mul3A_504 = vector.broadcast %mul3A_503 : i32 to vector<16xi32>
      %mul3A_505 = arith.muli %get3A_498, %mul3A_504 : vector<16xi32>
      %add3A_506 = arith.addi %mul3A_505, %get3A_494 : vector<16xi32>
      %swap3A_507 = arith.index_cast %add3A_486 : i32 to index
      %swap3A_508 = tpu.vector_load %arg12[%swap3A_507] masked %gt3A_502 {strides = array<i32>} : memref<20096xi32, #tpu.memory_space<vmem>>, vector<16xi32>, vector<16xi1>
      tpu.vector_store %arg12[%swap3A_507], %add3A_506 masked %gt3A_502 {strides = array<i32>} : memref<20096xi32, #tpu.memory_space<vmem>>, vector<16xi32>, vector<16xi1>
      %all_reduce_population_count3A_509 = tpu.all_reduce %gt3A_502 {dim = 0 : i64, kind = #tpu.reduction_kind<sum>} : vector<16xi1> -> vector<16xi32>
      %slice3A_510 = vector.extract_strided_slice %all_reduce_population_count3A_509 {offsets = [0], sizes = [1], strides = [1]} : vector<16xi32> to vector<1xi32>
      %squeeze3A_511 = vector.extract %slice3A_510[0] : i32 from vector<1xi32>
      %add3A_512 = arith.addi %add3A_486, %squeeze3A_511 : i32
      scf.yield %add3A_512 : i32
    }
    %scan3A_191 = arith.constant 25 : i32
    %mul3A_192 = arith.constant 20000 : i32
    %mul3A_193 = arith.muli %arg1, %mul3A_192 : i32
    %add3A_194 = arith.constant 12000 : i32
    %add3A_195 = arith.addi %mul3A_193, %add3A_194 : i32
    %dma_start3A_196 = tpu.memref_slice %arg2[%add3A_195] : memref<640000xi32, #tpu.memory_space<hbm>> -> memref<2000xi32, #tpu.memory_space<hbm>>
    %dma_start3A_197 = tpu.memref_slice %arg2[%add3A_195] : memref<640000xi32, #tpu.memory_space<hbm>> -> memref<2000xi32, #tpu.memory_space<hbm>>
    tpu.enqueue_dma source(%dma_start3A_197 : memref<2000xi32, #tpu.memory_space<hbm>>) target(%arg8 : memref<2000xi32, #tpu.memory_space<vmem>>) target_semaphore(%arg16 : memref<!tpu.dma_semaphore, #tpu.memory_space<semaphore_mem>>)
    %add3A_198 = arith.constant 320000 : i32
    %add3A_199 = arith.addi %add3A_198, %add3A_195 : i32
    %dma_start3A_200 = tpu.memref_slice %arg2[%add3A_199] : memref<640000xi32, #tpu.memory_space<hbm>> -> memref<2000xi32, #tpu.memory_space<hbm>>
    %dma_start3A_201 = tpu.memref_slice %arg2[%add3A_199] : memref<640000xi32, #tpu.memory_space<hbm>> -> memref<2000xi32, #tpu.memory_space<hbm>>
    tpu.enqueue_dma source(%dma_start3A_201 : memref<2000xi32, #tpu.memory_space<hbm>>) target(%arg9 : memref<2000xi32, #tpu.memory_space<vmem>>) target_semaphore(%arg16 : memref<!tpu.dma_semaphore, #tpu.memory_space<semaphore_mem>>)
    %dma_wait3A_202 = tpu.memref_slice %arg2[%add3A_175] : memref<640000xi32, #tpu.memory_space<hbm>> -> memref<2000xi32, #tpu.memory_space<hbm>>
    %dma_wait3A_203 = tpu.memref_slice %arg2[%add3A_175] : memref<640000xi32, #tpu.memory_space<hbm>> -> memref<2000xi32, #tpu.memory_space<hbm>>
    tpu.wait_dma2 semaphore(%arg17 : memref<!tpu.dma_semaphore, #tpu.memory_space<semaphore_mem>>) src(%dma_wait3A_203 : memref<2000xi32, #tpu.memory_space<hbm>>) dst(%arg10 : memref<2000xi32, #tpu.memory_space<vmem>>)
    %dma_wait3A_204 = tpu.memref_slice %arg2[%add3A_179] : memref<640000xi32, #tpu.memory_space<hbm>> -> memref<2000xi32, #tpu.memory_space<hbm>>
    %dma_wait3A_205 = tpu.memref_slice %arg2[%add3A_179] : memref<640000xi32, #tpu.memory_space<hbm>> -> memref<2000xi32, #tpu.memory_space<hbm>>
    tpu.wait_dma2 semaphore(%arg17 : memref<!tpu.dma_semaphore, #tpu.memory_space<semaphore_mem>>) src(%dma_wait3A_205 : memref<2000xi32, #tpu.memory_space<hbm>>) dst(%arg11 : memref<2000xi32, #tpu.memory_space<vmem>>)
    %scan3A_206 = arith.constant 0 : i32
    %scan3A_207 = arith.constant 25 : i32
    %scan3A_208 = arith.addi %scan3A_206, %scan3A_207 : i32
    %scan3A_209 = arith.constant 1 : i32
    %scan3A_210 = scf.for %scan3A_388 = %scan3A_206 to %scan3A_208 step %scan3A_209 iter_args(%scan3A_389 = %scan3A_190) -> (i32)  : i32 {
      %mul3A_390 = arith.constant 5 : i32
      %mul3A_391 = arith.muli %scan3A_388, %mul3A_390 : i32
      %add3A_392 = arith.constant 0 : i32
      %add3A_393 = arith.addi %mul3A_391, %add3A_392 : i32
      %mul3A_394 = arith.constant 16 : i32
      %mul3A_395 = arith.muli %add3A_393, %mul3A_394 : i32
      %get3A = arith.index_cast %mul3A_395 : i32 to index
      %get3A_396 = tpu.vector_load %arg10[%get3A] {strides = array<i32>} : memref<2000xi32, #tpu.memory_space<vmem>>, vector<16xi32>,
      %mul3A_397 = arith.constant 16 : i32
      %mul3A_398 = arith.muli %add3A_393, %mul3A_397 : i32
      %get3A_399 = arith.index_cast %mul3A_398 : i32 to index
      %get3A_400 = tpu.vector_load %arg11[%get3A_399] {strides = array<i32>} : memref<2000xi32, #tpu.memory_space<vmem>>, vector<16xi32>,
      %gather3A = tpu.vector_load_idx %arg7[%get3A_400] : memref<10240xf32, #tpu.memory_space<vmem>>[vector<16xi32>], vector<16xf32>,
      %gt3A = arith.constant 0.000000e+00 : f32
      %gt3A_401 = vector.broadcast %gt3A : f32 to vector<16xf32>
      %gt3A_402 = arith.cmpf ogt, %gather3A, %gt3A_401 : vector<16xf32>
      %mul3A_403 = arith.constant 16384 : i32
      %mul3A_404 = vector.broadcast %mul3A_403 : i32 to vector<16xi32>
      %mul3A_405 = arith.muli %get3A_400, %mul3A_404 : vector<16xi32>
      %add3A_406 = arith.addi %mul3A_405, %get3A_396 : vector<16xi32>
      %swap3A = arith.index_cast %scan3A_389 : i32 to index
      %swap3A_407 = tpu.vector_load %arg12[%swap3A] masked %gt3A_402 {strides = array<i32>} : memref<20096xi32, #tpu.memory_space<vmem>>, vector<16xi32>, vector<16xi1>
      tpu.vector_store %arg12[%swap3A], %add3A_406 masked %gt3A_402 {strides = array<i32>} : memref<20096xi32, #tpu.memory_space<vmem>>, vector<16xi32>, vector<16xi1>
      %all_reduce_population_count3A = tpu.all_reduce %gt3A_402 {dim = 0 : i64, kind = #tpu.reduction_kind<sum>} : vector<16xi1> -> vector<16xi32>
      %slice3A = vector.extract_strided_slice %all_reduce_population_count3A {offsets = [0], sizes = [1], strides = [1]} : vector<16xi32> to vector<1xi32>
      %squeeze3A = vector.extract %slice3A[0] : i32 from vector<1xi32>
      %add3A_408 = arith.addi %scan3A_389, %squeeze3A : i32
      %mul3A_409 = arith.constant 5 : i32
      %mul3A_410 = arith.muli %scan3A_388, %mul3A_409 : i32
      %add3A_411 = arith.constant 1 : i32
      %add3A_412 = arith.addi %mul3A_410, %add3A_411 : i32
      %mul3A_413 = arith.constant 16 : i32
      %mul3A_414 = arith.muli %add3A_412, %mul3A_413 : i32
      %get3A_415 = arith.index_cast %mul3A_414 : i32 to index
      %get3A_416 = tpu.vector_load %arg10[%get3A_415] {strides = array<i32>} : memref<2000xi32, #tpu.memory_space<vmem>>, vector<16xi32>,
      %mul3A_417 = arith.constant 16 : i32
      %mul3A_418 = arith.muli %add3A_412, %mul3A_417 : i32
      %get3A_419 = arith.index_cast %mul3A_418 : i32 to index
      %get3A_420 = tpu.vector_load %arg11[%get3A_419] {strides = array<i32>} : memref<2000xi32, #tpu.memory_space<vmem>>, vector<16xi32>,
      %gather3A_421 = tpu.vector_load_idx %arg7[%get3A_420] : memref<10240xf32, #tpu.memory_space<vmem>>[vector<16xi32>], vector<16xf32>,
      %gt3A_422 = arith.constant 0.000000e+00 : f32
      %gt3A_423 = vector.broadcast %gt3A_422 : f32 to vector<16xf32>
      %gt3A_424 = arith.cmpf ogt, %gather3A_421, %gt3A_423 : vector<16xf32>
      %mul3A_425 = arith.constant 16384 : i32
      %mul3A_426 = vector.broadcast %mul3A_425 : i32 to vector<16xi32>
      %mul3A_427 = arith.muli %get3A_420, %mul3A_426 : vector<16xi32>
      %add3A_428 = arith.addi %mul3A_427, %get3A_416 : vector<16xi32>
      %swap3A_429 = arith.index_cast %add3A_408 : i32 to index
      %swap3A_430 = tpu.vector_load %arg12[%swap3A_429] masked %gt3A_424 {strides = array<i32>} : memref<20096xi32, #tpu.memory_space<vmem>>, vector<16xi32>, vector<16xi1>
      tpu.vector_store %arg12[%swap3A_429], %add3A_428 masked %gt3A_424 {strides = array<i32>} : memref<20096xi32, #tpu.memory_space<vmem>>, vector<16xi32>, vector<16xi1>
      %all_reduce_population_count3A_431 = tpu.all_reduce %gt3A_424 {dim = 0 : i64, kind = #tpu.reduction_kind<sum>} : vector<16xi1> -> vector<16xi32>
      %slice3A_432 = vector.extract_strided_slice %all_reduce_population_count3A_431 {offsets = [0], sizes = [1], strides = [1]} : vector<16xi32> to vector<1xi32>
      %squeeze3A_433 = vector.extract %slice3A_432[0] : i32 from vector<1xi32>
      %add3A_434 = arith.addi %add3A_408, %squeeze3A_433 : i32
      %mul3A_435 = arith.constant 5 : i32
      %mul3A_436 = arith.muli %scan3A_388, %mul3A_435 : i32
      %add3A_437 = arith.constant 2 : i32
      %add3A_438 = arith.addi %mul3A_436, %add3A_437 : i32
      %mul3A_439 = arith.constant 16 : i32
      %mul3A_440 = arith.muli %add3A_438, %mul3A_439 : i32
      %get3A_441 = arith.index_cast %mul3A_440 : i32 to index
      %get3A_442 = tpu.vector_load %arg10[%get3A_441] {strides = array<i32>} : memref<2000xi32, #tpu.memory_space<vmem>>, vector<16xi32>,
      %mul3A_443 = arith.constant 16 : i32
      %mul3A_444 = arith.muli %add3A_438, %mul3A_443 : i32
      %get3A_445 = arith.index_cast %mul3A_444 : i32 to index
      %get3A_446 = tpu.vector_load %arg11[%get3A_445] {strides = array<i32>} : memref<2000xi32, #tpu.memory_space<vmem>>, vector<16xi32>,
      %gather3A_447 = tpu.vector_load_idx %arg7[%get3A_446] : memref<10240xf32, #tpu.memory_space<vmem>>[vector<16xi32>], vector<16xf32>,
      %gt3A_448 = arith.constant 0.000000e+00 : f32
      %gt3A_449 = vector.broadcast %gt3A_448 : f32 to vector<16xf32>
      %gt3A_450 = arith.cmpf ogt, %gather3A_447, %gt3A_449 : vector<16xf32>
      %mul3A_451 = arith.constant 16384 : i32
      %mul3A_452 = vector.broadcast %mul3A_451 : i32 to vector<16xi32>
      %mul3A_453 = arith.muli %get3A_446, %mul3A_452 : vector<16xi32>
      %add3A_454 = arith.addi %mul3A_453, %get3A_442 : vector<16xi32>
      %swap3A_455 = arith.index_cast %add3A_434 : i32 to index
      %swap3A_456 = tpu.vector_load %arg12[%swap3A_455] masked %gt3A_450 {strides = array<i32>} : memref<20096xi32, #tpu.memory_space<vmem>>, vector<16xi32>, vector<16xi1>
      tpu.vector_store %arg12[%swap3A_455], %add3A_454 masked %gt3A_450 {strides = array<i32>} : memref<20096xi32, #tpu.memory_space<vmem>>, vector<16xi32>, vector<16xi1>
      %all_reduce_population_count3A_457 = tpu.all_reduce %gt3A_450 {dim = 0 : i64, kind = #tpu.reduction_kind<sum>} : vector<16xi1> -> vector<16xi32>
      %slice3A_458 = vector.extract_strided_slice %all_reduce_population_count3A_457 {offsets = [0], sizes = [1], strides = [1]} : vector<16xi32> to vector<1xi32>
      %squeeze3A_459 = vector.extract %slice3A_458[0] : i32 from vector<1xi32>
      %add3A_460 = arith.addi %add3A_434, %squeeze3A_459 : i32
      %mul3A_461 = arith.constant 5 : i32
      %mul3A_462 = arith.muli %scan3A_388, %mul3A_461 : i32
      %add3A_463 = arith.constant 3 : i32
      %add3A_464 = arith.addi %mul3A_462, %add3A_463 : i32
      %mul3A_465 = arith.constant 16 : i32
      %mul3A_466 = arith.muli %add3A_464, %mul3A_465 : i32
      %get3A_467 = arith.index_cast %mul3A_466 : i32 to index
      %get3A_468 = tpu.vector_load %arg10[%get3A_467] {strides = array<i32>} : memref<2000xi32, #tpu.memory_space<vmem>>, vector<16xi32>,
      %mul3A_469 = arith.constant 16 : i32
      %mul3A_470 = arith.muli %add3A_464, %mul3A_469 : i32
      %get3A_471 = arith.index_cast %mul3A_470 : i32 to index
      %get3A_472 = tpu.vector_load %arg11[%get3A_471] {strides = array<i32>} : memref<2000xi32, #tpu.memory_space<vmem>>, vector<16xi32>,
      %gather3A_473 = tpu.vector_load_idx %arg7[%get3A_472] : memref<10240xf32, #tpu.memory_space<vmem>>[vector<16xi32>], vector<16xf32>,
      %gt3A_474 = arith.constant 0.000000e+00 : f32
      %gt3A_475 = vector.broadcast %gt3A_474 : f32 to vector<16xf32>
      %gt3A_476 = arith.cmpf ogt, %gather3A_473, %gt3A_475 : vector<16xf32>
      %mul3A_477 = arith.constant 16384 : i32
      %mul3A_478 = vector.broadcast %mul3A_477 : i32 to vector<16xi32>
      %mul3A_479 = arith.muli %get3A_472, %mul3A_478 : vector<16xi32>
      %add3A_480 = arith.addi %mul3A_479, %get3A_468 : vector<16xi32>
      %swap3A_481 = arith.index_cast %add3A_460 : i32 to index
      %swap3A_482 = tpu.vector_load %arg12[%swap3A_481] masked %gt3A_476 {strides = array<i32>} : memref<20096xi32, #tpu.memory_space<vmem>>, vector<16xi32>, vector<16xi1>
      tpu.vector_store %arg12[%swap3A_481], %add3A_480 masked %gt3A_476 {strides = array<i32>} : memref<20096xi32, #tpu.memory_space<vmem>>, vector<16xi32>, vector<16xi1>
      %all_reduce_population_count3A_483 = tpu.all_reduce %gt3A_476 {dim = 0 : i64, kind = #tpu.reduction_kind<sum>} : vector<16xi1> -> vector<16xi32>
      %slice3A_484 = vector.extract_strided_slice %all_reduce_population_count3A_483 {offsets = [0], sizes = [1], strides = [1]} : vector<16xi32> to vector<1xi32>
      %squeeze3A_485 = vector.extract %slice3A_484[0] : i32 from vector<1xi32>
      %add3A_486 = arith.addi %add3A_460, %squeeze3A_485 : i32
      %mul3A_487 = arith.constant 5 : i32
      %mul3A_488 = arith.muli %scan3A_388, %mul3A_487 : i32
      %add3A_489 = arith.constant 4 : i32
      %add3A_490 = arith.addi %mul3A_488, %add3A_489 : i32
      %mul3A_491 = arith.constant 16 : i32
      %mul3A_492 = arith.muli %add3A_490, %mul3A_491 : i32
      %get3A_493 = arith.index_cast %mul3A_492 : i32 to index
      %get3A_494 = tpu.vector_load %arg10[%get3A_493] {strides = array<i32>} : memref<2000xi32, #tpu.memory_space<vmem>>, vector<16xi32>,
      %mul3A_495 = arith.constant 16 : i32
      %mul3A_496 = arith.muli %add3A_490, %mul3A_495 : i32
      %get3A_497 = arith.index_cast %mul3A_496 : i32 to index
      %get3A_498 = tpu.vector_load %arg11[%get3A_497] {strides = array<i32>} : memref<2000xi32, #tpu.memory_space<vmem>>, vector<16xi32>,
      %gather3A_499 = tpu.vector_load_idx %arg7[%get3A_498] : memref<10240xf32, #tpu.memory_space<vmem>>[vector<16xi32>], vector<16xf32>,
      %gt3A_500 = arith.constant 0.000000e+00 : f32
      %gt3A_501 = vector.broadcast %gt3A_500 : f32 to vector<16xf32>
      %gt3A_502 = arith.cmpf ogt, %gather3A_499, %gt3A_501 : vector<16xf32>
      %mul3A_503 = arith.constant 16384 : i32
      %mul3A_504 = vector.broadcast %mul3A_503 : i32 to vector<16xi32>
      %mul3A_505 = arith.muli %get3A_498, %mul3A_504 : vector<16xi32>
      %add3A_506 = arith.addi %mul3A_505, %get3A_494 : vector<16xi32>
      %swap3A_507 = arith.index_cast %add3A_486 : i32 to index
      %swap3A_508 = tpu.vector_load %arg12[%swap3A_507] masked %gt3A_502 {strides = array<i32>} : memref<20096xi32, #tpu.memory_space<vmem>>, vector<16xi32>, vector<16xi1>
      tpu.vector_store %arg12[%swap3A_507], %add3A_506 masked %gt3A_502 {strides = array<i32>} : memref<20096xi32, #tpu.memory_space<vmem>>, vector<16xi32>, vector<16xi1>
      %all_reduce_population_count3A_509 = tpu.all_reduce %gt3A_502 {dim = 0 : i64, kind = #tpu.reduction_kind<sum>} : vector<16xi1> -> vector<16xi32>
      %slice3A_510 = vector.extract_strided_slice %all_reduce_population_count3A_509 {offsets = [0], sizes = [1], strides = [1]} : vector<16xi32> to vector<1xi32>
      %squeeze3A_511 = vector.extract %slice3A_510[0] : i32 from vector<1xi32>
      %add3A_512 = arith.addi %add3A_486, %squeeze3A_511 : i32
      scf.yield %add3A_512 : i32
    }
    %scan3A_211 = arith.constant 25 : i32
    %mul3A_212 = arith.constant 20000 : i32
    %mul3A_213 = arith.muli %arg1, %mul3A_212 : i32
    %add3A_214 = arith.constant 14000 : i32
    %add3A_215 = arith.addi %mul3A_213, %add3A_214 : i32
    %dma_start3A_216 = tpu.memref_slice %arg2[%add3A_215] : memref<640000xi32, #tpu.memory_space<hbm>> -> memref<2000xi32, #tpu.memory_space<hbm>>
    %dma_start3A_217 = tpu.memref_slice %arg2[%add3A_215] : memref<640000xi32, #tpu.memory_space<hbm>> -> memref<2000xi32, #tpu.memory_space<hbm>>
    tpu.enqueue_dma source(%dma_start3A_217 : memref<2000xi32, #tpu.memory_space<hbm>>) target(%arg10 : memref<2000xi32, #tpu.memory_space<vmem>>) target_semaphore(%arg17 : memref<!tpu.dma_semaphore, #tpu.memory_space<semaphore_mem>>)
    %add3A_218 = arith.constant 320000 : i32
    %add3A_219 = arith.addi %add3A_218, %add3A_215 : i32
    %dma_start3A_220 = tpu.memref_slice %arg2[%add3A_219] : memref<640000xi32, #tpu.memory_space<hbm>> -> memref<2000xi32, #tpu.memory_space<hbm>>
    %dma_start3A_221 = tpu.memref_slice %arg2[%add3A_219] : memref<640000xi32, #tpu.memory_space<hbm>> -> memref<2000xi32, #tpu.memory_space<hbm>>
    tpu.enqueue_dma source(%dma_start3A_221 : memref<2000xi32, #tpu.memory_space<hbm>>) target(%arg11 : memref<2000xi32, #tpu.memory_space<vmem>>) target_semaphore(%arg17 : memref<!tpu.dma_semaphore, #tpu.memory_space<semaphore_mem>>)
    %dma_wait3A_222 = tpu.memref_slice %arg2[%add3A_195] : memref<640000xi32, #tpu.memory_space<hbm>> -> memref<2000xi32, #tpu.memory_space<hbm>>
    %dma_wait3A_223 = tpu.memref_slice %arg2[%add3A_195] : memref<640000xi32, #tpu.memory_space<hbm>> -> memref<2000xi32, #tpu.memory_space<hbm>>
    tpu.wait_dma2 semaphore(%arg16 : memref<!tpu.dma_semaphore, #tpu.memory_space<semaphore_mem>>) src(%dma_wait3A_223 : memref<2000xi32, #tpu.memory_space<hbm>>) dst(%arg8 : memref<2000xi32, #tpu.memory_space<vmem>>)
    %dma_wait3A_224 = tpu.memref_slice %arg2[%add3A_199] : memref<640000xi32, #tpu.memory_space<hbm>> -> memref<2000xi32, #tpu.memory_space<hbm>>
    %dma_wait3A_225 = tpu.memref_slice %arg2[%add3A_199] : memref<640000xi32, #tpu.memory_space<hbm>> -> memref<2000xi32, #tpu.memory_space<hbm>>
    tpu.wait_dma2 semaphore(%arg16 : memref<!tpu.dma_semaphore, #tpu.memory_space<semaphore_mem>>) src(%dma_wait3A_225 : memref<2000xi32, #tpu.memory_space<hbm>>) dst(%arg9 : memref<2000xi32, #tpu.memory_space<vmem>>)
    %scan3A_226 = arith.constant 0 : i32
    %scan3A_227 = arith.constant 25 : i32
    %scan3A_228 = arith.addi %scan3A_226, %scan3A_227 : i32
    %scan3A_229 = arith.constant 1 : i32
    %scan3A_230 = scf.for %scan3A_388 = %scan3A_226 to %scan3A_228 step %scan3A_229 iter_args(%scan3A_389 = %scan3A_210) -> (i32)  : i32 {
      %mul3A_390 = arith.constant 5 : i32
      %mul3A_391 = arith.muli %scan3A_388, %mul3A_390 : i32
      %add3A_392 = arith.constant 0 : i32
      %add3A_393 = arith.addi %mul3A_391, %add3A_392 : i32
      %mul3A_394 = arith.constant 16 : i32
      %mul3A_395 = arith.muli %add3A_393, %mul3A_394 : i32
      %get3A = arith.index_cast %mul3A_395 : i32 to index
      %get3A_396 = tpu.vector_load %arg8[%get3A] {strides = array<i32>} : memref<2000xi32, #tpu.memory_space<vmem>>, vector<16xi32>,
      %mul3A_397 = arith.constant 16 : i32
      %mul3A_398 = arith.muli %add3A_393, %mul3A_397 : i32
      %get3A_399 = arith.index_cast %mul3A_398 : i32 to index
      %get3A_400 = tpu.vector_load %arg9[%get3A_399] {strides = array<i32>} : memref<2000xi32, #tpu.memory_space<vmem>>, vector<16xi32>,
      %gather3A = tpu.vector_load_idx %arg7[%get3A_400] : memref<10240xf32, #tpu.memory_space<vmem>>[vector<16xi32>], vector<16xf32>,
      %gt3A = arith.constant 0.000000e+00 : f32
      %gt3A_401 = vector.broadcast %gt3A : f32 to vector<16xf32>
      %gt3A_402 = arith.cmpf ogt, %gather3A, %gt3A_401 : vector<16xf32>
      %mul3A_403 = arith.constant 16384 : i32
      %mul3A_404 = vector.broadcast %mul3A_403 : i32 to vector<16xi32>
      %mul3A_405 = arith.muli %get3A_400, %mul3A_404 : vector<16xi32>
      %add3A_406 = arith.addi %mul3A_405, %get3A_396 : vector<16xi32>
      %swap3A = arith.index_cast %scan3A_389 : i32 to index
      %swap3A_407 = tpu.vector_load %arg12[%swap3A] masked %gt3A_402 {strides = array<i32>} : memref<20096xi32, #tpu.memory_space<vmem>>, vector<16xi32>, vector<16xi1>
      tpu.vector_store %arg12[%swap3A], %add3A_406 masked %gt3A_402 {strides = array<i32>} : memref<20096xi32, #tpu.memory_space<vmem>>, vector<16xi32>, vector<16xi1>
      %all_reduce_population_count3A = tpu.all_reduce %gt3A_402 {dim = 0 : i64, kind = #tpu.reduction_kind<sum>} : vector<16xi1> -> vector<16xi32>
      %slice3A = vector.extract_strided_slice %all_reduce_population_count3A {offsets = [0], sizes = [1], strides = [1]} : vector<16xi32> to vector<1xi32>
      %squeeze3A = vector.extract %slice3A[0] : i32 from vector<1xi32>
      %add3A_408 = arith.addi %scan3A_389, %squeeze3A : i32
      %mul3A_409 = arith.constant 5 : i32
      %mul3A_410 = arith.muli %scan3A_388, %mul3A_409 : i32
      %add3A_411 = arith.constant 1 : i32
      %add3A_412 = arith.addi %mul3A_410, %add3A_411 : i32
      %mul3A_413 = arith.constant 16 : i32
      %mul3A_414 = arith.muli %add3A_412, %mul3A_413 : i32
      %get3A_415 = arith.index_cast %mul3A_414 : i32 to index
      %get3A_416 = tpu.vector_load %arg8[%get3A_415] {strides = array<i32>} : memref<2000xi32, #tpu.memory_space<vmem>>, vector<16xi32>,
      %mul3A_417 = arith.constant 16 : i32
      %mul3A_418 = arith.muli %add3A_412, %mul3A_417 : i32
      %get3A_419 = arith.index_cast %mul3A_418 : i32 to index
      %get3A_420 = tpu.vector_load %arg9[%get3A_419] {strides = array<i32>} : memref<2000xi32, #tpu.memory_space<vmem>>, vector<16xi32>,
      %gather3A_421 = tpu.vector_load_idx %arg7[%get3A_420] : memref<10240xf32, #tpu.memory_space<vmem>>[vector<16xi32>], vector<16xf32>,
      %gt3A_422 = arith.constant 0.000000e+00 : f32
      %gt3A_423 = vector.broadcast %gt3A_422 : f32 to vector<16xf32>
      %gt3A_424 = arith.cmpf ogt, %gather3A_421, %gt3A_423 : vector<16xf32>
      %mul3A_425 = arith.constant 16384 : i32
      %mul3A_426 = vector.broadcast %mul3A_425 : i32 to vector<16xi32>
      %mul3A_427 = arith.muli %get3A_420, %mul3A_426 : vector<16xi32>
      %add3A_428 = arith.addi %mul3A_427, %get3A_416 : vector<16xi32>
      %swap3A_429 = arith.index_cast %add3A_408 : i32 to index
      %swap3A_430 = tpu.vector_load %arg12[%swap3A_429] masked %gt3A_424 {strides = array<i32>} : memref<20096xi32, #tpu.memory_space<vmem>>, vector<16xi32>, vector<16xi1>
      tpu.vector_store %arg12[%swap3A_429], %add3A_428 masked %gt3A_424 {strides = array<i32>} : memref<20096xi32, #tpu.memory_space<vmem>>, vector<16xi32>, vector<16xi1>
      %all_reduce_population_count3A_431 = tpu.all_reduce %gt3A_424 {dim = 0 : i64, kind = #tpu.reduction_kind<sum>} : vector<16xi1> -> vector<16xi32>
      %slice3A_432 = vector.extract_strided_slice %all_reduce_population_count3A_431 {offsets = [0], sizes = [1], strides = [1]} : vector<16xi32> to vector<1xi32>
      %squeeze3A_433 = vector.extract %slice3A_432[0] : i32 from vector<1xi32>
      %add3A_434 = arith.addi %add3A_408, %squeeze3A_433 : i32
      %mul3A_435 = arith.constant 5 : i32
      %mul3A_436 = arith.muli %scan3A_388, %mul3A_435 : i32
      %add3A_437 = arith.constant 2 : i32
      %add3A_438 = arith.addi %mul3A_436, %add3A_437 : i32
      %mul3A_439 = arith.constant 16 : i32
      %mul3A_440 = arith.muli %add3A_438, %mul3A_439 : i32
      %get3A_441 = arith.index_cast %mul3A_440 : i32 to index
      %get3A_442 = tpu.vector_load %arg8[%get3A_441] {strides = array<i32>} : memref<2000xi32, #tpu.memory_space<vmem>>, vector<16xi32>,
      %mul3A_443 = arith.constant 16 : i32
      %mul3A_444 = arith.muli %add3A_438, %mul3A_443 : i32
      %get3A_445 = arith.index_cast %mul3A_444 : i32 to index
      %get3A_446 = tpu.vector_load %arg9[%get3A_445] {strides = array<i32>} : memref<2000xi32, #tpu.memory_space<vmem>>, vector<16xi32>,
      %gather3A_447 = tpu.vector_load_idx %arg7[%get3A_446] : memref<10240xf32, #tpu.memory_space<vmem>>[vector<16xi32>], vector<16xf32>,
      %gt3A_448 = arith.constant 0.000000e+00 : f32
      %gt3A_449 = vector.broadcast %gt3A_448 : f32 to vector<16xf32>
      %gt3A_450 = arith.cmpf ogt, %gather3A_447, %gt3A_449 : vector<16xf32>
      %mul3A_451 = arith.constant 16384 : i32
      %mul3A_452 = vector.broadcast %mul3A_451 : i32 to vector<16xi32>
      %mul3A_453 = arith.muli %get3A_446, %mul3A_452 : vector<16xi32>
      %add3A_454 = arith.addi %mul3A_453, %get3A_442 : vector<16xi32>
      %swap3A_455 = arith.index_cast %add3A_434 : i32 to index
      %swap3A_456 = tpu.vector_load %arg12[%swap3A_455] masked %gt3A_450 {strides = array<i32>} : memref<20096xi32, #tpu.memory_space<vmem>>, vector<16xi32>, vector<16xi1>
      tpu.vector_store %arg12[%swap3A_455], %add3A_454 masked %gt3A_450 {strides = array<i32>} : memref<20096xi32, #tpu.memory_space<vmem>>, vector<16xi32>, vector<16xi1>
      %all_reduce_population_count3A_457 = tpu.all_reduce %gt3A_450 {dim = 0 : i64, kind = #tpu.reduction_kind<sum>} : vector<16xi1> -> vector<16xi32>
      %slice3A_458 = vector.extract_strided_slice %all_reduce_population_count3A_457 {offsets = [0], sizes = [1], strides = [1]} : vector<16xi32> to vector<1xi32>
      %squeeze3A_459 = vector.extract %slice3A_458[0] : i32 from vector<1xi32>
      %add3A_460 = arith.addi %add3A_434, %squeeze3A_459 : i32
      %mul3A_461 = arith.constant 5 : i32
      %mul3A_462 = arith.muli %scan3A_388, %mul3A_461 : i32
      %add3A_463 = arith.constant 3 : i32
      %add3A_464 = arith.addi %mul3A_462, %add3A_463 : i32
      %mul3A_465 = arith.constant 16 : i32
      %mul3A_466 = arith.muli %add3A_464, %mul3A_465 : i32
      %get3A_467 = arith.index_cast %mul3A_466 : i32 to index
      %get3A_468 = tpu.vector_load %arg8[%get3A_467] {strides = array<i32>} : memref<2000xi32, #tpu.memory_space<vmem>>, vector<16xi32>,
      %mul3A_469 = arith.constant 16 : i32
      %mul3A_470 = arith.muli %add3A_464, %mul3A_469 : i32
      %get3A_471 = arith.index_cast %mul3A_470 : i32 to index
      %get3A_472 = tpu.vector_load %arg9[%get3A_471] {strides = array<i32>} : memref<2000xi32, #tpu.memory_space<vmem>>, vector<16xi32>,
      %gather3A_473 = tpu.vector_load_idx %arg7[%get3A_472] : memref<10240xf32, #tpu.memory_space<vmem>>[vector<16xi32>], vector<16xf32>,
      %gt3A_474 = arith.constant 0.000000e+00 : f32
      %gt3A_475 = vector.broadcast %gt3A_474 : f32 to vector<16xf32>
      %gt3A_476 = arith.cmpf ogt, %gather3A_473, %gt3A_475 : vector<16xf32>
      %mul3A_477 = arith.constant 16384 : i32
      %mul3A_478 = vector.broadcast %mul3A_477 : i32 to vector<16xi32>
      %mul3A_479 = arith.muli %get3A_472, %mul3A_478 : vector<16xi32>
      %add3A_480 = arith.addi %mul3A_479, %get3A_468 : vector<16xi32>
      %swap3A_481 = arith.index_cast %add3A_460 : i32 to index
      %swap3A_482 = tpu.vector_load %arg12[%swap3A_481] masked %gt3A_476 {strides = array<i32>} : memref<20096xi32, #tpu.memory_space<vmem>>, vector<16xi32>, vector<16xi1>
      tpu.vector_store %arg12[%swap3A_481], %add3A_480 masked %gt3A_476 {strides = array<i32>} : memref<20096xi32, #tpu.memory_space<vmem>>, vector<16xi32>, vector<16xi1>
      %all_reduce_population_count3A_483 = tpu.all_reduce %gt3A_476 {dim = 0 : i64, kind = #tpu.reduction_kind<sum>} : vector<16xi1> -> vector<16xi32>
      %slice3A_484 = vector.extract_strided_slice %all_reduce_population_count3A_483 {offsets = [0], sizes = [1], strides = [1]} : vector<16xi32> to vector<1xi32>
      %squeeze3A_485 = vector.extract %slice3A_484[0] : i32 from vector<1xi32>
      %add3A_486 = arith.addi %add3A_460, %squeeze3A_485 : i32
      %mul3A_487 = arith.constant 5 : i32
      %mul3A_488 = arith.muli %scan3A_388, %mul3A_487 : i32
      %add3A_489 = arith.constant 4 : i32
      %add3A_490 = arith.addi %mul3A_488, %add3A_489 : i32
      %mul3A_491 = arith.constant 16 : i32
      %mul3A_492 = arith.muli %add3A_490, %mul3A_491 : i32
      %get3A_493 = arith.index_cast %mul3A_492 : i32 to index
      %get3A_494 = tpu.vector_load %arg8[%get3A_493] {strides = array<i32>} : memref<2000xi32, #tpu.memory_space<vmem>>, vector<16xi32>,
      %mul3A_495 = arith.constant 16 : i32
      %mul3A_496 = arith.muli %add3A_490, %mul3A_495 : i32
      %get3A_497 = arith.index_cast %mul3A_496 : i32 to index
      %get3A_498 = tpu.vector_load %arg9[%get3A_497] {strides = array<i32>} : memref<2000xi32, #tpu.memory_space<vmem>>, vector<16xi32>,
      %gather3A_499 = tpu.vector_load_idx %arg7[%get3A_498] : memref<10240xf32, #tpu.memory_space<vmem>>[vector<16xi32>], vector<16xf32>,
      %gt3A_500 = arith.constant 0.000000e+00 : f32
      %gt3A_501 = vector.broadcast %gt3A_500 : f32 to vector<16xf32>
      %gt3A_502 = arith.cmpf ogt, %gather3A_499, %gt3A_501 : vector<16xf32>
      %mul3A_503 = arith.constant 16384 : i32
      %mul3A_504 = vector.broadcast %mul3A_503 : i32 to vector<16xi32>
      %mul3A_505 = arith.muli %get3A_498, %mul3A_504 : vector<16xi32>
      %add3A_506 = arith.addi %mul3A_505, %get3A_494 : vector<16xi32>
      %swap3A_507 = arith.index_cast %add3A_486 : i32 to index
      %swap3A_508 = tpu.vector_load %arg12[%swap3A_507] masked %gt3A_502 {strides = array<i32>} : memref<20096xi32, #tpu.memory_space<vmem>>, vector<16xi32>, vector<16xi1>
      tpu.vector_store %arg12[%swap3A_507], %add3A_506 masked %gt3A_502 {strides = array<i32>} : memref<20096xi32, #tpu.memory_space<vmem>>, vector<16xi32>, vector<16xi1>
      %all_reduce_population_count3A_509 = tpu.all_reduce %gt3A_502 {dim = 0 : i64, kind = #tpu.reduction_kind<sum>} : vector<16xi1> -> vector<16xi32>
      %slice3A_510 = vector.extract_strided_slice %all_reduce_population_count3A_509 {offsets = [0], sizes = [1], strides = [1]} : vector<16xi32> to vector<1xi32>
      %squeeze3A_511 = vector.extract %slice3A_510[0] : i32 from vector<1xi32>
      %add3A_512 = arith.addi %add3A_486, %squeeze3A_511 : i32
      scf.yield %add3A_512 : i32
    }
    %scan3A_231 = arith.constant 25 : i32
    %mul3A_232 = arith.constant 20000 : i32
    %mul3A_233 = arith.muli %arg1, %mul3A_232 : i32
    %add3A_234 = arith.constant 16000 : i32
    %add3A_235 = arith.addi %mul3A_233, %add3A_234 : i32
    %dma_start3A_236 = tpu.memref_slice %arg2[%add3A_235] : memref<640000xi32, #tpu.memory_space<hbm>> -> memref<2000xi32, #tpu.memory_space<hbm>>
    %dma_start3A_237 = tpu.memref_slice %arg2[%add3A_235] : memref<640000xi32, #tpu.memory_space<hbm>> -> memref<2000xi32, #tpu.memory_space<hbm>>
    tpu.enqueue_dma source(%dma_start3A_237 : memref<2000xi32, #tpu.memory_space<hbm>>) target(%arg8 : memref<2000xi32, #tpu.memory_space<vmem>>) target_semaphore(%arg16 : memref<!tpu.dma_semaphore, #tpu.memory_space<semaphore_mem>>)
    %add3A_238 = arith.constant 320000 : i32
    %add3A_239 = arith.addi %add3A_238, %add3A_235 : i32
    %dma_start3A_240 = tpu.memref_slice %arg2[%add3A_239] : memref<640000xi32, #tpu.memory_space<hbm>> -> memref<2000xi32, #tpu.memory_space<hbm>>
    %dma_start3A_241 = tpu.memref_slice %arg2[%add3A_239] : memref<640000xi32, #tpu.memory_space<hbm>> -> memref<2000xi32, #tpu.memory_space<hbm>>
    tpu.enqueue_dma source(%dma_start3A_241 : memref<2000xi32, #tpu.memory_space<hbm>>) target(%arg9 : memref<2000xi32, #tpu.memory_space<vmem>>) target_semaphore(%arg16 : memref<!tpu.dma_semaphore, #tpu.memory_space<semaphore_mem>>)
    %dma_wait3A_242 = tpu.memref_slice %arg2[%add3A_215] : memref<640000xi32, #tpu.memory_space<hbm>> -> memref<2000xi32, #tpu.memory_space<hbm>>
    %dma_wait3A_243 = tpu.memref_slice %arg2[%add3A_215] : memref<640000xi32, #tpu.memory_space<hbm>> -> memref<2000xi32, #tpu.memory_space<hbm>>
    tpu.wait_dma2 semaphore(%arg17 : memref<!tpu.dma_semaphore, #tpu.memory_space<semaphore_mem>>) src(%dma_wait3A_243 : memref<2000xi32, #tpu.memory_space<hbm>>) dst(%arg10 : memref<2000xi32, #tpu.memory_space<vmem>>)
    %dma_wait3A_244 = tpu.memref_slice %arg2[%add3A_219] : memref<640000xi32, #tpu.memory_space<hbm>> -> memref<2000xi32, #tpu.memory_space<hbm>>
    %dma_wait3A_245 = tpu.memref_slice %arg2[%add3A_219] : memref<640000xi32, #tpu.memory_space<hbm>> -> memref<2000xi32, #tpu.memory_space<hbm>>
    tpu.wait_dma2 semaphore(%arg17 : memref<!tpu.dma_semaphore, #tpu.memory_space<semaphore_mem>>) src(%dma_wait3A_245 : memref<2000xi32, #tpu.memory_space<hbm>>) dst(%arg11 : memref<2000xi32, #tpu.memory_space<vmem>>)
    %scan3A_246 = arith.constant 0 : i32
    %scan3A_247 = arith.constant 25 : i32
    %scan3A_248 = arith.addi %scan3A_246, %scan3A_247 : i32
    %scan3A_249 = arith.constant 1 : i32
    %scan3A_250 = scf.for %scan3A_388 = %scan3A_246 to %scan3A_248 step %scan3A_249 iter_args(%scan3A_389 = %scan3A_230) -> (i32)  : i32 {
      %mul3A_390 = arith.constant 5 : i32
      %mul3A_391 = arith.muli %scan3A_388, %mul3A_390 : i32
      %add3A_392 = arith.constant 0 : i32
      %add3A_393 = arith.addi %mul3A_391, %add3A_392 : i32
      %mul3A_394 = arith.constant 16 : i32
      %mul3A_395 = arith.muli %add3A_393, %mul3A_394 : i32
      %get3A = arith.index_cast %mul3A_395 : i32 to index
      %get3A_396 = tpu.vector_load %arg10[%get3A] {strides = array<i32>} : memref<2000xi32, #tpu.memory_space<vmem>>, vector<16xi32>,
      %mul3A_397 = arith.constant 16 : i32
      %mul3A_398 = arith.muli %add3A_393, %mul3A_397 : i32
      %get3A_399 = arith.index_cast %mul3A_398 : i32 to index
      %get3A_400 = tpu.vector_load %arg11[%get3A_399] {strides = array<i32>} : memref<2000xi32, #tpu.memory_space<vmem>>, vector<16xi32>,
      %gather3A = tpu.vector_load_idx %arg7[%get3A_400] : memref<10240xf32, #tpu.memory_space<vmem>>[vector<16xi32>], vector<16xf32>,
      %gt3A = arith.constant 0.000000e+00 : f32
      %gt3A_401 = vector.broadcast %gt3A : f32 to vector<16xf32>
      %gt3A_402 = arith.cmpf ogt, %gather3A, %gt3A_401 : vector<16xf32>
      %mul3A_403 = arith.constant 16384 : i32
      %mul3A_404 = vector.broadcast %mul3A_403 : i32 to vector<16xi32>
      %mul3A_405 = arith.muli %get3A_400, %mul3A_404 : vector<16xi32>
      %add3A_406 = arith.addi %mul3A_405, %get3A_396 : vector<16xi32>
      %swap3A = arith.index_cast %scan3A_389 : i32 to index
      %swap3A_407 = tpu.vector_load %arg12[%swap3A] masked %gt3A_402 {strides = array<i32>} : memref<20096xi32, #tpu.memory_space<vmem>>, vector<16xi32>, vector<16xi1>
      tpu.vector_store %arg12[%swap3A], %add3A_406 masked %gt3A_402 {strides = array<i32>} : memref<20096xi32, #tpu.memory_space<vmem>>, vector<16xi32>, vector<16xi1>
      %all_reduce_population_count3A = tpu.all_reduce %gt3A_402 {dim = 0 : i64, kind = #tpu.reduction_kind<sum>} : vector<16xi1> -> vector<16xi32>
      %slice3A = vector.extract_strided_slice %all_reduce_population_count3A {offsets = [0], sizes = [1], strides = [1]} : vector<16xi32> to vector<1xi32>
      %squeeze3A = vector.extract %slice3A[0] : i32 from vector<1xi32>
      %add3A_408 = arith.addi %scan3A_389, %squeeze3A : i32
      %mul3A_409 = arith.constant 5 : i32
      %mul3A_410 = arith.muli %scan3A_388, %mul3A_409 : i32
      %add3A_411 = arith.constant 1 : i32
      %add3A_412 = arith.addi %mul3A_410, %add3A_411 : i32
      %mul3A_413 = arith.constant 16 : i32
      %mul3A_414 = arith.muli %add3A_412, %mul3A_413 : i32
      %get3A_415 = arith.index_cast %mul3A_414 : i32 to index
      %get3A_416 = tpu.vector_load %arg10[%get3A_415] {strides = array<i32>} : memref<2000xi32, #tpu.memory_space<vmem>>, vector<16xi32>,
      %mul3A_417 = arith.constant 16 : i32
      %mul3A_418 = arith.muli %add3A_412, %mul3A_417 : i32
      %get3A_419 = arith.index_cast %mul3A_418 : i32 to index
      %get3A_420 = tpu.vector_load %arg11[%get3A_419] {strides = array<i32>} : memref<2000xi32, #tpu.memory_space<vmem>>, vector<16xi32>,
      %gather3A_421 = tpu.vector_load_idx %arg7[%get3A_420] : memref<10240xf32, #tpu.memory_space<vmem>>[vector<16xi32>], vector<16xf32>,
      %gt3A_422 = arith.constant 0.000000e+00 : f32
      %gt3A_423 = vector.broadcast %gt3A_422 : f32 to vector<16xf32>
      %gt3A_424 = arith.cmpf ogt, %gather3A_421, %gt3A_423 : vector<16xf32>
      %mul3A_425 = arith.constant 16384 : i32
      %mul3A_426 = vector.broadcast %mul3A_425 : i32 to vector<16xi32>
      %mul3A_427 = arith.muli %get3A_420, %mul3A_426 : vector<16xi32>
      %add3A_428 = arith.addi %mul3A_427, %get3A_416 : vector<16xi32>
      %swap3A_429 = arith.index_cast %add3A_408 : i32 to index
      %swap3A_430 = tpu.vector_load %arg12[%swap3A_429] masked %gt3A_424 {strides = array<i32>} : memref<20096xi32, #tpu.memory_space<vmem>>, vector<16xi32>, vector<16xi1>
      tpu.vector_store %arg12[%swap3A_429], %add3A_428 masked %gt3A_424 {strides = array<i32>} : memref<20096xi32, #tpu.memory_space<vmem>>, vector<16xi32>, vector<16xi1>
      %all_reduce_population_count3A_431 = tpu.all_reduce %gt3A_424 {dim = 0 : i64, kind = #tpu.reduction_kind<sum>} : vector<16xi1> -> vector<16xi32>
      %slice3A_432 = vector.extract_strided_slice %all_reduce_population_count3A_431 {offsets = [0], sizes = [1], strides = [1]} : vector<16xi32> to vector<1xi32>
      %squeeze3A_433 = vector.extract %slice3A_432[0] : i32 from vector<1xi32>
      %add3A_434 = arith.addi %add3A_408, %squeeze3A_433 : i32
      %mul3A_435 = arith.constant 5 : i32
      %mul3A_436 = arith.muli %scan3A_388, %mul3A_435 : i32
      %add3A_437 = arith.constant 2 : i32
      %add3A_438 = arith.addi %mul3A_436, %add3A_437 : i32
      %mul3A_439 = arith.constant 16 : i32
      %mul3A_440 = arith.muli %add3A_438, %mul3A_439 : i32
      %get3A_441 = arith.index_cast %mul3A_440 : i32 to index
      %get3A_442 = tpu.vector_load %arg10[%get3A_441] {strides = array<i32>} : memref<2000xi32, #tpu.memory_space<vmem>>, vector<16xi32>,
      %mul3A_443 = arith.constant 16 : i32
      %mul3A_444 = arith.muli %add3A_438, %mul3A_443 : i32
      %get3A_445 = arith.index_cast %mul3A_444 : i32 to index
      %get3A_446 = tpu.vector_load %arg11[%get3A_445] {strides = array<i32>} : memref<2000xi32, #tpu.memory_space<vmem>>, vector<16xi32>,
      %gather3A_447 = tpu.vector_load_idx %arg7[%get3A_446] : memref<10240xf32, #tpu.memory_space<vmem>>[vector<16xi32>], vector<16xf32>,
      %gt3A_448 = arith.constant 0.000000e+00 : f32
      %gt3A_449 = vector.broadcast %gt3A_448 : f32 to vector<16xf32>
      %gt3A_450 = arith.cmpf ogt, %gather3A_447, %gt3A_449 : vector<16xf32>
      %mul3A_451 = arith.constant 16384 : i32
      %mul3A_452 = vector.broadcast %mul3A_451 : i32 to vector<16xi32>
      %mul3A_453 = arith.muli %get3A_446, %mul3A_452 : vector<16xi32>
      %add3A_454 = arith.addi %mul3A_453, %get3A_442 : vector<16xi32>
      %swap3A_455 = arith.index_cast %add3A_434 : i32 to index
      %swap3A_456 = tpu.vector_load %arg12[%swap3A_455] masked %gt3A_450 {strides = array<i32>} : memref<20096xi32, #tpu.memory_space<vmem>>, vector<16xi32>, vector<16xi1>
      tpu.vector_store %arg12[%swap3A_455], %add3A_454 masked %gt3A_450 {strides = array<i32>} : memref<20096xi32, #tpu.memory_space<vmem>>, vector<16xi32>, vector<16xi1>
      %all_reduce_population_count3A_457 = tpu.all_reduce %gt3A_450 {dim = 0 : i64, kind = #tpu.reduction_kind<sum>} : vector<16xi1> -> vector<16xi32>
      %slice3A_458 = vector.extract_strided_slice %all_reduce_population_count3A_457 {offsets = [0], sizes = [1], strides = [1]} : vector<16xi32> to vector<1xi32>
      %squeeze3A_459 = vector.extract %slice3A_458[0] : i32 from vector<1xi32>
      %add3A_460 = arith.addi %add3A_434, %squeeze3A_459 : i32
      %mul3A_461 = arith.constant 5 : i32
      %mul3A_462 = arith.muli %scan3A_388, %mul3A_461 : i32
      %add3A_463 = arith.constant 3 : i32
      %add3A_464 = arith.addi %mul3A_462, %add3A_463 : i32
      %mul3A_465 = arith.constant 16 : i32
      %mul3A_466 = arith.muli %add3A_464, %mul3A_465 : i32
      %get3A_467 = arith.index_cast %mul3A_466 : i32 to index
      %get3A_468 = tpu.vector_load %arg10[%get3A_467] {strides = array<i32>} : memref<2000xi32, #tpu.memory_space<vmem>>, vector<16xi32>,
      %mul3A_469 = arith.constant 16 : i32
      %mul3A_470 = arith.muli %add3A_464, %mul3A_469 : i32
      %get3A_471 = arith.index_cast %mul3A_470 : i32 to index
      %get3A_472 = tpu.vector_load %arg11[%get3A_471] {strides = array<i32>} : memref<2000xi32, #tpu.memory_space<vmem>>, vector<16xi32>,
      %gather3A_473 = tpu.vector_load_idx %arg7[%get3A_472] : memref<10240xf32, #tpu.memory_space<vmem>>[vector<16xi32>], vector<16xf32>,
      %gt3A_474 = arith.constant 0.000000e+00 : f32
      %gt3A_475 = vector.broadcast %gt3A_474 : f32 to vector<16xf32>
      %gt3A_476 = arith.cmpf ogt, %gather3A_473, %gt3A_475 : vector<16xf32>
      %mul3A_477 = arith.constant 16384 : i32
      %mul3A_478 = vector.broadcast %mul3A_477 : i32 to vector<16xi32>
      %mul3A_479 = arith.muli %get3A_472, %mul3A_478 : vector<16xi32>
      %add3A_480 = arith.addi %mul3A_479, %get3A_468 : vector<16xi32>
      %swap3A_481 = arith.index_cast %add3A_460 : i32 to index
      %swap3A_482 = tpu.vector_load %arg12[%swap3A_481] masked %gt3A_476 {strides = array<i32>} : memref<20096xi32, #tpu.memory_space<vmem>>, vector<16xi32>, vector<16xi1>
      tpu.vector_store %arg12[%swap3A_481], %add3A_480 masked %gt3A_476 {strides = array<i32>} : memref<20096xi32, #tpu.memory_space<vmem>>, vector<16xi32>, vector<16xi1>
      %all_reduce_population_count3A_483 = tpu.all_reduce %gt3A_476 {dim = 0 : i64, kind = #tpu.reduction_kind<sum>} : vector<16xi1> -> vector<16xi32>
      %slice3A_484 = vector.extract_strided_slice %all_reduce_population_count3A_483 {offsets = [0], sizes = [1], strides = [1]} : vector<16xi32> to vector<1xi32>
      %squeeze3A_485 = vector.extract %slice3A_484[0] : i32 from vector<1xi32>
      %add3A_486 = arith.addi %add3A_460, %squeeze3A_485 : i32
      %mul3A_487 = arith.constant 5 : i32
      %mul3A_488 = arith.muli %scan3A_388, %mul3A_487 : i32
      %add3A_489 = arith.constant 4 : i32
      %add3A_490 = arith.addi %mul3A_488, %add3A_489 : i32
      %mul3A_491 = arith.constant 16 : i32
      %mul3A_492 = arith.muli %add3A_490, %mul3A_491 : i32
      %get3A_493 = arith.index_cast %mul3A_492 : i32 to index
      %get3A_494 = tpu.vector_load %arg10[%get3A_493] {strides = array<i32>} : memref<2000xi32, #tpu.memory_space<vmem>>, vector<16xi32>,
      %mul3A_495 = arith.constant 16 : i32
      %mul3A_496 = arith.muli %add3A_490, %mul3A_495 : i32
      %get3A_497 = arith.index_cast %mul3A_496 : i32 to index
      %get3A_498 = tpu.vector_load %arg11[%get3A_497] {strides = array<i32>} : memref<2000xi32, #tpu.memory_space<vmem>>, vector<16xi32>,
      %gather3A_499 = tpu.vector_load_idx %arg7[%get3A_498] : memref<10240xf32, #tpu.memory_space<vmem>>[vector<16xi32>], vector<16xf32>,
      %gt3A_500 = arith.constant 0.000000e+00 : f32
      %gt3A_501 = vector.broadcast %gt3A_500 : f32 to vector<16xf32>
      %gt3A_502 = arith.cmpf ogt, %gather3A_499, %gt3A_501 : vector<16xf32>
      %mul3A_503 = arith.constant 16384 : i32
      %mul3A_504 = vector.broadcast %mul3A_503 : i32 to vector<16xi32>
      %mul3A_505 = arith.muli %get3A_498, %mul3A_504 : vector<16xi32>
      %add3A_506 = arith.addi %mul3A_505, %get3A_494 : vector<16xi32>
      %swap3A_507 = arith.index_cast %add3A_486 : i32 to index
      %swap3A_508 = tpu.vector_load %arg12[%swap3A_507] masked %gt3A_502 {strides = array<i32>} : memref<20096xi32, #tpu.memory_space<vmem>>, vector<16xi32>, vector<16xi1>
      tpu.vector_store %arg12[%swap3A_507], %add3A_506 masked %gt3A_502 {strides = array<i32>} : memref<20096xi32, #tpu.memory_space<vmem>>, vector<16xi32>, vector<16xi1>
      %all_reduce_population_count3A_509 = tpu.all_reduce %gt3A_502 {dim = 0 : i64, kind = #tpu.reduction_kind<sum>} : vector<16xi1> -> vector<16xi32>
      %slice3A_510 = vector.extract_strided_slice %all_reduce_population_count3A_509 {offsets = [0], sizes = [1], strides = [1]} : vector<16xi32> to vector<1xi32>
      %squeeze3A_511 = vector.extract %slice3A_510[0] : i32 from vector<1xi32>
      %add3A_512 = arith.addi %add3A_486, %squeeze3A_511 : i32
      scf.yield %add3A_512 : i32
    }
    %scan3A_251 = arith.constant 25 : i32
    %mul3A_252 = arith.constant 20000 : i32
    %mul3A_253 = arith.muli %arg1, %mul3A_252 : i32
    %add3A_254 = arith.constant 18000 : i32
    %add3A_255 = arith.addi %mul3A_253, %add3A_254 : i32
    %dma_start3A_256 = tpu.memref_slice %arg2[%add3A_255] : memref<640000xi32, #tpu.memory_space<hbm>> -> memref<2000xi32, #tpu.memory_space<hbm>>
    %dma_start3A_257 = tpu.memref_slice %arg2[%add3A_255] : memref<640000xi32, #tpu.memory_space<hbm>> -> memref<2000xi32, #tpu.memory_space<hbm>>
    tpu.enqueue_dma source(%dma_start3A_257 : memref<2000xi32, #tpu.memory_space<hbm>>) target(%arg10 : memref<2000xi32, #tpu.memory_space<vmem>>) target_semaphore(%arg17 : memref<!tpu.dma_semaphore, #tpu.memory_space<semaphore_mem>>)
    %add3A_258 = arith.constant 320000 : i32
    %add3A_259 = arith.addi %add3A_258, %add3A_255 : i32
    %dma_start3A_260 = tpu.memref_slice %arg2[%add3A_259] : memref<640000xi32, #tpu.memory_space<hbm>> -> memref<2000xi32, #tpu.memory_space<hbm>>
    %dma_start3A_261 = tpu.memref_slice %arg2[%add3A_259] : memref<640000xi32, #tpu.memory_space<hbm>> -> memref<2000xi32, #tpu.memory_space<hbm>>
    tpu.enqueue_dma source(%dma_start3A_261 : memref<2000xi32, #tpu.memory_space<hbm>>) target(%arg11 : memref<2000xi32, #tpu.memory_space<vmem>>) target_semaphore(%arg17 : memref<!tpu.dma_semaphore, #tpu.memory_space<semaphore_mem>>)
    %dma_wait3A_262 = tpu.memref_slice %arg2[%add3A_235] : memref<640000xi32, #tpu.memory_space<hbm>> -> memref<2000xi32, #tpu.memory_space<hbm>>
    %dma_wait3A_263 = tpu.memref_slice %arg2[%add3A_235] : memref<640000xi32, #tpu.memory_space<hbm>> -> memref<2000xi32, #tpu.memory_space<hbm>>
    tpu.wait_dma2 semaphore(%arg16 : memref<!tpu.dma_semaphore, #tpu.memory_space<semaphore_mem>>) src(%dma_wait3A_263 : memref<2000xi32, #tpu.memory_space<hbm>>) dst(%arg8 : memref<2000xi32, #tpu.memory_space<vmem>>)
    %dma_wait3A_264 = tpu.memref_slice %arg2[%add3A_239] : memref<640000xi32, #tpu.memory_space<hbm>> -> memref<2000xi32, #tpu.memory_space<hbm>>
    %dma_wait3A_265 = tpu.memref_slice %arg2[%add3A_239] : memref<640000xi32, #tpu.memory_space<hbm>> -> memref<2000xi32, #tpu.memory_space<hbm>>
    tpu.wait_dma2 semaphore(%arg16 : memref<!tpu.dma_semaphore, #tpu.memory_space<semaphore_mem>>) src(%dma_wait3A_265 : memref<2000xi32, #tpu.memory_space<hbm>>) dst(%arg9 : memref<2000xi32, #tpu.memory_space<vmem>>)
    %scan3A_266 = arith.constant 0 : i32
    %scan3A_267 = arith.constant 25 : i32
    %scan3A_268 = arith.addi %scan3A_266, %scan3A_267 : i32
    %scan3A_269 = arith.constant 1 : i32
    %scan3A_270 = scf.for %scan3A_388 = %scan3A_266 to %scan3A_268 step %scan3A_269 iter_args(%scan3A_389 = %scan3A_250) -> (i32)  : i32 {
      %mul3A_390 = arith.constant 5 : i32
      %mul3A_391 = arith.muli %scan3A_388, %mul3A_390 : i32
      %add3A_392 = arith.constant 0 : i32
      %add3A_393 = arith.addi %mul3A_391, %add3A_392 : i32
      %mul3A_394 = arith.constant 16 : i32
      %mul3A_395 = arith.muli %add3A_393, %mul3A_394 : i32
      %get3A = arith.index_cast %mul3A_395 : i32 to index
      %get3A_396 = tpu.vector_load %arg8[%get3A] {strides = array<i32>} : memref<2000xi32, #tpu.memory_space<vmem>>, vector<16xi32>,
      %mul3A_397 = arith.constant 16 : i32
      %mul3A_398 = arith.muli %add3A_393, %mul3A_397 : i32
      %get3A_399 = arith.index_cast %mul3A_398 : i32 to index
      %get3A_400 = tpu.vector_load %arg9[%get3A_399] {strides = array<i32>} : memref<2000xi32, #tpu.memory_space<vmem>>, vector<16xi32>,
      %gather3A = tpu.vector_load_idx %arg7[%get3A_400] : memref<10240xf32, #tpu.memory_space<vmem>>[vector<16xi32>], vector<16xf32>,
      %gt3A = arith.constant 0.000000e+00 : f32
      %gt3A_401 = vector.broadcast %gt3A : f32 to vector<16xf32>
      %gt3A_402 = arith.cmpf ogt, %gather3A, %gt3A_401 : vector<16xf32>
      %mul3A_403 = arith.constant 16384 : i32
      %mul3A_404 = vector.broadcast %mul3A_403 : i32 to vector<16xi32>
      %mul3A_405 = arith.muli %get3A_400, %mul3A_404 : vector<16xi32>
      %add3A_406 = arith.addi %mul3A_405, %get3A_396 : vector<16xi32>
      %swap3A = arith.index_cast %scan3A_389 : i32 to index
      %swap3A_407 = tpu.vector_load %arg12[%swap3A] masked %gt3A_402 {strides = array<i32>} : memref<20096xi32, #tpu.memory_space<vmem>>, vector<16xi32>, vector<16xi1>
      tpu.vector_store %arg12[%swap3A], %add3A_406 masked %gt3A_402 {strides = array<i32>} : memref<20096xi32, #tpu.memory_space<vmem>>, vector<16xi32>, vector<16xi1>
      %all_reduce_population_count3A = tpu.all_reduce %gt3A_402 {dim = 0 : i64, kind = #tpu.reduction_kind<sum>} : vector<16xi1> -> vector<16xi32>
      %slice3A = vector.extract_strided_slice %all_reduce_population_count3A {offsets = [0], sizes = [1], strides = [1]} : vector<16xi32> to vector<1xi32>
      %squeeze3A = vector.extract %slice3A[0] : i32 from vector<1xi32>
      %add3A_408 = arith.addi %scan3A_389, %squeeze3A : i32
      %mul3A_409 = arith.constant 5 : i32
      %mul3A_410 = arith.muli %scan3A_388, %mul3A_409 : i32
      %add3A_411 = arith.constant 1 : i32
      %add3A_412 = arith.addi %mul3A_410, %add3A_411 : i32
      %mul3A_413 = arith.constant 16 : i32
      %mul3A_414 = arith.muli %add3A_412, %mul3A_413 : i32
      %get3A_415 = arith.index_cast %mul3A_414 : i32 to index
      %get3A_416 = tpu.vector_load %arg8[%get3A_415] {strides = array<i32>} : memref<2000xi32, #tpu.memory_space<vmem>>, vector<16xi32>,
      %mul3A_417 = arith.constant 16 : i32
      %mul3A_418 = arith.muli %add3A_412, %mul3A_417 : i32
      %get3A_419 = arith.index_cast %mul3A_418 : i32 to index
      %get3A_420 = tpu.vector_load %arg9[%get3A_419] {strides = array<i32>} : memref<2000xi32, #tpu.memory_space<vmem>>, vector<16xi32>,
      %gather3A_421 = tpu.vector_load_idx %arg7[%get3A_420] : memref<10240xf32, #tpu.memory_space<vmem>>[vector<16xi32>], vector<16xf32>,
      %gt3A_422 = arith.constant 0.000000e+00 : f32
      %gt3A_423 = vector.broadcast %gt3A_422 : f32 to vector<16xf32>
      %gt3A_424 = arith.cmpf ogt, %gather3A_421, %gt3A_423 : vector<16xf32>
      %mul3A_425 = arith.constant 16384 : i32
      %mul3A_426 = vector.broadcast %mul3A_425 : i32 to vector<16xi32>
      %mul3A_427 = arith.muli %get3A_420, %mul3A_426 : vector<16xi32>
      %add3A_428 = arith.addi %mul3A_427, %get3A_416 : vector<16xi32>
      %swap3A_429 = arith.index_cast %add3A_408 : i32 to index
      %swap3A_430 = tpu.vector_load %arg12[%swap3A_429] masked %gt3A_424 {strides = array<i32>} : memref<20096xi32, #tpu.memory_space<vmem>>, vector<16xi32>, vector<16xi1>
      tpu.vector_store %arg12[%swap3A_429], %add3A_428 masked %gt3A_424 {strides = array<i32>} : memref<20096xi32, #tpu.memory_space<vmem>>, vector<16xi32>, vector<16xi1>
      %all_reduce_population_count3A_431 = tpu.all_reduce %gt3A_424 {dim = 0 : i64, kind = #tpu.reduction_kind<sum>} : vector<16xi1> -> vector<16xi32>
      %slice3A_432 = vector.extract_strided_slice %all_reduce_population_count3A_431 {offsets = [0], sizes = [1], strides = [1]} : vector<16xi32> to vector<1xi32>
      %squeeze3A_433 = vector.extract %slice3A_432[0] : i32 from vector<1xi32>
      %add3A_434 = arith.addi %add3A_408, %squeeze3A_433 : i32
      %mul3A_435 = arith.constant 5 : i32
      %mul3A_436 = arith.muli %scan3A_388, %mul3A_435 : i32
      %add3A_437 = arith.constant 2 : i32
      %add3A_438 = arith.addi %mul3A_436, %add3A_437 : i32
      %mul3A_439 = arith.constant 16 : i32
      %mul3A_440 = arith.muli %add3A_438, %mul3A_439 : i32
      %get3A_441 = arith.index_cast %mul3A_440 : i32 to index
      %get3A_442 = tpu.vector_load %arg8[%get3A_441] {strides = array<i32>} : memref<2000xi32, #tpu.memory_space<vmem>>, vector<16xi32>,
      %mul3A_443 = arith.constant 16 : i32
      %mul3A_444 = arith.muli %add3A_438, %mul3A_443 : i32
      %get3A_445 = arith.index_cast %mul3A_444 : i32 to index
      %get3A_446 = tpu.vector_load %arg9[%get3A_445] {strides = array<i32>} : memref<2000xi32, #tpu.memory_space<vmem>>, vector<16xi32>,
      %gather3A_447 = tpu.vector_load_idx %arg7[%get3A_446] : memref<10240xf32, #tpu.memory_space<vmem>>[vector<16xi32>], vector<16xf32>,
      %gt3A_448 = arith.constant 0.000000e+00 : f32
      %gt3A_449 = vector.broadcast %gt3A_448 : f32 to vector<16xf32>
      %gt3A_450 = arith.cmpf ogt, %gather3A_447, %gt3A_449 : vector<16xf32>
      %mul3A_451 = arith.constant 16384 : i32
      %mul3A_452 = vector.broadcast %mul3A_451 : i32 to vector<16xi32>
      %mul3A_453 = arith.muli %get3A_446, %mul3A_452 : vector<16xi32>
      %add3A_454 = arith.addi %mul3A_453, %get3A_442 : vector<16xi32>
      %swap3A_455 = arith.index_cast %add3A_434 : i32 to index
      %swap3A_456 = tpu.vector_load %arg12[%swap3A_455] masked %gt3A_450 {strides = array<i32>} : memref<20096xi32, #tpu.memory_space<vmem>>, vector<16xi32>, vector<16xi1>
      tpu.vector_store %arg12[%swap3A_455], %add3A_454 masked %gt3A_450 {strides = array<i32>} : memref<20096xi32, #tpu.memory_space<vmem>>, vector<16xi32>, vector<16xi1>
      %all_reduce_population_count3A_457 = tpu.all_reduce %gt3A_450 {dim = 0 : i64, kind = #tpu.reduction_kind<sum>} : vector<16xi1> -> vector<16xi32>
      %slice3A_458 = vector.extract_strided_slice %all_reduce_population_count3A_457 {offsets = [0], sizes = [1], strides = [1]} : vector<16xi32> to vector<1xi32>
      %squeeze3A_459 = vector.extract %slice3A_458[0] : i32 from vector<1xi32>
      %add3A_460 = arith.addi %add3A_434, %squeeze3A_459 : i32
      %mul3A_461 = arith.constant 5 : i32
      %mul3A_462 = arith.muli %scan3A_388, %mul3A_461 : i32
      %add3A_463 = arith.constant 3 : i32
      %add3A_464 = arith.addi %mul3A_462, %add3A_463 : i32
      %mul3A_465 = arith.constant 16 : i32
      %mul3A_466 = arith.muli %add3A_464, %mul3A_465 : i32
      %get3A_467 = arith.index_cast %mul3A_466 : i32 to index
      %get3A_468 = tpu.vector_load %arg8[%get3A_467] {strides = array<i32>} : memref<2000xi32, #tpu.memory_space<vmem>>, vector<16xi32>,
      %mul3A_469 = arith.constant 16 : i32
      %mul3A_470 = arith.muli %add3A_464, %mul3A_469 : i32
      %get3A_471 = arith.index_cast %mul3A_470 : i32 to index
      %get3A_472 = tpu.vector_load %arg9[%get3A_471] {strides = array<i32>} : memref<2000xi32, #tpu.memory_space<vmem>>, vector<16xi32>,
      %gather3A_473 = tpu.vector_load_idx %arg7[%get3A_472] : memref<10240xf32, #tpu.memory_space<vmem>>[vector<16xi32>], vector<16xf32>,
      %gt3A_474 = arith.constant 0.000000e+00 : f32
      %gt3A_475 = vector.broadcast %gt3A_474 : f32 to vector<16xf32>
      %gt3A_476 = arith.cmpf ogt, %gather3A_473, %gt3A_475 : vector<16xf32>
      %mul3A_477 = arith.constant 16384 : i32
      %mul3A_478 = vector.broadcast %mul3A_477 : i32 to vector<16xi32>
      %mul3A_479 = arith.muli %get3A_472, %mul3A_478 : vector<16xi32>
      %add3A_480 = arith.addi %mul3A_479, %get3A_468 : vector<16xi32>
      %swap3A_481 = arith.index_cast %add3A_460 : i32 to index
      %swap3A_482 = tpu.vector_load %arg12[%swap3A_481] masked %gt3A_476 {strides = array<i32>} : memref<20096xi32, #tpu.memory_space<vmem>>, vector<16xi32>, vector<16xi1>
      tpu.vector_store %arg12[%swap3A_481], %add3A_480 masked %gt3A_476 {strides = array<i32>} : memref<20096xi32, #tpu.memory_space<vmem>>, vector<16xi32>, vector<16xi1>
      %all_reduce_population_count3A_483 = tpu.all_reduce %gt3A_476 {dim = 0 : i64, kind = #tpu.reduction_kind<sum>} : vector<16xi1> -> vector<16xi32>
      %slice3A_484 = vector.extract_strided_slice %all_reduce_population_count3A_483 {offsets = [0], sizes = [1], strides = [1]} : vector<16xi32> to vector<1xi32>
      %squeeze3A_485 = vector.extract %slice3A_484[0] : i32 from vector<1xi32>
      %add3A_486 = arith.addi %add3A_460, %squeeze3A_485 : i32
      %mul3A_487 = arith.constant 5 : i32
      %mul3A_488 = arith.muli %scan3A_388, %mul3A_487 : i32
      %add3A_489 = arith.constant 4 : i32
      %add3A_490 = arith.addi %mul3A_488, %add3A_489 : i32
      %mul3A_491 = arith.constant 16 : i32
      %mul3A_492 = arith.muli %add3A_490, %mul3A_491 : i32
      %get3A_493 = arith.index_cast %mul3A_492 : i32 to index
      %get3A_494 = tpu.vector_load %arg8[%get3A_493] {strides = array<i32>} : memref<2000xi32, #tpu.memory_space<vmem>>, vector<16xi32>,
      %mul3A_495 = arith.constant 16 : i32
      %mul3A_496 = arith.muli %add3A_490, %mul3A_495 : i32
      %get3A_497 = arith.index_cast %mul3A_496 : i32 to index
      %get3A_498 = tpu.vector_load %arg9[%get3A_497] {strides = array<i32>} : memref<2000xi32, #tpu.memory_space<vmem>>, vector<16xi32>,
      %gather3A_499 = tpu.vector_load_idx %arg7[%get3A_498] : memref<10240xf32, #tpu.memory_space<vmem>>[vector<16xi32>], vector<16xf32>,
      %gt3A_500 = arith.constant 0.000000e+00 : f32
      %gt3A_501 = vector.broadcast %gt3A_500 : f32 to vector<16xf32>
      %gt3A_502 = arith.cmpf ogt, %gather3A_499, %gt3A_501 : vector<16xf32>
      %mul3A_503 = arith.constant 16384 : i32
      %mul3A_504 = vector.broadcast %mul3A_503 : i32 to vector<16xi32>
      %mul3A_505 = arith.muli %get3A_498, %mul3A_504 : vector<16xi32>
      %add3A_506 = arith.addi %mul3A_505, %get3A_494 : vector<16xi32>
      %swap3A_507 = arith.index_cast %add3A_486 : i32 to index
      %swap3A_508 = tpu.vector_load %arg12[%swap3A_507] masked %gt3A_502 {strides = array<i32>} : memref<20096xi32, #tpu.memory_space<vmem>>, vector<16xi32>, vector<16xi1>
      tpu.vector_store %arg12[%swap3A_507], %add3A_506 masked %gt3A_502 {strides = array<i32>} : memref<20096xi32, #tpu.memory_space<vmem>>, vector<16xi32>, vector<16xi1>
      %all_reduce_population_count3A_509 = tpu.all_reduce %gt3A_502 {dim = 0 : i64, kind = #tpu.reduction_kind<sum>} : vector<16xi1> -> vector<16xi32>
      %slice3A_510 = vector.extract_strided_slice %all_reduce_population_count3A_509 {offsets = [0], sizes = [1], strides = [1]} : vector<16xi32> to vector<1xi32>
      %squeeze3A_511 = vector.extract %slice3A_510[0] : i32 from vector<1xi32>
      %add3A_512 = arith.addi %add3A_486, %squeeze3A_511 : i32
      scf.yield %add3A_512 : i32
    }
    %scan3A_271 = arith.constant 25 : i32
    %dma_wait3A_272 = tpu.memref_slice %arg2[%add3A_255] : memref<640000xi32, #tpu.memory_space<hbm>> -> memref<2000xi32, #tpu.memory_space<hbm>>
    %dma_wait3A_273 = tpu.memref_slice %arg2[%add3A_255] : memref<640000xi32, #tpu.memory_space<hbm>> -> memref<2000xi32, #tpu.memory_space<hbm>>
    tpu.wait_dma2 semaphore(%arg17 : memref<!tpu.dma_semaphore, #tpu.memory_space<semaphore_mem>>) src(%dma_wait3A_273 : memref<2000xi32, #tpu.memory_space<hbm>>) dst(%arg10 : memref<2000xi32, #tpu.memory_space<vmem>>)
    %dma_wait3A_274 = tpu.memref_slice %arg2[%add3A_259] : memref<640000xi32, #tpu.memory_space<hbm>> -> memref<2000xi32, #tpu.memory_space<hbm>>
    %dma_wait3A_275 = tpu.memref_slice %arg2[%add3A_259] : memref<640000xi32, #tpu.memory_space<hbm>> -> memref<2000xi32, #tpu.memory_space<hbm>>
    tpu.wait_dma2 semaphore(%arg17 : memref<!tpu.dma_semaphore, #tpu.memory_space<semaphore_mem>>) src(%dma_wait3A_275 : memref<2000xi32, #tpu.memory_space<hbm>>) dst(%arg11 : memref<2000xi32, #tpu.memory_space<vmem>>)
    %scan3A_276 = arith.constant 0 : i32
    %scan3A_277 = arith.constant 25 : i32
    %scan3A_278 = arith.addi %scan3A_276, %scan3A_277 : i32
    %scan3A_279 = arith.constant 1 : i32
    %scan3A_280 = scf.for %scan3A_388 = %scan3A_276 to %scan3A_278 step %scan3A_279 iter_args(%scan3A_389 = %scan3A_270) -> (i32)  : i32 {
      %mul3A_390 = arith.constant 5 : i32
      %mul3A_391 = arith.muli %scan3A_388, %mul3A_390 : i32
      %add3A_392 = arith.constant 0 : i32
      %add3A_393 = arith.addi %mul3A_391, %add3A_392 : i32
      %mul3A_394 = arith.constant 16 : i32
      %mul3A_395 = arith.muli %add3A_393, %mul3A_394 : i32
      %get3A = arith.index_cast %mul3A_395 : i32 to index
      %get3A_396 = tpu.vector_load %arg10[%get3A] {strides = array<i32>} : memref<2000xi32, #tpu.memory_space<vmem>>, vector<16xi32>,
      %mul3A_397 = arith.constant 16 : i32
      %mul3A_398 = arith.muli %add3A_393, %mul3A_397 : i32
      %get3A_399 = arith.index_cast %mul3A_398 : i32 to index
      %get3A_400 = tpu.vector_load %arg11[%get3A_399] {strides = array<i32>} : memref<2000xi32, #tpu.memory_space<vmem>>, vector<16xi32>,
      %gather3A = tpu.vector_load_idx %arg7[%get3A_400] : memref<10240xf32, #tpu.memory_space<vmem>>[vector<16xi32>], vector<16xf32>,
      %gt3A = arith.constant 0.000000e+00 : f32
      %gt3A_401 = vector.broadcast %gt3A : f32 to vector<16xf32>
      %gt3A_402 = arith.cmpf ogt, %gather3A, %gt3A_401 : vector<16xf32>
      %mul3A_403 = arith.constant 16384 : i32
      %mul3A_404 = vector.broadcast %mul3A_403 : i32 to vector<16xi32>
      %mul3A_405 = arith.muli %get3A_400, %mul3A_404 : vector<16xi32>
      %add3A_406 = arith.addi %mul3A_405, %get3A_396 : vector<16xi32>
      %swap3A = arith.index_cast %scan3A_389 : i32 to index
      %swap3A_407 = tpu.vector_load %arg12[%swap3A] masked %gt3A_402 {strides = array<i32>} : memref<20096xi32, #tpu.memory_space<vmem>>, vector<16xi32>, vector<16xi1>
      tpu.vector_store %arg12[%swap3A], %add3A_406 masked %gt3A_402 {strides = array<i32>} : memref<20096xi32, #tpu.memory_space<vmem>>, vector<16xi32>, vector<16xi1>
      %all_reduce_population_count3A = tpu.all_reduce %gt3A_402 {dim = 0 : i64, kind = #tpu.reduction_kind<sum>} : vector<16xi1> -> vector<16xi32>
      %slice3A = vector.extract_strided_slice %all_reduce_population_count3A {offsets = [0], sizes = [1], strides = [1]} : vector<16xi32> to vector<1xi32>
      %squeeze3A = vector.extract %slice3A[0] : i32 from vector<1xi32>
      %add3A_408 = arith.addi %scan3A_389, %squeeze3A : i32
      %mul3A_409 = arith.constant 5 : i32
      %mul3A_410 = arith.muli %scan3A_388, %mul3A_409 : i32
      %add3A_411 = arith.constant 1 : i32
      %add3A_412 = arith.addi %mul3A_410, %add3A_411 : i32
      %mul3A_413 = arith.constant 16 : i32
      %mul3A_414 = arith.muli %add3A_412, %mul3A_413 : i32
      %get3A_415 = arith.index_cast %mul3A_414 : i32 to index
      %get3A_416 = tpu.vector_load %arg10[%get3A_415] {strides = array<i32>} : memref<2000xi32, #tpu.memory_space<vmem>>, vector<16xi32>,
      %mul3A_417 = arith.constant 16 : i32
      %mul3A_418 = arith.muli %add3A_412, %mul3A_417 : i32
      %get3A_419 = arith.index_cast %mul3A_418 : i32 to index
      %get3A_420 = tpu.vector_load %arg11[%get3A_419] {strides = array<i32>} : memref<2000xi32, #tpu.memory_space<vmem>>, vector<16xi32>,
      %gather3A_421 = tpu.vector_load_idx %arg7[%get3A_420] : memref<10240xf32, #tpu.memory_space<vmem>>[vector<16xi32>], vector<16xf32>,
      %gt3A_422 = arith.constant 0.000000e+00 : f32
      %gt3A_423 = vector.broadcast %gt3A_422 : f32 to vector<16xf32>
      %gt3A_424 = arith.cmpf ogt, %gather3A_421, %gt3A_423 : vector<16xf32>
      %mul3A_425 = arith.constant 16384 : i32
      %mul3A_426 = vector.broadcast %mul3A_425 : i32 to vector<16xi32>
      %mul3A_427 = arith.muli %get3A_420, %mul3A_426 : vector<16xi32>
      %add3A_428 = arith.addi %mul3A_427, %get3A_416 : vector<16xi32>
      %swap3A_429 = arith.index_cast %add3A_408 : i32 to index
      %swap3A_430 = tpu.vector_load %arg12[%swap3A_429] masked %gt3A_424 {strides = array<i32>} : memref<20096xi32, #tpu.memory_space<vmem>>, vector<16xi32>, vector<16xi1>
      tpu.vector_store %arg12[%swap3A_429], %add3A_428 masked %gt3A_424 {strides = array<i32>} : memref<20096xi32, #tpu.memory_space<vmem>>, vector<16xi32>, vector<16xi1>
      %all_reduce_population_count3A_431 = tpu.all_reduce %gt3A_424 {dim = 0 : i64, kind = #tpu.reduction_kind<sum>} : vector<16xi1> -> vector<16xi32>
      %slice3A_432 = vector.extract_strided_slice %all_reduce_population_count3A_431 {offsets = [0], sizes = [1], strides = [1]} : vector<16xi32> to vector<1xi32>
      %squeeze3A_433 = vector.extract %slice3A_432[0] : i32 from vector<1xi32>
      %add3A_434 = arith.addi %add3A_408, %squeeze3A_433 : i32
      %mul3A_435 = arith.constant 5 : i32
      %mul3A_436 = arith.muli %scan3A_388, %mul3A_435 : i32
      %add3A_437 = arith.constant 2 : i32
      %add3A_438 = arith.addi %mul3A_436, %add3A_437 : i32
      %mul3A_439 = arith.constant 16 : i32
      %mul3A_440 = arith.muli %add3A_438, %mul3A_439 : i32
      %get3A_441 = arith.index_cast %mul3A_440 : i32 to index
      %get3A_442 = tpu.vector_load %arg10[%get3A_441] {strides = array<i32>} : memref<2000xi32, #tpu.memory_space<vmem>>, vector<16xi32>,
      %mul3A_443 = arith.constant 16 : i32
      %mul3A_444 = arith.muli %add3A_438, %mul3A_443 : i32
      %get3A_445 = arith.index_cast %mul3A_444 : i32 to index
      %get3A_446 = tpu.vector_load %arg11[%get3A_445] {strides = array<i32>} : memref<2000xi32, #tpu.memory_space<vmem>>, vector<16xi32>,
      %gather3A_447 = tpu.vector_load_idx %arg7[%get3A_446] : memref<10240xf32, #tpu.memory_space<vmem>>[vector<16xi32>], vector<16xf32>,
      %gt3A_448 = arith.constant 0.000000e+00 : f32
      %gt3A_449 = vector.broadcast %gt3A_448 : f32 to vector<16xf32>
      %gt3A_450 = arith.cmpf ogt, %gather3A_447, %gt3A_449 : vector<16xf32>
      %mul3A_451 = arith.constant 16384 : i32
      %mul3A_452 = vector.broadcast %mul3A_451 : i32 to vector<16xi32>
      %mul3A_453 = arith.muli %get3A_446, %mul3A_452 : vector<16xi32>
      %add3A_454 = arith.addi %mul3A_453, %get3A_442 : vector<16xi32>
      %swap3A_455 = arith.index_cast %add3A_434 : i32 to index
      %swap3A_456 = tpu.vector_load %arg12[%swap3A_455] masked %gt3A_450 {strides = array<i32>} : memref<20096xi32, #tpu.memory_space<vmem>>, vector<16xi32>, vector<16xi1>
      tpu.vector_store %arg12[%swap3A_455], %add3A_454 masked %gt3A_450 {strides = array<i32>} : memref<20096xi32, #tpu.memory_space<vmem>>, vector<16xi32>, vector<16xi1>
      %all_reduce_population_count3A_457 = tpu.all_reduce %gt3A_450 {dim = 0 : i64, kind = #tpu.reduction_kind<sum>} : vector<16xi1> -> vector<16xi32>
      %slice3A_458 = vector.extract_strided_slice %all_reduce_population_count3A_457 {offsets = [0], sizes = [1], strides = [1]} : vector<16xi32> to vector<1xi32>
      %squeeze3A_459 = vector.extract %slice3A_458[0] : i32 from vector<1xi32>
      %add3A_460 = arith.addi %add3A_434, %squeeze3A_459 : i32
      %mul3A_461 = arith.constant 5 : i32
      %mul3A_462 = arith.muli %scan3A_388, %mul3A_461 : i32
      %add3A_463 = arith.constant 3 : i32
      %add3A_464 = arith.addi %mul3A_462, %add3A_463 : i32
      %mul3A_465 = arith.constant 16 : i32
      %mul3A_466 = arith.muli %add3A_464, %mul3A_465 : i32
      %get3A_467 = arith.index_cast %mul3A_466 : i32 to index
      %get3A_468 = tpu.vector_load %arg10[%get3A_467] {strides = array<i32>} : memref<2000xi32, #tpu.memory_space<vmem>>, vector<16xi32>,
      %mul3A_469 = arith.constant 16 : i32
      %mul3A_470 = arith.muli %add3A_464, %mul3A_469 : i32
      %get3A_471 = arith.index_cast %mul3A_470 : i32 to index
      %get3A_472 = tpu.vector_load %arg11[%get3A_471] {strides = array<i32>} : memref<2000xi32, #tpu.memory_space<vmem>>, vector<16xi32>,
      %gather3A_473 = tpu.vector_load_idx %arg7[%get3A_472] : memref<10240xf32, #tpu.memory_space<vmem>>[vector<16xi32>], vector<16xf32>,
      %gt3A_474 = arith.constant 0.000000e+00 : f32
      %gt3A_475 = vector.broadcast %gt3A_474 : f32 to vector<16xf32>
      %gt3A_476 = arith.cmpf ogt, %gather3A_473, %gt3A_475 : vector<16xf32>
      %mul3A_477 = arith.constant 16384 : i32
      %mul3A_478 = vector.broadcast %mul3A_477 : i32 to vector<16xi32>
      %mul3A_479 = arith.muli %get3A_472, %mul3A_478 : vector<16xi32>
      %add3A_480 = arith.addi %mul3A_479, %get3A_468 : vector<16xi32>
      %swap3A_481 = arith.index_cast %add3A_460 : i32 to index
      %swap3A_482 = tpu.vector_load %arg12[%swap3A_481] masked %gt3A_476 {strides = array<i32>} : memref<20096xi32, #tpu.memory_space<vmem>>, vector<16xi32>, vector<16xi1>
      tpu.vector_store %arg12[%swap3A_481], %add3A_480 masked %gt3A_476 {strides = array<i32>} : memref<20096xi32, #tpu.memory_space<vmem>>, vector<16xi32>, vector<16xi1>
      %all_reduce_population_count3A_483 = tpu.all_reduce %gt3A_476 {dim = 0 : i64, kind = #tpu.reduction_kind<sum>} : vector<16xi1> -> vector<16xi32>
      %slice3A_484 = vector.extract_strided_slice %all_reduce_population_count3A_483 {offsets = [0], sizes = [1], strides = [1]} : vector<16xi32> to vector<1xi32>
      %squeeze3A_485 = vector.extract %slice3A_484[0] : i32 from vector<1xi32>
      %add3A_486 = arith.addi %add3A_460, %squeeze3A_485 : i32
      %mul3A_487 = arith.constant 5 : i32
      %mul3A_488 = arith.muli %scan3A_388, %mul3A_487 : i32
      %add3A_489 = arith.constant 4 : i32
      %add3A_490 = arith.addi %mul3A_488, %add3A_489 : i32
      %mul3A_491 = arith.constant 16 : i32
      %mul3A_492 = arith.muli %add3A_490, %mul3A_491 : i32
      %get3A_493 = arith.index_cast %mul3A_492 : i32 to index
      %get3A_494 = tpu.vector_load %arg10[%get3A_493] {strides = array<i32>} : memref<2000xi32, #tpu.memory_space<vmem>>, vector<16xi32>,
      %mul3A_495 = arith.constant 16 : i32
      %mul3A_496 = arith.muli %add3A_490, %mul3A_495 : i32
      %get3A_497 = arith.index_cast %mul3A_496 : i32 to index
      %get3A_498 = tpu.vector_load %arg11[%get3A_497] {strides = array<i32>} : memref<2000xi32, #tpu.memory_space<vmem>>, vector<16xi32>,
      %gather3A_499 = tpu.vector_load_idx %arg7[%get3A_498] : memref<10240xf32, #tpu.memory_space<vmem>>[vector<16xi32>], vector<16xf32>,
      %gt3A_500 = arith.constant 0.000000e+00 : f32
      %gt3A_501 = vector.broadcast %gt3A_500 : f32 to vector<16xf32>
      %gt3A_502 = arith.cmpf ogt, %gather3A_499, %gt3A_501 : vector<16xf32>
      %mul3A_503 = arith.constant 16384 : i32
      %mul3A_504 = vector.broadcast %mul3A_503 : i32 to vector<16xi32>
      %mul3A_505 = arith.muli %get3A_498, %mul3A_504 : vector<16xi32>
      %add3A_506 = arith.addi %mul3A_505, %get3A_494 : vector<16xi32>
      %swap3A_507 = arith.index_cast %add3A_486 : i32 to index
      %swap3A_508 = tpu.vector_load %arg12[%swap3A_507] masked %gt3A_502 {strides = array<i32>} : memref<20096xi32, #tpu.memory_space<vmem>>, vector<16xi32>, vector<16xi1>
      tpu.vector_store %arg12[%swap3A_507], %add3A_506 masked %gt3A_502 {strides = array<i32>} : memref<20096xi32, #tpu.memory_space<vmem>>, vector<16xi32>, vector<16xi1>
      %all_reduce_population_count3A_509 = tpu.all_reduce %gt3A_502 {dim = 0 : i64, kind = #tpu.reduction_kind<sum>} : vector<16xi1> -> vector<16xi32>
      %slice3A_510 = vector.extract_strided_slice %all_reduce_population_count3A_509 {offsets = [0], sizes = [1], strides = [1]} : vector<16xi32> to vector<1xi32>
      %squeeze3A_511 = vector.extract %slice3A_510[0] : i32 from vector<1xi32>
      %add3A_512 = arith.addi %add3A_486, %squeeze3A_511 : i32
      scf.yield %add3A_512 : i32
    }
    %scan3A_281 = arith.constant 25 : i32
    %broadcast_in_dim3A = arith.constant 0 : i32
    %broadcast_in_dim3A_282 = vector.broadcast %broadcast_in_dim3A : i32 to vector<16xi32>
    %add3A_283 = arith.constant 31 : i32
    %add3A_284 = arith.addi %scan3A_280, %add3A_283 : i32
    %shift_right_arithmetic3A = arith.constant 5 : i32
    %shift_right_arithmetic3A_285 = arith.shrsi %add3A_284, %shift_right_arithmetic3A : i32
    %while3A = arith.constant 0 : i32
    %while3A_286 = arith.constant 0 : i32
    %while3A_287 = arith.subi %shift_right_arithmetic3A_285, %while3A : i32
    %while3A_288 = arith.addi %while3A, %while3A_287 : i32
    %while3A_289 = arith.constant 1 : i32
    %while3A_290 = arith.divsi %while3A_287, %while3A_289 : i32
    %while3A_291 = arith.muli %while3A_290, %while3A_289 : i32
    %while3A_292 = arith.addi %while3A, %while3A_291 : i32
    %while3A_293 = arith.constant 1 : i32
    %while3A_294 = scf.for %while3A_388 = %while3A to %while3A_292 step %while3A_293 iter_args(%while3A_389 = %while3A_286) -> (i32)  : i32 {
      %scan3A_390 = arith.constant 0 : i32
      %scan3A_391 = arith.constant 0 : i32
      %scan3A_392 = arith.constant 2 : i32
      %scan3A_393 = arith.addi %scan3A_391, %scan3A_392 : i32
      %scan3A_394 = arith.constant 1 : i32
      %scan3A_395 = scf.for %scan3A_404 = %scan3A_391 to %scan3A_393 step %scan3A_394 iter_args(%scan3A_405 = %scan3A_390) -> (i32)  : i32 {
        %mul3A_406 = arith.constant 32 : i32
        %mul3A_407 = arith.muli %while3A_388, %mul3A_406 : i32
        %mul3A_408 = arith.constant 16 : i32
        %mul3A_409 = arith.muli %scan3A_404, %mul3A_408 : i32
        %add3A_410 = arith.addi %mul3A_407, %mul3A_409 : i32
        %add3A_411 = vector.broadcast %add3A_410 : i32 to vector<16xi32>
        %add3A_412 = arith.addi %add3A_411, %iota3A : vector<16xi32>
        %lt3A = vector.broadcast %scan3A_280 : i32 to vector<16xi32>
        %lt3A_413 = arith.cmpi slt, %add3A_412, %lt3A : vector<16xi32>
        %gather3A = tpu.vector_load_idx %arg12[%add3A_412] : memref<20096xi32, #tpu.memory_space<vmem>>[vector<16xi32>], vector<16xi32>,
        %shift_right_arithmetic3A_414 = arith.constant 14 : i32
        %shift_right_arithmetic3A_415 = vector.broadcast %shift_right_arithmetic3A_414 : i32 to vector<16xi32>
        %shift_right_arithmetic3A_416 = arith.shrsi %gather3A, %shift_right_arithmetic3A_415 : vector<16xi32>
        %jit3A = arith.constant 10240 : i32
        %broadcast_in_dim3A_417 = vector.broadcast %jit3A : i32 to vector<16xi32>
        %select_n3A = arith.select %lt3A_413, %shift_right_arithmetic3A_416, %broadcast_in_dim3A_417 : vector<16xi1>, vector<16xi32>
        %and3A = arith.constant 16383 : i32
        %and3A_418 = vector.broadcast %and3A : i32 to vector<16xi32>
        %and3A_419 = arith.andi %gather3A, %and3A_418 : vector<16xi32>
        %jit3A_420 = arith.constant 0 : i32
        %broadcast_in_dim3A_421 = vector.broadcast %jit3A_420 : i32 to vector<16xi32>
        %select_n3A_422 = arith.select %lt3A_413, %and3A_419, %broadcast_in_dim3A_421 : vector<16xi1>, vector<16xi32>
        %add3A_423 = vector.broadcast %mul3A_0 : i32 to vector<16xi32>
        %add3A_424 = arith.addi %select_n3A_422, %add3A_423 : vector<16xi32>
        %mul3A_425 = arith.constant 16 : i32
        %mul3A_426 = arith.muli %scan3A_404, %mul3A_425 : i32
        %swap3A = arith.index_cast %mul3A_426 : i32 to index
        %swap3A_427 = tpu.vector_load %arg13[%swap3A] {strides = array<i32>} : memref<32xi32, #tpu.memory_space<vmem>>, vector<16xi32>,
        tpu.vector_store %arg13[%swap3A], %add3A_424 {strides = array<i32>} : memref<32xi32, #tpu.memory_space<vmem>>, vector<16xi32>,
        %mul3A_428 = arith.constant 16 : i32
        %mul3A_429 = arith.muli %scan3A_404, %mul3A_428 : i32
        %add3A_430 = vector.broadcast %mul3A_429 : i32 to vector<16xi32>
        %add3A_431 = arith.addi %add3A_430, %iota3A : vector<16xi32>
        tpu.vector_store_idx %arg14[%broadcast_in_dim3A_282, %add3A_431], %select_n3A : memref<1x32xi32, #tpu.memory_space<vmem>>[vector<16xi32>, vector<16xi32>], vector<16xi32>,
        %scan3A_432 = arith.constant 0 : i32
        scf.yield %scan3A_432 : i32
      }
      %scan3A_396 = arith.constant 2 : i32
      %dma_start3A_397 = arith.constant 0 : i32
      %dma_start3A_398 = arith.constant 0 : i32
      %dma_start3A_399 = tpu.memref_slice %arg4[%dma_start3A_397, %dma_start3A_398] : memref<20480x128xf32, #tpu.memory_space<hbm>> -> memref<20480x128xf32, #tpu.memory_space<hbm>>
      tpu.enqueue_indirect_dma source(%dma_start3A_399 : memref<20480x128xf32, #tpu.memory_space<hbm>>) target(%arg15 : memref<32x128xf32, #tpu.memory_space<vmem>>) offsets(%arg13 : memref<32xi32, #tpu.memory_space<vmem>>) semaphore(%arg18 : memref<!tpu.dma_semaphore, #tpu.memory_space<semaphore_mem>>)
      %dma_wait3A_400 = arith.constant 0 : i32
      %dma_wait3A_401 = arith.constant 0 : i32
      %dma_wait3A_402 = tpu.memref_slice %arg4[%dma_wait3A_400, %dma_wait3A_401] : memref<20480x128xf32, #tpu.memory_space<hbm>> -> memref<20480x128xf32, #tpu.memory_space<hbm>>
      tpu.wait_indirect_dma semaphore(%arg18 : memref<!tpu.dma_semaphore, #tpu.memory_space<semaphore_mem>>) src(%dma_wait3A_402 : memref<20480x128xf32, #tpu.memory_space<hbm>>) dst(%arg15 : memref<32x128xf32, #tpu.memory_space<vmem>>)
      %run_scoped3A = arith.constant 0 : i32
      "tpu.region"() ({
        %run_scoped3A_404 = tpu.sem_alloc : memref<!tpu.dma_semaphore, #tpu.memory_space<semaphore_mem>>
        %dma_start3A_405 = arith.constant 0 : i32
        %dma_start3A_406 = tpu.memref_slice %arg14[%run_scoped3A, %dma_start3A_405] : memref<1x32xi32, #tpu.memory_space<vmem>> -> memref<1x32xi32, #tpu.memory_space<vmem>>
        %dma_start3A_407 = tpu.memref_squeeze %dma_start3A_406 : memref<1x32xi32, #tpu.memory_space<vmem>> -> memref<32xi32, #tpu.memory_space<vmem>>
        %dma_start3A_408 = arith.constant 0 : i32
        %dma_start3A_409 = arith.constant 0 : i32
        %dma_start3A_410 = tpu.memref_slice %arg20[%dma_start3A_408, %dma_start3A_409] : memref<10368x128xf32, #tpu.memory_space<vmem_shared>> -> memref<10368x128xf32, #tpu.memory_space<vmem_shared>>
        tpu.enqueue_indirect_dma source(%arg15 : memref<32x128xf32, #tpu.memory_space<vmem>>) target(%dma_start3A_410 : memref<10368x128xf32, #tpu.memory_space<vmem_shared>>) offsets(%dma_start3A_407 : memref<32xi32, #tpu.memory_space<vmem>>) semaphore(%run_scoped3A_404 : memref<!tpu.dma_semaphore, #tpu.memory_space<semaphore_mem>>) {add = true}
        %dma_wait3A_411 = arith.constant 0 : i32
        %dma_wait3A_412 = tpu.memref_slice %arg14[%run_scoped3A, %dma_wait3A_411] : memref<1x32xi32, #tpu.memory_space<vmem>> -> memref<1x32xi32, #tpu.memory_space<vmem>>
        %dma_wait3A_413 = tpu.memref_squeeze %dma_wait3A_412 : memref<1x32xi32, #tpu.memory_space<vmem>> -> memref<32xi32, #tpu.memory_space<vmem>>
        %dma_wait3A_414 = arith.constant 0 : i32
        %dma_wait3A_415 = arith.constant 0 : i32
        %dma_wait3A_416 = tpu.memref_slice %arg20[%dma_wait3A_414, %dma_wait3A_415] : memref<10368x128xf32, #tpu.memory_space<vmem_shared>> -> memref<10368x128xf32, #tpu.memory_space<vmem_shared>>
        tpu.wait_indirect_dma semaphore(%run_scoped3A_404 : memref<!tpu.dma_semaphore, #tpu.memory_space<semaphore_mem>>) src(%arg15 : memref<32x128xf32, #tpu.memory_space<vmem>>) dst(%dma_wait3A_416 : memref<10368x128xf32, #tpu.memory_space<vmem_shared>>)
        tpu.yield
      }) : () -> ()
      %while3A_403 = arith.constant 0 : i32
      scf.yield %while3A_403 : i32
    }
    %while3A_295 = arith.constant 1 : i32
    %while3A_296 = scf.for %while3A_388 = %while3A_292 to %while3A_288 step %while3A_295 iter_args(%while3A_389 = %while3A_294) -> (i32)  : i32 {
      %scan3A_390 = arith.constant 0 : i32
      %scan3A_391 = arith.constant 0 : i32
      %scan3A_392 = arith.constant 2 : i32
      %scan3A_393 = arith.addi %scan3A_391, %scan3A_392 : i32
      %scan3A_394 = arith.constant 1 : i32
      %scan3A_395 = scf.for %scan3A_404 = %scan3A_391 to %scan3A_393 step %scan3A_394 iter_args(%scan3A_405 = %scan3A_390) -> (i32)  : i32 {
        %mul3A_406 = arith.constant 32 : i32
        %mul3A_407 = arith.muli %while3A_388, %mul3A_406 : i32
        %mul3A_408 = arith.constant 16 : i32
        %mul3A_409 = arith.muli %scan3A_404, %mul3A_408 : i32
        %add3A_410 = arith.addi %mul3A_407, %mul3A_409 : i32
        %add3A_411 = vector.broadcast %add3A_410 : i32 to vector<16xi32>
        %add3A_412 = arith.addi %add3A_411, %iota3A : vector<16xi32>
        %lt3A = vector.broadcast %scan3A_280 : i32 to vector<16xi32>
        %lt3A_413 = arith.cmpi slt, %add3A_412, %lt3A : vector<16xi32>
        %gather3A = tpu.vector_load_idx %arg12[%add3A_412] : memref<20096xi32, #tpu.memory_space<vmem>>[vector<16xi32>], vector<16xi32>,
        %shift_right_arithmetic3A_414 = arith.constant 14 : i32
        %shift_right_arithmetic3A_415 = vector.broadcast %shift_right_arithmetic3A_414 : i32 to vector<16xi32>
        %shift_right_arithmetic3A_416 = arith.shrsi %gather3A, %shift_right_arithmetic3A_415 : vector<16xi32>
        %jit3A = arith.constant 10240 : i32
        %broadcast_in_dim3A_417 = vector.broadcast %jit3A : i32 to vector<16xi32>
        %select_n3A = arith.select %lt3A_413, %shift_right_arithmetic3A_416, %broadcast_in_dim3A_417 : vector<16xi1>, vector<16xi32>
        %and3A = arith.constant 16383 : i32
        %and3A_418 = vector.broadcast %and3A : i32 to vector<16xi32>
        %and3A_419 = arith.andi %gather3A, %and3A_418 : vector<16xi32>
        %jit3A_420 = arith.constant 0 : i32
        %broadcast_in_dim3A_421 = vector.broadcast %jit3A_420 : i32 to vector<16xi32>
        %select_n3A_422 = arith.select %lt3A_413, %and3A_419, %broadcast_in_dim3A_421 : vector<16xi1>, vector<16xi32>
        %add3A_423 = vector.broadcast %mul3A_0 : i32 to vector<16xi32>
        %add3A_424 = arith.addi %select_n3A_422, %add3A_423 : vector<16xi32>
        %mul3A_425 = arith.constant 16 : i32
        %mul3A_426 = arith.muli %scan3A_404, %mul3A_425 : i32
        %swap3A = arith.index_cast %mul3A_426 : i32 to index
        %swap3A_427 = tpu.vector_load %arg13[%swap3A] {strides = array<i32>} : memref<32xi32, #tpu.memory_space<vmem>>, vector<16xi32>,
        tpu.vector_store %arg13[%swap3A], %add3A_424 {strides = array<i32>} : memref<32xi32, #tpu.memory_space<vmem>>, vector<16xi32>,
        %mul3A_428 = arith.constant 16 : i32
        %mul3A_429 = arith.muli %scan3A_404, %mul3A_428 : i32
        %add3A_430 = vector.broadcast %mul3A_429 : i32 to vector<16xi32>
        %add3A_431 = arith.addi %add3A_430, %iota3A : vector<16xi32>
        tpu.vector_store_idx %arg14[%broadcast_in_dim3A_282, %add3A_431], %select_n3A : memref<1x32xi32, #tpu.memory_space<vmem>>[vector<16xi32>, vector<16xi32>], vector<16xi32>,
        %scan3A_432 = arith.constant 0 : i32
        scf.yield %scan3A_432 : i32
      }
      %scan3A_396 = arith.constant 2 : i32
      %dma_start3A_397 = arith.constant 0 : i32
      %dma_start3A_398 = arith.constant 0 : i32
      %dma_start3A_399 = tpu.memref_slice %arg4[%dma_start3A_397, %dma_start3A_398] : memref<20480x128xf32, #tpu.memory_space<hbm>> -> memref<20480x128xf32, #tpu.memory_space<hbm>>
      tpu.enqueue_indirect_dma source(%dma_start3A_399 : memref<20480x128xf32, #tpu.memory_space<hbm>>) target(%arg15 : memref<32x128xf32, #tpu.memory_space<vmem>>) offsets(%arg13 : memref<32xi32, #tpu.memory_space<vmem>>) semaphore(%arg18 : memref<!tpu.dma_semaphore, #tpu.memory_space<semaphore_mem>>)
      %dma_wait3A_400 = arith.constant 0 : i32
      %dma_wait3A_401 = arith.constant 0 : i32
      %dma_wait3A_402 = tpu.memref_slice %arg4[%dma_wait3A_400, %dma_wait3A_401] : memref<20480x128xf32, #tpu.memory_space<hbm>> -> memref<20480x128xf32, #tpu.memory_space<hbm>>
      tpu.wait_indirect_dma semaphore(%arg18 : memref<!tpu.dma_semaphore, #tpu.memory_space<semaphore_mem>>) src(%dma_wait3A_402 : memref<20480x128xf32, #tpu.memory_space<hbm>>) dst(%arg15 : memref<32x128xf32, #tpu.memory_space<vmem>>)
      %run_scoped3A = arith.constant 0 : i32
      "tpu.region"() ({
        %run_scoped3A_404 = tpu.sem_alloc : memref<!tpu.dma_semaphore, #tpu.memory_space<semaphore_mem>>
        %dma_start3A_405 = arith.constant 0 : i32
        %dma_start3A_406 = tpu.memref_slice %arg14[%run_scoped3A, %dma_start3A_405] : memref<1x32xi32, #tpu.memory_space<vmem>> -> memref<1x32xi32, #tpu.memory_space<vmem>>
        %dma_start3A_407 = tpu.memref_squeeze %dma_start3A_406 : memref<1x32xi32, #tpu.memory_space<vmem>> -> memref<32xi32, #tpu.memory_space<vmem>>
        %dma_start3A_408 = arith.constant 0 : i32
        %dma_start3A_409 = arith.constant 0 : i32
        %dma_start3A_410 = tpu.memref_slice %arg20[%dma_start3A_408, %dma_start3A_409] : memref<10368x128xf32, #tpu.memory_space<vmem_shared>> -> memref<10368x128xf32, #tpu.memory_space<vmem_shared>>
        tpu.enqueue_indirect_dma source(%arg15 : memref<32x128xf32, #tpu.memory_space<vmem>>) target(%dma_start3A_410 : memref<10368x128xf32, #tpu.memory_space<vmem_shared>>) offsets(%dma_start3A_407 : memref<32xi32, #tpu.memory_space<vmem>>) semaphore(%run_scoped3A_404 : memref<!tpu.dma_semaphore, #tpu.memory_space<semaphore_mem>>) {add = true}
        %dma_wait3A_411 = arith.constant 0 : i32
        %dma_wait3A_412 = tpu.memref_slice %arg14[%run_scoped3A, %dma_wait3A_411] : memref<1x32xi32, #tpu.memory_space<vmem>> -> memref<1x32xi32, #tpu.memory_space<vmem>>
        %dma_wait3A_413 = tpu.memref_squeeze %dma_wait3A_412 : memref<1x32xi32, #tpu.memory_space<vmem>> -> memref<32xi32, #tpu.memory_space<vmem>>
        %dma_wait3A_414 = arith.constant 0 : i32
        %dma_wait3A_415 = arith.constant 0 : i32
        %dma_wait3A_416 = tpu.memref_slice %arg20[%dma_wait3A_414, %dma_wait3A_415] : memref<10368x128xf32, #tpu.memory_space<vmem_shared>> -> memref<10368x128xf32, #tpu.memory_space<vmem_shared>>
        tpu.wait_indirect_dma semaphore(%run_scoped3A_404 : memref<!tpu.dma_semaphore, #tpu.memory_space<semaphore_mem>>) src(%arg15 : memref<32x128xf32, #tpu.memory_space<vmem>>) dst(%dma_wait3A_416 : memref<10368x128xf32, #tpu.memory_space<vmem_shared>>)
        tpu.yield
      }) : () -> ()
      %while3A_403 = arith.constant 0 : i32
      scf.yield %while3A_403 : i32
    }
    %barrier3A_297 = arith.constant 0 : index
    tpu.barrier barrier_id(%barrier3A_297)
    %mul3A_298 = arith.constant 640 : i32
    %mul3A_299 = arith.muli %arg1, %mul3A_298 : i32
    %add3A_300 = arith.constant 0 : i32
    %add3A_301 = arith.addi %mul3A_299, %add3A_300 : i32
    %mul3A_302 = arith.constant 640 : i32
    %mul3A_303 = arith.muli %arg1, %mul3A_302 : i32
    %add3A_304 = arith.constant 0 : i32
    %add3A_305 = arith.addi %mul3A_303, %add3A_304 : i32
    %dma_start3A_306 = arith.constant 0 : i32
    %dma_start3A_307 = tpu.memref_slice %arg6[%arg0, %add3A_305, %dma_start3A_306] : memref<2x10240x128xf32, #tpu.memory_space<hbm>> -> memref<1x128x128xf32, #tpu.memory_space<hbm>>
    %dma_start3A_308 = tpu.memref_squeeze %dma_start3A_307 : memref<1x128x128xf32, #tpu.memory_space<hbm>> -> memref<128x128xf32, #tpu.memory_space<hbm>>
    %dma_start3A_309 = arith.constant 0 : i32
    %dma_start3A_310 = tpu.memref_slice %arg20[%add3A_301, %dma_start3A_309] : memref<10368x128xf32, #tpu.memory_space<vmem_shared>> -> memref<128x128xf32, #tpu.memory_space<vmem_shared>>
    tpu.enqueue_dma source(%dma_start3A_310 : memref<128x128xf32, #tpu.memory_space<vmem_shared>>) target(%dma_start3A_308 : memref<128x128xf32, #tpu.memory_space<hbm>>) target_semaphore(%arg19 : memref<!tpu.dma_semaphore, #tpu.memory_space<semaphore_mem>>)
    %mul3A_311 = arith.constant 640 : i32
    %mul3A_312 = arith.muli %arg1, %mul3A_311 : i32
    %add3A_313 = arith.constant 128 : i32
    %add3A_314 = arith.addi %mul3A_312, %add3A_313 : i32
    %mul3A_315 = arith.constant 640 : i32
    %mul3A_316 = arith.muli %arg1, %mul3A_315 : i32
    %add3A_317 = arith.constant 128 : i32
    %add3A_318 = arith.addi %mul3A_316, %add3A_317 : i32
    %dma_start3A_319 = arith.constant 0 : i32
    %dma_start3A_320 = tpu.memref_slice %arg6[%arg0, %add3A_318, %dma_start3A_319] : memref<2x10240x128xf32, #tpu.memory_space<hbm>> -> memref<1x128x128xf32, #tpu.memory_space<hbm>>
    %dma_start3A_321 = tpu.memref_squeeze %dma_start3A_320 : memref<1x128x128xf32, #tpu.memory_space<hbm>> -> memref<128x128xf32, #tpu.memory_space<hbm>>
    %dma_start3A_322 = arith.constant 0 : i32
    %dma_start3A_323 = tpu.memref_slice %arg20[%add3A_314, %dma_start3A_322] : memref<10368x128xf32, #tpu.memory_space<vmem_shared>> -> memref<128x128xf32, #tpu.memory_space<vmem_shared>>
    tpu.enqueue_dma source(%dma_start3A_323 : memref<128x128xf32, #tpu.memory_space<vmem_shared>>) target(%dma_start3A_321 : memref<128x128xf32, #tpu.memory_space<hbm>>) target_semaphore(%arg19 : memref<!tpu.dma_semaphore, #tpu.memory_space<semaphore_mem>>)
    %mul3A_324 = arith.constant 640 : i32
    %mul3A_325 = arith.muli %arg1, %mul3A_324 : i32
    %add3A_326 = arith.constant 256 : i32
    %add3A_327 = arith.addi %mul3A_325, %add3A_326 : i32
    %mul3A_328 = arith.constant 640 : i32
    %mul3A_329 = arith.muli %arg1, %mul3A_328 : i32
    %add3A_330 = arith.constant 256 : i32
    %add3A_331 = arith.addi %mul3A_329, %add3A_330 : i32
    %dma_start3A_332 = arith.constant 0 : i32
    %dma_start3A_333 = tpu.memref_slice %arg6[%arg0, %add3A_331, %dma_start3A_332] : memref<2x10240x128xf32, #tpu.memory_space<hbm>> -> memref<1x128x128xf32, #tpu.memory_space<hbm>>
    %dma_start3A_334 = tpu.memref_squeeze %dma_start3A_333 : memref<1x128x128xf32, #tpu.memory_space<hbm>> -> memref<128x128xf32, #tpu.memory_space<hbm>>
    %dma_start3A_335 = arith.constant 0 : i32
    %dma_start3A_336 = tpu.memref_slice %arg20[%add3A_327, %dma_start3A_335] : memref<10368x128xf32, #tpu.memory_space<vmem_shared>> -> memref<128x128xf32, #tpu.memory_space<vmem_shared>>
    tpu.enqueue_dma source(%dma_start3A_336 : memref<128x128xf32, #tpu.memory_space<vmem_shared>>) target(%dma_start3A_334 : memref<128x128xf32, #tpu.memory_space<hbm>>) target_semaphore(%arg19 : memref<!tpu.dma_semaphore, #tpu.memory_space<semaphore_mem>>)
    %mul3A_337 = arith.constant 640 : i32
    %mul3A_338 = arith.muli %arg1, %mul3A_337 : i32
    %add3A_339 = arith.constant 384 : i32
    %add3A_340 = arith.addi %mul3A_338, %add3A_339 : i32
    %mul3A_341 = arith.constant 640 : i32
    %mul3A_342 = arith.muli %arg1, %mul3A_341 : i32
    %add3A_343 = arith.constant 384 : i32
    %add3A_344 = arith.addi %mul3A_342, %add3A_343 : i32
    %dma_start3A_345 = arith.constant 0 : i32
    %dma_start3A_346 = tpu.memref_slice %arg6[%arg0, %add3A_344, %dma_start3A_345] : memref<2x10240x128xf32, #tpu.memory_space<hbm>> -> memref<1x128x128xf32, #tpu.memory_space<hbm>>
    %dma_start3A_347 = tpu.memref_squeeze %dma_start3A_346 : memref<1x128x128xf32, #tpu.memory_space<hbm>> -> memref<128x128xf32, #tpu.memory_space<hbm>>
    %dma_start3A_348 = arith.constant 0 : i32
    %dma_start3A_349 = tpu.memref_slice %arg20[%add3A_340, %dma_start3A_348] : memref<10368x128xf32, #tpu.memory_space<vmem_shared>> -> memref<128x128xf32, #tpu.memory_space<vmem_shared>>
    tpu.enqueue_dma source(%dma_start3A_349 : memref<128x128xf32, #tpu.memory_space<vmem_shared>>) target(%dma_start3A_347 : memref<128x128xf32, #tpu.memory_space<hbm>>) target_semaphore(%arg19 : memref<!tpu.dma_semaphore, #tpu.memory_space<semaphore_mem>>)
    %mul3A_350 = arith.constant 640 : i32
    %mul3A_351 = arith.muli %arg1, %mul3A_350 : i32
    %add3A_352 = arith.constant 512 : i32
    %add3A_353 = arith.addi %mul3A_351, %add3A_352 : i32
    %mul3A_354 = arith.constant 640 : i32
    %mul3A_355 = arith.muli %arg1, %mul3A_354 : i32
    %add3A_356 = arith.constant 512 : i32
    %add3A_357 = arith.addi %mul3A_355, %add3A_356 : i32
    %dma_start3A_358 = arith.constant 0 : i32
    %dma_start3A_359 = tpu.memref_slice %arg6[%arg0, %add3A_357, %dma_start3A_358] : memref<2x10240x128xf32, #tpu.memory_space<hbm>> -> memref<1x128x128xf32, #tpu.memory_space<hbm>>
    %dma_start3A_360 = tpu.memref_squeeze %dma_start3A_359 : memref<1x128x128xf32, #tpu.memory_space<hbm>> -> memref<128x128xf32, #tpu.memory_space<hbm>>
    %dma_start3A_361 = arith.constant 0 : i32
    %dma_start3A_362 = tpu.memref_slice %arg20[%add3A_353, %dma_start3A_361] : memref<10368x128xf32, #tpu.memory_space<vmem_shared>> -> memref<128x128xf32, #tpu.memory_space<vmem_shared>>
    tpu.enqueue_dma source(%dma_start3A_362 : memref<128x128xf32, #tpu.memory_space<vmem_shared>>) target(%dma_start3A_360 : memref<128x128xf32, #tpu.memory_space<hbm>>) target_semaphore(%arg19 : memref<!tpu.dma_semaphore, #tpu.memory_space<semaphore_mem>>)
    %dma_wait3A_363 = arith.constant 0 : i32
    %dma_wait3A_364 = tpu.memref_slice %arg6[%arg0, %add3A_305, %dma_wait3A_363] : memref<2x10240x128xf32, #tpu.memory_space<hbm>> -> memref<1x128x128xf32, #tpu.memory_space<hbm>>
    %dma_wait3A_365 = tpu.memref_squeeze %dma_wait3A_364 : memref<1x128x128xf32, #tpu.memory_space<hbm>> -> memref<128x128xf32, #tpu.memory_space<hbm>>
    %dma_wait3A_366 = arith.constant 0 : i32
    %dma_wait3A_367 = tpu.memref_slice %arg20[%add3A_301, %dma_wait3A_366] : memref<10368x128xf32, #tpu.memory_space<vmem_shared>> -> memref<128x128xf32, #tpu.memory_space<vmem_shared>>
    tpu.wait_dma2 semaphore(%arg19 : memref<!tpu.dma_semaphore, #tpu.memory_space<semaphore_mem>>) src(%dma_wait3A_367 : memref<128x128xf32, #tpu.memory_space<vmem_shared>>) dst(%dma_wait3A_365 : memref<128x128xf32, #tpu.memory_space<hbm>>)
    %dma_wait3A_368 = arith.constant 0 : i32
    %dma_wait3A_369 = tpu.memref_slice %arg6[%arg0, %add3A_318, %dma_wait3A_368] : memref<2x10240x128xf32, #tpu.memory_space<hbm>> -> memref<1x128x128xf32, #tpu.memory_space<hbm>>
    %dma_wait3A_370 = tpu.memref_squeeze %dma_wait3A_369 : memref<1x128x128xf32, #tpu.memory_space<hbm>> -> memref<128x128xf32, #tpu.memory_space<hbm>>
    %dma_wait3A_371 = arith.constant 0 : i32
    %dma_wait3A_372 = tpu.memref_slice %arg20[%add3A_314, %dma_wait3A_371] : memref<10368x128xf32, #tpu.memory_space<vmem_shared>> -> memref<128x128xf32, #tpu.memory_space<vmem_shared>>
    tpu.wait_dma2 semaphore(%arg19 : memref<!tpu.dma_semaphore, #tpu.memory_space<semaphore_mem>>) src(%dma_wait3A_372 : memref<128x128xf32, #tpu.memory_space<vmem_shared>>) dst(%dma_wait3A_370 : memref<128x128xf32, #tpu.memory_space<hbm>>)
    %dma_wait3A_373 = arith.constant 0 : i32
    %dma_wait3A_374 = tpu.memref_slice %arg6[%arg0, %add3A_331, %dma_wait3A_373] : memref<2x10240x128xf32, #tpu.memory_space<hbm>> -> memref<1x128x128xf32, #tpu.memory_space<hbm>>
    %dma_wait3A_375 = tpu.memref_squeeze %dma_wait3A_374 : memref<1x128x128xf32, #tpu.memory_space<hbm>> -> memref<128x128xf32, #tpu.memory_space<hbm>>
    %dma_wait3A_376 = arith.constant 0 : i32
    %dma_wait3A_377 = tpu.memref_slice %arg20[%add3A_327, %dma_wait3A_376] : memref<10368x128xf32, #tpu.memory_space<vmem_shared>> -> memref<128x128xf32, #tpu.memory_space<vmem_shared>>
    tpu.wait_dma2 semaphore(%arg19 : memref<!tpu.dma_semaphore, #tpu.memory_space<semaphore_mem>>) src(%dma_wait3A_377 : memref<128x128xf32, #tpu.memory_space<vmem_shared>>) dst(%dma_wait3A_375 : memref<128x128xf32, #tpu.memory_space<hbm>>)
    %dma_wait3A_378 = arith.constant 0 : i32
    %dma_wait3A_379 = tpu.memref_slice %arg6[%arg0, %add3A_344, %dma_wait3A_378] : memref<2x10240x128xf32, #tpu.memory_space<hbm>> -> memref<1x128x128xf32, #tpu.memory_space<hbm>>
    %dma_wait3A_380 = tpu.memref_squeeze %dma_wait3A_379 : memref<1x128x128xf32, #tpu.memory_space<hbm>> -> memref<128x128xf32, #tpu.memory_space<hbm>>
    %dma_wait3A_381 = arith.constant 0 : i32
    %dma_wait3A_382 = tpu.memref_slice %arg20[%add3A_340, %dma_wait3A_381] : memref<10368x128xf32, #tpu.memory_space<vmem_shared>> -> memref<128x128xf32, #tpu.memory_space<vmem_shared>>
    tpu.wait_dma2 semaphore(%arg19 : memref<!tpu.dma_semaphore, #tpu.memory_space<semaphore_mem>>) src(%dma_wait3A_382 : memref<128x128xf32, #tpu.memory_space<vmem_shared>>) dst(%dma_wait3A_380 : memref<128x128xf32, #tpu.memory_space<hbm>>)
    %dma_wait3A_383 = arith.constant 0 : i32
    %dma_wait3A_384 = tpu.memref_slice %arg6[%arg0, %add3A_357, %dma_wait3A_383] : memref<2x10240x128xf32, #tpu.memory_space<hbm>> -> memref<1x128x128xf32, #tpu.memory_space<hbm>>
    %dma_wait3A_385 = tpu.memref_squeeze %dma_wait3A_384 : memref<1x128x128xf32, #tpu.memory_space<hbm>> -> memref<128x128xf32, #tpu.memory_space<hbm>>
    %dma_wait3A_386 = arith.constant 0 : i32
    %dma_wait3A_387 = tpu.memref_slice %arg20[%add3A_353, %dma_wait3A_386] : memref<10368x128xf32, #tpu.memory_space<vmem_shared>> -> memref<128x128xf32, #tpu.memory_space<vmem_shared>>
    tpu.wait_dma2 semaphore(%arg19 : memref<!tpu.dma_semaphore, #tpu.memory_space<semaphore_mem>>) src(%dma_wait3A_387 : memref<128x128xf32, #tpu.memory_space<vmem_shared>>) dst(%dma_wait3A_385 : memref<128x128xf32, #tpu.memory_space<hbm>>)
    return
  }
}

#map = affine_map<(d0, d1) -> (0)>
module attributes {stable_mosaic.version = 14 : i64} {
  func.func @_sc_hist_body(%arg0: i32, %arg1: i32, %arg2: memref<640000xi32, #tpu.memory_space<hbm>>, %arg3: memref<32xi32, #tpu.memory_space<hbm>>, %arg4: memref<983040xf32, #tpu.memory_space<hbm>>, %arg5: memref<32xi32, #tpu.memory_space<vmem>>, %arg6: memref<2000xi32, #tpu.memory_space<vmem>>, %arg7: memref<2000xi32, #tpu.memory_space<vmem>>, %arg8: memref<2000xi32, #tpu.memory_space<vmem>>, %arg9: memref<2000xi32, #tpu.memory_space<vmem>>, %arg10: memref<!tpu.dma_semaphore, #tpu.memory_space<semaphore_mem>>, %arg11: memref<!tpu.dma_semaphore, #tpu.memory_space<semaphore_mem>>, %arg12: memref<!tpu.dma_semaphore, #tpu.memory_space<semaphore_mem>>, %arg13: memref<10240xf32, #tpu.memory_space<vmem>>, %arg14: memref<10240xf32, #tpu.memory_space<vmem>>, %arg15: memref<10240xf32, #tpu.memory_space<vmem>>) attributes {dimension_semantics = [#tpu.dimension_semantics<core_parallel>, #tpu.dimension_semantics<subcore_parallel>], iteration_bounds = array<i64: 2, 16>, scalar_prefetch = 0 : i64, scratch_operands = 11 : i64, tpu.core_type = #tpu.core_type<sc_vector_subcore>, window_params = [{transform_indices = #map}, {transform_indices = #map}, {transform_indices = #map}]} {
    %mul3A = arith.constant 16 : i32
    %mul3A_0 = arith.muli %arg0, %mul3A : i32
    %add3A = arith.addi %mul3A_0, %arg1 : i32
    %broadcast_in_dim3A = arith.constant 0.000000e+00 : f32
    %broadcast_in_dim3A_1 = vector.broadcast %broadcast_in_dim3A : f32 to vector<16xf32>
    %mul3A_2 = arith.constant 10000 : i32
    %mul3A_3 = arith.muli %add3A, %mul3A_2 : i32
    %add3A_4 = arith.constant 0 : i32
    %add3A_5 = arith.addi %mul3A_3, %add3A_4 : i32
    %dma_start3A = tpu.memref_slice %arg2[%add3A_5] : memref<640000xi32, #tpu.memory_space<hbm>> -> memref<2000xi32, #tpu.memory_space<hbm>>
    %dma_start3A_6 = tpu.memref_slice %arg2[%add3A_5] : memref<640000xi32, #tpu.memory_space<hbm>> -> memref<2000xi32, #tpu.memory_space<hbm>>
    tpu.enqueue_dma source(%dma_start3A_6 : memref<2000xi32, #tpu.memory_space<hbm>>) target(%arg6 : memref<2000xi32, #tpu.memory_space<vmem>>) target_semaphore(%arg10 : memref<!tpu.dma_semaphore, #tpu.memory_space<semaphore_mem>>)
    %add3A_7 = arith.constant 320000 : i32
    %add3A_8 = arith.addi %add3A_7, %add3A_5 : i32
    %dma_start3A_9 = tpu.memref_slice %arg2[%add3A_8] : memref<640000xi32, #tpu.memory_space<hbm>> -> memref<2000xi32, #tpu.memory_space<hbm>>
    %dma_start3A_10 = tpu.memref_slice %arg2[%add3A_8] : memref<640000xi32, #tpu.memory_space<hbm>> -> memref<2000xi32, #tpu.memory_space<hbm>>
    tpu.enqueue_dma source(%dma_start3A_10 : memref<2000xi32, #tpu.memory_space<hbm>>) target(%arg7 : memref<2000xi32, #tpu.memory_space<vmem>>) target_semaphore(%arg10 : memref<!tpu.dma_semaphore, #tpu.memory_space<semaphore_mem>>)
    "tpu.region"() ({
      %run_scoped3A = tpu.sem_alloc : memref<!tpu.dma_semaphore, #tpu.memory_space<semaphore_mem>>
      tpu.enqueue_dma source(%arg3 : memref<32xi32, #tpu.memory_space<hbm>>) target(%arg5 : memref<32xi32, #tpu.memory_space<vmem>>) target_semaphore(%run_scoped3A : memref<!tpu.dma_semaphore, #tpu.memory_space<semaphore_mem>>)
      tpu.wait_dma2 semaphore(%run_scoped3A : memref<!tpu.dma_semaphore, #tpu.memory_space<semaphore_mem>>) src(%arg3 : memref<32xi32, #tpu.memory_space<hbm>>) dst(%arg5 : memref<32xi32, #tpu.memory_space<vmem>>)
      tpu.yield
    }) : () -> ()
    %scan3A = arith.constant 0 : i32
    %scan3A_11 = arith.constant 0 : i32
    %scan3A_12 = arith.constant 640 : i32
    %scan3A_13 = arith.addi %scan3A_11, %scan3A_12 : i32
    %scan3A_14 = arith.constant 1 : i32
    %scan3A_15 = scf.for %scan3A_140 = %scan3A_11 to %scan3A_13 step %scan3A_14 iter_args(%scan3A_141 = %scan3A) -> (i32)  : i32 {
      %mul3A_142 = arith.constant 16 : i32
      %mul3A_143 = arith.muli %scan3A_140, %mul3A_142 : i32
      %swap3A = arith.index_cast %mul3A_143 : i32 to index
      %swap3A_144 = tpu.vector_load %arg13[%swap3A] {strides = array<i32>} : memref<10240xf32, #tpu.memory_space<vmem>>, vector<16xf32>,
      tpu.vector_store %arg13[%swap3A], %broadcast_in_dim3A_1 {strides = array<i32>} : memref<10240xf32, #tpu.memory_space<vmem>>, vector<16xf32>,
      %mul3A_145 = arith.constant 16 : i32
      %mul3A_146 = arith.muli %scan3A_140, %mul3A_145 : i32
      %swap3A_147 = arith.index_cast %mul3A_146 : i32 to index
      %swap3A_148 = tpu.vector_load %arg14[%swap3A_147] {strides = array<i32>} : memref<10240xf32, #tpu.memory_space<vmem>>, vector<16xf32>,
      tpu.vector_store %arg14[%swap3A_147], %broadcast_in_dim3A_1 {strides = array<i32>} : memref<10240xf32, #tpu.memory_space<vmem>>, vector<16xf32>,
      %mul3A_149 = arith.constant 16 : i32
      %mul3A_150 = arith.muli %scan3A_140, %mul3A_149 : i32
      %swap3A_151 = arith.index_cast %mul3A_150 : i32 to index
      %swap3A_152 = tpu.vector_load %arg15[%swap3A_151] {strides = array<i32>} : memref<10240xf32, #tpu.memory_space<vmem>>, vector<16xf32>,
      tpu.vector_store %arg15[%swap3A_151], %broadcast_in_dim3A_1 {strides = array<i32>} : memref<10240xf32, #tpu.memory_space<vmem>>, vector<16xf32>,
      %scan3A_153 = arith.constant 0 : i32
      scf.yield %scan3A_153 : i32
    }
    %scan3A_16 = arith.constant 640 : i32
    %get3A = arith.constant 0 : index
    %get3A_17 = tpu.vector_load %arg5[%get3A] {strides = array<i32>} : memref<32xi32, #tpu.memory_space<vmem>>, vector<16xi32>,
    %get3A_18 = arith.constant 16 : index
    %get3A_19 = tpu.vector_load %arg5[%get3A_18] {strides = array<i32>} : memref<32xi32, #tpu.memory_space<vmem>>, vector<16xi32>,
    %broadcast_in_dim3A_20 = arith.constant 1.000000e+00 : f32
    %broadcast_in_dim3A_21 = vector.broadcast %broadcast_in_dim3A_20 : f32 to vector<16xf32>
    %mul3A_22 = arith.constant 10000 : i32
    %mul3A_23 = arith.muli %add3A, %mul3A_22 : i32
    %add3A_24 = arith.constant 2000 : i32
    %add3A_25 = arith.addi %mul3A_23, %add3A_24 : i32
    %dma_start3A_26 = tpu.memref_slice %arg2[%add3A_25] : memref<640000xi32, #tpu.memory_space<hbm>> -> memref<2000xi32, #tpu.memory_space<hbm>>
    %dma_start3A_27 = tpu.memref_slice %arg2[%add3A_25] : memref<640000xi32, #tpu.memory_space<hbm>> -> memref<2000xi32, #tpu.memory_space<hbm>>
    tpu.enqueue_dma source(%dma_start3A_27 : memref<2000xi32, #tpu.memory_space<hbm>>) target(%arg8 : memref<2000xi32, #tpu.memory_space<vmem>>) target_semaphore(%arg11 : memref<!tpu.dma_semaphore, #tpu.memory_space<semaphore_mem>>)
    %add3A_28 = arith.constant 320000 : i32
    %add3A_29 = arith.addi %add3A_28, %add3A_25 : i32
    %dma_start3A_30 = tpu.memref_slice %arg2[%add3A_29] : memref<640000xi32, #tpu.memory_space<hbm>> -> memref<2000xi32, #tpu.memory_space<hbm>>
    %dma_start3A_31 = tpu.memref_slice %arg2[%add3A_29] : memref<640000xi32, #tpu.memory_space<hbm>> -> memref<2000xi32, #tpu.memory_space<hbm>>
    tpu.enqueue_dma source(%dma_start3A_31 : memref<2000xi32, #tpu.memory_space<hbm>>) target(%arg9 : memref<2000xi32, #tpu.memory_space<vmem>>) target_semaphore(%arg11 : memref<!tpu.dma_semaphore, #tpu.memory_space<semaphore_mem>>)
    %dma_wait3A = tpu.memref_slice %arg2[%add3A_5] : memref<640000xi32, #tpu.memory_space<hbm>> -> memref<2000xi32, #tpu.memory_space<hbm>>
    %dma_wait3A_32 = tpu.memref_slice %arg2[%add3A_5] : memref<640000xi32, #tpu.memory_space<hbm>> -> memref<2000xi32, #tpu.memory_space<hbm>>
    tpu.wait_dma2 semaphore(%arg10 : memref<!tpu.dma_semaphore, #tpu.memory_space<semaphore_mem>>) src(%dma_wait3A_32 : memref<2000xi32, #tpu.memory_space<hbm>>) dst(%arg6 : memref<2000xi32, #tpu.memory_space<vmem>>)
    %dma_wait3A_33 = tpu.memref_slice %arg2[%add3A_8] : memref<640000xi32, #tpu.memory_space<hbm>> -> memref<2000xi32, #tpu.memory_space<hbm>>
    %dma_wait3A_34 = tpu.memref_slice %arg2[%add3A_8] : memref<640000xi32, #tpu.memory_space<hbm>> -> memref<2000xi32, #tpu.memory_space<hbm>>
    tpu.wait_dma2 semaphore(%arg10 : memref<!tpu.dma_semaphore, #tpu.memory_space<semaphore_mem>>) src(%dma_wait3A_34 : memref<2000xi32, #tpu.memory_space<hbm>>) dst(%arg7 : memref<2000xi32, #tpu.memory_space<vmem>>)
    %scan3A_35 = arith.constant 0 : i32
    %scan3A_36 = arith.constant 0 : i32
    %scan3A_37 = arith.constant 25 : i32
    %scan3A_38 = arith.addi %scan3A_36, %scan3A_37 : i32
    %scan3A_39 = arith.constant 1 : i32
    %scan3A_40 = scf.for %scan3A_140 = %scan3A_36 to %scan3A_38 step %scan3A_39 iter_args(%scan3A_141 = %scan3A_35) -> (i32)  : i32 {
      %mul3A_142 = arith.constant 5 : i32
      %mul3A_143 = arith.muli %scan3A_140, %mul3A_142 : i32
      %add3A_144 = arith.constant 0 : i32
      %add3A_145 = arith.addi %mul3A_143, %add3A_144 : i32
      %mul3A_146 = arith.constant 16 : i32
      %mul3A_147 = arith.muli %add3A_145, %mul3A_146 : i32
      %get3A_148 = arith.index_cast %mul3A_147 : i32 to index
      %get3A_149 = tpu.vector_load %arg6[%get3A_148] {strides = array<i32>} : memref<2000xi32, #tpu.memory_space<vmem>>, vector<16xi32>,
      %mul3A_150 = arith.constant 16 : i32
      %mul3A_151 = arith.muli %add3A_145, %mul3A_150 : i32
      %get3A_152 = arith.index_cast %mul3A_151 : i32 to index
      %get3A_153 = tpu.vector_load %arg7[%get3A_152] {strides = array<i32>} : memref<2000xi32, #tpu.memory_space<vmem>>, vector<16xi32>,
      %ge3A = arith.constant 0 : i32
      %ge3A_154 = vector.broadcast %ge3A : i32 to vector<16xi32>
      %ge3A_155 = arith.cmpi sge, %get3A_153, %ge3A_154 : vector<16xi32>
      tpu.vector_store_idx %arg13[%get3A_153], %broadcast_in_dim3A_21 masked %ge3A_155 {add = true} : memref<10240xf32, #tpu.memory_space<vmem>>[vector<16xi32>], vector<16xf32>, vector<16xi1>
      %eq3A = arith.cmpi eq, %get3A_153, %get3A_17 : vector<16xi32>
      tpu.vector_store_idx %arg14[%get3A_149], %broadcast_in_dim3A_21 masked %eq3A {add = true} : memref<10240xf32, #tpu.memory_space<vmem>>[vector<16xi32>], vector<16xf32>, vector<16xi1>
      %eq3A_156 = arith.cmpi eq, %get3A_153, %get3A_19 : vector<16xi32>
      tpu.vector_store_idx %arg15[%get3A_149], %broadcast_in_dim3A_21 masked %eq3A_156 {add = true} : memref<10240xf32, #tpu.memory_space<vmem>>[vector<16xi32>], vector<16xf32>, vector<16xi1>
      %mul3A_157 = arith.constant 5 : i32
      %mul3A_158 = arith.muli %scan3A_140, %mul3A_157 : i32
      %add3A_159 = arith.constant 1 : i32
      %add3A_160 = arith.addi %mul3A_158, %add3A_159 : i32
      %mul3A_161 = arith.constant 16 : i32
      %mul3A_162 = arith.muli %add3A_160, %mul3A_161 : i32
      %get3A_163 = arith.index_cast %mul3A_162 : i32 to index
      %get3A_164 = tpu.vector_load %arg6[%get3A_163] {strides = array<i32>} : memref<2000xi32, #tpu.memory_space<vmem>>, vector<16xi32>,
      %mul3A_165 = arith.constant 16 : i32
      %mul3A_166 = arith.muli %add3A_160, %mul3A_165 : i32
      %get3A_167 = arith.index_cast %mul3A_166 : i32 to index
      %get3A_168 = tpu.vector_load %arg7[%get3A_167] {strides = array<i32>} : memref<2000xi32, #tpu.memory_space<vmem>>, vector<16xi32>,
      %ge3A_169 = arith.constant 0 : i32
      %ge3A_170 = vector.broadcast %ge3A_169 : i32 to vector<16xi32>
      %ge3A_171 = arith.cmpi sge, %get3A_168, %ge3A_170 : vector<16xi32>
      tpu.vector_store_idx %arg13[%get3A_168], %broadcast_in_dim3A_21 masked %ge3A_171 {add = true} : memref<10240xf32, #tpu.memory_space<vmem>>[vector<16xi32>], vector<16xf32>, vector<16xi1>
      %eq3A_172 = arith.cmpi eq, %get3A_168, %get3A_17 : vector<16xi32>
      tpu.vector_store_idx %arg14[%get3A_164], %broadcast_in_dim3A_21 masked %eq3A_172 {add = true} : memref<10240xf32, #tpu.memory_space<vmem>>[vector<16xi32>], vector<16xf32>, vector<16xi1>
      %eq3A_173 = arith.cmpi eq, %get3A_168, %get3A_19 : vector<16xi32>
      tpu.vector_store_idx %arg15[%get3A_164], %broadcast_in_dim3A_21 masked %eq3A_173 {add = true} : memref<10240xf32, #tpu.memory_space<vmem>>[vector<16xi32>], vector<16xf32>, vector<16xi1>
      %mul3A_174 = arith.constant 5 : i32
      %mul3A_175 = arith.muli %scan3A_140, %mul3A_174 : i32
      %add3A_176 = arith.constant 2 : i32
      %add3A_177 = arith.addi %mul3A_175, %add3A_176 : i32
      %mul3A_178 = arith.constant 16 : i32
      %mul3A_179 = arith.muli %add3A_177, %mul3A_178 : i32
      %get3A_180 = arith.index_cast %mul3A_179 : i32 to index
      %get3A_181 = tpu.vector_load %arg6[%get3A_180] {strides = array<i32>} : memref<2000xi32, #tpu.memory_space<vmem>>, vector<16xi32>,
      %mul3A_182 = arith.constant 16 : i32
      %mul3A_183 = arith.muli %add3A_177, %mul3A_182 : i32
      %get3A_184 = arith.index_cast %mul3A_183 : i32 to index
      %get3A_185 = tpu.vector_load %arg7[%get3A_184] {strides = array<i32>} : memref<2000xi32, #tpu.memory_space<vmem>>, vector<16xi32>,
      %ge3A_186 = arith.constant 0 : i32
      %ge3A_187 = vector.broadcast %ge3A_186 : i32 to vector<16xi32>
      %ge3A_188 = arith.cmpi sge, %get3A_185, %ge3A_187 : vector<16xi32>
      tpu.vector_store_idx %arg13[%get3A_185], %broadcast_in_dim3A_21 masked %ge3A_188 {add = true} : memref<10240xf32, #tpu.memory_space<vmem>>[vector<16xi32>], vector<16xf32>, vector<16xi1>
      %eq3A_189 = arith.cmpi eq, %get3A_185, %get3A_17 : vector<16xi32>
      tpu.vector_store_idx %arg14[%get3A_181], %broadcast_in_dim3A_21 masked %eq3A_189 {add = true} : memref<10240xf32, #tpu.memory_space<vmem>>[vector<16xi32>], vector<16xf32>, vector<16xi1>
      %eq3A_190 = arith.cmpi eq, %get3A_185, %get3A_19 : vector<16xi32>
      tpu.vector_store_idx %arg15[%get3A_181], %broadcast_in_dim3A_21 masked %eq3A_190 {add = true} : memref<10240xf32, #tpu.memory_space<vmem>>[vector<16xi32>], vector<16xf32>, vector<16xi1>
      %mul3A_191 = arith.constant 5 : i32
      %mul3A_192 = arith.muli %scan3A_140, %mul3A_191 : i32
      %add3A_193 = arith.constant 3 : i32
      %add3A_194 = arith.addi %mul3A_192, %add3A_193 : i32
      %mul3A_195 = arith.constant 16 : i32
      %mul3A_196 = arith.muli %add3A_194, %mul3A_195 : i32
      %get3A_197 = arith.index_cast %mul3A_196 : i32 to index
      %get3A_198 = tpu.vector_load %arg6[%get3A_197] {strides = array<i32>} : memref<2000xi32, #tpu.memory_space<vmem>>, vector<16xi32>,
      %mul3A_199 = arith.constant 16 : i32
      %mul3A_200 = arith.muli %add3A_194, %mul3A_199 : i32
      %get3A_201 = arith.index_cast %mul3A_200 : i32 to index
      %get3A_202 = tpu.vector_load %arg7[%get3A_201] {strides = array<i32>} : memref<2000xi32, #tpu.memory_space<vmem>>, vector<16xi32>,
      %ge3A_203 = arith.constant 0 : i32
      %ge3A_204 = vector.broadcast %ge3A_203 : i32 to vector<16xi32>
      %ge3A_205 = arith.cmpi sge, %get3A_202, %ge3A_204 : vector<16xi32>
      tpu.vector_store_idx %arg13[%get3A_202], %broadcast_in_dim3A_21 masked %ge3A_205 {add = true} : memref<10240xf32, #tpu.memory_space<vmem>>[vector<16xi32>], vector<16xf32>, vector<16xi1>
      %eq3A_206 = arith.cmpi eq, %get3A_202, %get3A_17 : vector<16xi32>
      tpu.vector_store_idx %arg14[%get3A_198], %broadcast_in_dim3A_21 masked %eq3A_206 {add = true} : memref<10240xf32, #tpu.memory_space<vmem>>[vector<16xi32>], vector<16xf32>, vector<16xi1>
      %eq3A_207 = arith.cmpi eq, %get3A_202, %get3A_19 : vector<16xi32>
      tpu.vector_store_idx %arg15[%get3A_198], %broadcast_in_dim3A_21 masked %eq3A_207 {add = true} : memref<10240xf32, #tpu.memory_space<vmem>>[vector<16xi32>], vector<16xf32>, vector<16xi1>
      %mul3A_208 = arith.constant 5 : i32
      %mul3A_209 = arith.muli %scan3A_140, %mul3A_208 : i32
      %add3A_210 = arith.constant 4 : i32
      %add3A_211 = arith.addi %mul3A_209, %add3A_210 : i32
      %mul3A_212 = arith.constant 16 : i32
      %mul3A_213 = arith.muli %add3A_211, %mul3A_212 : i32
      %get3A_214 = arith.index_cast %mul3A_213 : i32 to index
      %get3A_215 = tpu.vector_load %arg6[%get3A_214] {strides = array<i32>} : memref<2000xi32, #tpu.memory_space<vmem>>, vector<16xi32>,
      %mul3A_216 = arith.constant 16 : i32
      %mul3A_217 = arith.muli %add3A_211, %mul3A_216 : i32
      %get3A_218 = arith.index_cast %mul3A_217 : i32 to index
      %get3A_219 = tpu.vector_load %arg7[%get3A_218] {strides = array<i32>} : memref<2000xi32, #tpu.memory_space<vmem>>, vector<16xi32>,
      %ge3A_220 = arith.constant 0 : i32
      %ge3A_221 = vector.broadcast %ge3A_220 : i32 to vector<16xi32>
      %ge3A_222 = arith.cmpi sge, %get3A_219, %ge3A_221 : vector<16xi32>
      tpu.vector_store_idx %arg13[%get3A_219], %broadcast_in_dim3A_21 masked %ge3A_222 {add = true} : memref<10240xf32, #tpu.memory_space<vmem>>[vector<16xi32>], vector<16xf32>, vector<16xi1>
      %eq3A_223 = arith.cmpi eq, %get3A_219, %get3A_17 : vector<16xi32>
      tpu.vector_store_idx %arg14[%get3A_215], %broadcast_in_dim3A_21 masked %eq3A_223 {add = true} : memref<10240xf32, #tpu.memory_space<vmem>>[vector<16xi32>], vector<16xf32>, vector<16xi1>
      %eq3A_224 = arith.cmpi eq, %get3A_219, %get3A_19 : vector<16xi32>
      tpu.vector_store_idx %arg15[%get3A_215], %broadcast_in_dim3A_21 masked %eq3A_224 {add = true} : memref<10240xf32, #tpu.memory_space<vmem>>[vector<16xi32>], vector<16xf32>, vector<16xi1>
      %scan3A_225 = arith.constant 0 : i32
      scf.yield %scan3A_225 : i32
    }
    %scan3A_41 = arith.constant 25 : i32
    %mul3A_42 = arith.constant 10000 : i32
    %mul3A_43 = arith.muli %add3A, %mul3A_42 : i32
    %add3A_44 = arith.constant 4000 : i32
    %add3A_45 = arith.addi %mul3A_43, %add3A_44 : i32
    %dma_start3A_46 = tpu.memref_slice %arg2[%add3A_45] : memref<640000xi32, #tpu.memory_space<hbm>> -> memref<2000xi32, #tpu.memory_space<hbm>>
    %dma_start3A_47 = tpu.memref_slice %arg2[%add3A_45] : memref<640000xi32, #tpu.memory_space<hbm>> -> memref<2000xi32, #tpu.memory_space<hbm>>
    tpu.enqueue_dma source(%dma_start3A_47 : memref<2000xi32, #tpu.memory_space<hbm>>) target(%arg6 : memref<2000xi32, #tpu.memory_space<vmem>>) target_semaphore(%arg10 : memref<!tpu.dma_semaphore, #tpu.memory_space<semaphore_mem>>)
    %add3A_48 = arith.constant 320000 : i32
    %add3A_49 = arith.addi %add3A_48, %add3A_45 : i32
    %dma_start3A_50 = tpu.memref_slice %arg2[%add3A_49] : memref<640000xi32, #tpu.memory_space<hbm>> -> memref<2000xi32, #tpu.memory_space<hbm>>
    %dma_start3A_51 = tpu.memref_slice %arg2[%add3A_49] : memref<640000xi32, #tpu.memory_space<hbm>> -> memref<2000xi32, #tpu.memory_space<hbm>>
    tpu.enqueue_dma source(%dma_start3A_51 : memref<2000xi32, #tpu.memory_space<hbm>>) target(%arg7 : memref<2000xi32, #tpu.memory_space<vmem>>) target_semaphore(%arg10 : memref<!tpu.dma_semaphore, #tpu.memory_space<semaphore_mem>>)
    %dma_wait3A_52 = tpu.memref_slice %arg2[%add3A_25] : memref<640000xi32, #tpu.memory_space<hbm>> -> memref<2000xi32, #tpu.memory_space<hbm>>
    %dma_wait3A_53 = tpu.memref_slice %arg2[%add3A_25] : memref<640000xi32, #tpu.memory_space<hbm>> -> memref<2000xi32, #tpu.memory_space<hbm>>
    tpu.wait_dma2 semaphore(%arg11 : memref<!tpu.dma_semaphore, #tpu.memory_space<semaphore_mem>>) src(%dma_wait3A_53 : memref<2000xi32, #tpu.memory_space<hbm>>) dst(%arg8 : memref<2000xi32, #tpu.memory_space<vmem>>)
    %dma_wait3A_54 = tpu.memref_slice %arg2[%add3A_29] : memref<640000xi32, #tpu.memory_space<hbm>> -> memref<2000xi32, #tpu.memory_space<hbm>>
    %dma_wait3A_55 = tpu.memref_slice %arg2[%add3A_29] : memref<640000xi32, #tpu.memory_space<hbm>> -> memref<2000xi32, #tpu.memory_space<hbm>>
    tpu.wait_dma2 semaphore(%arg11 : memref<!tpu.dma_semaphore, #tpu.memory_space<semaphore_mem>>) src(%dma_wait3A_55 : memref<2000xi32, #tpu.memory_space<hbm>>) dst(%arg9 : memref<2000xi32, #tpu.memory_space<vmem>>)
    %scan3A_56 = arith.constant 0 : i32
    %scan3A_57 = arith.constant 0 : i32
    %scan3A_58 = arith.constant 25 : i32
    %scan3A_59 = arith.addi %scan3A_57, %scan3A_58 : i32
    %scan3A_60 = arith.constant 1 : i32
    %scan3A_61 = scf.for %scan3A_140 = %scan3A_57 to %scan3A_59 step %scan3A_60 iter_args(%scan3A_141 = %scan3A_56) -> (i32)  : i32 {
      %mul3A_142 = arith.constant 5 : i32
      %mul3A_143 = arith.muli %scan3A_140, %mul3A_142 : i32
      %add3A_144 = arith.constant 0 : i32
      %add3A_145 = arith.addi %mul3A_143, %add3A_144 : i32
      %mul3A_146 = arith.constant 16 : i32
      %mul3A_147 = arith.muli %add3A_145, %mul3A_146 : i32
      %get3A_148 = arith.index_cast %mul3A_147 : i32 to index
      %get3A_149 = tpu.vector_load %arg8[%get3A_148] {strides = array<i32>} : memref<2000xi32, #tpu.memory_space<vmem>>, vector<16xi32>,
      %mul3A_150 = arith.constant 16 : i32
      %mul3A_151 = arith.muli %add3A_145, %mul3A_150 : i32
      %get3A_152 = arith.index_cast %mul3A_151 : i32 to index
      %get3A_153 = tpu.vector_load %arg9[%get3A_152] {strides = array<i32>} : memref<2000xi32, #tpu.memory_space<vmem>>, vector<16xi32>,
      %ge3A = arith.constant 0 : i32
      %ge3A_154 = vector.broadcast %ge3A : i32 to vector<16xi32>
      %ge3A_155 = arith.cmpi sge, %get3A_153, %ge3A_154 : vector<16xi32>
      tpu.vector_store_idx %arg13[%get3A_153], %broadcast_in_dim3A_21 masked %ge3A_155 {add = true} : memref<10240xf32, #tpu.memory_space<vmem>>[vector<16xi32>], vector<16xf32>, vector<16xi1>
      %eq3A = arith.cmpi eq, %get3A_153, %get3A_17 : vector<16xi32>
      tpu.vector_store_idx %arg14[%get3A_149], %broadcast_in_dim3A_21 masked %eq3A {add = true} : memref<10240xf32, #tpu.memory_space<vmem>>[vector<16xi32>], vector<16xf32>, vector<16xi1>
      %eq3A_156 = arith.cmpi eq, %get3A_153, %get3A_19 : vector<16xi32>
      tpu.vector_store_idx %arg15[%get3A_149], %broadcast_in_dim3A_21 masked %eq3A_156 {add = true} : memref<10240xf32, #tpu.memory_space<vmem>>[vector<16xi32>], vector<16xf32>, vector<16xi1>
      %mul3A_157 = arith.constant 5 : i32
      %mul3A_158 = arith.muli %scan3A_140, %mul3A_157 : i32
      %add3A_159 = arith.constant 1 : i32
      %add3A_160 = arith.addi %mul3A_158, %add3A_159 : i32
      %mul3A_161 = arith.constant 16 : i32
      %mul3A_162 = arith.muli %add3A_160, %mul3A_161 : i32
      %get3A_163 = arith.index_cast %mul3A_162 : i32 to index
      %get3A_164 = tpu.vector_load %arg8[%get3A_163] {strides = array<i32>} : memref<2000xi32, #tpu.memory_space<vmem>>, vector<16xi32>,
      %mul3A_165 = arith.constant 16 : i32
      %mul3A_166 = arith.muli %add3A_160, %mul3A_165 : i32
      %get3A_167 = arith.index_cast %mul3A_166 : i32 to index
      %get3A_168 = tpu.vector_load %arg9[%get3A_167] {strides = array<i32>} : memref<2000xi32, #tpu.memory_space<vmem>>, vector<16xi32>,
      %ge3A_169 = arith.constant 0 : i32
      %ge3A_170 = vector.broadcast %ge3A_169 : i32 to vector<16xi32>
      %ge3A_171 = arith.cmpi sge, %get3A_168, %ge3A_170 : vector<16xi32>
      tpu.vector_store_idx %arg13[%get3A_168], %broadcast_in_dim3A_21 masked %ge3A_171 {add = true} : memref<10240xf32, #tpu.memory_space<vmem>>[vector<16xi32>], vector<16xf32>, vector<16xi1>
      %eq3A_172 = arith.cmpi eq, %get3A_168, %get3A_17 : vector<16xi32>
      tpu.vector_store_idx %arg14[%get3A_164], %broadcast_in_dim3A_21 masked %eq3A_172 {add = true} : memref<10240xf32, #tpu.memory_space<vmem>>[vector<16xi32>], vector<16xf32>, vector<16xi1>
      %eq3A_173 = arith.cmpi eq, %get3A_168, %get3A_19 : vector<16xi32>
      tpu.vector_store_idx %arg15[%get3A_164], %broadcast_in_dim3A_21 masked %eq3A_173 {add = true} : memref<10240xf32, #tpu.memory_space<vmem>>[vector<16xi32>], vector<16xf32>, vector<16xi1>
      %mul3A_174 = arith.constant 5 : i32
      %mul3A_175 = arith.muli %scan3A_140, %mul3A_174 : i32
      %add3A_176 = arith.constant 2 : i32
      %add3A_177 = arith.addi %mul3A_175, %add3A_176 : i32
      %mul3A_178 = arith.constant 16 : i32
      %mul3A_179 = arith.muli %add3A_177, %mul3A_178 : i32
      %get3A_180 = arith.index_cast %mul3A_179 : i32 to index
      %get3A_181 = tpu.vector_load %arg8[%get3A_180] {strides = array<i32>} : memref<2000xi32, #tpu.memory_space<vmem>>, vector<16xi32>,
      %mul3A_182 = arith.constant 16 : i32
      %mul3A_183 = arith.muli %add3A_177, %mul3A_182 : i32
      %get3A_184 = arith.index_cast %mul3A_183 : i32 to index
      %get3A_185 = tpu.vector_load %arg9[%get3A_184] {strides = array<i32>} : memref<2000xi32, #tpu.memory_space<vmem>>, vector<16xi32>,
      %ge3A_186 = arith.constant 0 : i32
      %ge3A_187 = vector.broadcast %ge3A_186 : i32 to vector<16xi32>
      %ge3A_188 = arith.cmpi sge, %get3A_185, %ge3A_187 : vector<16xi32>
      tpu.vector_store_idx %arg13[%get3A_185], %broadcast_in_dim3A_21 masked %ge3A_188 {add = true} : memref<10240xf32, #tpu.memory_space<vmem>>[vector<16xi32>], vector<16xf32>, vector<16xi1>
      %eq3A_189 = arith.cmpi eq, %get3A_185, %get3A_17 : vector<16xi32>
      tpu.vector_store_idx %arg14[%get3A_181], %broadcast_in_dim3A_21 masked %eq3A_189 {add = true} : memref<10240xf32, #tpu.memory_space<vmem>>[vector<16xi32>], vector<16xf32>, vector<16xi1>
      %eq3A_190 = arith.cmpi eq, %get3A_185, %get3A_19 : vector<16xi32>
      tpu.vector_store_idx %arg15[%get3A_181], %broadcast_in_dim3A_21 masked %eq3A_190 {add = true} : memref<10240xf32, #tpu.memory_space<vmem>>[vector<16xi32>], vector<16xf32>, vector<16xi1>
      %mul3A_191 = arith.constant 5 : i32
      %mul3A_192 = arith.muli %scan3A_140, %mul3A_191 : i32
      %add3A_193 = arith.constant 3 : i32
      %add3A_194 = arith.addi %mul3A_192, %add3A_193 : i32
      %mul3A_195 = arith.constant 16 : i32
      %mul3A_196 = arith.muli %add3A_194, %mul3A_195 : i32
      %get3A_197 = arith.index_cast %mul3A_196 : i32 to index
      %get3A_198 = tpu.vector_load %arg8[%get3A_197] {strides = array<i32>} : memref<2000xi32, #tpu.memory_space<vmem>>, vector<16xi32>,
      %mul3A_199 = arith.constant 16 : i32
      %mul3A_200 = arith.muli %add3A_194, %mul3A_199 : i32
      %get3A_201 = arith.index_cast %mul3A_200 : i32 to index
      %get3A_202 = tpu.vector_load %arg9[%get3A_201] {strides = array<i32>} : memref<2000xi32, #tpu.memory_space<vmem>>, vector<16xi32>,
      %ge3A_203 = arith.constant 0 : i32
      %ge3A_204 = vector.broadcast %ge3A_203 : i32 to vector<16xi32>
      %ge3A_205 = arith.cmpi sge, %get3A_202, %ge3A_204 : vector<16xi32>
      tpu.vector_store_idx %arg13[%get3A_202], %broadcast_in_dim3A_21 masked %ge3A_205 {add = true} : memref<10240xf32, #tpu.memory_space<vmem>>[vector<16xi32>], vector<16xf32>, vector<16xi1>
      %eq3A_206 = arith.cmpi eq, %get3A_202, %get3A_17 : vector<16xi32>
      tpu.vector_store_idx %arg14[%get3A_198], %broadcast_in_dim3A_21 masked %eq3A_206 {add = true} : memref<10240xf32, #tpu.memory_space<vmem>>[vector<16xi32>], vector<16xf32>, vector<16xi1>
      %eq3A_207 = arith.cmpi eq, %get3A_202, %get3A_19 : vector<16xi32>
      tpu.vector_store_idx %arg15[%get3A_198], %broadcast_in_dim3A_21 masked %eq3A_207 {add = true} : memref<10240xf32, #tpu.memory_space<vmem>>[vector<16xi32>], vector<16xf32>, vector<16xi1>
      %mul3A_208 = arith.constant 5 : i32
      %mul3A_209 = arith.muli %scan3A_140, %mul3A_208 : i32
      %add3A_210 = arith.constant 4 : i32
      %add3A_211 = arith.addi %mul3A_209, %add3A_210 : i32
      %mul3A_212 = arith.constant 16 : i32
      %mul3A_213 = arith.muli %add3A_211, %mul3A_212 : i32
      %get3A_214 = arith.index_cast %mul3A_213 : i32 to index
      %get3A_215 = tpu.vector_load %arg8[%get3A_214] {strides = array<i32>} : memref<2000xi32, #tpu.memory_space<vmem>>, vector<16xi32>,
      %mul3A_216 = arith.constant 16 : i32
      %mul3A_217 = arith.muli %add3A_211, %mul3A_216 : i32
      %get3A_218 = arith.index_cast %mul3A_217 : i32 to index
      %get3A_219 = tpu.vector_load %arg9[%get3A_218] {strides = array<i32>} : memref<2000xi32, #tpu.memory_space<vmem>>, vector<16xi32>,
      %ge3A_220 = arith.constant 0 : i32
      %ge3A_221 = vector.broadcast %ge3A_220 : i32 to vector<16xi32>
      %ge3A_222 = arith.cmpi sge, %get3A_219, %ge3A_221 : vector<16xi32>
      tpu.vector_store_idx %arg13[%get3A_219], %broadcast_in_dim3A_21 masked %ge3A_222 {add = true} : memref<10240xf32, #tpu.memory_space<vmem>>[vector<16xi32>], vector<16xf32>, vector<16xi1>
      %eq3A_223 = arith.cmpi eq, %get3A_219, %get3A_17 : vector<16xi32>
      tpu.vector_store_idx %arg14[%get3A_215], %broadcast_in_dim3A_21 masked %eq3A_223 {add = true} : memref<10240xf32, #tpu.memory_space<vmem>>[vector<16xi32>], vector<16xf32>, vector<16xi1>
      %eq3A_224 = arith.cmpi eq, %get3A_219, %get3A_19 : vector<16xi32>
      tpu.vector_store_idx %arg15[%get3A_215], %broadcast_in_dim3A_21 masked %eq3A_224 {add = true} : memref<10240xf32, #tpu.memory_space<vmem>>[vector<16xi32>], vector<16xf32>, vector<16xi1>
      %scan3A_225 = arith.constant 0 : i32
      scf.yield %scan3A_225 : i32
    }
    %scan3A_62 = arith.constant 25 : i32
    %mul3A_63 = arith.constant 10000 : i32
    %mul3A_64 = arith.muli %add3A, %mul3A_63 : i32
    %add3A_65 = arith.constant 6000 : i32
    %add3A_66 = arith.addi %mul3A_64, %add3A_65 : i32
    %dma_start3A_67 = tpu.memref_slice %arg2[%add3A_66] : memref<640000xi32, #tpu.memory_space<hbm>> -> memref<2000xi32, #tpu.memory_space<hbm>>
    %dma_start3A_68 = tpu.memref_slice %arg2[%add3A_66] : memref<640000xi32, #tpu.memory_space<hbm>> -> memref<2000xi32, #tpu.memory_space<hbm>>
    tpu.enqueue_dma source(%dma_start3A_68 : memref<2000xi32, #tpu.memory_space<hbm>>) target(%arg8 : memref<2000xi32, #tpu.memory_space<vmem>>) target_semaphore(%arg11 : memref<!tpu.dma_semaphore, #tpu.memory_space<semaphore_mem>>)
    %add3A_69 = arith.constant 320000 : i32
    %add3A_70 = arith.addi %add3A_69, %add3A_66 : i32
    %dma_start3A_71 = tpu.memref_slice %arg2[%add3A_70] : memref<640000xi32, #tpu.memory_space<hbm>> -> memref<2000xi32, #tpu.memory_space<hbm>>
    %dma_start3A_72 = tpu.memref_slice %arg2[%add3A_70] : memref<640000xi32, #tpu.memory_space<hbm>> -> memref<2000xi32, #tpu.memory_space<hbm>>
    tpu.enqueue_dma source(%dma_start3A_72 : memref<2000xi32, #tpu.memory_space<hbm>>) target(%arg9 : memref<2000xi32, #tpu.memory_space<vmem>>) target_semaphore(%arg11 : memref<!tpu.dma_semaphore, #tpu.memory_space<semaphore_mem>>)
    %dma_wait3A_73 = tpu.memref_slice %arg2[%add3A_45] : memref<640000xi32, #tpu.memory_space<hbm>> -> memref<2000xi32, #tpu.memory_space<hbm>>
    %dma_wait3A_74 = tpu.memref_slice %arg2[%add3A_45] : memref<640000xi32, #tpu.memory_space<hbm>> -> memref<2000xi32, #tpu.memory_space<hbm>>
    tpu.wait_dma2 semaphore(%arg10 : memref<!tpu.dma_semaphore, #tpu.memory_space<semaphore_mem>>) src(%dma_wait3A_74 : memref<2000xi32, #tpu.memory_space<hbm>>) dst(%arg6 : memref<2000xi32, #tpu.memory_space<vmem>>)
    %dma_wait3A_75 = tpu.memref_slice %arg2[%add3A_49] : memref<640000xi32, #tpu.memory_space<hbm>> -> memref<2000xi32, #tpu.memory_space<hbm>>
    %dma_wait3A_76 = tpu.memref_slice %arg2[%add3A_49] : memref<640000xi32, #tpu.memory_space<hbm>> -> memref<2000xi32, #tpu.memory_space<hbm>>
    tpu.wait_dma2 semaphore(%arg10 : memref<!tpu.dma_semaphore, #tpu.memory_space<semaphore_mem>>) src(%dma_wait3A_76 : memref<2000xi32, #tpu.memory_space<hbm>>) dst(%arg7 : memref<2000xi32, #tpu.memory_space<vmem>>)
    %scan3A_77 = arith.constant 0 : i32
    %scan3A_78 = arith.constant 0 : i32
    %scan3A_79 = arith.constant 25 : i32
    %scan3A_80 = arith.addi %scan3A_78, %scan3A_79 : i32
    %scan3A_81 = arith.constant 1 : i32
    %scan3A_82 = scf.for %scan3A_140 = %scan3A_78 to %scan3A_80 step %scan3A_81 iter_args(%scan3A_141 = %scan3A_77) -> (i32)  : i32 {
      %mul3A_142 = arith.constant 5 : i32
      %mul3A_143 = arith.muli %scan3A_140, %mul3A_142 : i32
      %add3A_144 = arith.constant 0 : i32
      %add3A_145 = arith.addi %mul3A_143, %add3A_144 : i32
      %mul3A_146 = arith.constant 16 : i32
      %mul3A_147 = arith.muli %add3A_145, %mul3A_146 : i32
      %get3A_148 = arith.index_cast %mul3A_147 : i32 to index
      %get3A_149 = tpu.vector_load %arg6[%get3A_148] {strides = array<i32>} : memref<2000xi32, #tpu.memory_space<vmem>>, vector<16xi32>,
      %mul3A_150 = arith.constant 16 : i32
      %mul3A_151 = arith.muli %add3A_145, %mul3A_150 : i32
      %get3A_152 = arith.index_cast %mul3A_151 : i32 to index
      %get3A_153 = tpu.vector_load %arg7[%get3A_152] {strides = array<i32>} : memref<2000xi32, #tpu.memory_space<vmem>>, vector<16xi32>,
      %ge3A = arith.constant 0 : i32
      %ge3A_154 = vector.broadcast %ge3A : i32 to vector<16xi32>
      %ge3A_155 = arith.cmpi sge, %get3A_153, %ge3A_154 : vector<16xi32>
      tpu.vector_store_idx %arg13[%get3A_153], %broadcast_in_dim3A_21 masked %ge3A_155 {add = true} : memref<10240xf32, #tpu.memory_space<vmem>>[vector<16xi32>], vector<16xf32>, vector<16xi1>
      %eq3A = arith.cmpi eq, %get3A_153, %get3A_17 : vector<16xi32>
      tpu.vector_store_idx %arg14[%get3A_149], %broadcast_in_dim3A_21 masked %eq3A {add = true} : memref<10240xf32, #tpu.memory_space<vmem>>[vector<16xi32>], vector<16xf32>, vector<16xi1>
      %eq3A_156 = arith.cmpi eq, %get3A_153, %get3A_19 : vector<16xi32>
      tpu.vector_store_idx %arg15[%get3A_149], %broadcast_in_dim3A_21 masked %eq3A_156 {add = true} : memref<10240xf32, #tpu.memory_space<vmem>>[vector<16xi32>], vector<16xf32>, vector<16xi1>
      %mul3A_157 = arith.constant 5 : i32
      %mul3A_158 = arith.muli %scan3A_140, %mul3A_157 : i32
      %add3A_159 = arith.constant 1 : i32
      %add3A_160 = arith.addi %mul3A_158, %add3A_159 : i32
      %mul3A_161 = arith.constant 16 : i32
      %mul3A_162 = arith.muli %add3A_160, %mul3A_161 : i32
      %get3A_163 = arith.index_cast %mul3A_162 : i32 to index
      %get3A_164 = tpu.vector_load %arg6[%get3A_163] {strides = array<i32>} : memref<2000xi32, #tpu.memory_space<vmem>>, vector<16xi32>,
      %mul3A_165 = arith.constant 16 : i32
      %mul3A_166 = arith.muli %add3A_160, %mul3A_165 : i32
      %get3A_167 = arith.index_cast %mul3A_166 : i32 to index
      %get3A_168 = tpu.vector_load %arg7[%get3A_167] {strides = array<i32>} : memref<2000xi32, #tpu.memory_space<vmem>>, vector<16xi32>,
      %ge3A_169 = arith.constant 0 : i32
      %ge3A_170 = vector.broadcast %ge3A_169 : i32 to vector<16xi32>
      %ge3A_171 = arith.cmpi sge, %get3A_168, %ge3A_170 : vector<16xi32>
      tpu.vector_store_idx %arg13[%get3A_168], %broadcast_in_dim3A_21 masked %ge3A_171 {add = true} : memref<10240xf32, #tpu.memory_space<vmem>>[vector<16xi32>], vector<16xf32>, vector<16xi1>
      %eq3A_172 = arith.cmpi eq, %get3A_168, %get3A_17 : vector<16xi32>
      tpu.vector_store_idx %arg14[%get3A_164], %broadcast_in_dim3A_21 masked %eq3A_172 {add = true} : memref<10240xf32, #tpu.memory_space<vmem>>[vector<16xi32>], vector<16xf32>, vector<16xi1>
      %eq3A_173 = arith.cmpi eq, %get3A_168, %get3A_19 : vector<16xi32>
      tpu.vector_store_idx %arg15[%get3A_164], %broadcast_in_dim3A_21 masked %eq3A_173 {add = true} : memref<10240xf32, #tpu.memory_space<vmem>>[vector<16xi32>], vector<16xf32>, vector<16xi1>
      %mul3A_174 = arith.constant 5 : i32
      %mul3A_175 = arith.muli %scan3A_140, %mul3A_174 : i32
      %add3A_176 = arith.constant 2 : i32
      %add3A_177 = arith.addi %mul3A_175, %add3A_176 : i32
      %mul3A_178 = arith.constant 16 : i32
      %mul3A_179 = arith.muli %add3A_177, %mul3A_178 : i32
      %get3A_180 = arith.index_cast %mul3A_179 : i32 to index
      %get3A_181 = tpu.vector_load %arg6[%get3A_180] {strides = array<i32>} : memref<2000xi32, #tpu.memory_space<vmem>>, vector<16xi32>,
      %mul3A_182 = arith.constant 16 : i32
      %mul3A_183 = arith.muli %add3A_177, %mul3A_182 : i32
      %get3A_184 = arith.index_cast %mul3A_183 : i32 to index
      %get3A_185 = tpu.vector_load %arg7[%get3A_184] {strides = array<i32>} : memref<2000xi32, #tpu.memory_space<vmem>>, vector<16xi32>,
      %ge3A_186 = arith.constant 0 : i32
      %ge3A_187 = vector.broadcast %ge3A_186 : i32 to vector<16xi32>
      %ge3A_188 = arith.cmpi sge, %get3A_185, %ge3A_187 : vector<16xi32>
      tpu.vector_store_idx %arg13[%get3A_185], %broadcast_in_dim3A_21 masked %ge3A_188 {add = true} : memref<10240xf32, #tpu.memory_space<vmem>>[vector<16xi32>], vector<16xf32>, vector<16xi1>
      %eq3A_189 = arith.cmpi eq, %get3A_185, %get3A_17 : vector<16xi32>
      tpu.vector_store_idx %arg14[%get3A_181], %broadcast_in_dim3A_21 masked %eq3A_189 {add = true} : memref<10240xf32, #tpu.memory_space<vmem>>[vector<16xi32>], vector<16xf32>, vector<16xi1>
      %eq3A_190 = arith.cmpi eq, %get3A_185, %get3A_19 : vector<16xi32>
      tpu.vector_store_idx %arg15[%get3A_181], %broadcast_in_dim3A_21 masked %eq3A_190 {add = true} : memref<10240xf32, #tpu.memory_space<vmem>>[vector<16xi32>], vector<16xf32>, vector<16xi1>
      %mul3A_191 = arith.constant 5 : i32
      %mul3A_192 = arith.muli %scan3A_140, %mul3A_191 : i32
      %add3A_193 = arith.constant 3 : i32
      %add3A_194 = arith.addi %mul3A_192, %add3A_193 : i32
      %mul3A_195 = arith.constant 16 : i32
      %mul3A_196 = arith.muli %add3A_194, %mul3A_195 : i32
      %get3A_197 = arith.index_cast %mul3A_196 : i32 to index
      %get3A_198 = tpu.vector_load %arg6[%get3A_197] {strides = array<i32>} : memref<2000xi32, #tpu.memory_space<vmem>>, vector<16xi32>,
      %mul3A_199 = arith.constant 16 : i32
      %mul3A_200 = arith.muli %add3A_194, %mul3A_199 : i32
      %get3A_201 = arith.index_cast %mul3A_200 : i32 to index
      %get3A_202 = tpu.vector_load %arg7[%get3A_201] {strides = array<i32>} : memref<2000xi32, #tpu.memory_space<vmem>>, vector<16xi32>,
      %ge3A_203 = arith.constant 0 : i32
      %ge3A_204 = vector.broadcast %ge3A_203 : i32 to vector<16xi32>
      %ge3A_205 = arith.cmpi sge, %get3A_202, %ge3A_204 : vector<16xi32>
      tpu.vector_store_idx %arg13[%get3A_202], %broadcast_in_dim3A_21 masked %ge3A_205 {add = true} : memref<10240xf32, #tpu.memory_space<vmem>>[vector<16xi32>], vector<16xf32>, vector<16xi1>
      %eq3A_206 = arith.cmpi eq, %get3A_202, %get3A_17 : vector<16xi32>
      tpu.vector_store_idx %arg14[%get3A_198], %broadcast_in_dim3A_21 masked %eq3A_206 {add = true} : memref<10240xf32, #tpu.memory_space<vmem>>[vector<16xi32>], vector<16xf32>, vector<16xi1>
      %eq3A_207 = arith.cmpi eq, %get3A_202, %get3A_19 : vector<16xi32>
      tpu.vector_store_idx %arg15[%get3A_198], %broadcast_in_dim3A_21 masked %eq3A_207 {add = true} : memref<10240xf32, #tpu.memory_space<vmem>>[vector<16xi32>], vector<16xf32>, vector<16xi1>
      %mul3A_208 = arith.constant 5 : i32
      %mul3A_209 = arith.muli %scan3A_140, %mul3A_208 : i32
      %add3A_210 = arith.constant 4 : i32
      %add3A_211 = arith.addi %mul3A_209, %add3A_210 : i32
      %mul3A_212 = arith.constant 16 : i32
      %mul3A_213 = arith.muli %add3A_211, %mul3A_212 : i32
      %get3A_214 = arith.index_cast %mul3A_213 : i32 to index
      %get3A_215 = tpu.vector_load %arg6[%get3A_214] {strides = array<i32>} : memref<2000xi32, #tpu.memory_space<vmem>>, vector<16xi32>,
      %mul3A_216 = arith.constant 16 : i32
      %mul3A_217 = arith.muli %add3A_211, %mul3A_216 : i32
      %get3A_218 = arith.index_cast %mul3A_217 : i32 to index
      %get3A_219 = tpu.vector_load %arg7[%get3A_218] {strides = array<i32>} : memref<2000xi32, #tpu.memory_space<vmem>>, vector<16xi32>,
      %ge3A_220 = arith.constant 0 : i32
      %ge3A_221 = vector.broadcast %ge3A_220 : i32 to vector<16xi32>
      %ge3A_222 = arith.cmpi sge, %get3A_219, %ge3A_221 : vector<16xi32>
      tpu.vector_store_idx %arg13[%get3A_219], %broadcast_in_dim3A_21 masked %ge3A_222 {add = true} : memref<10240xf32, #tpu.memory_space<vmem>>[vector<16xi32>], vector<16xf32>, vector<16xi1>
      %eq3A_223 = arith.cmpi eq, %get3A_219, %get3A_17 : vector<16xi32>
      tpu.vector_store_idx %arg14[%get3A_215], %broadcast_in_dim3A_21 masked %eq3A_223 {add = true} : memref<10240xf32, #tpu.memory_space<vmem>>[vector<16xi32>], vector<16xf32>, vector<16xi1>
      %eq3A_224 = arith.cmpi eq, %get3A_219, %get3A_19 : vector<16xi32>
      tpu.vector_store_idx %arg15[%get3A_215], %broadcast_in_dim3A_21 masked %eq3A_224 {add = true} : memref<10240xf32, #tpu.memory_space<vmem>>[vector<16xi32>], vector<16xf32>, vector<16xi1>
      %scan3A_225 = arith.constant 0 : i32
      scf.yield %scan3A_225 : i32
    }
    %scan3A_83 = arith.constant 25 : i32
    %mul3A_84 = arith.constant 10000 : i32
    %mul3A_85 = arith.muli %add3A, %mul3A_84 : i32
    %add3A_86 = arith.constant 8000 : i32
    %add3A_87 = arith.addi %mul3A_85, %add3A_86 : i32
    %dma_start3A_88 = tpu.memref_slice %arg2[%add3A_87] : memref<640000xi32, #tpu.memory_space<hbm>> -> memref<2000xi32, #tpu.memory_space<hbm>>
    %dma_start3A_89 = tpu.memref_slice %arg2[%add3A_87] : memref<640000xi32, #tpu.memory_space<hbm>> -> memref<2000xi32, #tpu.memory_space<hbm>>
    tpu.enqueue_dma source(%dma_start3A_89 : memref<2000xi32, #tpu.memory_space<hbm>>) target(%arg6 : memref<2000xi32, #tpu.memory_space<vmem>>) target_semaphore(%arg10 : memref<!tpu.dma_semaphore, #tpu.memory_space<semaphore_mem>>)
    %add3A_90 = arith.constant 320000 : i32
    %add3A_91 = arith.addi %add3A_90, %add3A_87 : i32
    %dma_start3A_92 = tpu.memref_slice %arg2[%add3A_91] : memref<640000xi32, #tpu.memory_space<hbm>> -> memref<2000xi32, #tpu.memory_space<hbm>>
    %dma_start3A_93 = tpu.memref_slice %arg2[%add3A_91] : memref<640000xi32, #tpu.memory_space<hbm>> -> memref<2000xi32, #tpu.memory_space<hbm>>
    tpu.enqueue_dma source(%dma_start3A_93 : memref<2000xi32, #tpu.memory_space<hbm>>) target(%arg7 : memref<2000xi32, #tpu.memory_space<vmem>>) target_semaphore(%arg10 : memref<!tpu.dma_semaphore, #tpu.memory_space<semaphore_mem>>)
    %dma_wait3A_94 = tpu.memref_slice %arg2[%add3A_66] : memref<640000xi32, #tpu.memory_space<hbm>> -> memref<2000xi32, #tpu.memory_space<hbm>>
    %dma_wait3A_95 = tpu.memref_slice %arg2[%add3A_66] : memref<640000xi32, #tpu.memory_space<hbm>> -> memref<2000xi32, #tpu.memory_space<hbm>>
    tpu.wait_dma2 semaphore(%arg11 : memref<!tpu.dma_semaphore, #tpu.memory_space<semaphore_mem>>) src(%dma_wait3A_95 : memref<2000xi32, #tpu.memory_space<hbm>>) dst(%arg8 : memref<2000xi32, #tpu.memory_space<vmem>>)
    %dma_wait3A_96 = tpu.memref_slice %arg2[%add3A_70] : memref<640000xi32, #tpu.memory_space<hbm>> -> memref<2000xi32, #tpu.memory_space<hbm>>
    %dma_wait3A_97 = tpu.memref_slice %arg2[%add3A_70] : memref<640000xi32, #tpu.memory_space<hbm>> -> memref<2000xi32, #tpu.memory_space<hbm>>
    tpu.wait_dma2 semaphore(%arg11 : memref<!tpu.dma_semaphore, #tpu.memory_space<semaphore_mem>>) src(%dma_wait3A_97 : memref<2000xi32, #tpu.memory_space<hbm>>) dst(%arg9 : memref<2000xi32, #tpu.memory_space<vmem>>)
    %scan3A_98 = arith.constant 0 : i32
    %scan3A_99 = arith.constant 0 : i32
    %scan3A_100 = arith.constant 25 : i32
    %scan3A_101 = arith.addi %scan3A_99, %scan3A_100 : i32
    %scan3A_102 = arith.constant 1 : i32
    %scan3A_103 = scf.for %scan3A_140 = %scan3A_99 to %scan3A_101 step %scan3A_102 iter_args(%scan3A_141 = %scan3A_98) -> (i32)  : i32 {
      %mul3A_142 = arith.constant 5 : i32
      %mul3A_143 = arith.muli %scan3A_140, %mul3A_142 : i32
      %add3A_144 = arith.constant 0 : i32
      %add3A_145 = arith.addi %mul3A_143, %add3A_144 : i32
      %mul3A_146 = arith.constant 16 : i32
      %mul3A_147 = arith.muli %add3A_145, %mul3A_146 : i32
      %get3A_148 = arith.index_cast %mul3A_147 : i32 to index
      %get3A_149 = tpu.vector_load %arg8[%get3A_148] {strides = array<i32>} : memref<2000xi32, #tpu.memory_space<vmem>>, vector<16xi32>,
      %mul3A_150 = arith.constant 16 : i32
      %mul3A_151 = arith.muli %add3A_145, %mul3A_150 : i32
      %get3A_152 = arith.index_cast %mul3A_151 : i32 to index
      %get3A_153 = tpu.vector_load %arg9[%get3A_152] {strides = array<i32>} : memref<2000xi32, #tpu.memory_space<vmem>>, vector<16xi32>,
      %ge3A = arith.constant 0 : i32
      %ge3A_154 = vector.broadcast %ge3A : i32 to vector<16xi32>
      %ge3A_155 = arith.cmpi sge, %get3A_153, %ge3A_154 : vector<16xi32>
      tpu.vector_store_idx %arg13[%get3A_153], %broadcast_in_dim3A_21 masked %ge3A_155 {add = true} : memref<10240xf32, #tpu.memory_space<vmem>>[vector<16xi32>], vector<16xf32>, vector<16xi1>
      %eq3A = arith.cmpi eq, %get3A_153, %get3A_17 : vector<16xi32>
      tpu.vector_store_idx %arg14[%get3A_149], %broadcast_in_dim3A_21 masked %eq3A {add = true} : memref<10240xf32, #tpu.memory_space<vmem>>[vector<16xi32>], vector<16xf32>, vector<16xi1>
      %eq3A_156 = arith.cmpi eq, %get3A_153, %get3A_19 : vector<16xi32>
      tpu.vector_store_idx %arg15[%get3A_149], %broadcast_in_dim3A_21 masked %eq3A_156 {add = true} : memref<10240xf32, #tpu.memory_space<vmem>>[vector<16xi32>], vector<16xf32>, vector<16xi1>
      %mul3A_157 = arith.constant 5 : i32
      %mul3A_158 = arith.muli %scan3A_140, %mul3A_157 : i32
      %add3A_159 = arith.constant 1 : i32
      %add3A_160 = arith.addi %mul3A_158, %add3A_159 : i32
      %mul3A_161 = arith.constant 16 : i32
      %mul3A_162 = arith.muli %add3A_160, %mul3A_161 : i32
      %get3A_163 = arith.index_cast %mul3A_162 : i32 to index
      %get3A_164 = tpu.vector_load %arg8[%get3A_163] {strides = array<i32>} : memref<2000xi32, #tpu.memory_space<vmem>>, vector<16xi32>,
      %mul3A_165 = arith.constant 16 : i32
      %mul3A_166 = arith.muli %add3A_160, %mul3A_165 : i32
      %get3A_167 = arith.index_cast %mul3A_166 : i32 to index
      %get3A_168 = tpu.vector_load %arg9[%get3A_167] {strides = array<i32>} : memref<2000xi32, #tpu.memory_space<vmem>>, vector<16xi32>,
      %ge3A_169 = arith.constant 0 : i32
      %ge3A_170 = vector.broadcast %ge3A_169 : i32 to vector<16xi32>
      %ge3A_171 = arith.cmpi sge, %get3A_168, %ge3A_170 : vector<16xi32>
      tpu.vector_store_idx %arg13[%get3A_168], %broadcast_in_dim3A_21 masked %ge3A_171 {add = true} : memref<10240xf32, #tpu.memory_space<vmem>>[vector<16xi32>], vector<16xf32>, vector<16xi1>
      %eq3A_172 = arith.cmpi eq, %get3A_168, %get3A_17 : vector<16xi32>
      tpu.vector_store_idx %arg14[%get3A_164], %broadcast_in_dim3A_21 masked %eq3A_172 {add = true} : memref<10240xf32, #tpu.memory_space<vmem>>[vector<16xi32>], vector<16xf32>, vector<16xi1>
      %eq3A_173 = arith.cmpi eq, %get3A_168, %get3A_19 : vector<16xi32>
      tpu.vector_store_idx %arg15[%get3A_164], %broadcast_in_dim3A_21 masked %eq3A_173 {add = true} : memref<10240xf32, #tpu.memory_space<vmem>>[vector<16xi32>], vector<16xf32>, vector<16xi1>
      %mul3A_174 = arith.constant 5 : i32
      %mul3A_175 = arith.muli %scan3A_140, %mul3A_174 : i32
      %add3A_176 = arith.constant 2 : i32
      %add3A_177 = arith.addi %mul3A_175, %add3A_176 : i32
      %mul3A_178 = arith.constant 16 : i32
      %mul3A_179 = arith.muli %add3A_177, %mul3A_178 : i32
      %get3A_180 = arith.index_cast %mul3A_179 : i32 to index
      %get3A_181 = tpu.vector_load %arg8[%get3A_180] {strides = array<i32>} : memref<2000xi32, #tpu.memory_space<vmem>>, vector<16xi32>,
      %mul3A_182 = arith.constant 16 : i32
      %mul3A_183 = arith.muli %add3A_177, %mul3A_182 : i32
      %get3A_184 = arith.index_cast %mul3A_183 : i32 to index
      %get3A_185 = tpu.vector_load %arg9[%get3A_184] {strides = array<i32>} : memref<2000xi32, #tpu.memory_space<vmem>>, vector<16xi32>,
      %ge3A_186 = arith.constant 0 : i32
      %ge3A_187 = vector.broadcast %ge3A_186 : i32 to vector<16xi32>
      %ge3A_188 = arith.cmpi sge, %get3A_185, %ge3A_187 : vector<16xi32>
      tpu.vector_store_idx %arg13[%get3A_185], %broadcast_in_dim3A_21 masked %ge3A_188 {add = true} : memref<10240xf32, #tpu.memory_space<vmem>>[vector<16xi32>], vector<16xf32>, vector<16xi1>
      %eq3A_189 = arith.cmpi eq, %get3A_185, %get3A_17 : vector<16xi32>
      tpu.vector_store_idx %arg14[%get3A_181], %broadcast_in_dim3A_21 masked %eq3A_189 {add = true} : memref<10240xf32, #tpu.memory_space<vmem>>[vector<16xi32>], vector<16xf32>, vector<16xi1>
      %eq3A_190 = arith.cmpi eq, %get3A_185, %get3A_19 : vector<16xi32>
      tpu.vector_store_idx %arg15[%get3A_181], %broadcast_in_dim3A_21 masked %eq3A_190 {add = true} : memref<10240xf32, #tpu.memory_space<vmem>>[vector<16xi32>], vector<16xf32>, vector<16xi1>
      %mul3A_191 = arith.constant 5 : i32
      %mul3A_192 = arith.muli %scan3A_140, %mul3A_191 : i32
      %add3A_193 = arith.constant 3 : i32
      %add3A_194 = arith.addi %mul3A_192, %add3A_193 : i32
      %mul3A_195 = arith.constant 16 : i32
      %mul3A_196 = arith.muli %add3A_194, %mul3A_195 : i32
      %get3A_197 = arith.index_cast %mul3A_196 : i32 to index
      %get3A_198 = tpu.vector_load %arg8[%get3A_197] {strides = array<i32>} : memref<2000xi32, #tpu.memory_space<vmem>>, vector<16xi32>,
      %mul3A_199 = arith.constant 16 : i32
      %mul3A_200 = arith.muli %add3A_194, %mul3A_199 : i32
      %get3A_201 = arith.index_cast %mul3A_200 : i32 to index
      %get3A_202 = tpu.vector_load %arg9[%get3A_201] {strides = array<i32>} : memref<2000xi32, #tpu.memory_space<vmem>>, vector<16xi32>,
      %ge3A_203 = arith.constant 0 : i32
      %ge3A_204 = vector.broadcast %ge3A_203 : i32 to vector<16xi32>
      %ge3A_205 = arith.cmpi sge, %get3A_202, %ge3A_204 : vector<16xi32>
      tpu.vector_store_idx %arg13[%get3A_202], %broadcast_in_dim3A_21 masked %ge3A_205 {add = true} : memref<10240xf32, #tpu.memory_space<vmem>>[vector<16xi32>], vector<16xf32>, vector<16xi1>
      %eq3A_206 = arith.cmpi eq, %get3A_202, %get3A_17 : vector<16xi32>
      tpu.vector_store_idx %arg14[%get3A_198], %broadcast_in_dim3A_21 masked %eq3A_206 {add = true} : memref<10240xf32, #tpu.memory_space<vmem>>[vector<16xi32>], vector<16xf32>, vector<16xi1>
      %eq3A_207 = arith.cmpi eq, %get3A_202, %get3A_19 : vector<16xi32>
      tpu.vector_store_idx %arg15[%get3A_198], %broadcast_in_dim3A_21 masked %eq3A_207 {add = true} : memref<10240xf32, #tpu.memory_space<vmem>>[vector<16xi32>], vector<16xf32>, vector<16xi1>
      %mul3A_208 = arith.constant 5 : i32
      %mul3A_209 = arith.muli %scan3A_140, %mul3A_208 : i32
      %add3A_210 = arith.constant 4 : i32
      %add3A_211 = arith.addi %mul3A_209, %add3A_210 : i32
      %mul3A_212 = arith.constant 16 : i32
      %mul3A_213 = arith.muli %add3A_211, %mul3A_212 : i32
      %get3A_214 = arith.index_cast %mul3A_213 : i32 to index
      %get3A_215 = tpu.vector_load %arg8[%get3A_214] {strides = array<i32>} : memref<2000xi32, #tpu.memory_space<vmem>>, vector<16xi32>,
      %mul3A_216 = arith.constant 16 : i32
      %mul3A_217 = arith.muli %add3A_211, %mul3A_216 : i32
      %get3A_218 = arith.index_cast %mul3A_217 : i32 to index
      %get3A_219 = tpu.vector_load %arg9[%get3A_218] {strides = array<i32>} : memref<2000xi32, #tpu.memory_space<vmem>>, vector<16xi32>,
      %ge3A_220 = arith.constant 0 : i32
      %ge3A_221 = vector.broadcast %ge3A_220 : i32 to vector<16xi32>
      %ge3A_222 = arith.cmpi sge, %get3A_219, %ge3A_221 : vector<16xi32>
      tpu.vector_store_idx %arg13[%get3A_219], %broadcast_in_dim3A_21 masked %ge3A_222 {add = true} : memref<10240xf32, #tpu.memory_space<vmem>>[vector<16xi32>], vector<16xf32>, vector<16xi1>
      %eq3A_223 = arith.cmpi eq, %get3A_219, %get3A_17 : vector<16xi32>
      tpu.vector_store_idx %arg14[%get3A_215], %broadcast_in_dim3A_21 masked %eq3A_223 {add = true} : memref<10240xf32, #tpu.memory_space<vmem>>[vector<16xi32>], vector<16xf32>, vector<16xi1>
      %eq3A_224 = arith.cmpi eq, %get3A_219, %get3A_19 : vector<16xi32>
      tpu.vector_store_idx %arg15[%get3A_215], %broadcast_in_dim3A_21 masked %eq3A_224 {add = true} : memref<10240xf32, #tpu.memory_space<vmem>>[vector<16xi32>], vector<16xf32>, vector<16xi1>
      %scan3A_225 = arith.constant 0 : i32
      scf.yield %scan3A_225 : i32
    }
    %scan3A_104 = arith.constant 25 : i32
    %dma_wait3A_105 = tpu.memref_slice %arg2[%add3A_87] : memref<640000xi32, #tpu.memory_space<hbm>> -> memref<2000xi32, #tpu.memory_space<hbm>>
    %dma_wait3A_106 = tpu.memref_slice %arg2[%add3A_87] : memref<640000xi32, #tpu.memory_space<hbm>> -> memref<2000xi32, #tpu.memory_space<hbm>>
    tpu.wait_dma2 semaphore(%arg10 : memref<!tpu.dma_semaphore, #tpu.memory_space<semaphore_mem>>) src(%dma_wait3A_106 : memref<2000xi32, #tpu.memory_space<hbm>>) dst(%arg6 : memref<2000xi32, #tpu.memory_space<vmem>>)
    %dma_wait3A_107 = tpu.memref_slice %arg2[%add3A_91] : memref<640000xi32, #tpu.memory_space<hbm>> -> memref<2000xi32, #tpu.memory_space<hbm>>
    %dma_wait3A_108 = tpu.memref_slice %arg2[%add3A_91] : memref<640000xi32, #tpu.memory_space<hbm>> -> memref<2000xi32, #tpu.memory_space<hbm>>
    tpu.wait_dma2 semaphore(%arg10 : memref<!tpu.dma_semaphore, #tpu.memory_space<semaphore_mem>>) src(%dma_wait3A_108 : memref<2000xi32, #tpu.memory_space<hbm>>) dst(%arg7 : memref<2000xi32, #tpu.memory_space<vmem>>)
    %scan3A_109 = arith.constant 0 : i32
    %scan3A_110 = arith.constant 0 : i32
    %scan3A_111 = arith.constant 25 : i32
    %scan3A_112 = arith.addi %scan3A_110, %scan3A_111 : i32
    %scan3A_113 = arith.constant 1 : i32
    %scan3A_114 = scf.for %scan3A_140 = %scan3A_110 to %scan3A_112 step %scan3A_113 iter_args(%scan3A_141 = %scan3A_109) -> (i32)  : i32 {
      %mul3A_142 = arith.constant 5 : i32
      %mul3A_143 = arith.muli %scan3A_140, %mul3A_142 : i32
      %add3A_144 = arith.constant 0 : i32
      %add3A_145 = arith.addi %mul3A_143, %add3A_144 : i32
      %mul3A_146 = arith.constant 16 : i32
      %mul3A_147 = arith.muli %add3A_145, %mul3A_146 : i32
      %get3A_148 = arith.index_cast %mul3A_147 : i32 to index
      %get3A_149 = tpu.vector_load %arg6[%get3A_148] {strides = array<i32>} : memref<2000xi32, #tpu.memory_space<vmem>>, vector<16xi32>,
      %mul3A_150 = arith.constant 16 : i32
      %mul3A_151 = arith.muli %add3A_145, %mul3A_150 : i32
      %get3A_152 = arith.index_cast %mul3A_151 : i32 to index
      %get3A_153 = tpu.vector_load %arg7[%get3A_152] {strides = array<i32>} : memref<2000xi32, #tpu.memory_space<vmem>>, vector<16xi32>,
      %ge3A = arith.constant 0 : i32
      %ge3A_154 = vector.broadcast %ge3A : i32 to vector<16xi32>
      %ge3A_155 = arith.cmpi sge, %get3A_153, %ge3A_154 : vector<16xi32>
      tpu.vector_store_idx %arg13[%get3A_153], %broadcast_in_dim3A_21 masked %ge3A_155 {add = true} : memref<10240xf32, #tpu.memory_space<vmem>>[vector<16xi32>], vector<16xf32>, vector<16xi1>
      %eq3A = arith.cmpi eq, %get3A_153, %get3A_17 : vector<16xi32>
      tpu.vector_store_idx %arg14[%get3A_149], %broadcast_in_dim3A_21 masked %eq3A {add = true} : memref<10240xf32, #tpu.memory_space<vmem>>[vector<16xi32>], vector<16xf32>, vector<16xi1>
      %eq3A_156 = arith.cmpi eq, %get3A_153, %get3A_19 : vector<16xi32>
      tpu.vector_store_idx %arg15[%get3A_149], %broadcast_in_dim3A_21 masked %eq3A_156 {add = true} : memref<10240xf32, #tpu.memory_space<vmem>>[vector<16xi32>], vector<16xf32>, vector<16xi1>
      %mul3A_157 = arith.constant 5 : i32
      %mul3A_158 = arith.muli %scan3A_140, %mul3A_157 : i32
      %add3A_159 = arith.constant 1 : i32
      %add3A_160 = arith.addi %mul3A_158, %add3A_159 : i32
      %mul3A_161 = arith.constant 16 : i32
      %mul3A_162 = arith.muli %add3A_160, %mul3A_161 : i32
      %get3A_163 = arith.index_cast %mul3A_162 : i32 to index
      %get3A_164 = tpu.vector_load %arg6[%get3A_163] {strides = array<i32>} : memref<2000xi32, #tpu.memory_space<vmem>>, vector<16xi32>,
      %mul3A_165 = arith.constant 16 : i32
      %mul3A_166 = arith.muli %add3A_160, %mul3A_165 : i32
      %get3A_167 = arith.index_cast %mul3A_166 : i32 to index
      %get3A_168 = tpu.vector_load %arg7[%get3A_167] {strides = array<i32>} : memref<2000xi32, #tpu.memory_space<vmem>>, vector<16xi32>,
      %ge3A_169 = arith.constant 0 : i32
      %ge3A_170 = vector.broadcast %ge3A_169 : i32 to vector<16xi32>
      %ge3A_171 = arith.cmpi sge, %get3A_168, %ge3A_170 : vector<16xi32>
      tpu.vector_store_idx %arg13[%get3A_168], %broadcast_in_dim3A_21 masked %ge3A_171 {add = true} : memref<10240xf32, #tpu.memory_space<vmem>>[vector<16xi32>], vector<16xf32>, vector<16xi1>
      %eq3A_172 = arith.cmpi eq, %get3A_168, %get3A_17 : vector<16xi32>
      tpu.vector_store_idx %arg14[%get3A_164], %broadcast_in_dim3A_21 masked %eq3A_172 {add = true} : memref<10240xf32, #tpu.memory_space<vmem>>[vector<16xi32>], vector<16xf32>, vector<16xi1>
      %eq3A_173 = arith.cmpi eq, %get3A_168, %get3A_19 : vector<16xi32>
      tpu.vector_store_idx %arg15[%get3A_164], %broadcast_in_dim3A_21 masked %eq3A_173 {add = true} : memref<10240xf32, #tpu.memory_space<vmem>>[vector<16xi32>], vector<16xf32>, vector<16xi1>
      %mul3A_174 = arith.constant 5 : i32
      %mul3A_175 = arith.muli %scan3A_140, %mul3A_174 : i32
      %add3A_176 = arith.constant 2 : i32
      %add3A_177 = arith.addi %mul3A_175, %add3A_176 : i32
      %mul3A_178 = arith.constant 16 : i32
      %mul3A_179 = arith.muli %add3A_177, %mul3A_178 : i32
      %get3A_180 = arith.index_cast %mul3A_179 : i32 to index
      %get3A_181 = tpu.vector_load %arg6[%get3A_180] {strides = array<i32>} : memref<2000xi32, #tpu.memory_space<vmem>>, vector<16xi32>,
      %mul3A_182 = arith.constant 16 : i32
      %mul3A_183 = arith.muli %add3A_177, %mul3A_182 : i32
      %get3A_184 = arith.index_cast %mul3A_183 : i32 to index
      %get3A_185 = tpu.vector_load %arg7[%get3A_184] {strides = array<i32>} : memref<2000xi32, #tpu.memory_space<vmem>>, vector<16xi32>,
      %ge3A_186 = arith.constant 0 : i32
      %ge3A_187 = vector.broadcast %ge3A_186 : i32 to vector<16xi32>
      %ge3A_188 = arith.cmpi sge, %get3A_185, %ge3A_187 : vector<16xi32>
      tpu.vector_store_idx %arg13[%get3A_185], %broadcast_in_dim3A_21 masked %ge3A_188 {add = true} : memref<10240xf32, #tpu.memory_space<vmem>>[vector<16xi32>], vector<16xf32>, vector<16xi1>
      %eq3A_189 = arith.cmpi eq, %get3A_185, %get3A_17 : vector<16xi32>
      tpu.vector_store_idx %arg14[%get3A_181], %broadcast_in_dim3A_21 masked %eq3A_189 {add = true} : memref<10240xf32, #tpu.memory_space<vmem>>[vector<16xi32>], vector<16xf32>, vector<16xi1>
      %eq3A_190 = arith.cmpi eq, %get3A_185, %get3A_19 : vector<16xi32>
      tpu.vector_store_idx %arg15[%get3A_181], %broadcast_in_dim3A_21 masked %eq3A_190 {add = true} : memref<10240xf32, #tpu.memory_space<vmem>>[vector<16xi32>], vector<16xf32>, vector<16xi1>
      %mul3A_191 = arith.constant 5 : i32
      %mul3A_192 = arith.muli %scan3A_140, %mul3A_191 : i32
      %add3A_193 = arith.constant 3 : i32
      %add3A_194 = arith.addi %mul3A_192, %add3A_193 : i32
      %mul3A_195 = arith.constant 16 : i32
      %mul3A_196 = arith.muli %add3A_194, %mul3A_195 : i32
      %get3A_197 = arith.index_cast %mul3A_196 : i32 to index
      %get3A_198 = tpu.vector_load %arg6[%get3A_197] {strides = array<i32>} : memref<2000xi32, #tpu.memory_space<vmem>>, vector<16xi32>,
      %mul3A_199 = arith.constant 16 : i32
      %mul3A_200 = arith.muli %add3A_194, %mul3A_199 : i32
      %get3A_201 = arith.index_cast %mul3A_200 : i32 to index
      %get3A_202 = tpu.vector_load %arg7[%get3A_201] {strides = array<i32>} : memref<2000xi32, #tpu.memory_space<vmem>>, vector<16xi32>,
      %ge3A_203 = arith.constant 0 : i32
      %ge3A_204 = vector.broadcast %ge3A_203 : i32 to vector<16xi32>
      %ge3A_205 = arith.cmpi sge, %get3A_202, %ge3A_204 : vector<16xi32>
      tpu.vector_store_idx %arg13[%get3A_202], %broadcast_in_dim3A_21 masked %ge3A_205 {add = true} : memref<10240xf32, #tpu.memory_space<vmem>>[vector<16xi32>], vector<16xf32>, vector<16xi1>
      %eq3A_206 = arith.cmpi eq, %get3A_202, %get3A_17 : vector<16xi32>
      tpu.vector_store_idx %arg14[%get3A_198], %broadcast_in_dim3A_21 masked %eq3A_206 {add = true} : memref<10240xf32, #tpu.memory_space<vmem>>[vector<16xi32>], vector<16xf32>, vector<16xi1>
      %eq3A_207 = arith.cmpi eq, %get3A_202, %get3A_19 : vector<16xi32>
      tpu.vector_store_idx %arg15[%get3A_198], %broadcast_in_dim3A_21 masked %eq3A_207 {add = true} : memref<10240xf32, #tpu.memory_space<vmem>>[vector<16xi32>], vector<16xf32>, vector<16xi1>
      %mul3A_208 = arith.constant 5 : i32
      %mul3A_209 = arith.muli %scan3A_140, %mul3A_208 : i32
      %add3A_210 = arith.constant 4 : i32
      %add3A_211 = arith.addi %mul3A_209, %add3A_210 : i32
      %mul3A_212 = arith.constant 16 : i32
      %mul3A_213 = arith.muli %add3A_211, %mul3A_212 : i32
      %get3A_214 = arith.index_cast %mul3A_213 : i32 to index
      %get3A_215 = tpu.vector_load %arg6[%get3A_214] {strides = array<i32>} : memref<2000xi32, #tpu.memory_space<vmem>>, vector<16xi32>,
      %mul3A_216 = arith.constant 16 : i32
      %mul3A_217 = arith.muli %add3A_211, %mul3A_216 : i32
      %get3A_218 = arith.index_cast %mul3A_217 : i32 to index
      %get3A_219 = tpu.vector_load %arg7[%get3A_218] {strides = array<i32>} : memref<2000xi32, #tpu.memory_space<vmem>>, vector<16xi32>,
      %ge3A_220 = arith.constant 0 : i32
      %ge3A_221 = vector.broadcast %ge3A_220 : i32 to vector<16xi32>
      %ge3A_222 = arith.cmpi sge, %get3A_219, %ge3A_221 : vector<16xi32>
      tpu.vector_store_idx %arg13[%get3A_219], %broadcast_in_dim3A_21 masked %ge3A_222 {add = true} : memref<10240xf32, #tpu.memory_space<vmem>>[vector<16xi32>], vector<16xf32>, vector<16xi1>
      %eq3A_223 = arith.cmpi eq, %get3A_219, %get3A_17 : vector<16xi32>
      tpu.vector_store_idx %arg14[%get3A_215], %broadcast_in_dim3A_21 masked %eq3A_223 {add = true} : memref<10240xf32, #tpu.memory_space<vmem>>[vector<16xi32>], vector<16xf32>, vector<16xi1>
      %eq3A_224 = arith.cmpi eq, %get3A_219, %get3A_19 : vector<16xi32>
      tpu.vector_store_idx %arg15[%get3A_215], %broadcast_in_dim3A_21 masked %eq3A_224 {add = true} : memref<10240xf32, #tpu.memory_space<vmem>>[vector<16xi32>], vector<16xf32>, vector<16xi1>
      %scan3A_225 = arith.constant 0 : i32
      scf.yield %scan3A_225 : i32
    }
    %scan3A_115 = arith.constant 25 : i32
    %add3A_116 = arith.constant 0 : i32
    %add3A_117 = arith.addi %add3A_116, %add3A : i32
    %mul3A_118 = arith.constant 10240 : i32
    %mul3A_119 = arith.muli %add3A_117, %mul3A_118 : i32
    %dma_start3A_120 = tpu.memref_slice %arg4[%mul3A_119] : memref<983040xf32, #tpu.memory_space<hbm>> -> memref<10240xf32, #tpu.memory_space<hbm>>
    %dma_start3A_121 = tpu.memref_slice %arg4[%mul3A_119] : memref<983040xf32, #tpu.memory_space<hbm>> -> memref<10240xf32, #tpu.memory_space<hbm>>
    tpu.enqueue_dma source(%arg13 : memref<10240xf32, #tpu.memory_space<vmem>>) target(%dma_start3A_121 : memref<10240xf32, #tpu.memory_space<hbm>>) target_semaphore(%arg12 : memref<!tpu.dma_semaphore, #tpu.memory_space<semaphore_mem>>)
    %add3A_122 = arith.constant 32 : i32
    %add3A_123 = arith.addi %add3A_122, %add3A : i32
    %mul3A_124 = arith.constant 10240 : i32
    %mul3A_125 = arith.muli %add3A_123, %mul3A_124 : i32
    %dma_start3A_126 = tpu.memref_slice %arg4[%mul3A_125] : memref<983040xf32, #tpu.memory_space<hbm>> -> memref<10240xf32, #tpu.memory_space<hbm>>
    %dma_start3A_127 = tpu.memref_slice %arg4[%mul3A_125] : memref<983040xf32, #tpu.memory_space<hbm>> -> memref<10240xf32, #tpu.memory_space<hbm>>
    tpu.enqueue_dma source(%arg14 : memref<10240xf32, #tpu.memory_space<vmem>>) target(%dma_start3A_127 : memref<10240xf32, #tpu.memory_space<hbm>>) target_semaphore(%arg12 : memref<!tpu.dma_semaphore, #tpu.memory_space<semaphore_mem>>)
    %add3A_128 = arith.constant 64 : i32
    %add3A_129 = arith.addi %add3A_128, %add3A : i32
    %mul3A_130 = arith.constant 10240 : i32
    %mul3A_131 = arith.muli %add3A_129, %mul3A_130 : i32
    %dma_start3A_132 = tpu.memref_slice %arg4[%mul3A_131] : memref<983040xf32, #tpu.memory_space<hbm>> -> memref<10240xf32, #tpu.memory_space<hbm>>
    %dma_start3A_133 = tpu.memref_slice %arg4[%mul3A_131] : memref<983040xf32, #tpu.memory_space<hbm>> -> memref<10240xf32, #tpu.memory_space<hbm>>
    tpu.enqueue_dma source(%arg15 : memref<10240xf32, #tpu.memory_space<vmem>>) target(%dma_start3A_133 : memref<10240xf32, #tpu.memory_space<hbm>>) target_semaphore(%arg12 : memref<!tpu.dma_semaphore, #tpu.memory_space<semaphore_mem>>)
    %dma_wait3A_134 = tpu.memref_slice %arg4[%mul3A_119] : memref<983040xf32, #tpu.memory_space<hbm>> -> memref<10240xf32, #tpu.memory_space<hbm>>
    %dma_wait3A_135 = tpu.memref_slice %arg4[%mul3A_119] : memref<983040xf32, #tpu.memory_space<hbm>> -> memref<10240xf32, #tpu.memory_space<hbm>>
    tpu.wait_dma2 semaphore(%arg12 : memref<!tpu.dma_semaphore, #tpu.memory_space<semaphore_mem>>) src(%arg13 : memref<10240xf32, #tpu.memory_space<vmem>>) dst(%dma_wait3A_135 : memref<10240xf32, #tpu.memory_space<hbm>>)
    %dma_wait3A_136 = tpu.memref_slice %arg4[%mul3A_125] : memref<983040xf32, #tpu.memory_space<hbm>> -> memref<10240xf32, #tpu.memory_space<hbm>>
    %dma_wait3A_137 = tpu.memref_slice %arg4[%mul3A_125] : memref<983040xf32, #tpu.memory_space<hbm>> -> memref<10240xf32, #tpu.memory_space<hbm>>
    tpu.wait_dma2 semaphore(%arg12 : memref<!tpu.dma_semaphore, #tpu.memory_space<semaphore_mem>>) src(%arg14 : memref<10240xf32, #tpu.memory_space<vmem>>) dst(%dma_wait3A_137 : memref<10240xf32, #tpu.memory_space<hbm>>)
    %dma_wait3A_138 = tpu.memref_slice %arg4[%mul3A_131] : memref<983040xf32, #tpu.memory_space<hbm>> -> memref<10240xf32, #tpu.memory_space<hbm>>
    %dma_wait3A_139 = tpu.memref_slice %arg4[%mul3A_131] : memref<983040xf32, #tpu.memory_space<hbm>> -> memref<10240xf32, #tpu.memory_space<hbm>>
    tpu.wait_dma2 semaphore(%arg12 : memref<!tpu.dma_semaphore, #tpu.memory_space<semaphore_mem>>) src(%arg15 : memref<10240xf32, #tpu.memory_space<vmem>>) dst(%dma_wait3A_139 : memref<10240xf32, #tpu.memory_space<hbm>>)
    return
  }
}

module attributes {stable_mosaic.version = 14 : i64} {
  func.func @_tc_prep_body(%arg0: i32, %arg1: memref<1024x128xf32, #tpu.memory_space<vmem>>, %arg2: memref<96x1x8x128xf32, #tpu.memory_space<vmem>>, %arg3: memref<128x128xf32, #tpu.memory_space<vmem>>, %arg4: memref<128x128xf32, #tpu.memory_space<vmem>>, %arg5: memref<1x2xi32, #tpu.memory_space<smem>>, %arg6: memref<2x1024x128xf32, #tpu.memory_space<vmem>>, %arg7: memref<1x8x128xf32, #tpu.memory_space<vmem>>, %arg8: memref<1x8x128xf32, #tpu.memory_space<vmem>>, %arg9: memref<1x8x128xf32, #tpu.memory_space<vmem>>, %arg10: memref<1x8x128xf32, #tpu.memory_space<vmem>>) attributes {dimension_semantics = [#tpu.dimension_semantics<arbitrary>], iteration_bounds = array<i64: 10>, scalar_prefetch = 0 : i64, scratch_operands = 0 : i64, tpu.core_type = #tpu.core_type<tc>, window_params = [{transform_indices = @transform_0, window_bounds = array<i64: 1024, 128>}, {transform_indices = @transform_1, window_bounds = array<i64: 96, 1, 8, 128>}, {pipeline_mode = #tpu.pipeline_mode<synchronous>, transform_indices = @transform_2, window_bounds = array<i64: 128, 128>}, {pipeline_mode = #tpu.pipeline_mode<synchronous>, transform_indices = @transform_3, window_bounds = array<i64: 128, 128>}, {transform_indices = @transform_4, window_bounds = array<i64: 1, 2>}, {transform_indices = @transform_5, window_bounds = array<i64: 2, 1024, 128>}, {transform_indices = @transform_6, window_bounds = array<i64: 1, 8, 128>}, {transform_indices = @transform_7, window_bounds = array<i64: 1, 8, 128>}, {transform_indices = @transform_8, window_bounds = array<i64: 1, 8, 128>}, {transform_indices = @transform_9, window_bounds = array<i64: 1, 8, 128>}]} {
    %get3A = arith.constant 0 : index
    %get3A_0 = arith.constant 0 : index
    %get3A_1 = arith.constant 0 : index
    %get3A_2 = arith.constant 0 : index
    %get3A_3 = vector.load %arg2[%get3A, %get3A_0, %get3A_1, %get3A_2] : memref<96x1x8x128xf32, #tpu.memory_space<vmem>>, vector<96x1x8x128xf32>
    %get3A_4 = vector.shape_cast %get3A_3 : vector<96x1x8x128xf32> to vector<96x8x128xf32>
    %slice3A = vector.extract_strided_slice %get3A_4 {offsets = [0, 0, 0], sizes = [32, 8, 128], strides = [1, 1, 1]} : vector<96x8x128xf32> to vector<32x8x128xf32>
    %reduce_sum3A = arith.constant dense<0.000000e+00> : vector<8x128xf32>
    %reduce_sum3A_5 = vector.multi_reduction <add>, %slice3A, %reduce_sum3A [0] : vector<32x8x128xf32> to vector<8x128xf32>
    %add3A = arith.constant 1.000000e+00 : f32
    %add3A_6 = vector.broadcast %add3A : f32 to vector<8x128xf32>
    %add3A_7 = arith.addf %reduce_sum3A_5, %add3A_6 : vector<8x128xf32>
    %slice3A_8 = vector.extract_strided_slice %get3A_4 {offsets = [32, 0, 0], sizes = [32, 8, 128], strides = [1, 1, 1]} : vector<96x8x128xf32> to vector<32x8x128xf32>
    %reduce_sum3A_9 = arith.constant dense<0.000000e+00> : vector<8x128xf32>
    %reduce_sum3A_10 = vector.multi_reduction <add>, %slice3A_8, %reduce_sum3A_9 [0] : vector<32x8x128xf32> to vector<8x128xf32>
    %slice3A_11 = vector.extract_strided_slice %get3A_4 {offsets = [64, 0, 0], sizes = [32, 8, 128], strides = [1, 1, 1]} : vector<96x8x128xf32> to vector<32x8x128xf32>
    %reduce_sum3A_12 = arith.constant dense<0.000000e+00> : vector<8x128xf32>
    %reduce_sum3A_13 = vector.multi_reduction <add>, %slice3A_11, %reduce_sum3A_12 [0] : vector<32x8x128xf32> to vector<8x128xf32>
    %sqrt3A = math.sqrt %add3A_7 : vector<8x128xf32>
    %div3A = arith.constant 1.000000e+00 : f32
    %div3A_14 = vector.broadcast %div3A : f32 to vector<8x128xf32>
    %div3A_15 = arith.divf %div3A_14, %sqrt3A : vector<8x128xf32>
    %mul3A = arith.constant 1024 : i32
    %mul3A_16 = arith.muli %arg0, %mul3A : i32
    %iota3A = tpu.iota {dimensions = array<i32: 0>} : vector<8x128xi32>
    %mul3A_17 = arith.constant 128 : i32
    %mul3A_18 = vector.broadcast %mul3A_17 : i32 to vector<8x128xi32>
    %mul3A_19 = arith.muli %iota3A, %mul3A_18 : vector<8x128xi32>
    %add3A_20 = vector.broadcast %mul3A_16 : i32 to vector<8x128xi32>
    %add3A_21 = arith.addi %add3A_20, %mul3A_19 : vector<8x128xi32>
    %iota3A_22 = tpu.iota {dimensions = array<i32: 1>} : vector<8x128xi32>
    %add3A_23 = arith.addi %add3A_21, %iota3A_22 : vector<8x128xi32>
    %get3A_24 = arith.constant 0 : index
    %get3A_25 = arith.constant 0 : index
    %get3A_26 = memref.load %arg5[%get3A_24, %get3A_25] : memref<1x2xi32, #tpu.memory_space<smem>>
    %get3A_27 = arith.constant 0 : index
    %get3A_28 = arith.constant 1 : index
    %get3A_29 = memref.load %arg5[%get3A_27, %get3A_28] : memref<1x2xi32, #tpu.memory_space<smem>>
    %add3A_30 = arith.addf %reduce_sum3A_10, %reduce_sum3A_13 : vector<8x128xf32>
    %gt3A = arith.constant 0.000000e+00 : f32
    %gt3A_31 = vector.broadcast %gt3A : f32 to vector<8x128xf32>
    %gt3A_32 = arith.cmpf ogt, %add3A_30, %gt3A_31 : vector<8x128xf32>
    %eq3A = vector.broadcast %get3A_26 : i32 to vector<8x128xi32>
    %eq3A_33 = arith.cmpi eq, %add3A_23, %eq3A : vector<8x128xi32>
    %or3A = arith.ori %gt3A_32, %eq3A_33 : vector<8x128xi1>
    %eq3A_34 = vector.broadcast %get3A_29 : i32 to vector<8x128xi32>
    %eq3A_35 = arith.cmpi eq, %add3A_23, %eq3A_34 : vector<8x128xi32>
    %or3A_36 = arith.ori %or3A, %eq3A_35 : vector<8x128xi1>
    %swap3A = arith.constant 0 : index
    %swap3A_37 = arith.constant 0 : index
    %swap3A_38 = arith.constant 0 : index
    %swap3A_39 = vector.load %arg7[%swap3A, %swap3A_37, %swap3A_38] : memref<1x8x128xf32, #tpu.memory_space<vmem>>, vector<1x8x128xf32>
    %swap3A_40 = vector.shape_cast %swap3A_39 : vector<1x8x128xf32> to vector<8x128xf32>
    %swap3A_41 = vector.shape_cast %div3A_15 : vector<8x128xf32> to vector<1x8x128xf32>
    tpu.vector_store %arg7[%swap3A, %swap3A_37, %swap3A_38], %swap3A_41 {strides = array<i32>} : memref<1x8x128xf32, #tpu.memory_space<vmem>>, vector<1x8x128xf32>,
    %neg3A = arith.constant 0.000000e+00 : f32
    %neg3A_42 = vector.broadcast %neg3A : f32 to vector<8x128xf32>
    %neg3A_43 = arith.subf %neg3A_42, %div3A_15 : vector<8x128xf32>
    %select_n3A = arith.select %or3A_36, %div3A_15, %neg3A_43 : vector<8x128xi1>, vector<8x128xf32>
    %swap3A_44 = arith.constant 0 : index
    %swap3A_45 = arith.constant 0 : index
    %swap3A_46 = arith.constant 0 : index
    %swap3A_47 = vector.load %arg8[%swap3A_44, %swap3A_45, %swap3A_46] : memref<1x8x128xf32, #tpu.memory_space<vmem>>, vector<1x8x128xf32>
    %swap3A_48 = vector.shape_cast %swap3A_47 : vector<1x8x128xf32> to vector<8x128xf32>
    %swap3A_49 = vector.shape_cast %select_n3A : vector<8x128xf32> to vector<1x8x128xf32>
    tpu.vector_store %arg8[%swap3A_44, %swap3A_45, %swap3A_46], %swap3A_49 {strides = array<i32>} : memref<1x8x128xf32, #tpu.memory_space<vmem>>, vector<1x8x128xf32>,
    %mul3A_50 = arith.mulf %reduce_sum3A_10, %div3A_15 : vector<8x128xf32>
    %swap3A_51 = arith.constant 0 : index
    %swap3A_52 = arith.constant 0 : index
    %swap3A_53 = arith.constant 0 : index
    %swap3A_54 = vector.load %arg9[%swap3A_51, %swap3A_52, %swap3A_53] : memref<1x8x128xf32, #tpu.memory_space<vmem>>, vector<1x8x128xf32>
    %swap3A_55 = vector.shape_cast %swap3A_54 : vector<1x8x128xf32> to vector<8x128xf32>
    %swap3A_56 = vector.shape_cast %mul3A_50 : vector<8x128xf32> to vector<1x8x128xf32>
    tpu.vector_store %arg9[%swap3A_51, %swap3A_52, %swap3A_53], %swap3A_56 {strides = array<i32>} : memref<1x8x128xf32, #tpu.memory_space<vmem>>, vector<1x8x128xf32>,
    %mul3A_57 = arith.mulf %reduce_sum3A_13, %div3A_15 : vector<8x128xf32>
    %swap3A_58 = arith.constant 0 : index
    %swap3A_59 = arith.constant 0 : index
    %swap3A_60 = arith.constant 0 : index
    %swap3A_61 = vector.load %arg10[%swap3A_58, %swap3A_59, %swap3A_60] : memref<1x8x128xf32, #tpu.memory_space<vmem>>, vector<1x8x128xf32>
    %swap3A_62 = vector.shape_cast %swap3A_61 : vector<1x8x128xf32> to vector<8x128xf32>
    %swap3A_63 = vector.shape_cast %mul3A_57 : vector<8x128xf32> to vector<1x8x128xf32>
    tpu.vector_store %arg10[%swap3A_58, %swap3A_59, %swap3A_60], %swap3A_63 {strides = array<i32>} : memref<1x8x128xf32, #tpu.memory_space<vmem>>, vector<1x8x128xf32>,
    %iota3A_64 = tpu.iota {dimensions = array<i32: 0>} : vector<128x128xi32>
    %iota3A_65 = tpu.iota {dimensions = array<i32: 1>} : vector<128x128xi32>
    %eq3A_66 = arith.cmpi eq, %iota3A_64, %iota3A_65 : vector<128x128xi32>
    %convert_element_type3A = arith.extui %eq3A_66 : vector<128x128xi1> to vector<128x128xi32>
    %convert_element_type3A_67 = arith.sitofp %convert_element_type3A : vector<128x128xi32> to vector<128x128xf32>
    %slice3A_68 = vector.extract_strided_slice %div3A_15 {offsets = [0, 0], sizes = [1, 128], strides = [1, 1]} : vector<8x128xf32> to vector<1x128xf32>
    %dot_general3A = arith.constant dense<0.000000e+00> : vector<128x1xf32>
    %dot_general3A_69 = tpu.matmul %convert_element_type3A_67, %slice3A_68, %dot_general3A {dimension_numbers = #tpu.dot_dimension_numbers<[1], [1], [0], [0], [0, 0, 1, 0], [], []>, transpose_lhs_hint = false} : vector<128x128xf32>, vector<1x128xf32>, vector<128x1xf32> -> vector<128x1xf32>
    %slice3A_70 = vector.extract_strided_slice %div3A_15 {offsets = [1, 0], sizes = [1, 128], strides = [1, 1]} : vector<8x128xf32> to vector<1x128xf32>
    %dot_general3A_71 = arith.constant dense<0.000000e+00> : vector<128x1xf32>
    %dot_general3A_72 = tpu.matmul %convert_element_type3A_67, %slice3A_70, %dot_general3A_71 {dimension_numbers = #tpu.dot_dimension_numbers<[1], [1], [0], [0], [0, 0, 1, 0], [], []>, transpose_lhs_hint = false} : vector<128x128xf32>, vector<1x128xf32>, vector<128x1xf32> -> vector<128x1xf32>
    %slice3A_73 = vector.extract_strided_slice %div3A_15 {offsets = [2, 0], sizes = [1, 128], strides = [1, 1]} : vector<8x128xf32> to vector<1x128xf32>
    %dot_general3A_74 = arith.constant dense<0.000000e+00> : vector<128x1xf32>
    %dot_general3A_75 = tpu.matmul %convert_element_type3A_67, %slice3A_73, %dot_general3A_74 {dimension_numbers = #tpu.dot_dimension_numbers<[1], [1], [0], [0], [0, 0, 1, 0], [], []>, transpose_lhs_hint = false} : vector<128x128xf32>, vector<1x128xf32>, vector<128x1xf32> -> vector<128x1xf32>
    %slice3A_76 = vector.extract_strided_slice %div3A_15 {offsets = [3, 0], sizes = [1, 128], strides = [1, 1]} : vector<8x128xf32> to vector<1x128xf32>
    %dot_general3A_77 = arith.constant dense<0.000000e+00> : vector<128x1xf32>
    %dot_general3A_78 = tpu.matmul %convert_element_type3A_67, %slice3A_76, %dot_general3A_77 {dimension_numbers = #tpu.dot_dimension_numbers<[1], [1], [0], [0], [0, 0, 1, 0], [], []>, transpose_lhs_hint = false} : vector<128x128xf32>, vector<1x128xf32>, vector<128x1xf32> -> vector<128x1xf32>
    %slice3A_79 = vector.extract_strided_slice %div3A_15 {offsets = [4, 0], sizes = [1, 128], strides = [1, 1]} : vector<8x128xf32> to vector<1x128xf32>
    %dot_general3A_80 = arith.constant dense<0.000000e+00> : vector<128x1xf32>
    %dot_general3A_81 = tpu.matmul %convert_element_type3A_67, %slice3A_79, %dot_general3A_80 {dimension_numbers = #tpu.dot_dimension_numbers<[1], [1], [0], [0], [0, 0, 1, 0], [], []>, transpose_lhs_hint = false} : vector<128x128xf32>, vector<1x128xf32>, vector<128x1xf32> -> vector<128x1xf32>
    %slice3A_82 = vector.extract_strided_slice %div3A_15 {offsets = [5, 0], sizes = [1, 128], strides = [1, 1]} : vector<8x128xf32> to vector<1x128xf32>
    %dot_general3A_83 = arith.constant dense<0.000000e+00> : vector<128x1xf32>
    %dot_general3A_84 = tpu.matmul %convert_element_type3A_67, %slice3A_82, %dot_general3A_83 {dimension_numbers = #tpu.dot_dimension_numbers<[1], [1], [0], [0], [0, 0, 1, 0], [], []>, transpose_lhs_hint = false} : vector<128x128xf32>, vector<1x128xf32>, vector<128x1xf32> -> vector<128x1xf32>
    %slice3A_85 = vector.extract_strided_slice %div3A_15 {offsets = [6, 0], sizes = [1, 128], strides = [1, 1]} : vector<8x128xf32> to vector<1x128xf32>
    %dot_general3A_86 = arith.constant dense<0.000000e+00> : vector<128x1xf32>
    %dot_general3A_87 = tpu.matmul %convert_element_type3A_67, %slice3A_85, %dot_general3A_86 {dimension_numbers = #tpu.dot_dimension_numbers<[1], [1], [0], [0], [0, 0, 1, 0], [], []>, transpose_lhs_hint = false} : vector<128x128xf32>, vector<1x128xf32>, vector<128x1xf32> -> vector<128x1xf32>
    %slice3A_88 = vector.extract_strided_slice %div3A_15 {offsets = [7, 0], sizes = [1, 128], strides = [1, 1]} : vector<8x128xf32> to vector<1x128xf32>
    %dot_general3A_89 = arith.constant dense<0.000000e+00> : vector<128x1xf32>
    %dot_general3A_90 = tpu.matmul %convert_element_type3A_67, %slice3A_88, %dot_general3A_89 {dimension_numbers = #tpu.dot_dimension_numbers<[1], [1], [0], [0], [0, 0, 1, 0], [], []>, transpose_lhs_hint = false} : vector<128x128xf32>, vector<1x128xf32>, vector<128x1xf32> -> vector<128x1xf32>
    %concatenate3A = tpu.concatenate %dot_general3A_69, %dot_general3A_72, %dot_general3A_75, %dot_general3A_78, %dot_general3A_81, %dot_general3A_84, %dot_general3A_87, %dot_general3A_90 in 0 : vector<128x1xf32>, vector<128x1xf32>, vector<128x1xf32>, vector<128x1xf32>, vector<128x1xf32>, vector<128x1xf32>, vector<128x1xf32>, vector<128x1xf32> -> vector<1024x1xf32>
    %get3A_91 = arith.constant 0 : index
    %get3A_92 = arith.constant 0 : index
    %get3A_93 = vector.load %arg1[%get3A_91, %get3A_92] : memref<1024x128xf32, #tpu.memory_space<vmem>>, vector<1024x128xf32>
    %get3A_94 = arith.constant 0 : index
    %get3A_95 = arith.constant 0 : index
    %get3A_96 = vector.load %arg3[%get3A_94, %get3A_95] : memref<128x128xf32, #tpu.memory_space<vmem>>, vector<128x128xf32>
    %dot_general3A_97 = arith.constant dense<0.000000e+00> : vector<1024x128xf32>
    %dot_general3A_98 = tpu.matmul %get3A_93, %get3A_96, %dot_general3A_97 {dimension_numbers = #tpu.dot_dimension_numbers<[1], [0], [0], [1], [0, 0, 1, 1], [], []>, transpose_lhs_hint = false} : vector<1024x128xf32>, vector<128x128xf32>, vector<1024x128xf32> -> vector<1024x128xf32>
    %mul3A_99 = vector.broadcast %concatenate3A : vector<1024x1xf32> to vector<1024x128xf32>
    %mul3A_100 = arith.mulf %dot_general3A_98, %mul3A_99 : vector<1024x128xf32>
    %swap3A_101 = arith.constant 0 : index
    %swap3A_102 = arith.constant 0 : index
    %swap3A_103 = arith.constant 0 : index
    %swap3A_104 = vector.load %arg6[%swap3A_101, %swap3A_102, %swap3A_103] : memref<2x1024x128xf32, #tpu.memory_space<vmem>>, vector<1x1024x128xf32>
    %swap3A_105 = vector.shape_cast %swap3A_104 : vector<1x1024x128xf32> to vector<1024x128xf32>
    %swap3A_106 = vector.shape_cast %mul3A_100 : vector<1024x128xf32> to vector<1x1024x128xf32>
    tpu.vector_store %arg6[%swap3A_101, %swap3A_102, %swap3A_103], %swap3A_106 {strides = array<i32>} : memref<2x1024x128xf32, #tpu.memory_space<vmem>>, vector<1x1024x128xf32>,
    %get3A_107 = arith.constant 0 : index
    %get3A_108 = arith.constant 0 : index
    %get3A_109 = vector.load %arg4[%get3A_107, %get3A_108] : memref<128x128xf32, #tpu.memory_space<vmem>>, vector<128x128xf32>
    %dot_general3A_110 = arith.constant dense<0.000000e+00> : vector<1024x128xf32>
    %dot_general3A_111 = tpu.matmul %get3A_93, %get3A_109, %dot_general3A_110 {dimension_numbers = #tpu.dot_dimension_numbers<[1], [0], [0], [1], [0, 0, 1, 1], [], []>, transpose_lhs_hint = false} : vector<1024x128xf32>, vector<128x128xf32>, vector<1024x128xf32> -> vector<1024x128xf32>
    %mul3A_112 = vector.broadcast %concatenate3A : vector<1024x1xf32> to vector<1024x128xf32>
    %mul3A_113 = arith.mulf %dot_general3A_111, %mul3A_112 : vector<1024x128xf32>
    %swap3A_114 = arith.constant 1 : index
    %swap3A_115 = arith.constant 0 : index
    %swap3A_116 = arith.constant 0 : index
    %swap3A_117 = vector.load %arg6[%swap3A_114, %swap3A_115, %swap3A_116] : memref<2x1024x128xf32, #tpu.memory_space<vmem>>, vector<1x1024x128xf32>
    %swap3A_118 = vector.shape_cast %swap3A_117 : vector<1x1024x128xf32> to vector<1024x128xf32>
    %swap3A_119 = vector.shape_cast %mul3A_113 : vector<1024x128xf32> to vector<1x1024x128xf32>
    tpu.vector_store %arg6[%swap3A_114, %swap3A_115, %swap3A_116], %swap3A_119 {strides = array<i32>} : memref<2x1024x128xf32, #tpu.memory_space<vmem>>, vector<1x1024x128xf32>,
    return
  }
  func.func @transform_0(%arg0: i32) -> (i32, i32) {
    %c0_i32 = arith.constant 0 : i32
    %c0_i32_0 = arith.constant 0 : i32
    return %arg0, %c0_i32 : i32, i32
  }
  func.func @transform_1(%arg0: i32) -> (i32, i32, i32, i32) {
    %c0_i32 = arith.constant 0 : i32
    %c0_i32_0 = arith.constant 0 : i32
    %c0_i32_1 = arith.constant 0 : i32
    %c0_i32_2 = arith.constant 0 : i32
    return %c0_i32, %arg0, %c0_i32_0, %c0_i32_1 : i32, i32, i32, i32
  }
  func.func @transform_2(%arg0: i32) -> (i32, i32) {
    %c0_i32 = arith.constant 0 : i32
    %c0_i32_0 = arith.constant 0 : i32
    %c0_i32_1 = arith.constant 0 : i32
    return %c0_i32, %c0_i32_0 : i32, i32
  }
  func.func @transform_3(%arg0: i32) -> (i32, i32) {
    %c0_i32 = arith.constant 0 : i32
    %c0_i32_0 = arith.constant 0 : i32
    %c0_i32_1 = arith.constant 0 : i32
    return %c0_i32, %c0_i32_0 : i32, i32
  }
  func.func @transform_4(%arg0: i32) -> (i32, i32) {
    %c0_i32 = arith.constant 0 : i32
    %c0_i32_0 = arith.constant 0 : i32
    %c0_i32_1 = arith.constant 0 : i32
    return %c0_i32, %c0_i32_0 : i32, i32
  }
  func.func @transform_5(%arg0: i32) -> (i32, i32, i32) {
    %c0_i32 = arith.constant 0 : i32
    %c0_i32_0 = arith.constant 0 : i32
    %c0_i32_1 = arith.constant 0 : i32
    return %c0_i32, %arg0, %c0_i32_0 : i32, i32, i32
  }
  func.func @transform_6(%arg0: i32) -> (i32, i32, i32) {
    %c0_i32 = arith.constant 0 : i32
    %c0_i32_0 = arith.constant 0 : i32
    %c0_i32_1 = arith.constant 0 : i32
    return %arg0, %c0_i32, %c0_i32_0 : i32, i32, i32
  }
  func.func @transform_7(%arg0: i32) -> (i32, i32, i32) {
    %c0_i32 = arith.constant 0 : i32
    %c0_i32_0 = arith.constant 0 : i32
    %c0_i32_1 = arith.constant 0 : i32
    return %arg0, %c0_i32, %c0_i32_0 : i32, i32, i32
  }
  func.func @transform_8(%arg0: i32) -> (i32, i32, i32) {
    %c0_i32 = arith.constant 0 : i32
    %c0_i32_0 = arith.constant 0 : i32
    %c0_i32_1 = arith.constant 0 : i32
    return %arg0, %c0_i32, %c0_i32_0 : i32, i32, i32
  }
  func.func @transform_9(%arg0: i32) -> (i32, i32, i32) {
    %c0_i32 = arith.constant 0 : i32
    %c0_i32_0 = arith.constant 0 : i32
    %c0_i32_1 = arith.constant 0 : i32
    return %arg0, %c0_i32, %c0_i32_0 : i32, i32, i32
  }
}

module attributes {stable_mosaic.version = 14 : i64} {
  func.func @_tc_epi_body(%arg0: i32, %arg1: memref<2x1024x128xf32, #tpu.memory_space<vmem>>, %arg2: memref<2x1024x128xf32, #tpu.memory_space<vmem>>, %arg3: memref<1x8x128xf32, #tpu.memory_space<vmem>>, %arg4: memref<1x8x128xf32, #tpu.memory_space<vmem>>, %arg5: memref<1x8x128xf32, #tpu.memory_space<vmem>>, %arg6: memref<1x128xf32, #tpu.memory_space<vmem>>, %arg7: memref<1x128xf32, #tpu.memory_space<vmem>>, %arg8: memref<128x128xf32, #tpu.memory_space<vmem>>, %arg9: memref<128x128xf32, #tpu.memory_space<vmem>>, %arg10: memref<1x2xi32, #tpu.memory_space<smem>>, %arg11: memref<8x128xf32, #tpu.memory_space<vmem>>, %arg12: memref<8x128xf32, #tpu.memory_space<vmem>>, %arg13: memref<1024x128xf32, #tpu.memory_space<vmem>>, %arg14: memref<1024x128xf32, #tpu.memory_space<vmem>>) attributes {dimension_semantics = [#tpu.dimension_semantics<arbitrary>], iteration_bounds = array<i64: 10>, scalar_prefetch = 0 : i64, scratch_operands = 3 : i64, tpu.core_type = #tpu.core_type<tc>, window_params = [{transform_indices = @transform_0, window_bounds = array<i64: 2, 1024, 128>}, {transform_indices = @transform_1, window_bounds = array<i64: 2, 1024, 128>}, {transform_indices = @transform_2, window_bounds = array<i64: 1, 8, 128>}, {transform_indices = @transform_3, window_bounds = array<i64: 1, 8, 128>}, {transform_indices = @transform_4, window_bounds = array<i64: 1, 8, 128>}, {pipeline_mode = #tpu.pipeline_mode<synchronous>, transform_indices = @transform_5, window_bounds = array<i64: 1, 128>}, {pipeline_mode = #tpu.pipeline_mode<synchronous>, transform_indices = @transform_6, window_bounds = array<i64: 1, 128>}, {pipeline_mode = #tpu.pipeline_mode<synchronous>, transform_indices = @transform_7, window_bounds = array<i64: 128, 128>}, {pipeline_mode = #tpu.pipeline_mode<synchronous>, transform_indices = @transform_8, window_bounds = array<i64: 128, 128>}, {transform_indices = @transform_9, window_bounds = array<i64: 1, 2>}, {pipeline_mode = #tpu.pipeline_mode<synchronous>, transform_indices = @transform_10, window_bounds = array<i64: 8, 128>}]} {
    %eq3A = arith.constant 0 : i32
    %eq3A_0 = arith.cmpi eq, %arg0, %eq3A : i32
    %convert_element_type3A = arith.extui %eq3A_0 : i1 to i32
    %cond3A = arith.constant 0 : i32
    %cond3A_1 = arith.cmpi ne, %convert_element_type3A, %cond3A : i32
    scf.if %cond3A_1 {
      %broadcast_in_dim3A = arith.constant 0.000000e+00 : f32
      %broadcast_in_dim3A_191 = vector.broadcast %broadcast_in_dim3A : f32 to vector<8x128xf32>
      %swap3A_192 = arith.constant 0 : index
      %swap3A_193 = arith.constant 0 : index
      %swap3A_194 = vector.load %arg12[%swap3A_192, %swap3A_193] : memref<8x128xf32, #tpu.memory_space<vmem>>, vector<8x128xf32>
      tpu.vector_store %arg12[%swap3A_192, %swap3A_193], %broadcast_in_dim3A_191 {strides = array<i32>} : memref<8x128xf32, #tpu.memory_space<vmem>>, vector<8x128xf32>,
    } else {
    }
    %iota3A = tpu.iota {dimensions = array<i32: 0>} : vector<128x128xi32>
    %iota3A_2 = tpu.iota {dimensions = array<i32: 1>} : vector<128x128xi32>
    %eq3A_3 = arith.cmpi eq, %iota3A, %iota3A_2 : vector<128x128xi32>
    %convert_element_type3A_4 = arith.extui %eq3A_3 : vector<128x128xi1> to vector<128x128xi32>
    %convert_element_type3A_5 = arith.sitofp %convert_element_type3A_4 : vector<128x128xi32> to vector<128x128xf32>
    %get3A = arith.constant 0 : index
    %get3A_6 = arith.constant 0 : index
    %get3A_7 = arith.constant 0 : index
    %get3A_8 = vector.load %arg3[%get3A, %get3A_6, %get3A_7] : memref<1x8x128xf32, #tpu.memory_space<vmem>>, vector<1x8x128xf32>
    %get3A_9 = vector.shape_cast %get3A_8 : vector<1x8x128xf32> to vector<8x128xf32>
    %slice3A = vector.extract_strided_slice %get3A_9 {offsets = [0, 0], sizes = [1, 128], strides = [1, 1]} : vector<8x128xf32> to vector<1x128xf32>
    %dot_general3A = arith.constant dense<0.000000e+00> : vector<128x1xf32>
    %dot_general3A_10 = tpu.matmul %convert_element_type3A_5, %slice3A, %dot_general3A {dimension_numbers = #tpu.dot_dimension_numbers<[1], [1], [0], [0], [0, 0, 1, 0], [], []>, transpose_lhs_hint = false} : vector<128x128xf32>, vector<1x128xf32>, vector<128x1xf32> -> vector<128x1xf32>
    %slice3A_11 = vector.extract_strided_slice %get3A_9 {offsets = [1, 0], sizes = [1, 128], strides = [1, 1]} : vector<8x128xf32> to vector<1x128xf32>
    %dot_general3A_12 = arith.constant dense<0.000000e+00> : vector<128x1xf32>
    %dot_general3A_13 = tpu.matmul %convert_element_type3A_5, %slice3A_11, %dot_general3A_12 {dimension_numbers = #tpu.dot_dimension_numbers<[1], [1], [0], [0], [0, 0, 1, 0], [], []>, transpose_lhs_hint = false} : vector<128x128xf32>, vector<1x128xf32>, vector<128x1xf32> -> vector<128x1xf32>
    %slice3A_14 = vector.extract_strided_slice %get3A_9 {offsets = [2, 0], sizes = [1, 128], strides = [1, 1]} : vector<8x128xf32> to vector<1x128xf32>
    %dot_general3A_15 = arith.constant dense<0.000000e+00> : vector<128x1xf32>
    %dot_general3A_16 = tpu.matmul %convert_element_type3A_5, %slice3A_14, %dot_general3A_15 {dimension_numbers = #tpu.dot_dimension_numbers<[1], [1], [0], [0], [0, 0, 1, 0], [], []>, transpose_lhs_hint = false} : vector<128x128xf32>, vector<1x128xf32>, vector<128x1xf32> -> vector<128x1xf32>
    %slice3A_17 = vector.extract_strided_slice %get3A_9 {offsets = [3, 0], sizes = [1, 128], strides = [1, 1]} : vector<8x128xf32> to vector<1x128xf32>
    %dot_general3A_18 = arith.constant dense<0.000000e+00> : vector<128x1xf32>
    %dot_general3A_19 = tpu.matmul %convert_element_type3A_5, %slice3A_17, %dot_general3A_18 {dimension_numbers = #tpu.dot_dimension_numbers<[1], [1], [0], [0], [0, 0, 1, 0], [], []>, transpose_lhs_hint = false} : vector<128x128xf32>, vector<1x128xf32>, vector<128x1xf32> -> vector<128x1xf32>
    %slice3A_20 = vector.extract_strided_slice %get3A_9 {offsets = [4, 0], sizes = [1, 128], strides = [1, 1]} : vector<8x128xf32> to vector<1x128xf32>
    %dot_general3A_21 = arith.constant dense<0.000000e+00> : vector<128x1xf32>
    %dot_general3A_22 = tpu.matmul %convert_element_type3A_5, %slice3A_20, %dot_general3A_21 {dimension_numbers = #tpu.dot_dimension_numbers<[1], [1], [0], [0], [0, 0, 1, 0], [], []>, transpose_lhs_hint = false} : vector<128x128xf32>, vector<1x128xf32>, vector<128x1xf32> -> vector<128x1xf32>
    %slice3A_23 = vector.extract_strided_slice %get3A_9 {offsets = [5, 0], sizes = [1, 128], strides = [1, 1]} : vector<8x128xf32> to vector<1x128xf32>
    %dot_general3A_24 = arith.constant dense<0.000000e+00> : vector<128x1xf32>
    %dot_general3A_25 = tpu.matmul %convert_element_type3A_5, %slice3A_23, %dot_general3A_24 {dimension_numbers = #tpu.dot_dimension_numbers<[1], [1], [0], [0], [0, 0, 1, 0], [], []>, transpose_lhs_hint = false} : vector<128x128xf32>, vector<1x128xf32>, vector<128x1xf32> -> vector<128x1xf32>
    %slice3A_26 = vector.extract_strided_slice %get3A_9 {offsets = [6, 0], sizes = [1, 128], strides = [1, 1]} : vector<8x128xf32> to vector<1x128xf32>
    %dot_general3A_27 = arith.constant dense<0.000000e+00> : vector<128x1xf32>
    %dot_general3A_28 = tpu.matmul %convert_element_type3A_5, %slice3A_26, %dot_general3A_27 {dimension_numbers = #tpu.dot_dimension_numbers<[1], [1], [0], [0], [0, 0, 1, 0], [], []>, transpose_lhs_hint = false} : vector<128x128xf32>, vector<1x128xf32>, vector<128x1xf32> -> vector<128x1xf32>
    %slice3A_29 = vector.extract_strided_slice %get3A_9 {offsets = [7, 0], sizes = [1, 128], strides = [1, 1]} : vector<8x128xf32> to vector<1x128xf32>
    %dot_general3A_30 = arith.constant dense<0.000000e+00> : vector<128x1xf32>
    %dot_general3A_31 = tpu.matmul %convert_element_type3A_5, %slice3A_29, %dot_general3A_30 {dimension_numbers = #tpu.dot_dimension_numbers<[1], [1], [0], [0], [0, 0, 1, 0], [], []>, transpose_lhs_hint = false} : vector<128x128xf32>, vector<1x128xf32>, vector<128x1xf32> -> vector<128x1xf32>
    %concatenate3A = tpu.concatenate %dot_general3A_10, %dot_general3A_13, %dot_general3A_16, %dot_general3A_19, %dot_general3A_22, %dot_general3A_25, %dot_general3A_28, %dot_general3A_31 in 0 : vector<128x1xf32>, vector<128x1xf32>, vector<128x1xf32>, vector<128x1xf32>, vector<128x1xf32>, vector<128x1xf32>, vector<128x1xf32>, vector<128x1xf32> -> vector<1024x1xf32>
    %get3A_32 = arith.constant 0 : index
    %get3A_33 = arith.constant 0 : index
    %get3A_34 = arith.constant 0 : index
    %get3A_35 = vector.load %arg4[%get3A_32, %get3A_33, %get3A_34] : memref<1x8x128xf32, #tpu.memory_space<vmem>>, vector<1x8x128xf32>
    %get3A_36 = vector.shape_cast %get3A_35 : vector<1x8x128xf32> to vector<8x128xf32>
    %slice3A_37 = vector.extract_strided_slice %get3A_36 {offsets = [0, 0], sizes = [1, 128], strides = [1, 1]} : vector<8x128xf32> to vector<1x128xf32>
    %dot_general3A_38 = arith.constant dense<0.000000e+00> : vector<128x1xf32>
    %dot_general3A_39 = tpu.matmul %convert_element_type3A_5, %slice3A_37, %dot_general3A_38 {dimension_numbers = #tpu.dot_dimension_numbers<[1], [1], [0], [0], [0, 0, 1, 0], [], []>, transpose_lhs_hint = false} : vector<128x128xf32>, vector<1x128xf32>, vector<128x1xf32> -> vector<128x1xf32>
    %slice3A_40 = vector.extract_strided_slice %get3A_36 {offsets = [1, 0], sizes = [1, 128], strides = [1, 1]} : vector<8x128xf32> to vector<1x128xf32>
    %dot_general3A_41 = arith.constant dense<0.000000e+00> : vector<128x1xf32>
    %dot_general3A_42 = tpu.matmul %convert_element_type3A_5, %slice3A_40, %dot_general3A_41 {dimension_numbers = #tpu.dot_dimension_numbers<[1], [1], [0], [0], [0, 0, 1, 0], [], []>, transpose_lhs_hint = false} : vector<128x128xf32>, vector<1x128xf32>, vector<128x1xf32> -> vector<128x1xf32>
    %slice3A_43 = vector.extract_strided_slice %get3A_36 {offsets = [2, 0], sizes = [1, 128], strides = [1, 1]} : vector<8x128xf32> to vector<1x128xf32>
    %dot_general3A_44 = arith.constant dense<0.000000e+00> : vector<128x1xf32>
    %dot_general3A_45 = tpu.matmul %convert_element_type3A_5, %slice3A_43, %dot_general3A_44 {dimension_numbers = #tpu.dot_dimension_numbers<[1], [1], [0], [0], [0, 0, 1, 0], [], []>, transpose_lhs_hint = false} : vector<128x128xf32>, vector<1x128xf32>, vector<128x1xf32> -> vector<128x1xf32>
    %slice3A_46 = vector.extract_strided_slice %get3A_36 {offsets = [3, 0], sizes = [1, 128], strides = [1, 1]} : vector<8x128xf32> to vector<1x128xf32>
    %dot_general3A_47 = arith.constant dense<0.000000e+00> : vector<128x1xf32>
    %dot_general3A_48 = tpu.matmul %convert_element_type3A_5, %slice3A_46, %dot_general3A_47 {dimension_numbers = #tpu.dot_dimension_numbers<[1], [1], [0], [0], [0, 0, 1, 0], [], []>, transpose_lhs_hint = false} : vector<128x128xf32>, vector<1x128xf32>, vector<128x1xf32> -> vector<128x1xf32>
    %slice3A_49 = vector.extract_strided_slice %get3A_36 {offsets = [4, 0], sizes = [1, 128], strides = [1, 1]} : vector<8x128xf32> to vector<1x128xf32>
    %dot_general3A_50 = arith.constant dense<0.000000e+00> : vector<128x1xf32>
    %dot_general3A_51 = tpu.matmul %convert_element_type3A_5, %slice3A_49, %dot_general3A_50 {dimension_numbers = #tpu.dot_dimension_numbers<[1], [1], [0], [0], [0, 0, 1, 0], [], []>, transpose_lhs_hint = false} : vector<128x128xf32>, vector<1x128xf32>, vector<128x1xf32> -> vector<128x1xf32>
    %slice3A_52 = vector.extract_strided_slice %get3A_36 {offsets = [5, 0], sizes = [1, 128], strides = [1, 1]} : vector<8x128xf32> to vector<1x128xf32>
    %dot_general3A_53 = arith.constant dense<0.000000e+00> : vector<128x1xf32>
    %dot_general3A_54 = tpu.matmul %convert_element_type3A_5, %slice3A_52, %dot_general3A_53 {dimension_numbers = #tpu.dot_dimension_numbers<[1], [1], [0], [0], [0, 0, 1, 0], [], []>, transpose_lhs_hint = false} : vector<128x128xf32>, vector<1x128xf32>, vector<128x1xf32> -> vector<128x1xf32>
    %slice3A_55 = vector.extract_strided_slice %get3A_36 {offsets = [6, 0], sizes = [1, 128], strides = [1, 1]} : vector<8x128xf32> to vector<1x128xf32>
    %dot_general3A_56 = arith.constant dense<0.000000e+00> : vector<128x1xf32>
    %dot_general3A_57 = tpu.matmul %convert_element_type3A_5, %slice3A_55, %dot_general3A_56 {dimension_numbers = #tpu.dot_dimension_numbers<[1], [1], [0], [0], [0, 0, 1, 0], [], []>, transpose_lhs_hint = false} : vector<128x128xf32>, vector<1x128xf32>, vector<128x1xf32> -> vector<128x1xf32>
    %slice3A_58 = vector.extract_strided_slice %get3A_36 {offsets = [7, 0], sizes = [1, 128], strides = [1, 1]} : vector<8x128xf32> to vector<1x128xf32>
    %dot_general3A_59 = arith.constant dense<0.000000e+00> : vector<128x1xf32>
    %dot_general3A_60 = tpu.matmul %convert_element_type3A_5, %slice3A_58, %dot_general3A_59 {dimension_numbers = #tpu.dot_dimension_numbers<[1], [1], [0], [0], [0, 0, 1, 0], [], []>, transpose_lhs_hint = false} : vector<128x128xf32>, vector<1x128xf32>, vector<128x1xf32> -> vector<128x1xf32>
    %concatenate3A_61 = tpu.concatenate %dot_general3A_39, %dot_general3A_42, %dot_general3A_45, %dot_general3A_48, %dot_general3A_51, %dot_general3A_54, %dot_general3A_57, %dot_general3A_60 in 0 : vector<128x1xf32>, vector<128x1xf32>, vector<128x1xf32>, vector<128x1xf32>, vector<128x1xf32>, vector<128x1xf32>, vector<128x1xf32>, vector<128x1xf32> -> vector<1024x1xf32>
    %get3A_62 = arith.constant 0 : index
    %get3A_63 = arith.constant 0 : index
    %get3A_64 = arith.constant 0 : index
    %get3A_65 = vector.load %arg5[%get3A_62, %get3A_63, %get3A_64] : memref<1x8x128xf32, #tpu.memory_space<vmem>>, vector<1x8x128xf32>
    %get3A_66 = vector.shape_cast %get3A_65 : vector<1x8x128xf32> to vector<8x128xf32>
    %slice3A_67 = vector.extract_strided_slice %get3A_66 {offsets = [0, 0], sizes = [1, 128], strides = [1, 1]} : vector<8x128xf32> to vector<1x128xf32>
    %dot_general3A_68 = arith.constant dense<0.000000e+00> : vector<128x1xf32>
    %dot_general3A_69 = tpu.matmul %convert_element_type3A_5, %slice3A_67, %dot_general3A_68 {dimension_numbers = #tpu.dot_dimension_numbers<[1], [1], [0], [0], [0, 0, 1, 0], [], []>, transpose_lhs_hint = false} : vector<128x128xf32>, vector<1x128xf32>, vector<128x1xf32> -> vector<128x1xf32>
    %slice3A_70 = vector.extract_strided_slice %get3A_66 {offsets = [1, 0], sizes = [1, 128], strides = [1, 1]} : vector<8x128xf32> to vector<1x128xf32>
    %dot_general3A_71 = arith.constant dense<0.000000e+00> : vector<128x1xf32>
    %dot_general3A_72 = tpu.matmul %convert_element_type3A_5, %slice3A_70, %dot_general3A_71 {dimension_numbers = #tpu.dot_dimension_numbers<[1], [1], [0], [0], [0, 0, 1, 0], [], []>, transpose_lhs_hint = false} : vector<128x128xf32>, vector<1x128xf32>, vector<128x1xf32> -> vector<128x1xf32>
    %slice3A_73 = vector.extract_strided_slice %get3A_66 {offsets = [2, 0], sizes = [1, 128], strides = [1, 1]} : vector<8x128xf32> to vector<1x128xf32>
    %dot_general3A_74 = arith.constant dense<0.000000e+00> : vector<128x1xf32>
    %dot_general3A_75 = tpu.matmul %convert_element_type3A_5, %slice3A_73, %dot_general3A_74 {dimension_numbers = #tpu.dot_dimension_numbers<[1], [1], [0], [0], [0, 0, 1, 0], [], []>, transpose_lhs_hint = false} : vector<128x128xf32>, vector<1x128xf32>, vector<128x1xf32> -> vector<128x1xf32>
    %slice3A_76 = vector.extract_strided_slice %get3A_66 {offsets = [3, 0], sizes = [1, 128], strides = [1, 1]} : vector<8x128xf32> to vector<1x128xf32>
    %dot_general3A_77 = arith.constant dense<0.000000e+00> : vector<128x1xf32>
    %dot_general3A_78 = tpu.matmul %convert_element_type3A_5, %slice3A_76, %dot_general3A_77 {dimension_numbers = #tpu.dot_dimension_numbers<[1], [1], [0], [0], [0, 0, 1, 0], [], []>, transpose_lhs_hint = false} : vector<128x128xf32>, vector<1x128xf32>, vector<128x1xf32> -> vector<128x1xf32>
    %slice3A_79 = vector.extract_strided_slice %get3A_66 {offsets = [4, 0], sizes = [1, 128], strides = [1, 1]} : vector<8x128xf32> to vector<1x128xf32>
    %dot_general3A_80 = arith.constant dense<0.000000e+00> : vector<128x1xf32>
    %dot_general3A_81 = tpu.matmul %convert_element_type3A_5, %slice3A_79, %dot_general3A_80 {dimension_numbers = #tpu.dot_dimension_numbers<[1], [1], [0], [0], [0, 0, 1, 0], [], []>, transpose_lhs_hint = false} : vector<128x128xf32>, vector<1x128xf32>, vector<128x1xf32> -> vector<128x1xf32>
    %slice3A_82 = vector.extract_strided_slice %get3A_66 {offsets = [5, 0], sizes = [1, 128], strides = [1, 1]} : vector<8x128xf32> to vector<1x128xf32>
    %dot_general3A_83 = arith.constant dense<0.000000e+00> : vector<128x1xf32>
    %dot_general3A_84 = tpu.matmul %convert_element_type3A_5, %slice3A_82, %dot_general3A_83 {dimension_numbers = #tpu.dot_dimension_numbers<[1], [1], [0], [0], [0, 0, 1, 0], [], []>, transpose_lhs_hint = false} : vector<128x128xf32>, vector<1x128xf32>, vector<128x1xf32> -> vector<128x1xf32>
    %slice3A_85 = vector.extract_strided_slice %get3A_66 {offsets = [6, 0], sizes = [1, 128], strides = [1, 1]} : vector<8x128xf32> to vector<1x128xf32>
    %dot_general3A_86 = arith.constant dense<0.000000e+00> : vector<128x1xf32>
    %dot_general3A_87 = tpu.matmul %convert_element_type3A_5, %slice3A_85, %dot_general3A_86 {dimension_numbers = #tpu.dot_dimension_numbers<[1], [1], [0], [0], [0, 0, 1, 0], [], []>, transpose_lhs_hint = false} : vector<128x128xf32>, vector<1x128xf32>, vector<128x1xf32> -> vector<128x1xf32>
    %slice3A_88 = vector.extract_strided_slice %get3A_66 {offsets = [7, 0], sizes = [1, 128], strides = [1, 1]} : vector<8x128xf32> to vector<1x128xf32>
    %dot_general3A_89 = arith.constant dense<0.000000e+00> : vector<128x1xf32>
    %dot_general3A_90 = tpu.matmul %convert_element_type3A_5, %slice3A_88, %dot_general3A_89 {dimension_numbers = #tpu.dot_dimension_numbers<[1], [1], [0], [0], [0, 0, 1, 0], [], []>, transpose_lhs_hint = false} : vector<128x128xf32>, vector<1x128xf32>, vector<128x1xf32> -> vector<128x1xf32>
    %concatenate3A_91 = tpu.concatenate %dot_general3A_69, %dot_general3A_72, %dot_general3A_75, %dot_general3A_78, %dot_general3A_81, %dot_general3A_84, %dot_general3A_87, %dot_general3A_90 in 0 : vector<128x1xf32>, vector<128x1xf32>, vector<128x1xf32>, vector<128x1xf32>, vector<128x1xf32>, vector<128x1xf32>, vector<128x1xf32>, vector<128x1xf32> -> vector<1024x1xf32>
    %get3A_92 = arith.constant 0 : index
    %get3A_93 = arith.constant 0 : index
    %get3A_94 = arith.constant 0 : index
    %get3A_95 = vector.load %arg1[%get3A_92, %get3A_93, %get3A_94] : memref<2x1024x128xf32, #tpu.memory_space<vmem>>, vector<1x1024x128xf32>
    %get3A_96 = vector.shape_cast %get3A_95 : vector<1x1024x128xf32> to vector<1024x128xf32>
    %get3A_97 = arith.constant 0 : index
    %get3A_98 = arith.constant 0 : index
    %get3A_99 = arith.constant 0 : index
    %get3A_100 = vector.load %arg2[%get3A_97, %get3A_98, %get3A_99] : memref<2x1024x128xf32, #tpu.memory_space<vmem>>, vector<1x1024x128xf32>
    %get3A_101 = vector.shape_cast %get3A_100 : vector<1x1024x128xf32> to vector<1024x128xf32>
    %add3A = arith.addf %get3A_96, %get3A_101 : vector<1024x128xf32>
    %mul3A = vector.broadcast %concatenate3A : vector<1024x1xf32> to vector<1024x128xf32>
    %mul3A_102 = arith.mulf %add3A, %mul3A : vector<1024x128xf32>
    %get3A_103 = arith.constant 0 : index
    %get3A_104 = arith.constant 0 : index
    %get3A_105 = vector.load %arg6[%get3A_103, %get3A_104] : memref<1x128xf32, #tpu.memory_space<vmem>>, vector<1x128xf32>
    %add3A_106 = vector.broadcast %get3A_105 : vector<1x128xf32> to vector<1024x128xf32>
    %add3A_107 = arith.addf %mul3A_102, %add3A_106 : vector<1024x128xf32>
    %get3A_108 = arith.constant 1 : index
    %get3A_109 = arith.constant 0 : index
    %get3A_110 = arith.constant 0 : index
    %get3A_111 = vector.load %arg1[%get3A_108, %get3A_109, %get3A_110] : memref<2x1024x128xf32, #tpu.memory_space<vmem>>, vector<1x1024x128xf32>
    %get3A_112 = vector.shape_cast %get3A_111 : vector<1x1024x128xf32> to vector<1024x128xf32>
    %get3A_113 = arith.constant 1 : index
    %get3A_114 = arith.constant 0 : index
    %get3A_115 = arith.constant 0 : index
    %get3A_116 = vector.load %arg2[%get3A_113, %get3A_114, %get3A_115] : memref<2x1024x128xf32, #tpu.memory_space<vmem>>, vector<1x1024x128xf32>
    %get3A_117 = vector.shape_cast %get3A_116 : vector<1x1024x128xf32> to vector<1024x128xf32>
    %add3A_118 = arith.addf %get3A_112, %get3A_117 : vector<1024x128xf32>
    %mul3A_119 = vector.broadcast %concatenate3A : vector<1024x1xf32> to vector<1024x128xf32>
    %mul3A_120 = arith.mulf %add3A_118, %mul3A_119 : vector<1024x128xf32>
    %get3A_121 = arith.constant 0 : index
    %get3A_122 = arith.constant 0 : index
    %get3A_123 = vector.load %arg7[%get3A_121, %get3A_122] : memref<1x128xf32, #tpu.memory_space<vmem>>, vector<1x128xf32>
    %add3A_124 = vector.broadcast %get3A_123 : vector<1x128xf32> to vector<1024x128xf32>
    %add3A_125 = arith.addf %mul3A_120, %add3A_124 : vector<1024x128xf32>
    %max3A = arith.constant 0.000000e+00 : f32
    %max3A_126 = vector.broadcast %max3A : f32 to vector<1024x128xf32>
    %max3A_127 = arith.maximumf %add3A_107, %max3A_126 : vector<1024x128xf32>
    %get3A_128 = arith.constant 0 : index
    %get3A_129 = arith.constant 0 : index
    %get3A_130 = vector.load %arg8[%get3A_128, %get3A_129] : memref<128x128xf32, #tpu.memory_space<vmem>>, vector<128x128xf32>
    %dot_general3A_131 = arith.constant dense<0.000000e+00> : vector<1024x128xf32>
    %dot_general3A_132 = tpu.matmul %max3A_127, %get3A_130, %dot_general3A_131 {dimension_numbers = #tpu.dot_dimension_numbers<[1], [0], [0], [1], [0, 0, 1, 1], [], []>, transpose_lhs_hint = false} : vector<1024x128xf32>, vector<128x128xf32>, vector<1024x128xf32> -> vector<1024x128xf32>
    %max3A_133 = arith.constant 0.000000e+00 : f32
    %max3A_134 = vector.broadcast %max3A_133 : f32 to vector<1024x128xf32>
    %max3A_135 = arith.maximumf %add3A_125, %max3A_134 : vector<1024x128xf32>
    %get3A_136 = arith.constant 0 : index
    %get3A_137 = arith.constant 0 : index
    %get3A_138 = vector.load %arg9[%get3A_136, %get3A_137] : memref<128x128xf32, #tpu.memory_space<vmem>>, vector<128x128xf32>
    %dot_general3A_139 = arith.constant dense<0.000000e+00> : vector<1024x128xf32>
    %dot_general3A_140 = tpu.matmul %max3A_135, %get3A_138, %dot_general3A_139 {dimension_numbers = #tpu.dot_dimension_numbers<[1], [0], [0], [1], [0, 0, 1, 1], [], []>, transpose_lhs_hint = false} : vector<1024x128xf32>, vector<128x128xf32>, vector<1024x128xf32> -> vector<1024x128xf32>
    %dot_general3A_141 = arith.constant dense<0.000000e+00> : vector<1x128xf32>
    %dot_general3A_142 = tpu.matmul %concatenate3A_61, %dot_general3A_132, %dot_general3A_141 {dimension_numbers = #tpu.dot_dimension_numbers<[0], [0], [1], [1], [0, 1, 1, 1], [], []>, transpose_lhs_hint = false} : vector<1024x1xf32>, vector<1024x128xf32>, vector<1x128xf32> -> vector<1x128xf32>
    %dot_general3A_143 = arith.constant dense<0.000000e+00> : vector<1x128xf32>
    %dot_general3A_144 = tpu.matmul %concatenate3A_91, %dot_general3A_132, %dot_general3A_143 {dimension_numbers = #tpu.dot_dimension_numbers<[0], [0], [1], [1], [0, 1, 1, 1], [], []>, transpose_lhs_hint = false} : vector<1024x1xf32>, vector<1024x128xf32>, vector<1x128xf32> -> vector<1x128xf32>
    %dot_general3A_145 = arith.constant dense<0.000000e+00> : vector<1x128xf32>
    %dot_general3A_146 = tpu.matmul %concatenate3A_61, %dot_general3A_140, %dot_general3A_145 {dimension_numbers = #tpu.dot_dimension_numbers<[0], [0], [1], [1], [0, 1, 1, 1], [], []>, transpose_lhs_hint = false} : vector<1024x1xf32>, vector<1024x128xf32>, vector<1x128xf32> -> vector<1x128xf32>
    %dot_general3A_147 = arith.constant dense<0.000000e+00> : vector<1x128xf32>
    %dot_general3A_148 = tpu.matmul %concatenate3A_91, %dot_general3A_140, %dot_general3A_147 {dimension_numbers = #tpu.dot_dimension_numbers<[0], [0], [1], [1], [0, 1, 1, 1], [], []>, transpose_lhs_hint = false} : vector<1024x1xf32>, vector<1024x128xf32>, vector<1x128xf32> -> vector<1x128xf32>
    %concatenate3A_149 = tpu.concatenate %dot_general3A_142, %dot_general3A_144, %dot_general3A_146, %dot_general3A_148 in 0 : vector<1x128xf32>, vector<1x128xf32>, vector<1x128xf32>, vector<1x128xf32> -> vector<4x128xf32>
    %get3A_150 = arith.constant 0 : index
    %get3A_151 = arith.constant 0 : index
    %get3A_152 = vector.load %arg12[%get3A_150, %get3A_151] : memref<8x128xf32, #tpu.memory_space<vmem>>, vector<4x128xf32>
    %add3A_153 = arith.addf %get3A_152, %concatenate3A_149 : vector<4x128xf32>
    %swap3A = arith.constant 0 : index
    %swap3A_154 = arith.constant 0 : index
    %swap3A_155 = vector.load %arg12[%swap3A, %swap3A_154] : memref<8x128xf32, #tpu.memory_space<vmem>>, vector<4x128xf32>
    tpu.vector_store %arg12[%swap3A, %swap3A_154], %add3A_153 {strides = array<i32>} : memref<8x128xf32, #tpu.memory_space<vmem>>, vector<4x128xf32>,
    %swap3A_156 = arith.constant 0 : index
    %swap3A_157 = arith.constant 0 : index
    %swap3A_158 = vector.load %arg13[%swap3A_156, %swap3A_157] : memref<1024x128xf32, #tpu.memory_space<vmem>>, vector<1024x128xf32>
    tpu.vector_store %arg13[%swap3A_156, %swap3A_157], %dot_general3A_132 {strides = array<i32>} : memref<1024x128xf32, #tpu.memory_space<vmem>>, vector<1024x128xf32>,
    %swap3A_159 = arith.constant 0 : index
    %swap3A_160 = arith.constant 0 : index
    %swap3A_161 = vector.load %arg14[%swap3A_159, %swap3A_160] : memref<1024x128xf32, #tpu.memory_space<vmem>>, vector<1024x128xf32>
    tpu.vector_store %arg14[%swap3A_159, %swap3A_160], %dot_general3A_140 {strides = array<i32>} : memref<1024x128xf32, #tpu.memory_space<vmem>>, vector<1024x128xf32>,
    %get3A_162 = arith.constant 0 : index
    %get3A_163 = arith.constant 0 : index
    %get3A_164 = memref.load %arg10[%get3A_162, %get3A_163] : memref<1x2xi32, #tpu.memory_space<smem>>
    %get3A_165 = arith.constant 0 : index
    %get3A_166 = arith.constant 1 : index
    %get3A_167 = memref.load %arg10[%get3A_165, %get3A_166] : memref<1x2xi32, #tpu.memory_space<smem>>
    %mul3A_168 = arith.constant 1024 : i32
    %mul3A_169 = arith.muli %arg0, %mul3A_168 : i32
    %sub3A = arith.subi %get3A_164, %mul3A_169 : i32
    %ge3A = arith.constant 0 : i32
    %ge3A_170 = arith.cmpi sge, %sub3A, %ge3A : i32
    %lt3A = arith.constant 1024 : i32
    %lt3A_171 = arith.cmpi slt, %sub3A, %lt3A : i32
    %and3A = arith.andi %ge3A_170, %lt3A_171 : i1
    %convert_element_type3A_172 = arith.extui %and3A : i1 to i32
    %cond3A_173 = arith.constant 0 : i32
    %cond3A_174 = arith.cmpi ne, %convert_element_type3A_172, %cond3A_173 : i32
    scf.if %cond3A_174 {
      %get3A_191 = arith.index_cast %sub3A : i32 to index
      %get3A_192 = arith.constant 0 : index
      %get3A_193 = vector.load %arg13[%get3A_191, %get3A_192] : memref<1024x128xf32, #tpu.memory_space<vmem>>, vector<1x128xf32>
      %swap3A_194 = arith.constant 4 : index
      %swap3A_195 = arith.constant 0 : index
      %swap3A_196 = vector.load %arg12[%swap3A_194, %swap3A_195] : memref<8x128xf32, #tpu.memory_space<vmem>>, vector<1x128xf32>
      tpu.vector_store %arg12[%swap3A_194, %swap3A_195], %get3A_193 {strides = array<i32>} : memref<8x128xf32, #tpu.memory_space<vmem>>, vector<1x128xf32>,
      %get3A_197 = arith.index_cast %sub3A : i32 to index
      %get3A_198 = arith.constant 0 : index
      %get3A_199 = vector.load %arg14[%get3A_197, %get3A_198] : memref<1024x128xf32, #tpu.memory_space<vmem>>, vector<1x128xf32>
      %swap3A_200 = arith.constant 6 : index
      %swap3A_201 = arith.constant 0 : index
      %swap3A_202 = vector.load %arg12[%swap3A_200, %swap3A_201] : memref<8x128xf32, #tpu.memory_space<vmem>>, vector<1x128xf32>
      tpu.vector_store %arg12[%swap3A_200, %swap3A_201], %get3A_199 {strides = array<i32>} : memref<8x128xf32, #tpu.memory_space<vmem>>, vector<1x128xf32>,
    } else {
    }
    %mul3A_175 = arith.constant 1024 : i32
    %mul3A_176 = arith.muli %arg0, %mul3A_175 : i32
    %sub3A_177 = arith.subi %get3A_167, %mul3A_176 : i32
    %ge3A_178 = arith.constant 0 : i32
    %ge3A_179 = arith.cmpi sge, %sub3A_177, %ge3A_178 : i32
    %lt3A_180 = arith.constant 1024 : i32
    %lt3A_181 = arith.cmpi slt, %sub3A_177, %lt3A_180 : i32
    %and3A_182 = arith.andi %ge3A_179, %lt3A_181 : i1
    %convert_element_type3A_183 = arith.extui %and3A_182 : i1 to i32
    %cond3A_184 = arith.constant 0 : i32
    %cond3A_185 = arith.cmpi ne, %convert_element_type3A_183, %cond3A_184 : i32
    scf.if %cond3A_185 {
      %get3A_191 = arith.index_cast %sub3A_177 : i32 to index
      %get3A_192 = arith.constant 0 : index
      %get3A_193 = vector.load %arg13[%get3A_191, %get3A_192] : memref<1024x128xf32, #tpu.memory_space<vmem>>, vector<1x128xf32>
      %swap3A_194 = arith.constant 5 : index
      %swap3A_195 = arith.constant 0 : index
      %swap3A_196 = vector.load %arg12[%swap3A_194, %swap3A_195] : memref<8x128xf32, #tpu.memory_space<vmem>>, vector<1x128xf32>
      tpu.vector_store %arg12[%swap3A_194, %swap3A_195], %get3A_193 {strides = array<i32>} : memref<8x128xf32, #tpu.memory_space<vmem>>, vector<1x128xf32>,
      %get3A_197 = arith.index_cast %sub3A_177 : i32 to index
      %get3A_198 = arith.constant 0 : index
      %get3A_199 = vector.load %arg14[%get3A_197, %get3A_198] : memref<1024x128xf32, #tpu.memory_space<vmem>>, vector<1x128xf32>
      %swap3A_200 = arith.constant 7 : index
      %swap3A_201 = arith.constant 0 : index
      %swap3A_202 = vector.load %arg12[%swap3A_200, %swap3A_201] : memref<8x128xf32, #tpu.memory_space<vmem>>, vector<1x128xf32>
      tpu.vector_store %arg12[%swap3A_200, %swap3A_201], %get3A_199 {strides = array<i32>} : memref<8x128xf32, #tpu.memory_space<vmem>>, vector<1x128xf32>,
    } else {
    }
    %eq3A_186 = arith.constant 9 : i32
    %eq3A_187 = arith.cmpi eq, %arg0, %eq3A_186 : i32
    %convert_element_type3A_188 = arith.extui %eq3A_187 : i1 to i32
    %cond3A_189 = arith.constant 0 : i32
    %cond3A_190 = arith.cmpi ne, %convert_element_type3A_188, %cond3A_189 : i32
    scf.if %cond3A_190 {
      %get3A_191 = arith.constant 0 : index
      %get3A_192 = arith.constant 0 : index
      %get3A_193 = vector.load %arg12[%get3A_191, %get3A_192] : memref<8x128xf32, #tpu.memory_space<vmem>>, vector<8x128xf32>
      %swap3A_194 = arith.constant 0 : index
      %swap3A_195 = arith.constant 0 : index
      %swap3A_196 = vector.load %arg11[%swap3A_194, %swap3A_195] : memref<8x128xf32, #tpu.memory_space<vmem>>, vector<8x128xf32>
      tpu.vector_store %arg11[%swap3A_194, %swap3A_195], %get3A_193 {strides = array<i32>} : memref<8x128xf32, #tpu.memory_space<vmem>>, vector<8x128xf32>,
    } else {
    }
    return
  }
  func.func @transform_0(%arg0: i32) -> (i32, i32, i32) {
    %c0_i32 = arith.constant 0 : i32
    %c0_i32_0 = arith.constant 0 : i32
    %c0_i32_1 = arith.constant 0 : i32
    return %c0_i32, %arg0, %c0_i32_0 : i32, i32, i32
  }
  func.func @transform_1(%arg0: i32) -> (i32, i32, i32) {
    %c0_i32 = arith.constant 0 : i32
    %c0_i32_0 = arith.constant 0 : i32
    %c0_i32_1 = arith.constant 0 : i32
    return %c0_i32, %arg0, %c0_i32_0 : i32, i32, i32
  }
  func.func @transform_2(%arg0: i32) -> (i32, i32, i32) {
    %c0_i32 = arith.constant 0 : i32
    %c0_i32_0 = arith.constant 0 : i32
    %c0_i32_1 = arith.constant 0 : i32
    return %arg0, %c0_i32, %c0_i32_0 : i32, i32, i32
  }
  func.func @transform_3(%arg0: i32) -> (i32, i32, i32) {
    %c0_i32 = arith.constant 0 : i32
    %c0_i32_0 = arith.constant 0 : i32
    %c0_i32_1 = arith.constant 0 : i32
    return %arg0, %c0_i32, %c0_i32_0 : i32, i32, i32
  }
  func.func @transform_4(%arg0: i32) -> (i32, i32, i32) {
    %c0_i32 = arith.constant 0 : i32
    %c0_i32_0 = arith.constant 0 : i32
    %c0_i32_1 = arith.constant 0 : i32
    return %arg0, %c0_i32, %c0_i32_0 : i32, i32, i32
  }
  func.func @transform_5(%arg0: i32) -> (i32, i32) {
    %c0_i32 = arith.constant 0 : i32
    %c0_i32_0 = arith.constant 0 : i32
    %c0_i32_1 = arith.constant 0 : i32
    return %c0_i32, %c0_i32_0 : i32, i32
  }
  func.func @transform_6(%arg0: i32) -> (i32, i32) {
    %c0_i32 = arith.constant 0 : i32
    %c0_i32_0 = arith.constant 0 : i32
    %c0_i32_1 = arith.constant 0 : i32
    return %c0_i32, %c0_i32_0 : i32, i32
  }
  func.func @transform_7(%arg0: i32) -> (i32, i32) {
    %c0_i32 = arith.constant 0 : i32
    %c0_i32_0 = arith.constant 0 : i32
    %c0_i32_1 = arith.constant 0 : i32
    return %c0_i32, %c0_i32_0 : i32, i32
  }
  func.func @transform_8(%arg0: i32) -> (i32, i32) {
    %c0_i32 = arith.constant 0 : i32
    %c0_i32_0 = arith.constant 0 : i32
    %c0_i32_1 = arith.constant 0 : i32
    return %c0_i32, %c0_i32_0 : i32, i32
  }
  func.func @transform_9(%arg0: i32) -> (i32, i32) {
    %c0_i32 = arith.constant 0 : i32
    %c0_i32_0 = arith.constant 0 : i32
    %c0_i32_1 = arith.constant 0 : i32
    return %c0_i32, %c0_i32_0 : i32, i32
  }
  func.func @transform_10(%arg0: i32) -> (i32, i32) {
    %c0_i32 = arith.constant 0 : i32
    %c0_i32_0 = arith.constant 0 : i32
    %c0_i32_1 = arith.constant 0 : i32
    return %c0_i32, %c0_i32_0 : i32, i32
  }
}

</mosaic_0001>

<sc_bundles>
// kernel: kernel.6.cloned.1.call-start
scs
__scs_entry_jumppad:
0x0: {  	(pc) =	sbr.rel $0x88, $3  }
0x1: {  	(tag) =	ssettag $0x0;
	lr =	simm.s32 $0x1  }
0x2: {  	[smem:$0x3F95] =	sst lr;
	_ =	strace $0xD0000000  }
0x3: {  	_ = 	snop  }
0x4: {  	_ = 	snop  }
0x5: {  	_ = 	snop  }
0x6: {  	_ = 	snop  }
0x7: {  	_ = 	snop  }
__scs_overlays_trampoline_lowered:
0x8: {  	[smem:$0x3FA4] =	sst s0  }
0x9: {  	[smem:$0x3FA5] =	sst s1  }
0xa: {  	[smem:$0x3FA6] =	sst s2  }
0xb: {  	[smem:$0x3FA7] =	sst s3  }
0xc: {  	[smem:$0x3FA8] =	sst s4  }
0xd: {  	[smem:$0x3FA9] =	sst s5  }
0xe: {  	[smem:$0x3FAA] =	sst s6  }
0xf: {  	[smem:$0x3FAB] =	sst s7  }
0x10: {  	[smem:$0x3FAC] =	sst s8  }
0x11: {  	[smem:$0x3FAD] =	sst s9;
	s0 =	simm.s32 @!p0 $0x0  }
0x12: {  	s1 =	sld [smem:$0x3F93];
	s0 =	simm.s32 @p0 $0x1  }
0x13: {  	[smem:$0x3FAE] =	sst s0;
	s0 =	simm.s32 @!p1 $0x0  }
0x14: {  	s2 =	sld [smem:$0x3F92];
	s0 =	simm.s32 @p1 $0x1  }
0x15: {  	[smem:$0x3FAF] =	sst s0;
	s0 =	simm.s32 @!p2 $0x0  }
0x16: {  	s3 =	sld [smem:$0x3FDB];
	s0 =	simm.s32 @p2 $0x1  }
0x17: {  	s4 =	simm.s32 $0x1BF5;
	[smem:$0x3FB1] =	sst s0  }
0x18: {  	s0 =	sld [smem:$0x3F94];
	_ =	swait.ge [sflag:s4], $0x0  }
0x19: {  	s7 =	sld [smem:$0x3F95]  }
0x1a: {  	s8 =	sadd.s32 $0xFFFFE003, lr  }
0x1b: {  	s9 =	sadd.s32 $0xFFFFFEF7, lr;
	s5 =	simm.s32 $0xFFFFFFFF;
	p2 =	slt.u32 s8, $0xFFFFF086  }
0x1c: {  	p1 =	slt.u32 s9, $0xF7A;
	s5 =	simm.s32 @!p2 $0x0  }
0x1d: {  	s5 =	simm.s32 @p1 $0x1;
	p0 =	seq.s32 s7, s2  }
0x1e: {  	s7 =	smul.u32 @!p0 $0xF7A, s2;
	p2 =	seq.s32 @!p0 s5, $0x0  }
0x1f: {  	s9 =	smul.u32 $0xF7A, s1;
	s8 =	simm.s32 @!p0 $0x1BF5;
	p2 =	por !p2, p0  }
0x20: {  	[sflag:s8] =	ssyncset.s32 @!p0 $0xFFFFF086;
	s6 =	sadd.s32 @!p0 s3, s7;
	s7 =	simm.s32 @!p0 $0x108  }
0x21: {  	s3 =	sadd.s32 s3, s9;
	s6 =	sadd.s32 @!p0 $0x88, s6;
	s7 =	simm.s32 @p2 $0x1082  }
0x22: {  	[simem:s7], [sflag:s8] =	dma.local @!p0 [hbm:s6], $0xF7A  }
0x23: {  	s9 =	sor.u32 $0xD0000000, s2;
	s6 =	simm.s32 $0x108;
	_ =	swait.ge @!p0 [sflag:s8], $0x0  }
0x24: {  	s3 =	sadd.s32 $0x88, s3;
	s6 =	simm.s32 @!p1 $0x1082;
	[sflag:s4] =	ssyncset.s32 $0xFFFFF086  }
0x25: {  	[simem:s6], [sflag:s4] =	dma.local [hbm:s3], $0xF7A  }
0x26: {  	[smem:$0x3F95] =	sst s1;
	(tag) =	ssettag s2;
	_ =	strace s9  }
0x27: {  	s1 =	sld [smem:$0x3FA5]  }
0x28: {  	s2 =	sld [smem:$0x3FA6]  }
0x29: {  	s4 =	sld [smem:$0x3FA8]  }
0x2a: {  	p0 =	seq.s32 s5, $0x0;
	s5 =	sld [smem:$0x3FA9]  }
0x2b: {  	s6 =	sld [smem:$0x3FAA]  }
0x2c: {  	s7 =	sld [smem:$0x3FAB]  }
0x2d: {  	s3 =	simm.s32 $0x108;
	s8 =	sld [smem:$0x3FAC]  }
0x2e: {  	s3 =	simm.s32 @!p0 $0x1082;
	s9 =	sld [smem:$0x3FAD]  }
0x2f: {  	lr =	sadd.s32 s0, s3;
	s0 =	sld [smem:$0x3FA4]  }
0x30: {  	s3 =	sld [smem:$0x3FA7]  }
0x31: {  	[smem:$0x3FB0] =	sst s10  }
0x32: {  	s10 =	sld [smem:$0x3FAE];
	_ =	sdelay $0x3  }
0x33: {  	p0 =	seq.s32 s10, $0x1;
	s10 =	sld [smem:$0x3FB0];
	_ =	sdelay $0x3  }
0x34: {  	[smem:$0x3FB0] =	sst s10  }
0x35: {  	s10 =	sld [smem:$0x3FAF];
	_ =	sdelay $0x3  }
0x36: {  	p1 =	seq.s32 s10, $0x1;
	s10 =	sld [smem:$0x3FB0];
	_ =	sdelay $0x3  }
0x37: {  	[smem:$0x3FB0] =	sst s10  }
0x38: {  	s10 =	sld [smem:$0x3FB1]  }
0x39: {  	_ = 	snop;
	(pc) =	sbr.ind lr, $3  }
0x3a: {  	_ = 	snop  }
0x3b: {  	_ = 	snop  }
0x3c: {  	p2 =	seq.s32 s10, $0x1;
	s10 =	sld [smem:$0x3FB0]  }
0x3d: {  	_ =	shalt  }
0x3e: {  	_ =	shalt  }
0x3f: {  	_ =	shalt  }
0x40: {  	_ =	shalt  }
0x41: {  	_ =	shalt  }
0x42: {  	_ =	shalt  }
0x43: {  	_ =	shalt  }
0x44: {  	_ =	shalt  }
0x45: {  	_ =	shalt  }
0x46: {  	_ =	shalt  }
0x47: {  	_ =	shalt  }
0x48: {  	_ =	shalt  }
0x49: {  	_ =	shalt  }
0x4a: {  	_ =	shalt  }
0x4b: {  	_ =	shalt  }
0x4c: {  	_ =	shalt  }
0x4d: {  	_ =	shalt  }
0x4e: {  	_ =	shalt  }
0x4f: {  	_ =	shalt  }
0x50: {  	_ =	shalt  }
0x51: {  	_ =	shalt  }
0x52: {  	_ =	shalt  }
0x53: {  	_ =	shalt  }
0x54: {  	_ =	shalt  }
0x55: {  	_ =	shalt  }
0x56: {  	_ =	shalt  }
0x57: {  	_ =	shalt  }
0x58: {  	_ =	shalt  }
0x59: {  	_ =	shalt  }
0x5a: {  	_ =	shalt  }
0x5b: {  	_ =	shalt  }
0x5c: {  	_ =	shalt  }
0x5d: {  	_ =	shalt  }
0x5e: {  	_ =	shalt  }
0x5f: {  	_ =	shalt  }
0x60: {  	_ =	shalt  }
0x61: {  	_ =	shalt  }
0x62: {  	_ =	shalt  }
0x63: {  	_ =	shalt  }
0x64: {  	_ =	shalt  }
0x65: {  	_ =	shalt  }
0x66: {  	_ =	shalt  }
0x67: {  	_ =	shalt  }
0x68: {  	_ =	shalt  }
0x69: {  	_ =	shalt  }
0x6a: {  	_ =	shalt  }
0x6b: {  	_ =	shalt  }
0x6c: {  	_ =	shalt  }
0x6d: {  	_ =	shalt  }
0x6e: {  	_ =	shalt  }
0x6f: {  	_ =	shalt  }
0x70: {  	_ =	shalt  }
0x71: {  	_ =	shalt  }
0x72: {  	_ =	shalt  }
0x73: {  	_ =	shalt  }
0x74: {  	_ =	shalt  }
0x75: {  	_ =	shalt  }
0x76: {  	_ =	shalt  }
0x77: {  	_ =	shalt  }
0x78: {  	_ =	shalt  }
0x79: {  	_ =	shalt  }
0x7a: {  	_ =	shalt  }
0x7b: {  	_ =	shalt  }
0x7c: {  	_ =	shalt  }
0x7d: {  	_ =	shalt  }
0x7e: {  	_ =	shalt  }
0x7f: {  	_ =	shalt  }
0x80: {  	_ =	shalt  }
0x81: {  	_ =	shalt  }
0x82: {  	_ =	shalt  }
0x83: {  	_ =	shalt  }
0x84: {  	_ =	shalt  }
0x85: {  	_ =	shalt  }
0x86: {  	_ =	shalt  }
0x87: {  	_ =	shalt  }
.Lfunc_end0:
.L_simem_size_0:
called_computation_lowered:
.L_overlay_start_0:
0x88: {  	s2 =	sld [smem:$0x3FD9]  }
0x89: {  	s3 =	sld [smem:$0x3FFE];
	_ =	sdelay $0x1  }
0x8a: {  	s1 =	srdreg.scid  }
0x8b: {  	s0 =	sand.u32 $0x1, s1  }
0x8c: {  	s16 =	sshll.u32 s0, $0xA;
	s2 =	sadd.s32 s3, s2  }
0x8d: {  	s2 =	sadd.s32 s2, s16  }
0x8e: {  	[smem:$0x3FBC] =	sst s2  }
0x8f: {  	_ = 	snop  }
0x90: {  	(tm) =	ssettm $0x1  }
0x91: {  	s17 =	sld [smem:$0x3FFB];
	_ =	sdelay $0x3  }
0x92: {  	_ =	strace s17  }
0x93: {  	s2 =	sld [smem:$0x3FFC];
	_ =	sdelay $0x3  }
0x94: {  	_ =	strace s2  }
0x95: {  	s2 =	sld [smem:$0x3FFD];
	_ =	sdelay $0x3  }
0x96: {  	_ =	strace s2  }
0x97: {  	_ =	strace $0x8FFFFFFF  }
0x98: {  	s18 =	sld [smem:$0x3FDB];
	_ =	sdelay $0x1  }
0x99: {  	s19 =	simm.s32 $_scs_section_size  }
0x9a: {  	s4 =	simm.s32 $_size__tile_overlayer_lowered;
	s5 =	simm.s32 $_tile_overlayer_lowered  }
0x9b: {  	s22 =	simm.s32 $0x1BFF;
	s21 =	sshll.u32 s5, $0x1;
	s2 =	sadd.s32 s19, s18  }
0x9c: {  	s6 =	simm.s32 $0x0;
	s20 =	sshll.u32 s4, $0x1;
	s4 =	sadd.s32 s21, s2  }
0x9d: {  	[timem:s6], [sflag:s22] =	dma.local [hbm:s4], s20  }
0x9e: {  	_ =	swait.ge [sflag:s22], s20  }
0x9f: {  	s3 =	ssub.s32 $0x0, s20;
	[sflag:s22] =	ssyncset.done $0x0  }
0xa0: {  	[sflag:s22] =	ssyncadd.s32 s3;
	_ =	sdelay $0x1  }
0xa1: {  	s23 =	simm.s32 $0x1B8B  }
0xa2: {  	_ =	swait.ge [sflag:s23], $0x1  }
0xa3: {  	[sflag:s23] =	ssyncset.done $0x0  }
0xa4: {  	s25 =	simm.s32 $0x1B8E;
	s24 =	sld [smem:$0x3FFE];
	[sflag:s23] =	ssyncadd.s32 $0xFFFFFFFF  }
0xa5: {  	s26 =	simm.s32 $execute0_lowered;
	[smem:$0x3FD2] =	sst s25  }
0xa6: {  	s4 =	sshll.u32 s26, $0x1;
	_ =	strace $0x80000046;
	[dreg:$0x1] =	wrdreg $0xFFFFFFFF  }
0xa7: {  	s28 =	simm.s32 $_size_execute0_lowered;
	s2 =	sadd.s32 s2, s4;
	[dreg:$0x0] =	wrdreg $0x0  }
0xa8: {  	s4 =	sshll.u32 s28, $0x1;
	[dreg:$0x2] =	wrdreg s2  }
0xa9: {  	[dreg:$0x3] =	wrdreg s4  }
0xaa: {  	[dreg:$0x4] =	wrdreg $0xC0  }
0xab: {  	_ =	task [dreg:s6], $0x5FFFF  }
0xac: {  	[dreg:$0x1] =	wrdreg $0xFFFFFFFF  }
0xad: {  	[dreg:$0x0] =	wrdreg $0x60  }
0xae: {  	[dreg:$0x2] =	wrdreg s24  }
0xaf: {  	[dreg:$0x3] =	wrdreg $0x9  }
0xb0: {  	_ =	task.clear_ibuf [dreg:s6], $0x4FFFF;
	_ =	strace $0x90000046  }
0xb1: {  	s29 =	simm.s32 $0x9;
	_ =	strace $0x80000048  }
0xb2: {  	_ =	swait.ge [sflag:s29], $0x1  }
0xb3: {  	[sflag:s29] =	ssyncadd.s32 $0xFFFFFFFF  }
0xb4: {  	_ =	strace $0x90000048  }
0xb5: {  	_ =	sfence  }
0xb6: {  	s30 =	sld [smem:$0x0];
	_ =	sdelay $0x2  }
0xb7: {  	s31 =	sshll.u32 s1, $0xD;
	s1 =	sshrl.u32 s1, $0x2  }
0xb8: {  	s3 =	sand.u32 $0x4000, s31;
	s1 =	sadd.s32 s1, s30  }
0xb9: {  	s0 =	sor.u32 s3, s0;
	s1 =	sshll.u32 s1, $0x11  }
0xba: {  	s0 =	sor.u32 s1, s0  }
0xbb: {  	s0 =	sadd.s32 $0x8F2B, s0  }
0xbc: {  	[sflag:s0] =	ssyncadd.remote.s32 $0x1  }
0xbd: {  	_ =	sfence.sel $0xFFFF  }
0xbe: {  	[dreg:$0x0] =	wrdreg $0xFFFFFFFF;
	(pc) =	sbr.abs _section_cstart, $3  }
0xbf: {  	[dreg:$0x1] =	wrdreg $0xFFFFFFFF  }
0xc0: {  	_ =	task.clear_ibuf [dreg:s6], $0x2FFFF;
	_ =	strace $0x9FFFFFFF  }
0xc1: {  	(tm) =	ssettm $0x7FFFFFFF  }
tec
execute0_lowered:
.L_overlay_start_1:
0x0: {  	(tag) =	ssettag $0x1  }
0x1: {  	s0 =	srdreg.scid;
	s26 =	stileid.u32  }
0x2: {  	s4 =	rddreg [dreg:$0x0];
	s18 =	simm.s32 $0x80;
	s19 =	simm.s32 $0x880  }
0x3: {  	s20 =	simm.s32 $0x4;
	s21 =	simm.s32 $0x1080;
	s22 =	simm.s32 $0x1880  }
0x4: {  	s23 =	simm.s32 $0x1;
	s24 =	simm.s32 $0x2080;
	s1 =	sand.u32 $0x1, s0  }
0x5: {  	s25 =	simm.s32 $0x4880;
	s28 =	simm.s32 $0x2;
	s2 =	sshll.u32 s1, $0x4  }
0x6: {  	s29 =	simm.s32 $0x3;
	s30 =	simm.s32 $0x0;
	s11 =	sor.u32 s26, s2  }
0x7: {  	s15 =	sadd.s32 $0x16E00, s4;
	s1 =	ssub.s32 $0x2, s1;
	s3 =	smul.u32 $0x2710, s11  }
0x8: {  	s2 =	simm.s32 $0x0;
	s5 =	sshrl.u32 s1, $0x1;
	s14 =	smul.u32 $0x2800, s11  }
0x9: {  	s26 =	simm.s32 $0x7080;
	[smem:$0x7FF] =	sst s2;
	s16 =	smul.u32 $0x500, s11  }
0xa: {  	s1 =	ssub.s32 s1, s5;
	_ =	strace $0x80000047;
	s3 =	sshrl.u32 s3, $0x3  }
0xb: {  	s17 =	sshrl.u32 s14, $0x3;
	s14 =	sadd.s32 s15, s16;
	s13 =	sadd.s32 s3, s4  }
0xc: {  	s3 =	sadd.s32 $0x16C00, s4;
	s31 =	sadd.s32 s15, s17;
	s17 =	smax.u32 s1, $0x1  }
0xd: {  	s4 =	sadd.s32 $0x3200, s13;
	s5 =	sadd.s32 $0xCE40, s13;
	s6 =	sadd.s32 $0x32FA, s13  }
0xe: {  	s7 =	sadd.s32 $0xCF3A, s13;
	s8 =	sadd.s32 $0x33F4, s13;
	s9 =	sadd.s32 $0xD034, s13  }
0xf: {  	s10 =	sadd.s32 $0x34EE, s13;
	s11 =	sadd.s32 $0xD12E, s13;
	s12 =	sadd.s32 $0x35E8, s13  }
0x10: {  	v0 =	vimm.f32 $0.0e+00;
	v1 =	vimm.f32 $1.000000000e+00;
	s13 =	sadd.s32 $0xD228, s13;
	s15 =	sadd.s32 $0xA000, s31;
	s16 =	sadd.s32 $0x14000, s31  }
.LBB2_1:
0x11: {  	[tilespmem:s18], [sflag:$0x1] =	stream.linear.gather [hbm4b:s4+s2], $0x7D0, $0x38;
	[tilespmem:$0x9880] =	vst v63  }
0x12: {  	_ = 	snop  }
0x13: {  	[tilespmem:s19], [sflag:$0x1] =	stream.linear.gather [hbm4b:s5+s2], $0x7D0, $0x38;
	[tilespmem:$0x9880] =	vst v63  }
0x14: {  	_ = 	snop  }
0x15: {  	[tilespmem:s2], [sflag:$0x4] =	stream.linear.gather [hbm4b:s3+s2], $0x80, $0x38;
	[tilespmem:$0x9880] =	vst v63  }
0x16: {  	_ =	swait.ge [sflag:s20], $0x80  }
0x17: {  	[sflag:s20] =	ssyncset.done $0x0  }
0x18: {  	s31 =	simm.s32 $0x40;
	s1 =	simm.s32 $0x0;
	[sflag:s20] =	ssyncadd.s32 $0xFFFFFF80  }
.LBB2_2:
0x19: {  	p0 =	sne.s32 s31, $0x9FC0;
	[tilespmem:s1+$0x7080] =	vst v0;
	s0 =	smov.u32 s31;
	s31 =	sadd.s32 $0x40, s31  }
.Ltmp0:
0x1a: {  	[tilespmem:s1+$0x2080] =	vst v0;
	(pc) =	sbr.rel @p0 .LBB2_2-.Ltmp0, $2  }
0x1b: {  	[tilespmem:s1+$0x4880] =	vst v0;
	_ =	sdelay $0x2  }
0x1c: {  	s1 =	sshra.s32 s0, $0x2  }
0x1d: {  	[tilespmem:s1+$0x7080] =	vst v0  }
0x1e: {  	[tilespmem:s1+$0x2080] =	vst v0  }
0x1f: {  	[tilespmem:s1+$0x4880] =	vst v0  }
0x20: {  	s31 =	simm.s32 $0x0;
	v2 =	vld [tilespmem:$0x0]  }
0x21: {  	v3 =	vld [tilespmem:$0x10];
	[tilespmem:s21], [sflag:$0x2] =	stream.linear.gather [hbm4b:s6+s31], $0x7D0, $0x38  }
0x22: {  	_ = 	snop  }
0x23: {  	[tilespmem:s22], [sflag:$0x2] =	stream.linear.gather [hbm4b:s7+s31], $0x7D0, $0x38;
	[tilespmem:$0x9880] =	vst v63  }
0x24: {  	_ =	swait.ge [sflag:s23], $0x7D0  }
0x25: {  	[sflag:s23] =	ssyncset.done $0x0  }
0x26: {  	[sflag:s23] =	ssyncadd.s32 $0xFFFFF830  }
0x27: {  	_ =	swait.ge [sflag:s23], $0x7D0  }
0x28: {  	[sflag:s23] =	ssyncset.done $0x0  }
0x29: {  	[sflag:s23] =	ssyncadd.s32 $0xFFFFF830  }
.LBB2_4:
0x2a: {  	s0 =	sshra.s32 s31, $0x2  }
0x2b: {  	v4 =	vld [tilespmem:s0+$0x880];
	_ =	sdelay $0x3  }
0x2c: {  	v5 =	vld [tilespmem:s0+$0x80]  }
0x2d: {  	vm0 =	vgt.s32 v4, $0xFFFFFFFF  }
0x2e: {  	vm1 =	veq.s32 v4, v2  }
0x2f: {  	vm2 =	veq.s32 v4, v3;
	_ =	sdelay $0x3  }
0x30: {  	[tilespmem:v4+s24+$0x0] =	vst.idx.add.f32.msk vm0, v1  }
0x31: {  	[tilespmem:v5+s25+$0x0] =	vst.idx.add.f32.msk vm1, v1  }
0x32: {  	[tilespmem:v5+s26+$0x0] =	vst.idx.add.f32.msk vm2, v1  }
0x33: {  	v4 =	vld [tilespmem:s0+$0x890];
	_ =	sdelay $0x3  }
0x34: {  	v5 =	vld [tilespmem:s0+$0x90]  }
0x35: {  	vm4 =	vgt.s32 v4, $0xFFFFFFFF  }
0x36: {  	vm5 =	veq.s32 v4, v2  }
0x37: {  	vm6 =	veq.s32 v4, v3;
	_ =	sdelay $0x3  }
0x38: {  	[tilespmem:v4+s24+$0x0] =	vst.idx.add.f32.msk vm4, v1  }
0x39: {  	[tilespmem:v5+s25+$0x0] =	vst.idx.add.f32.msk vm5, v1  }
0x3a: {  	[tilespmem:v5+s26+$0x0] =	vst.idx.add.f32.msk vm6, v1  }
0x3b: {  	v4 =	vld [tilespmem:s0+$0x8A0];
	_ =	sdelay $0x3  }
0x3c: {  	v5 =	vld [tilespmem:s0+$0xA0]  }
0x3d: {  	vm7 =	vgt.s32 v4, $0xFFFFFFFF  }
0x3e: {  	vm8 =	veq.s32 v4, v2  }
0x3f: {  	vm9 =	veq.s32 v4, v3;
	_ =	sdelay $0x3  }
0x40: {  	[tilespmem:v4+s24+$0x0] =	vst.idx.add.f32.msk vm7, v1  }
0x41: {  	[tilespmem:v5+s25+$0x0] =	vst.idx.add.f32.msk vm8, v1  }
0x42: {  	[tilespmem:v5+s26+$0x0] =	vst.idx.add.f32.msk vm9, v1  }
0x43: {  	v4 =	vld [tilespmem:s0+$0x8B0];
	_ =	sdelay $0x3  }
0x44: {  	v5 =	vld [tilespmem:s0+$0xB0]  }
0x45: {  	vm10 =	vgt.s32 v4, $0xFFFFFFFF  }
0x46: {  	vm11 =	veq.s32 v4, v2  }
0x47: {  	vm12 =	veq.s32 v4, v3;
	_ =	sdelay $0x3  }
0x48: {  	[tilespmem:v4+s24+$0x0] =	vst.idx.add.f32.msk vm10, v1  }
0x49: {  	[tilespmem:v5+s25+$0x0] =	vst.idx.add.f32.msk vm11, v1  }
0x4a: {  	[tilespmem:v5+s26+$0x0] =	vst.idx.add.f32.msk vm12, v1  }
0x4b: {  	v4 =	vld [tilespmem:s0+$0x8C0];
	_ =	sdelay $0x3  }
0x4c: {  	v5 =	vld [tilespmem:s0+$0xC0]  }
0x4d: {  	vm13 =	vgt.s32 v4, $0xFFFFFFFF  }
0x4e: {  	vm14 =	veq.s32 v4, v2  }
0x4f: {  	vm15 =	veq.s32 v4, v3  }
0x50: {  	p0 =	sne.s32 s31, $0x1E00  }
.Ltmp1:
0x51: {  	_ = 	snop;
	(pc) =	sbr.rel @p0 .LBB2_4-.Ltmp1, $4  }
0x52: {  	_ = 	snop  }
0x53: {  	[tilespmem:v4+s24+$0x0] =	vst.idx.add.f32.msk vm13, v1  }
0x54: {  	[tilespmem:v5+s25+$0x0] =	vst.idx.add.f32.msk vm14, v1  }
0x55: {  	s31 =	sadd.s32 $0x140, s31;
	[tilespmem:v5+s26+$0x0] =	vst.idx.add.f32.msk vm15, v1  }
0x56: {  	s31 =	simm.s32 $0x0  }
0x57: {  	[tilespmem:s18], [sflag:$0x1] =	stream.linear.gather [hbm4b:s8+s31], $0x7D0, $0x38;
	[tilespmem:$0x9880] =	vst v63  }
0x58: {  	_ = 	snop  }
0x59: {  	[tilespmem:s19], [sflag:$0x1] =	stream.linear.gather [hbm4b:s9+s31], $0x7D0, $0x38;
	[tilespmem:$0x9880] =	vst v63  }
0x5a: {  	_ =	swait.ge [sflag:s28], $0x7D0  }
0x5b: {  	[sflag:s28] =	ssyncset.done $0x0  }
0x5c: {  	[sflag:s28] =	ssyncadd.s32 $0xFFFFF830  }
0x5d: {  	_ =	swait.ge [sflag:s28], $0x7D0  }
0x5e: {  	[sflag:s28] =	ssyncset.done $0x0  }
0x5f: {  	[sflag:s28] =	ssyncadd.s32 $0xFFFFF830  }
.LBB2_6:
0x60: {  	s0 =	sshra.s32 s31, $0x2  }
0x61: {  	v4 =	vld [tilespmem:s0+$0x1880];
	_ =	sdelay $0x3  }
0x62: {  	v5 =	vld [tilespmem:s0+$0x1080]  }
0x63: {  	vm0 =	vgt.s32 v4, $0xFFFFFFFF  }
0x64: {  	vm1 =	veq.s32 v4, v2  }
0x65: {  	vm2 =	veq.s32 v4, v3;
	_ =	sdelay $0x3  }
0x66: {  	[tilespmem:v4+s24+$0x0] =	vst.idx.add.f32.msk vm0, v1  }
0x67: {  	[tilespmem:v5+s25+$0x0] =	vst.idx.add.f32.msk vm1, v1  }
0x68: {  	[tilespmem:v5+s26+$0x0] =	vst.idx.add.f32.msk vm2, v1  }
0x69: {  	v4 =	vld [tilespmem:s0+$0x1890];
	_ =	sdelay $0x3  }
0x6a: {  	v5 =	vld [tilespmem:s0+$0x1090]  }
0x6b: {  	vm4 =	vgt.s32 v4, $0xFFFFFFFF  }
0x6c: {  	vm5 =	veq.s32 v4, v2  }
0x6d: {  	vm6 =	veq.s32 v4, v3;
	_ =	sdelay $0x3  }
0x6e: {  	[tilespmem:v4+s24+$0x0] =	vst.idx.add.f32.msk vm4, v1  }
0x6f: {  	[tilespmem:v5+s25+$0x0] =	vst.idx.add.f32.msk vm5, v1  }
0x70: {  	[tilespmem:v5+s26+$0x0] =	vst.idx.add.f32.msk vm6, v1  }
0x71: {  	v4 =	vld [tilespmem:s0+$0x18A0];
	_ =	sdelay $0x3  }
0x72: {  	v5 =	vld [tilespmem:s0+$0x10A0]  }
0x73: {  	vm7 =	vgt.s32 v4, $0xFFFFFFFF  }
0x74: {  	vm8 =	veq.s32 v4, v2  }
0x75: {  	vm9 =	veq.s32 v4, v3;
	_ =	sdelay $0x3  }
0x76: {  	[tilespmem:v4+s24+$0x0] =	vst.idx.add.f32.msk vm7, v1  }
0x77: {  	[tilespmem:v5+s25+$0x0] =	vst.idx.add.f32.msk vm8, v1  }
0x78: {  	[tilespmem:v5+s26+$0x0] =	vst.idx.add.f32.msk vm9, v1  }
0x79: {  	v4 =	vld [tilespmem:s0+$0x18B0];
	_ =	sdelay $0x3  }
0x7a: {  	v5 =	vld [tilespmem:s0+$0x10B0]  }
0x7b: {  	vm10 =	vgt.s32 v4, $0xFFFFFFFF  }
0x7c: {  	vm11 =	veq.s32 v4, v2  }
0x7d: {  	vm12 =	veq.s32 v4, v3;
	_ =	sdelay $0x3  }
0x7e: {  	[tilespmem:v4+s24+$0x0] =	vst.idx.add.f32.msk vm10, v1  }
0x7f: {  	[tilespmem:v5+s25+$0x0] =	vst.idx.add.f32.msk vm11, v1  }
0x80: {  	[tilespmem:v5+s26+$0x0] =	vst.idx.add.f32.msk vm12, v1  }
0x81: {  	v4 =	vld [tilespmem:s0+$0x18C0];
	_ =	sdelay $0x3  }
0x82: {  	v5 =	vld [tilespmem:s0+$0x10C0]  }
0x83: {  	vm13 =	vgt.s32 v4, $0xFFFFFFFF  }
0x84: {  	vm14 =	veq.s32 v4, v2  }
0x85: {  	vm15 =	veq.s32 v4, v3  }
0x86: {  	p0 =	sne.s32 s31, $0x1E00  }
.Ltmp2:
0x87: {  	_ = 	snop;
	(pc) =	sbr.rel @p0 .LBB2_6-.Ltmp2, $4  }
0x88: {  	_ = 	snop  }
0x89: {  	[tilespmem:v4+s24+$0x0] =	vst.idx.add.f32.msk vm13, v1  }
0x8a: {  	[tilespmem:v5+s25+$0x0] =	vst.idx.add.f32.msk vm14, v1  }
0x8b: {  	s31 =	sadd.s32 $0x140, s31;
	[tilespmem:v5+s26+$0x0] =	vst.idx.add.f32.msk vm15, v1  }
0x8c: {  	s31 =	simm.s32 $0x0  }
0x8d: {  	[tilespmem:s21], [sflag:$0x2] =	stream.linear.gather [hbm4b:s10+s31], $0x7D0, $0x38;
	[tilespmem:$0x9880] =	vst v63  }
0x8e: {  	_ = 	snop  }
0x8f: {  	[tilespmem:s22], [sflag:$0x2] =	stream.linear.gather [hbm4b:s11+s31], $0x7D0, $0x38;
	[tilespmem:$0x9880] =	vst v63  }
0x90: {  	_ =	swait.ge [sflag:s23], $0x7D0  }
0x91: {  	[sflag:s23] =	ssyncset.done $0x0  }
0x92: {  	[sflag:s23] =	ssyncadd.s32 $0xFFFFF830  }
0x93: {  	_ =	swait.ge [sflag:s23], $0x7D0  }
0x94: {  	[sflag:s23] =	ssyncset.done $0x0  }
0x95: {  	[sflag:s23] =	ssyncadd.s32 $0xFFFFF830  }
.LBB2_8:
0x96: {  	s0 =	sshra.s32 s31, $0x2  }
0x97: {  	v4 =	vld [tilespmem:s0+$0x880];
	_ =	sdelay $0x3  }
0x98: {  	v5 =	vld [tilespmem:s0+$0x80]  }
0x99: {  	vm0 =	vgt.s32 v4, $0xFFFFFFFF  }
0x9a: {  	vm1 =	veq.s32 v4, v2  }
0x9b: {  	vm2 =	veq.s32 v4, v3;
	_ =	sdelay $0x3  }
0x9c: {  	[tilespmem:v4+s24+$0x0] =	vst.idx.add.f32.msk vm0, v1  }
0x9d: {  	[tilespmem:v5+s25+$0x0] =	vst.idx.add.f32.msk vm1, v1  }
0x9e: {  	[tilespmem:v5+s26+$0x0] =	vst.idx.add.f32.msk vm2, v1  }
0x9f: {  	v4 =	vld [tilespmem:s0+$0x890];
	_ =	sdelay $0x3  }
0xa0: {  	v5 =	vld [tilespmem:s0+$0x90]  }
0xa1: {  	vm4 =	vgt.s32 v4, $0xFFFFFFFF  }
0xa2: {  	vm5 =	veq.s32 v4, v2  }
0xa3: {  	vm6 =	veq.s32 v4, v3;
	_ =	sdelay $0x3  }
0xa4: {  	[tilespmem:v4+s24+$0x0] =	vst.idx.add.f32.msk vm4, v1  }
0xa5: {  	[tilespmem:v5+s25+$0x0] =	vst.idx.add.f32.msk vm5, v1  }
0xa6: {  	[tilespmem:v5+s26+$0x0] =	vst.idx.add.f32.msk vm6, v1  }
0xa7: {  	v4 =	vld [tilespmem:s0+$0x8A0];
	_ =	sdelay $0x3  }
0xa8: {  	v5 =	vld [tilespmem:s0+$0xA0]  }
0xa9: {  	vm7 =	vgt.s32 v4, $0xFFFFFFFF  }
0xaa: {  	vm8 =	veq.s32 v4, v2  }
0xab: {  	vm9 =	veq.s32 v4, v3;
	_ =	sdelay $0x3  }
0xac: {  	[tilespmem:v4+s24+$0x0] =	vst.idx.add.f32.msk vm7, v1  }
0xad: {  	[tilespmem:v5+s25+$0x0] =	vst.idx.add.f32.msk vm8, v1  }
0xae: {  	[tilespmem:v5+s26+$0x0] =	vst.idx.add.f32.msk vm9, v1  }
0xaf: {  	v4 =	vld [tilespmem:s0+$0x8B0];
	_ =	sdelay $0x3  }
0xb0: {  	v5 =	vld [tilespmem:s0+$0xB0]  }
0xb1: {  	vm10 =	vgt.s32 v4, $0xFFFFFFFF  }
0xb2: {  	vm11 =	veq.s32 v4, v2  }
0xb3: {  	vm12 =	veq.s32 v4, v3;
	_ =	sdelay $0x3  }
0xb4: {  	[tilespmem:v4+s24+$0x0] =	vst.idx.add.f32.msk vm10, v1  }
0xb5: {  	[tilespmem:v5+s25+$0x0] =	vst.idx.add.f32.msk vm11, v1  }
0xb6: {  	[tilespmem:v5+s26+$0x0] =	vst.idx.add.f32.msk vm12, v1  }
0xb7: {  	v4 =	vld [tilespmem:s0+$0x8C0];
	_ =	sdelay $0x3  }
0xb8: {  	v5 =	vld [tilespmem:s0+$0xC0]  }
0xb9: {  	vm13 =	vgt.s32 v4, $0xFFFFFFFF  }
0xba: {  	vm14 =	veq.s32 v4, v2  }
0xbb: {  	vm15 =	veq.s32 v4, v3  }
0xbc: {  	p0 =	sne.s32 s31, $0x1E00  }
.Ltmp3:
0xbd: {  	_ = 	snop;
	(pc) =	sbr.rel @p0 .LBB2_8-.Ltmp3, $4  }
0xbe: {  	_ = 	snop  }
0xbf: {  	[tilespmem:v4+s24+$0x0] =	vst.idx.add.f32.msk vm13, v1  }
0xc0: {  	[tilespmem:v5+s25+$0x0] =	vst.idx.add.f32.msk vm14, v1  }
0xc1: {  	s31 =	sadd.s32 $0x140, s31;
	[tilespmem:v5+s26+$0x0] =	vst.idx.add.f32.msk vm15, v1  }
0xc2: {  	s31 =	simm.s32 $0x0  }
0xc3: {  	[tilespmem:s18], [sflag:$0x1] =	stream.linear.gather [hbm4b:s12+s31], $0x7D0, $0x38;
	[tilespmem:$0x9880] =	vst v63  }
0xc4: {  	_ = 	snop  }
0xc5: {  	[tilespmem:s19], [sflag:$0x1] =	stream.linear.gather [hbm4b:s13+s31], $0x7D0, $0x38;
	[tilespmem:$0x9880] =	vst v63  }
0xc6: {  	_ =	swait.ge [sflag:s28], $0x7D0  }
0xc7: {  	[sflag:s28] =	ssyncset.done $0x0  }
0xc8: {  	[sflag:s28] =	ssyncadd.s32 $0xFFFFF830  }
0xc9: {  	_ =	swait.ge [sflag:s28], $0x7D0  }
0xca: {  	[sflag:s28] =	ssyncset.done $0x0  }
0xcb: {  	[sflag:s28] =	ssyncadd.s32 $0xFFFFF830  }
.LBB2_10:
0xcc: {  	s0 =	sshra.s32 s31, $0x2  }
0xcd: {  	v4 =	vld [tilespmem:s0+$0x1880];
	_ =	sdelay $0x3  }
0xce: {  	v5 =	vld [tilespmem:s0+$0x1080]  }
0xcf: {  	vm0 =	vgt.s32 v4, $0xFFFFFFFF  }
0xd0: {  	vm1 =	veq.s32 v4, v2  }
0xd1: {  	vm2 =	veq.s32 v4, v3;
	_ =	sdelay $0x3  }
0xd2: {  	[tilespmem:v4+s24+$0x0] =	vst.idx.add.f32.msk vm0, v1  }
0xd3: {  	[tilespmem:v5+s25+$0x0] =	vst.idx.add.f32.msk vm1, v1  }
0xd4: {  	[tilespmem:v5+s26+$0x0] =	vst.idx.add.f32.msk vm2, v1  }
0xd5: {  	v4 =	vld [tilespmem:s0+$0x1890];
	_ =	sdelay $0x3  }
0xd6: {  	v5 =	vld [tilespmem:s0+$0x1090]  }
0xd7: {  	vm4 =	vgt.s32 v4, $0xFFFFFFFF  }
0xd8: {  	vm5 =	veq.s32 v4, v2  }
0xd9: {  	vm6 =	veq.s32 v4, v3;
	_ =	sdelay $0x3  }
0xda: {  	[tilespmem:v4+s24+$0x0] =	vst.idx.add.f32.msk vm4, v1  }
0xdb: {  	[tilespmem:v5+s25+$0x0] =	vst.idx.add.f32.msk vm5, v1  }
0xdc: {  	[tilespmem:v5+s26+$0x0] =	vst.idx.add.f32.msk vm6, v1  }
0xdd: {  	v4 =	vld [tilespmem:s0+$0x18A0];
	_ =	sdelay $0x3  }
0xde: {  	v5 =	vld [tilespmem:s0+$0x10A0]  }
0xdf: {  	vm7 =	vgt.s32 v4, $0xFFFFFFFF  }
0xe0: {  	vm8 =	veq.s32 v4, v2  }
0xe1: {  	vm9 =	veq.s32 v4, v3;
	_ =	sdelay $0x3  }
0xe2: {  	[tilespmem:v4+s24+$0x0] =	vst.idx.add.f32.msk vm7, v1  }
0xe3: {  	[tilespmem:v5+s25+$0x0] =	vst.idx.add.f32.msk vm8, v1  }
0xe4: {  	[tilespmem:v5+s26+$0x0] =	vst.idx.add.f32.msk vm9, v1  }
0xe5: {  	v4 =	vld [tilespmem:s0+$0x18B0];
	_ =	sdelay $0x3  }
0xe6: {  	v5 =	vld [tilespmem:s0+$0x10B0]  }
0xe7: {  	vm10 =	vgt.s32 v4, $0xFFFFFFFF  }
0xe8: {  	vm11 =	veq.s32 v4, v2  }
0xe9: {  	vm12 =	veq.s32 v4, v3;
	_ =	sdelay $0x3  }
0xea: {  	[tilespmem:v4+s24+$0x0] =	vst.idx.add.f32.msk vm10, v1  }
0xeb: {  	[tilespmem:v5+s25+$0x0] =	vst.idx.add.f32.msk vm11, v1  }
0xec: {  	[tilespmem:v5+s26+$0x0] =	vst.idx.add.f32.msk vm12, v1  }
0xed: {  	v4 =	vld [tilespmem:s0+$0x18C0];
	_ =	sdelay $0x3  }
0xee: {  	v5 =	vld [tilespmem:s0+$0x10C0]  }
0xef: {  	vm13 =	vgt.s32 v4, $0xFFFFFFFF  }
0xf0: {  	vm14 =	veq.s32 v4, v2  }
0xf1: {  	vm15 =	veq.s32 v4, v3  }
0xf2: {  	p0 =	sne.s32 s31, $0x1E00  }
.Ltmp4:
0xf3: {  	_ = 	snop;
	(pc) =	sbr.rel @p0 .LBB2_10-.Ltmp4, $4  }
0xf4: {  	_ = 	snop  }
0xf5: {  	[tilespmem:v4+s24+$0x0] =	vst.idx.add.f32.msk vm13, v1  }
0xf6: {  	[tilespmem:v5+s25+$0x0] =	vst.idx.add.f32.msk vm14, v1  }
0xf7: {  	s31 =	sadd.s32 $0x140, s31;
	[tilespmem:v5+s26+$0x0] =	vst.idx.add.f32.msk vm15, v1  }
0xf8: {  	_ =	swait.ge [sflag:s23], $0x7D0  }
0xf9: {  	[sflag:s23] =	ssyncset.done $0x0  }
0xfa: {  	[sflag:s23] =	ssyncadd.s32 $0xFFFFF830  }
0xfb: {  	_ =	swait.ge [sflag:s23], $0x7D0  }
0xfc: {  	[sflag:s23] =	ssyncset.done $0x0  }
0xfd: {  	s31 =	simm.s32 $0x0;
	[sflag:s23] =	ssyncadd.s32 $0xFFFFF830  }
.LBB2_12:
0xfe: {  	s0 =	sshra.s32 s31, $0x2  }
0xff: {  	v4 =	vld [tilespmem:s0+$0x880];
	_ =	sdelay $0x3  }
0x100: {  	v5 =	vld [tilespmem:s0+$0x80]  }
0x101: {  	vm0 =	vgt.s32 v4, $0xFFFFFFFF  }
0x102: {  	vm1 =	veq.s32 v4, v2  }
0x103: {  	vm2 =	veq.s32 v4, v3;
	_ =	sdelay $0x3  }
0x104: {  	[tilespmem:v4+s24+$0x0] =	vst.idx.add.f32.msk vm0, v1  }
0x105: {  	[tilespmem:v5+s25+$0x0] =	vst.idx.add.f32.msk vm1, v1  }
0x106: {  	[tilespmem:v5+s26+$0x0] =	vst.idx.add.f32.msk vm2, v1  }
0x107: {  	v4 =	vld [tilespmem:s0+$0x890];
	_ =	sdelay $0x3  }
0x108: {  	v5 =	vld [tilespmem:s0+$0x90]  }
0x109: {  	vm4 =	vgt.s32 v4, $0xFFFFFFFF  }
0x10a: {  	vm5 =	veq.s32 v4, v2  }
0x10b: {  	vm6 =	veq.s32 v4, v3;
	_ =	sdelay $0x3  }
0x10c: {  	[tilespmem:v4+s24+$0x0] =	vst.idx.add.f32.msk vm4, v1  }
0x10d: {  	[tilespmem:v5+s25+$0x0] =	vst.idx.add.f32.msk vm5, v1  }
0x10e: {  	[tilespmem:v5+s26+$0x0] =	vst.idx.add.f32.msk vm6, v1  }
0x10f: {  	v4 =	vld [tilespmem:s0+$0x8A0];
	_ =	sdelay $0x3  }
0x110: {  	v5 =	vld [tilespmem:s0+$0xA0]  }
0x111: {  	vm7 =	vgt.s32 v4, $0xFFFFFFFF  }
0x112: {  	vm8 =	veq.s32 v4, v2  }
0x113: {  	vm9 =	veq.s32 v4, v3;
	_ =	sdelay $0x3  }
0x114: {  	[tilespmem:v4+s24+$0x0] =	vst.idx.add.f32.msk vm7, v1  }
0x115: {  	[tilespmem:v5+s25+$0x0] =	vst.idx.add.f32.msk vm8, v1  }
0x116: {  	[tilespmem:v5+s26+$0x0] =	vst.idx.add.f32.msk vm9, v1  }
0x117: {  	v4 =	vld [tilespmem:s0+$0x8B0];
	_ =	sdelay $0x3  }
0x118: {  	v5 =	vld [tilespmem:s0+$0xB0]  }
0x119: {  	vm10 =	vgt.s32 v4, $0xFFFFFFFF  }
0x11a: {  	vm11 =	veq.s32 v4, v2  }
0x11b: {  	vm12 =	veq.s32 v4, v3;
	_ =	sdelay $0x3  }
0x11c: {  	[tilespmem:v4+s24+$0x0] =	vst.idx.add.f32.msk vm10, v1  }
0x11d: {  	[tilespmem:v5+s25+$0x0] =	vst.idx.add.f32.msk vm11, v1  }
0x11e: {  	[tilespmem:v5+s26+$0x0] =	vst.idx.add.f32.msk vm12, v1  }
0x11f: {  	v4 =	vld [tilespmem:s0+$0x8C0];
	_ =	sdelay $0x3  }
0x120: {  	v5 =	vld [tilespmem:s0+$0xC0]  }
0x121: {  	vm13 =	vgt.s32 v4, $0xFFFFFFFF  }
0x122: {  	vm14 =	veq.s32 v4, v2  }
0x123: {  	vm15 =	veq.s32 v4, v3  }
0x124: {  	p0 =	sne.s32 s31, $0x1E00  }
.Ltmp5:
0x125: {  	_ = 	snop;
	(pc) =	sbr.rel @p0 .LBB2_12-.Ltmp5, $4  }
0x126: {  	_ = 	snop  }
0x127: {  	[tilespmem:v4+s24+$0x0] =	vst.idx.add.f32.msk vm13, v1  }
0x128: {  	[tilespmem:v5+s25+$0x0] =	vst.idx.add.f32.msk vm14, v1  }
0x129: {  	s31 =	sadd.s32 $0x140, s31;
	[tilespmem:v5+s26+$0x0] =	vst.idx.add.f32.msk vm15, v1  }
0x12a: {  	[hbm4b:s14+s2] =	stream.linear.scatter [tilespmem:s24], [sflag:$0x3], $0x2800, $0x38;
	[tilespmem:$0x9880] =	vst v63  }
0x12b: {  	_ = 	snop  }
0x12c: {  	[hbm4b:s15+s2] =	stream.linear.scatter [tilespmem:s25], [sflag:$0x3], $0x2800, $0x38;
	[tilespmem:$0x9880] =	vst v63  }
0x12d: {  	_ = 	snop  }
0x12e: {  	[hbm4b:s16+s2] =	stream.linear.scatter [tilespmem:s26], [sflag:$0x3], $0x2800, $0x38;
	[tilespmem:$0x9880] =	vst v63  }
0x12f: {  	_ =	swait.ge [sflag:s29], $0x2800  }
0x130: {  	[sflag:s29] =	ssyncset.done $0x0  }
0x131: {  	s30 =	sadd.s32 $0x1, s30;
	[sflag:s29] =	ssyncadd.s32 $0xFFFFD800  }
0x132: {  	p0 =	sne.s32 s30, s17;
	_ =	swait.ge [sflag:s29], $0x2800  }
.Ltmp6:
0x133: {  	[sflag:s29] =	ssyncset.done $0x0;
	(pc) =	sbr.rel @p0 .LBB2_1-.Ltmp6, $4  }
0x134: {  	[sflag:s29] =	ssyncadd.s32 $0xFFFFD800  }
0x135: {  	_ =	swait.ge [sflag:s29], $0x2800  }
0x136: {  	[sflag:s29] =	ssyncset.done $0x0  }
0x137: {  	[sflag:s29] =	ssyncadd.s32 $0xFFFFD800  }
0x138: {  	_ =	sfence.sel $0x180000  }
0x139: {  	[bflag:$0x0] =	sbarrier.arrive $0xFFFF  }
0x13a: {  	_ =	strace $0x90000047  }
0x13b: {  	s0 =	stileid.u32;
	[bflag:$0x2] =	sbarrier.arrive $0xFFFF  }
0x13c: {  	p0 =	sne.s32 s0, $0x0;
	s0 =	rddreg [dreg:$0x1]  }
0x13d: {  	s0 =	sadd.s32 @!p0 $0x100000, s0  }
0x13e: {  	[sflag:s0] =	ssyncadd.tile.s32 @!p0 $0x1;
	_ =	shalt  }
.Lfunc_end2:
_tile_overlayer_lowered:
.L_overlay_start_2:
0x13f: {  	(tag) =	ssettag $0x2  }
0x140: {  	s0 =	rddreg [dreg:$0x0];
	s2 =	stileid.u32  }
0x141: {  	s1 =	rddreg [dreg:$0x1];
	p0 =	sne.s32 s2, $0x0  }
0x142: {  	s3 =	rddreg [dreg:$0x2];
	[bflag:$0x3] =	sbarrier.arrive $0xFFFF;
	s2 =	simm.s32 @!p0 $0x1C04  }
0x143: {  	[timem:s3], [sflag:s2] =	dma.local @!p0 [hbm:s0], s1  }
0x144: {  	s0 =	simm.s32 @!p0 $0x4  }
0x145: {  	_ =	swait.ge @!p0 [sflag:s0], s1  }
0x146: {  	s1 =	ssub.s32 @!p0 $0x0, s1;
	[sflag:s0] =	ssyncset.done @!p0 $0x0  }
0x147: {  	[sflag:s0] =	ssyncadd.s32 @!p0 s1  }
0x148: {  	[bflag:$0x3] =	sbarrier.arrive $0xFFFF  }
0x149: {  	_ =	shalt  }

// kernel: kernel.9.cloned.1.call-start
scs
__scs_entry_jumppad:
0x0: {  	(pc) =	sbr.rel $0x88, $3  }
0x1: {  	(tag) =	ssettag $0x0;
	lr =	simm.s32 $0x1  }
0x2: {  	[smem:$0x3F95] =	sst lr;
	_ =	strace $0xD0000000  }
0x3: {  	_ = 	snop  }
0x4: {  	_ = 	snop  }
0x5: {  	_ = 	snop  }
0x6: {  	_ = 	snop  }
0x7: {  	_ = 	snop  }
__scs_overlays_trampoline_lowered:
0x8: {  	[smem:$0x3FA4] =	sst s0  }
0x9: {  	[smem:$0x3FA5] =	sst s1  }
0xa: {  	[smem:$0x3FA6] =	sst s2  }
0xb: {  	[smem:$0x3FA7] =	sst s3  }
0xc: {  	[smem:$0x3FA8] =	sst s4  }
0xd: {  	[smem:$0x3FA9] =	sst s5  }
0xe: {  	[smem:$0x3FAA] =	sst s6  }
0xf: {  	[smem:$0x3FAB] =	sst s7  }
0x10: {  	[smem:$0x3FAC] =	sst s8  }
0x11: {  	[smem:$0x3FAD] =	sst s9;
	s0 =	simm.s32 @!p0 $0x0  }
0x12: {  	s1 =	sld [smem:$0x3F93];
	s0 =	simm.s32 @p0 $0x1  }
0x13: {  	[smem:$0x3FAE] =	sst s0;
	s0 =	simm.s32 @!p1 $0x0  }
0x14: {  	s2 =	sld [smem:$0x3F92];
	s0 =	simm.s32 @p1 $0x1  }
0x15: {  	[smem:$0x3FAF] =	sst s0;
	s0 =	simm.s32 @!p2 $0x0  }
0x16: {  	s3 =	sld [smem:$0x3FDB];
	s0 =	simm.s32 @p2 $0x1  }
0x17: {  	s4 =	simm.s32 $0x1BF5;
	[smem:$0x3FB1] =	sst s0  }
0x18: {  	s0 =	sld [smem:$0x3F94];
	_ =	swait.ge [sflag:s4], $0x0  }
0x19: {  	s7 =	sld [smem:$0x3F95]  }
0x1a: {  	s8 =	sadd.s32 $0xFFFFE003, lr  }
0x1b: {  	s9 =	sadd.s32 $0xFFFFFEF7, lr;
	s5 =	simm.s32 $0xFFFFFFFF;
	p2 =	slt.u32 s8, $0xFFFFF086  }
0x1c: {  	p1 =	slt.u32 s9, $0xF7A;
	s5 =	simm.s32 @!p2 $0x0  }
0x1d: {  	s5 =	simm.s32 @p1 $0x1;
	p0 =	seq.s32 s7, s2  }
0x1e: {  	s7 =	smul.u32 @!p0 $0xF7A, s2;
	p2 =	seq.s32 @!p0 s5, $0x0  }
0x1f: {  	s9 =	smul.u32 $0xF7A, s1;
	s8 =	simm.s32 @!p0 $0x1BF5;
	p2 =	por !p2, p0  }
0x20: {  	[sflag:s8] =	ssyncset.s32 @!p0 $0xFFFFF086;
	s6 =	sadd.s32 @!p0 s3, s7;
	s7 =	simm.s32 @!p0 $0x108  }
0x21: {  	s3 =	sadd.s32 s3, s9;
	s6 =	sadd.s32 @!p0 $0x88, s6;
	s7 =	simm.s32 @p2 $0x1082  }
0x22: {  	[simem:s7], [sflag:s8] =	dma.local @!p0 [hbm:s6], $0xF7A  }
0x23: {  	s9 =	sor.u32 $0xD0000000, s2;
	s6 =	simm.s32 $0x108;
	_ =	swait.ge @!p0 [sflag:s8], $0x0  }
0x24: {  	s3 =	sadd.s32 $0x88, s3;
	s6 =	simm.s32 @!p1 $0x1082;
	[sflag:s4] =	ssyncset.s32 $0xFFFFF086  }
0x25: {  	[simem:s6], [sflag:s4] =	dma.local [hbm:s3], $0xF7A  }
0x26: {  	[smem:$0x3F95] =	sst s1;
	(tag) =	ssettag s2;
	_ =	strace s9  }
0x27: {  	s1 =	sld [smem:$0x3FA5]  }
0x28: {  	s2 =	sld [smem:$0x3FA6]  }
0x29: {  	s4 =	sld [smem:$0x3FA8]  }
0x2a: {  	p0 =	seq.s32 s5, $0x0;
	s5 =	sld [smem:$0x3FA9]  }
0x2b: {  	s6 =	sld [smem:$0x3FAA]  }
0x2c: {  	s7 =	sld [smem:$0x3FAB]  }
0x2d: {  	s3 =	simm.s32 $0x108;
	s8 =	sld [smem:$0x3FAC]  }
0x2e: {  	s3 =	simm.s32 @!p0 $0x1082;
	s9 =	sld [smem:$0x3FAD]  }
0x2f: {  	lr =	sadd.s32 s0, s3;
	s0 =	sld [smem:$0x3FA4]  }
0x30: {  	s3 =	sld [smem:$0x3FA7]  }
0x31: {  	[smem:$0x3FB0] =	sst s10  }
0x32: {  	s10 =	sld [smem:$0x3FAE];
	_ =	sdelay $0x3  }
0x33: {  	p0 =	seq.s32 s10, $0x1;
	s10 =	sld [smem:$0x3FB0];
	_ =	sdelay $0x3  }
0x34: {  	[smem:$0x3FB0] =	sst s10  }
0x35: {  	s10 =	sld [smem:$0x3FAF];
	_ =	sdelay $0x3  }
0x36: {  	p1 =	seq.s32 s10, $0x1;
	s10 =	sld [smem:$0x3FB0];
	_ =	sdelay $0x3  }
0x37: {  	[smem:$0x3FB0] =	sst s10  }
0x38: {  	s10 =	sld [smem:$0x3FB1]  }
0x39: {  	_ = 	snop;
	(pc) =	sbr.ind lr, $3  }
0x3a: {  	_ = 	snop  }
0x3b: {  	_ = 	snop  }
0x3c: {  	p2 =	seq.s32 s10, $0x1;
	s10 =	sld [smem:$0x3FB0]  }
0x3d: {  	_ =	shalt  }
0x3e: {  	_ =	shalt  }
0x3f: {  	_ =	shalt  }
0x40: {  	_ =	shalt  }
0x41: {  	_ =	shalt  }
0x42: {  	_ =	shalt  }
0x43: {  	_ =	shalt  }
0x44: {  	_ =	shalt  }
0x45: {  	_ =	shalt  }
0x46: {  	_ =	shalt  }
0x47: {  	_ =	shalt  }
0x48: {  	_ =	shalt  }
0x49: {  	_ =	shalt  }
0x4a: {  	_ =	shalt  }
0x4b: {  	_ =	shalt  }
0x4c: {  	_ =	shalt  }
0x4d: {  	_ =	shalt  }
0x4e: {  	_ =	shalt  }
0x4f: {  	_ =	shalt  }
0x50: {  	_ =	shalt  }
0x51: {  	_ =	shalt  }
0x52: {  	_ =	shalt  }
0x53: {  	_ =	shalt  }
0x54: {  	_ =	shalt  }
0x55: {  	_ =	shalt  }
0x56: {  	_ =	shalt  }
0x57: {  	_ =	shalt  }
0x58: {  	_ =	shalt  }
0x59: {  	_ =	shalt  }
0x5a: {  	_ =	shalt  }
0x5b: {  	_ =	shalt  }
0x5c: {  	_ =	shalt  }
0x5d: {  	_ =	shalt  }
0x5e: {  	_ =	shalt  }
0x5f: {  	_ =	shalt  }
0x60: {  	_ =	shalt  }
0x61: {  	_ =	shalt  }
0x62: {  	_ =	shalt  }
0x63: {  	_ =	shalt  }
0x64: {  	_ =	shalt  }
0x65: {  	_ =	shalt  }
0x66: {  	_ =	shalt  }
0x67: {  	_ =	shalt  }
0x68: {  	_ =	shalt  }
0x69: {  	_ =	shalt  }
0x6a: {  	_ =	shalt  }
0x6b: {  	_ =	shalt  }
0x6c: {  	_ =	shalt  }
0x6d: {  	_ =	shalt  }
0x6e: {  	_ =	shalt  }
0x6f: {  	_ =	shalt  }
0x70: {  	_ =	shalt  }
0x71: {  	_ =	shalt  }
0x72: {  	_ =	shalt  }
0x73: {  	_ =	shalt  }
0x74: {  	_ =	shalt  }
0x75: {  	_ =	shalt  }
0x76: {  	_ =	shalt  }
0x77: {  	_ =	shalt  }
0x78: {  	_ =	shalt  }
0x79: {  	_ =	shalt  }
0x7a: {  	_ =	shalt  }
0x7b: {  	_ =	shalt  }
0x7c: {  	_ =	shalt  }
0x7d: {  	_ =	shalt  }
0x7e: {  	_ =	shalt  }
0x7f: {  	_ =	shalt  }
0x80: {  	_ =	shalt  }
0x81: {  	_ =	shalt  }
0x82: {  	_ =	shalt  }
0x83: {  	_ =	shalt  }
0x84: {  	_ =	shalt  }
0x85: {  	_ =	shalt  }
0x86: {  	_ =	shalt  }
0x87: {  	_ =	shalt  }
.Lfunc_end0:
.L_simem_size_0:
called_computation.1_lowered:
.L_overlay_start_0:
0x88: {  	s2 =	sld [smem:$0x3FD9]  }
0x89: {  	s3 =	sld [smem:$0x3FFE];
	_ =	sdelay $0x1  }
0x8a: {  	s1 =	srdreg.scid  }
0x8b: {  	s0 =	sand.u32 $0x1, s1  }
0x8c: {  	s16 =	sshll.u32 s0, $0xA;
	s2 =	sadd.s32 s3, s2  }
0x8d: {  	s2 =	sadd.s32 s2, s16  }
0x8e: {  	[smem:$0x3FBC] =	sst s2  }
0x8f: {  	_ = 	snop  }
0x90: {  	(tm) =	ssettm $0x1  }
0x91: {  	s17 =	sld [smem:$0x3FFB];
	_ =	sdelay $0x3  }
0x92: {  	_ =	strace s17  }
0x93: {  	s2 =	sld [smem:$0x3FFC];
	_ =	sdelay $0x3  }
0x94: {  	_ =	strace s2  }
0x95: {  	s2 =	sld [smem:$0x3FFD];
	_ =	sdelay $0x3  }
0x96: {  	_ =	strace s2  }
0x97: {  	_ =	strace $0x8FFFFFFF  }
0x98: {  	s18 =	sld [smem:$0x3FDB];
	_ =	sdelay $0x1  }
0x99: {  	s19 =	simm.s32 $_scs_section_size  }
0x9a: {  	s4 =	simm.s32 $_size__tile_overlayer_lowered;
	s5 =	simm.s32 $_tile_overlayer_lowered  }
0x9b: {  	s22 =	simm.s32 $0x1BFF;
	s21 =	sshll.u32 s5, $0x1;
	s2 =	sadd.s32 s19, s18  }
0x9c: {  	s6 =	simm.s32 $0x0;
	s20 =	sshll.u32 s4, $0x1;
	s4 =	sadd.s32 s21, s2  }
0x9d: {  	[timem:s6], [sflag:s22] =	dma.local [hbm:s4], s20  }
0x9e: {  	_ =	swait.ge [sflag:s22], s20  }
0x9f: {  	s3 =	ssub.s32 $0x0, s20;
	[sflag:s22] =	ssyncset.done $0x0  }
0xa0: {  	[sflag:s22] =	ssyncadd.s32 s3;
	_ =	sdelay $0x1  }
0xa1: {  	s23 =	simm.s32 $0x1B8B  }
0xa2: {  	_ =	swait.ge [sflag:s23], $0x1  }
0xa3: {  	[sflag:s23] =	ssyncset.done $0x0  }
0xa4: {  	s25 =	simm.s32 $0x1B8E;
	s24 =	sld [smem:$0x3FFE];
	[sflag:s23] =	ssyncadd.s32 $0xFFFFFFFF  }
0xa5: {  	s26 =	simm.s32 $execute0_lowered;
	[smem:$0x3FD2] =	sst s25  }
0xa6: {  	s4 =	sshll.u32 s26, $0x1;
	_ =	strace $0x80000049;
	[dreg:$0x1] =	wrdreg $0xFFFFFFFF  }
0xa7: {  	s28 =	simm.s32 $_size_execute0_lowered;
	s2 =	sadd.s32 s2, s4;
	[dreg:$0x0] =	wrdreg $0x0  }
0xa8: {  	s4 =	sshll.u32 s28, $0x1;
	[dreg:$0x2] =	wrdreg s2  }
0xa9: {  	[dreg:$0x3] =	wrdreg s4  }
0xaa: {  	[dreg:$0x4] =	wrdreg $0xC0  }
0xab: {  	_ =	task [dreg:s6], $0x5FFFF  }
0xac: {  	[dreg:$0x1] =	wrdreg $0xFFFFFFFF  }
0xad: {  	[dreg:$0x0] =	wrdreg $0x60  }
0xae: {  	[dreg:$0x2] =	wrdreg s24  }
0xaf: {  	[dreg:$0x3] =	wrdreg $0xA7800  }
0xb0: {  	[dreg:$0x4] =	wrdreg $0x9  }
0xb1: {  	_ =	task.clear_ibuf [dreg:s6], $0x5FFFF;
	_ =	strace $0x90000049  }
0xb2: {  	s29 =	simm.s32 $0x9;
	_ =	strace $0x8000004B  }
0xb3: {  	_ =	swait.ge [sflag:s29], $0x1  }
0xb4: {  	[sflag:s29] =	ssyncadd.s32 $0xFFFFFFFF  }
0xb5: {  	_ =	strace $0x9000004B  }
0xb6: {  	_ =	sfence  }
0xb7: {  	s30 =	sld [smem:$0x0];
	_ =	sdelay $0x2  }
0xb8: {  	s31 =	sshll.u32 s1, $0xD;
	s1 =	sshrl.u32 s1, $0x2  }
0xb9: {  	s3 =	sand.u32 $0x4000, s31;
	s1 =	sadd.s32 s1, s30  }
0xba: {  	s0 =	sor.u32 s3, s0;
	s1 =	sshll.u32 s1, $0x11  }
0xbb: {  	s0 =	sor.u32 s1, s0  }
0xbc: {  	s0 =	sadd.s32 $0x8F2B, s0  }
0xbd: {  	[sflag:s0] =	ssyncadd.remote.s32 $0x1  }
0xbe: {  	_ =	sfence.sel $0xFFFF  }
0xbf: {  	[dreg:$0x0] =	wrdreg $0xFFFFFFFF;
	(pc) =	sbr.abs _section_cstart, $3  }
0xc0: {  	[dreg:$0x1] =	wrdreg $0xFFFFFFFF  }
0xc1: {  	_ =	task.clear_ibuf [dreg:s6], $0x2FFFF;
	_ =	strace $0x9FFFFFFF  }
0xc2: {  	(tm) =	ssettm $0x7FFFFFFF  }
0xc3: {  	_ =	shalt  }
tec
execute0_lowered:
.L_overlay_start_1:
0x0: {  	(tag) =	ssettag $0x1  }
0x1: {  	s1 =	rddreg [dreg:$0x0];
	s16 =	stileid.u32  }
0x2: {  	s2 =	rddreg [dreg:$0x1];
	s3 =	simm.s32 $0x0;
	s4 =	srdreg.scid  }
0x3: {  	s28 =	simm.s32 $0x9700;
	s29 =	simm.s32 $0x20;
	s30 =	simm.s32 $0x9680  }
0x4: {  	s31 =	simm.s32 $0x9780;
	s0 =	smul.u32 $0x4E20, s16;
	[smem:$0x7FF] =	sst s3  }
0x5: {  	s4 =	sand.u32 $0x1, s4;
	s18 =	sadd.s32 $0x66C00, s1;
	s9 =	smul.u32 $0x51000, s16  }
0x6: {  	s5 =	sadd.s32 $0x16C00, s1;
	s6 =	sadd.s32 $0x67200, s1;
	s19 =	smul.u32 $0x14000, s16  }
0x7: {  	_ =	strace $0x8000004A;
	[dreg:$0x3] =	wrdreg s18;
	s8 =	ssub.s32 $0x2, s4  }
0x8: {  	s0 =	sshrl.u32 s0, $0x3;
	s10 =	sshrl.u32 s8, $0x1;
	s9 =	sshrl.u32 s9, $0x2  }
0x9: {  	s12 =	sadd.s32 $0x4000, s19;
	s7 =	sadd.s32 s0, s1;
	s0 =	smul.u32 $0x2800, s4  }
0xa: {  	s1 =	sadd.s32 $0x67A00, s1;
	s4 =	smul.u32 $0x140000, s4;
	s11 =	sadd.s32 $0x3200, s7  }
0xb: {  	s8 =	ssub.s32 s8, s10;
	s20 =	sadd.s32 $0xCE40, s7;
	[dreg:$0x4] =	wrdreg s11  }
0xc: {  	s9 =	sadd.s32 s9, s2;
	s21 =	sadd.s32 $0x32FA, s7;
	[dreg:$0x5] =	wrdreg s20  }
0xd: {  	s10 =	sadd.s32 $0x10000, s19;
	s13 =	sadd.s32 $0xCF3A, s7;
	[dreg:$0x6] =	wrdreg s21  }
0xe: {  	s14 =	sadd.s32 $0x33F4, s7;
	s17 =	sadd.s32 $0x35E8, s7;
	[dreg:$0x7] =	wrdreg s13  }
0xf: {  	s18 =	sadd.s32 $0xD228, s7;
	s8 =	smax.u32 s8, $0x1;
	[dreg:$0x8] =	wrdreg s14  }
0x10: {  	s22 =	sadd.s32 s19, s4;
	s23 =	sadd.s32 s4, s12;
	[dreg:$0x11] =	wrdreg s17  }
0x11: {  	s13 =	sadd.s32 $0xC000, s19;
	[dreg:$0x12] =	wrdreg s18;
	s20 =	sadd.s32 $0xD322, s7  }
0x12: {  	s21 =	sadd.s32 $0x37DC, s7;
	s17 =	sadd.s32 s12, s2;
	[dreg:$0x1d] =	wrdreg s8  }
0x13: {  	v0 =	vmov s0;
	s0 =	simm.s32 $0x0;
	s11 =	sshrl.u32 s22, $0x3;
	[dreg:$0x14] =	wrdreg s20  }
0x14: {  	s24 =	sshrl.u32 s23, $0x3;
	s15 =	sadd.s32 s4, s13;
	[dreg:$0x15] =	wrdreg s21  }
0x15: {  	s22 =	sadd.s32 $0xD41C, s7;
	s23 =	sadd.s32 $0x38D6, s7;
	s20 =	sadd.s32 $0x4000, s9  }
0x16: {  	s11 =	sadd.s32 s1, s11;
	s15 =	sshrl.u32 s15, $0x3;
	[dreg:$0x16] =	wrdreg s22  }
0x17: {  	[dreg:$0x17] =	wrdreg s23;
	s21 =	sshrl.u32 s20, $0x3;
	s22 =	sadd.s32 $0x8000, s9  }
0x18: {  	s23 =	sadd.s32 $0xC000, s9;
	s20 =	simm.s32 $0x5;
	[dreg:$0x9] =	wrdreg s11  }
0x19: {  	s11 =	sadd.s32 s1, s24;
	s26 =	sadd.s32 s1, s15;
	[dreg:$0x1e] =	wrdreg s21  }
0x1a: {  	s15 =	sadd.s32 $0xD12E, s7;
	s24 =	smul.u32 $0x50000, s16;
	[dreg:$0xa] =	wrdreg s11  }
0x1b: {  	s16 =	sadd.s32 $0xD70A, s7;
	s8 =	sshrl.u32 s22, $0x3;
	[dreg:$0xc] =	wrdreg s26  }
0x1c: {  	s21 =	simm.s32 $0x4;
	s22 =	simm.s32 $0x3800;
	[dreg:$0x10] =	wrdreg s15  }
0x1d: {  	s11 =	sadd.s32 $0x8000, s19;
	s19 =	sadd.s32 $0x36E2, s7;
	[dreg:$0x1c] =	wrdreg s16  }
0x1e: {  	s26 =	sadd.s32 $0x39D0, s7;
	s15 =	sadd.s32 $0x3ACA, s7;
	[dreg:$0x1f] =	wrdreg s8  }
0x1f: {  	s8 =	sshrl.u32 s23, $0x3;
	s23 =	simm.s32 $0x4000;
	[dreg:$0x13] =	wrdreg s19  }
0x20: {  	s25 =	sadd.s32 s4, s11;
	s4 =	sadd.s32 s4, s10;
	[dreg:$0x19] =	wrdreg s26  }
0x21: {  	[dreg:$0x1b] =	wrdreg s15;
	s18 =	sadd.s32 s11, s2;
	s19 =	sadd.s32 s13, s2  }
0x22: {  	s10 =	sadd.s32 s10, s2;
	[smem:$0x7FB] =	sst s8;
	s26 =	sadd.s32 $0x14000, s9  }
0x23: {  	s14 =	sshrl.u32 s25, $0x3;
	s4 =	sshrl.u32 s4, $0x3;
	s25 =	sadd.s32 $0xD516, s7  }
0x24: {  	s8 =	sshrl.u32 s26, $0x3;
	s15 =	sshrl.u32 s18, $0x3;
	[dreg:$0x18] =	wrdreg s25  }
0x25: {  	s16 =	sshrl.u32 s19, $0x3;
	s14 =	sadd.s32 s1, s14;
	[smem:$0x7FD] =	sst s8  }
0x26: {  	s18 =	simm.s32 $0x2800;
	s1 =	sadd.s32 s1, s4;
	[dreg:$0xb] =	wrdreg s14  }
0x27: {  	s19 =	simm.s32 $0x3000;
	s4 =	sadd.s32 $0xD034, s7;
	[dreg:$0xd] =	wrdreg s1  }
0x28: {  	s26 =	simm.s32 $0x4800;
	[dreg:$0xe] =	wrdreg s4;
	s14 =	sadd.s32 $0x34EE, s7  }
.Ltmp0:
0x29: {  	s1 =	sshrl.u32 s24, $0x2;
	s24 =	sadd.s32 $0x10000, s9;
	(pc) =	sbr.rel .LBB2_1-.Ltmp0, $4  }
0x2a: {  	[dreg:$0xf] =	wrdreg s14;
	s14 =	sadd.s32 $0xD610, s7;
	s1 =	sadd.s32 s1, s2  }
0x2b: {  	s25 =	sshrl.u32 s24, $0x3;
	s24 =	simm.s32 $0x1;
	[dreg:$0x1a] =	wrdreg s14  }
0x2c: {  	[smem:$0x7FC] =	sst s25;
	s13 =	sshrl.u32 s1, $0x3;
	s14 =	sshrl.u32 s17, $0x3  }
0x2d: {  	v1 =	vlaneseq.u32;
	s17 =	sshrl.u32 s10, $0x3;
	s25 =	simm.s32 $0x2;
	s1 =	simm.s32 $0x3  }
.LBB2_25:
0x2e: {  	_ =	sdelay $0x2  }
0x2f: {  	[sflag:s20] =	ssyncadd.s32 @p0 $0xFFFFF000  }
0x30: {  	v3 =	vld.idx.msk [tilespmem:v4+s26+$0x0], $0xffff;
	_ =	sdelay $0x4  }
0x31: {  	v5 =	vor.u32 s7, v1;
	vm0 =	vlt.s32 v4, v2;
	v62 =	vand.u32 $0x3FFF, v3  }
0x32: {  	v4 =	vnsel vm0, $0x0, v62  }
0x33: {  	v3 =	vshra.s32 v3, $0xE;
	v4 =	vadd.s32 v0, v4  }
0x34: {  	v3 =	vnsel vm0, $0x2800, v3;
	[tilespmem:$0x9680] =	vst v4  }
0x35: {  	[tilespmem:v1+s28+$0x0] =	vst.idx.msk $0xffff, v3  }
0x36: {  	v3 =	vld.idx.msk [tilespmem:v5+s26+$0x0], $0xffff;
	_ =	sdelay $0x3  }
0x37: {  	v63 =	vor.u32 $0x10, v1  }
0x38: {  	vm15 =	vlt.s32 v5, v2;
	v2 =	vand.u32 $0x3FFF, v3  }
0x39: {  	v2 =	vnsel vm15, $0x0, v2  }
0x3a: {  	v3 =	vshra.s32 v3, $0xE;
	v2 =	vadd.s32 v0, v2  }
0x3b: {  	v3 =	vnsel vm15, $0x2800, v3;
	[tilespmem:$0x9690] =	vst v2  }
0x3c: {  	[tilespmem:v63+s28+$0x0] =	vst.idx.msk $0xffff, v3  }
0x3d: {  	[tilespmem:s31], [sflag:$0x3] =	stream.indirect.gather [hbm4b:s5+s29], $0x80, s30, s29, $0xb8;
	[tilespmem:$0x1EB80] =	vst v63  }
0x3e: {  	_ =	swait.ge [sflag:s1], $0x1000  }
0x3f: {  	[sflag:s1] =	ssyncset.done $0x0  }
0x40: {  	[sflag:s1] =	ssyncadd.s32 $0xFFFFF000  }
0x41: {  	[spmem:s2] =	stream.indirect.scatter.add.f32 [tilespmem:s31], [sflag:$0x5], $0x80, s28, s29, $0xb8;
	[tilespmem:$0x1EB80] =	vst v63  }
0x42: {  	_ =	swait.ge [sflag:s20], $0x1000  }
0x43: {  	[sflag:s20] =	ssyncset.done $0x0  }
0x44: {  	[sflag:s20] =	ssyncadd.s32 $0xFFFFF000  }
.LBB2_26:
0x45: {  	[bflag:$0x0] =	sbarrier.arrive $0xFFFF  }
0x46: {  	s7 =	rddreg [dreg:$0x9]  }
0x47: {  	[hbm:s7], [sflag:s4] =	dma.local [spmem:s13], $0x800  }
0x48: {  	s7 =	rddreg [dreg:$0xa]  }
0x49: {  	[hbm:s7], [sflag:s4] =	dma.local [spmem:s14], $0x800  }
0x4a: {  	s7 =	rddreg [dreg:$0xb]  }
0x4b: {  	[hbm:s7], [sflag:s4] =	dma.local [spmem:s15], $0x800  }
0x4c: {  	s7 =	rddreg [dreg:$0xc]  }
0x4d: {  	[hbm:s7], [sflag:s4] =	dma.local [spmem:s16], $0x800  }
0x4e: {  	s7 =	rddreg [dreg:$0xd]  }
0x4f: {  	[hbm:s7], [sflag:s4] =	dma.local [spmem:s17], $0x800  }
0x50: {  	_ =	swait.ge [sflag:s21], $0x800  }
0x51: {  	[sflag:s21] =	ssyncset.done $0x0  }
0x52: {  	[sflag:s21] =	ssyncadd.s32 $0xFFFFF800  }
0x53: {  	_ =	swait.ge [sflag:s21], $0x800  }
0x54: {  	[sflag:s21] =	ssyncset.done $0x0  }
0x55: {  	[sflag:s21] =	ssyncadd.s32 $0xFFFFF800  }
0x56: {  	_ =	swait.ge [sflag:s21], $0x800  }
0x57: {  	[sflag:s21] =	ssyncset.done $0x0  }
0x58: {  	[sflag:s21] =	ssyncadd.s32 $0xFFFFF800  }
0x59: {  	_ =	swait.ge [sflag:s21], $0x800  }
0x5a: {  	[sflag:s21] =	ssyncset.done $0x0  }
0x5b: {  	[sflag:s21] =	ssyncadd.s32 $0xFFFFF800  }
0x5c: {  	_ =	swait.ge [sflag:s21], $0x800  }
0x5d: {  	s0 =	sadd.s32 $0x1, s0;
	s12 =	rddreg [dreg:$0x1d]  }
0x5e: {  	p0 =	sne.s32 s0, s12  }
.Ltmp1:
0x5f: {  	_ = 	snop;
	(pc) =	sbr.rel @!p0 .LBB2_27-.Ltmp1, $3  }
0x60: {  	_ =	sdelay $0x1  }
0x61: {  	[sflag:s21] =	ssyncset.done $0x0  }
0x62: {  	[sflag:s21] =	ssyncadd.s32 $0xFFFFF800  }
.LBB2_1:
0x63: {  	s4 =	rddreg [dreg:$0x4]  }
0x64: {  	[tilespmem:s18], [sflag:$0x1] =	stream.linear.gather [hbm4b:s4+s3], $0x7D0, $0x38;
	[tilespmem:$0x1EB80] =	vst v63  }
0x65: {  	s12 =	rddreg [dreg:$0x5]  }
0x66: {  	[tilespmem:s19], [sflag:$0x1] =	stream.linear.gather [hbm4b:s12+s3], $0x7D0, $0x38;
	[tilespmem:$0x1EB80] =	vst v63  }
0x67: {  	s7 =	rddreg [dreg:$0x3]  }
0x68: {  	[tilespmem:s3], [sflag:$0x5] =	stream.linear.gather [hbm4b:s7+s3], $0x2800, $0x38;
	[tilespmem:$0x1EB80] =	vst v63  }
0x69: {  	s8 =	stileid.u32;
	_ =	swait.ge [sflag:s20], $0x2800  }
0x6a: {  	s4 =	sshll.u32 s8, $0x6;
	[sflag:s20] =	ssyncset.done $0x0  }
0x6b: {  	s4 =	sor.u32 $0x1C04, s4;
	s7 =	sshrl.u32 s9, $0x3;
	[sflag:s20] =	ssyncadd.s32 $0xFFFFD800  }
0x6c: {  	[spmem:s7], [sflag:s4] =	dma.local [hbm:s6], $0x800  }
0x6d: {  	s7 =	rddreg [dreg:$0x1e]  }
0x6e: {  	[spmem:s7], [sflag:s4] =	dma.local [hbm:s6], $0x800  }
0x6f: {  	s7 =	rddreg [dreg:$0x1f]  }
0x70: {  	[spmem:s7], [sflag:s4] =	dma.local [hbm:s6], $0x800  }
0x71: {  	s7 =	sld [smem:$0x7FB];
	_ =	sdelay $0x2  }
0x72: {  	[spmem:s7], [sflag:s4] =	dma.local [hbm:s6], $0x800  }
0x73: {  	s7 =	sld [smem:$0x7FC];
	_ =	sdelay $0x2  }
0x74: {  	[spmem:s7], [sflag:s4] =	dma.local [hbm:s6], $0x800  }
0x75: {  	s7 =	sld [smem:$0x7FD];
	_ =	sdelay $0x2  }
0x76: {  	[spmem:s7], [sflag:s4] =	dma.local [hbm:s6], $0x80  }
0x77: {  	_ =	swait.ge [sflag:s21], $0x800  }
0x78: {  	[sflag:s21] =	ssyncset.done $0x0  }
0x79: {  	[sflag:s21] =	ssyncadd.s32 $0xFFFFF800  }
0x7a: {  	_ =	swait.ge [sflag:s21], $0x800  }
0x7b: {  	[sflag:s21] =	ssyncset.done $0x0  }
0x7c: {  	[sflag:s21] =	ssyncadd.s32 $0xFFFFF800  }
0x7d: {  	_ =	swait.ge [sflag:s21], $0x800  }
0x7e: {  	[sflag:s21] =	ssyncset.done $0x0  }
0x7f: {  	[sflag:s21] =	ssyncadd.s32 $0xFFFFF800  }
0x80: {  	_ =	swait.ge [sflag:s21], $0x800  }
0x81: {  	[sflag:s21] =	ssyncset.done $0x0  }
0x82: {  	[sflag:s21] =	ssyncadd.s32 $0xFFFFF800  }
0x83: {  	_ =	swait.ge [sflag:s21], $0x800  }
0x84: {  	[sflag:s21] =	ssyncset.done $0x0  }
0x85: {  	[sflag:s21] =	ssyncadd.s32 $0xFFFFF800  }
0x86: {  	_ =	swait.ge [sflag:s21], $0x80  }
0x87: {  	[sflag:s21] =	ssyncset.done $0x0  }
0x88: {  	[sflag:s21] =	ssyncadd.s32 $0xFFFFFF80  }
0x89: {  	[bflag:$0x0] =	sbarrier.arrive $0xFFFF  }
0x8a: {  	s10 =	rddreg [dreg:$0x6]  }
0x8b: {  	[tilespmem:s22], [sflag:$0x2] =	stream.linear.gather [hbm4b:s10+s3], $0x7D0, $0x38;
	[tilespmem:$0x1EB80] =	vst v63  }
0x8c: {  	s11 =	rddreg [dreg:$0x7]  }
0x8d: {  	[tilespmem:s23], [sflag:$0x2] =	stream.linear.gather [hbm4b:s11+s3], $0x7D0, $0x38;
	[tilespmem:$0x1EB80] =	vst v63  }
0x8e: {  	_ =	swait.ge [sflag:s24], $0x7D0  }
0x8f: {  	[sflag:s24] =	ssyncset.done $0x0  }
0x90: {  	[sflag:s24] =	ssyncadd.s32 $0xFFFFF830  }
0x91: {  	_ =	swait.ge [sflag:s24], $0x7D0  }
0x92: {  	[sflag:s24] =	ssyncset.done $0x0  }
0x93: {  	s12 =	simm.s32 $0x0;
	[sflag:s24] =	ssyncadd.s32 $0xFFFFF830  }
0x94: {  	v2 =	vld [tilespmem:s12+$0x3000];
	_ =	sdelay $0x7  }
0x95: {  	v3 =	vld.idx.msk [tilespmem:v2+s3+$0x0], $0xffff;
	_ =	sdelay $0x2  }
0x96: {  	v4 =	vld [tilespmem:s12+$0x2800];
	_ =	sdelay $0x1  }
0x97: {  	vm0 =	vgt.f32 v3, $0.0e+00  }
0x98: {  	v3 =	vmpcnt.ones.xlane vm0  }
0x99: {  	v2 =	vshll.u32 v2, $0xE  }
0x9a: {  	v2 =	vadd.s32 v4, v2;
	(v2sf) =	vpush v3, $0x0  }
0x9b: {  	[tilespmem:s3+$0x4800] =	vst.msk vm0, v2  }
0x9c: {  	v2 =	vld [tilespmem:s12+$0x3010];
	_ =	sdelay $0x7  }
0x9d: {  	v3 =	vld.idx.msk [tilespmem:v2+s3+$0x0], $0xffff  }
0x9e: {  	v4 =	vld [tilespmem:s12+$0x2810];
	_ =	sdelay $0x3  }
0x9f: {  	v2 =	vshll.u32 v2, $0xE;
	vm0 =	vgt.f32 v3, $0.0e+00;
	s8 =	spop (v2sf)  }
0xa0: {  	v2 =	vadd.s32 v4, v2;
	v3 =	vmpcnt.ones.xlane vm0;
	s8 =	sadd.s32 $0x0, s8  }
0xa1: {  	[tilespmem:s8+$0x4800] =	vst.msk vm0, v2  }
0xa2: {  	(v2sf) =	vpush v3, $0x0;
	v2 =	vld [tilespmem:s12+$0x3020];
	_ =	sdelay $0x7  }
0xa3: {  	v3 =	vld.idx.msk [tilespmem:v2+s3+$0x0], $0xffff;
	_ =	sdelay $0x2  }
0xa4: {  	v4 =	vld [tilespmem:s12+$0x2820];
	_ =	sdelay $0x1  }
0xa5: {  	vm0 =	vgt.f32 v3, $0.0e+00  }
0xa6: {  	v3 =	vmpcnt.ones.xlane vm0  }
0xa7: {  	v2 =	vshll.u32 v2, $0xE;
	s10 =	spop (v2sf)  }
0xa8: {  	v2 =	vadd.s32 v4, v2;
	s8 =	sadd.s32 s8, s10;
	(v2sf) =	vpush v3, $0x0  }
0xa9: {  	[tilespmem:s8+$0x4800] =	vst.msk vm0, v2  }
0xaa: {  	v2 =	vld [tilespmem:s12+$0x3030];
	_ =	sdelay $0x7  }
0xab: {  	v3 =	vld.idx.msk [tilespmem:v2+s3+$0x0], $0xffff  }
0xac: {  	v4 =	vld [tilespmem:s12+$0x2830];
	_ =	sdelay $0x3  }
0xad: {  	v2 =	vshll.u32 v2, $0xE;
	vm0 =	vgt.f32 v3, $0.0e+00;
	s11 =	spop (v2sf)  }
0xae: {  	v2 =	vadd.s32 v4, v2;
	v3 =	vmpcnt.ones.xlane vm0;
	s8 =	sadd.s32 s8, s11  }
0xaf: {  	[tilespmem:s8+$0x4800] =	vst.msk vm0, v2  }
0xb0: {  	(v2sf) =	vpush v3, $0x0;
	v2 =	vld [tilespmem:s12+$0x3040];
	_ =	sdelay $0x7  }
0xb1: {  	v3 =	vld.idx.msk [tilespmem:v2+s3+$0x0], $0xffff;
	_ =	sdelay $0x2  }
0xb2: {  	v4 =	vld [tilespmem:s12+$0x2840];
	_ =	sdelay $0x1  }
0xb3: {  	vm0 =	vgt.f32 v3, $0.0e+00  }
0xb4: {  	v3 =	vmpcnt.ones.xlane vm0  }
0xb5: {  	v2 =	vshll.u32 v2, $0xE;
	s12 =	spop (v2sf)  }
0xb6: {  	v2 =	vadd.s32 v4, v2;
	s11 =	sadd.s32 s8, s12;
	(v2sf) =	vpush v3, $0x0  }
0xb7: {  	s7 =	simm.s32 $0x50;
	[tilespmem:s11+$0x4800] =	vst.msk vm0, v2  }
0xb8: {  	v2 =	vld [tilespmem:s7+$0x3000];
	_ =	sdelay $0x7  }
0xb9: {  	v4 =	vld.idx.msk [tilespmem:v2+s3+$0x0], $0xffff;
	_ =	sdelay $0x2  }
0xba: {  	v3 =	vld [tilespmem:s7+$0x2800];
	_ =	sdelay $0x1  }
0xbb: {  	s8 =	simm.s32 $0x280;
	v2 =	vshll.u32 v2, $0xE;
	vm0 =	vgt.f32 v4, $0.0e+00;
	s10 =	spop (v2sf)  }
.LBB2_2:
0xbc: {  	p0 =	sne.s32 s8, $0x1E00  }
0xbd: {  	v4 =	vmpcnt.ones.xlane vm0;
	s11 =	sadd.s32 s11, s10;
	s10 =	smov.u32 s8;
	s8 =	sadd.s32 $0x140, s8  }
0xbe: {  	v2 =	vadd.s32 v3, v2  }
0xbf: {  	[tilespmem:s11+$0x4800] =	vst.msk vm0, v2;
	(v2sf) =	vpush v4, $0x0  }
0xc0: {  	v2 =	vld [tilespmem:s7+$0x3010];
	_ =	sdelay $0x4  }
0xc1: {  	v3 =	vshll.u32 v2, $0xE;
	_ =	sdelay $0x2  }
0xc2: {  	v2 =	vld.idx.msk [tilespmem:v2+s3+$0x0], $0xffff;
	_ =	sdelay $0x1  }
0xc3: {  	v4 =	vld [tilespmem:s7+$0x2810];
	_ =	sdelay $0x3  }
0xc4: {  	vm0 =	vgt.f32 v2, $0.0e+00;
	s12 =	spop (v2sf)  }
0xc5: {  	s11 =	sadd.s32 s11, s12;
	v2 =	vadd.s32 v4, v3;
	v3 =	vmpcnt.ones.xlane vm0  }
0xc6: {  	[tilespmem:s11+$0x4800] =	vst.msk vm0, v2  }
0xc7: {  	v2 =	vld [tilespmem:s7+$0x3020];
	(v2sf) =	vpush v3, $0x0;
	_ =	sdelay $0x4  }
0xc8: {  	v3 =	vshll.u32 v2, $0xE;
	_ =	sdelay $0x2  }
0xc9: {  	v2 =	vld.idx.msk [tilespmem:v2+s3+$0x0], $0xffff;
	_ =	sdelay $0x2  }
0xca: {  	v4 =	vld [tilespmem:s7+$0x2820];
	_ =	sdelay $0x2  }
0xcb: {  	vm0 =	vgt.f32 v2, $0.0e+00  }
0xcc: {  	v2 =	vmpcnt.ones.xlane vm0;
	s12 =	spop (v2sf)  }
0xcd: {  	s11 =	sadd.s32 s11, s12;
	v3 =	vadd.s32 v4, v3  }
0xce: {  	[tilespmem:s11+$0x4800] =	vst.msk vm0, v3;
	(v2sf) =	vpush v2, $0x0  }
0xcf: {  	v2 =	vld [tilespmem:s7+$0x3030]  }
0xd0: {  	v3 =	vld [tilespmem:s7+$0x2830];
	_ =	sdelay $0x3  }
0xd1: {  	v4 =	vshll.u32 v2, $0xE;
	_ =	sdelay $0x2  }
0xd2: {  	v2 =	vld.idx.msk [tilespmem:v2+s3+$0x0], $0xffff;
	_ =	sdelay $0x5  }
0xd3: {  	vm0 =	vgt.f32 v2, $0.0e+00;
	s12 =	spop (v2sf)  }
0xd4: {  	v2 =	vadd.s32 v3, v4;
	v3 =	vmpcnt.ones.xlane vm0;
	s11 =	sadd.s32 s11, s12  }
0xd5: {  	[tilespmem:s11+$0x4800] =	vst.msk vm0, v2  }
0xd6: {  	v2 =	vld [tilespmem:s7+$0x3040];
	(v2sf) =	vpush v3, $0x0  }
0xd7: {  	v3 =	vld [tilespmem:s7+$0x2840];
	_ =	sdelay $0x3  }
0xd8: {  	v4 =	vshll.u32 v2, $0xE;
	_ =	sdelay $0x2  }
0xd9: {  	v2 =	vld.idx.msk [tilespmem:v2+s3+$0x0], $0xffff;
	_ =	sdelay $0x5  }
0xda: {  	vm0 =	vgt.f32 v2, $0.0e+00  }
0xdb: {  	v2 =	vmpcnt.ones.xlane vm0;
	s7 =	spop (v2sf)  }
0xdc: {  	v3 =	vadd.s32 v3, v4;
	s11 =	sadd.s32 s11, s7  }
0xdd: {  	s7 =	sshra.s32 s10, $0x2;
	[tilespmem:s11+$0x4800] =	vst.msk vm0, v3;
	(v2sf) =	vpush v2, $0x0  }
0xde: {  	v3 =	vld [tilespmem:s7+$0x3000];
	_ =	sdelay $0x4  }
0xdf: {  	v2 =	vshll.u32 v3, $0xE;
	_ =	sdelay $0x2  }
0xe0: {  	v4 =	vld.idx.msk [tilespmem:v3+s3+$0x0], $0xffff;
	_ =	sdelay $0x1  }
.Ltmp2:
0xe1: {  	(pc) =	sbr.rel @p0 .LBB2_2-.Ltmp2, $2  }
0xe2: {  	v3 =	vld [tilespmem:s7+$0x2800];
	_ =	sdelay $0x2  }
0xe3: {  	vm0 =	vgt.f32 v4, $0.0e+00;
	s10 =	spop (v2sf)  }
0xe4: {  	v4 =	vmpcnt.ones.xlane vm0;
	_ =	sdelay $0x1  }
0xe5: {  	(v2sf) =	vpush v4, $0x0  }
0xe6: {  	s8 =	sadd.s32 s11, s10;
	v2 =	vadd.s32 v3, v2  }
0xe7: {  	[tilespmem:s8+$0x4800] =	vst.msk vm0, v2  }
0xe8: {  	v2 =	vld [tilespmem:s7+$0x3010];
	_ =	sdelay $0x6  }
0xe9: {  	v4 =	vld [tilespmem:s7+$0x2810]  }
0xea: {  	v3 =	vld.idx.msk [tilespmem:v2+s3+$0x0], $0xffff;
	_ =	sdelay $0x3  }
0xeb: {  	v2 =	vshll.u32 v2, $0xE;
	s12 =	spop (v2sf)  }
0xec: {  	v2 =	vadd.s32 v4, v2;
	vm0 =	vgt.f32 v3, $0.0e+00;
	s8 =	sadd.s32 s8, s12  }
0xed: {  	v3 =	vmpcnt.ones.xlane vm0;
	[tilespmem:s8+$0x4800] =	vst.msk vm0, v2  }
0xee: {  	v2 =	vld [tilespmem:s7+$0x3020]  }
0xef: {  	(v2sf) =	vpush v3, $0x0;
	_ =	sdelay $0x6  }
0xf0: {  	v3 =	vld.idx.msk [tilespmem:v2+s3+$0x0], $0xffff;
	_ =	sdelay $0x3  }
0xf1: {  	v4 =	vld [tilespmem:s7+$0x2820]  }
0xf2: {  	vm0 =	vgt.f32 v3, $0.0e+00  }
0xf3: {  	v3 =	vmpcnt.ones.xlane vm0;
	_ =	sdelay $0x1  }
0xf4: {  	v2 =	vshll.u32 v2, $0xE;
	s11 =	spop (v2sf);
	(v2sf) =	vpush v3, $0x0  }
0xf5: {  	v2 =	vadd.s32 v4, v2;
	s8 =	sadd.s32 s8, s11  }
0xf6: {  	[tilespmem:s8+$0x4800] =	vst.msk vm0, v2  }
0xf7: {  	v2 =	vld [tilespmem:s7+$0x3030];
	_ =	sdelay $0x6  }
0xf8: {  	v3 =	vld [tilespmem:s7+$0x2830]  }
0xf9: {  	v4 =	vld.idx.msk [tilespmem:v2+s3+$0x0], $0xffff;
	_ =	sdelay $0x3  }
0xfa: {  	v2 =	vshll.u32 v2, $0xE;
	s12 =	spop (v2sf)  }
0xfb: {  	v2 =	vadd.s32 v3, v2;
	vm0 =	vgt.f32 v4, $0.0e+00;
	s8 =	sadd.s32 s8, s12  }
0xfc: {  	[tilespmem:s8+$0x4800] =	vst.msk vm0, v2  }
0xfd: {  	v2 =	vld [tilespmem:s7+$0x3040];
	_ =	sdelay $0x7  }
0xfe: {  	v4 =	vmpcnt.ones.xlane vm0;
	v3 =	vld.idx.msk [tilespmem:v2+s3+$0x0], $0xffff;
	_ =	sdelay $0x1  }
0xff: {  	(v2sf) =	vpush v4, $0x0;
	_ =	sdelay $0x2  }
0x100: {  	vm0 =	vgt.f32 v3, $0.0e+00  }
0x101: {  	v3 =	vmpcnt.ones.xlane vm0;
	_ =	sdelay $0x1  }
0x102: {  	(v2sf) =	vpush v3, $0x0;
	_ =	sdelay $0x4  }
0x103: {  	v3 =	vld [tilespmem:s7+$0x2840];
	_ =	sdelay $0x3  }
0x104: {  	v2 =	vshll.u32 v2, $0xE;
	s10 =	spop (v2sf)  }
0x105: {  	s7 =	sadd.s32 s8, s10;
	v2 =	vadd.s32 v3, v2  }
0x106: {  	s11 =	rddreg [dreg:$0x8];
	s8 =	simm.s32 $0x0;
	[tilespmem:s7+$0x4800] =	vst.msk vm0, v2  }
0x107: {  	[tilespmem:s18], [sflag:$0x1] =	stream.linear.gather [hbm4b:s11+s8], $0x7D0, $0x38;
	[tilespmem:$0x1EB80] =	vst v63  }
0x108: {  	s12 =	rddreg [dreg:$0xe]  }
0x109: {  	[tilespmem:s19], [sflag:$0x1] =	stream.linear.gather [hbm4b:s12+s8], $0x7D0, $0x38;
	[tilespmem:$0x1EB80] =	vst v63  }
0x10a: {  	s10 =	spop (v2sf)  }
0x10b: {  	_ =	swait.ge [sflag:s25], $0x7D0  }
0x10c: {  	[sflag:s25] =	ssyncset.done $0x0  }
0x10d: {  	[sflag:s25] =	ssyncadd.s32 $0xFFFFF830  }
0x10e: {  	_ =	swait.ge [sflag:s25], $0x7D0  }
0x10f: {  	[sflag:s25] =	ssyncset.done $0x0  }
0x110: {  	s8 =	simm.s32 $0x0;
	[sflag:s25] =	ssyncadd.s32 $0xFFFFF830  }
0x111: {  	v2 =	vld [tilespmem:s8+$0x4000];
	_ =	sdelay $0x7  }
0x112: {  	v3 =	vld.idx.msk [tilespmem:v2+s3+$0x0], $0xffff;
	_ =	sdelay $0x2  }
0x113: {  	v4 =	vld [tilespmem:s8+$0x3800];
	_ =	sdelay $0x1  }
0x114: {  	vm0 =	vgt.f32 v3, $0.0e+00  }
0x115: {  	v3 =	vmpcnt.ones.xlane vm0  }
0x116: {  	v2 =	vshll.u32 v2, $0xE  }
0x117: {  	s7 =	sadd.s32 s7, s10;
	v2 =	vadd.s32 v4, v2;
	(v2sf) =	vpush v3, $0x0  }
0x118: {  	[tilespmem:s7+$0x4800] =	vst.msk vm0, v2  }
0x119: {  	v2 =	vld [tilespmem:s8+$0x4010];
	_ =	sdelay $0x7  }
0x11a: {  	v3 =	vld.idx.msk [tilespmem:v2+s3+$0x0], $0xffff  }
0x11b: {  	v4 =	vld [tilespmem:s8+$0x3810];
	_ =	sdelay $0x3  }
0x11c: {  	v2 =	vshll.u32 v2, $0xE;
	vm0 =	vgt.f32 v3, $0.0e+00;
	s11 =	spop (v2sf)  }
0x11d: {  	v2 =	vadd.s32 v4, v2;
	v3 =	vmpcnt.ones.xlane vm0;
	s7 =	sadd.s32 s7, s11  }
0x11e: {  	[tilespmem:s7+$0x4800] =	vst.msk vm0, v2  }
0x11f: {  	(v2sf) =	vpush v3, $0x0;
	v2 =	vld [tilespmem:s8+$0x4020];
	_ =	sdelay $0x7  }
0x120: {  	v3 =	vld.idx.msk [tilespmem:v2+s3+$0x0], $0xffff;
	_ =	sdelay $0x2  }
0x121: {  	v4 =	vld [tilespmem:s8+$0x3820];
	_ =	sdelay $0x1  }
0x122: {  	vm0 =	vgt.f32 v3, $0.0e+00  }
0x123: {  	v3 =	vmpcnt.ones.xlane vm0  }
0x124: {  	v2 =	vshll.u32 v2, $0xE;
	s12 =	spop (v2sf)  }
0x125: {  	v2 =	vadd.s32 v4, v2;
	s7 =	sadd.s32 s7, s12;
	(v2sf) =	vpush v3, $0x0  }
0x126: {  	[tilespmem:s7+$0x4800] =	vst.msk vm0, v2  }
0x127: {  	v2 =	vld [tilespmem:s8+$0x4030];
	_ =	sdelay $0x7  }
0x128: {  	v3 =	vld.idx.msk [tilespmem:v2+s3+$0x0], $0xffff  }
0x129: {  	v4 =	vld [tilespmem:s8+$0x3830];
	_ =	sdelay $0x3  }
0x12a: {  	v2 =	vshll.u32 v2, $0xE;
	vm0 =	vgt.f32 v3, $0.0e+00;
	s11 =	spop (v2sf)  }
0x12b: {  	v2 =	vadd.s32 v4, v2;
	v3 =	vmpcnt.ones.xlane vm0;
	s7 =	sadd.s32 s7, s11  }
0x12c: {  	[tilespmem:s7+$0x4800] =	vst.msk vm0, v2  }
0x12d: {  	(v2sf) =	vpush v3, $0x0;
	v2 =	vld [tilespmem:s8+$0x4040];
	_ =	sdelay $0x7  }
0x12e: {  	v3 =	vld.idx.msk [tilespmem:v2+s3+$0x0], $0xffff;
	_ =	sdelay $0x2  }
0x12f: {  	v4 =	vld [tilespmem:s8+$0x3840];
	_ =	sdelay $0x1  }
0x130: {  	vm0 =	vgt.f32 v3, $0.0e+00  }
0x131: {  	v3 =	vmpcnt.ones.xlane vm0  }
0x132: {  	v2 =	vshll.u32 v2, $0xE;
	s12 =	spop (v2sf)  }
0x133: {  	v2 =	vadd.s32 v4, v2;
	s11 =	sadd.s32 s7, s12;
	(v2sf) =	vpush v3, $0x0  }
0x134: {  	s7 =	simm.s32 $0x50;
	[tilespmem:s11+$0x4800] =	vst.msk vm0, v2  }
0x135: {  	v2 =	vld [tilespmem:s7+$0x4000];
	_ =	sdelay $0x7  }
0x136: {  	v4 =	vld.idx.msk [tilespmem:v2+s3+$0x0], $0xffff;
	_ =	sdelay $0x2  }
0x137: {  	v3 =	vld [tilespmem:s7+$0x3800];
	_ =	sdelay $0x1  }
0x138: {  	s8 =	simm.s32 $0x280;
	v2 =	vshll.u32 v2, $0xE;
	vm0 =	vgt.f32 v4, $0.0e+00;
	s10 =	spop (v2sf)  }
.LBB2_4:
0x139: {  	p0 =	sne.s32 s8, $0x1E00  }
0x13a: {  	v4 =	vmpcnt.ones.xlane vm0;
	s11 =	sadd.s32 s11, s10;
	s10 =	smov.u32 s8;
	s8 =	sadd.s32 $0x140, s8  }
0x13b: {  	v2 =	vadd.s32 v3, v2  }
0x13c: {  	[tilespmem:s11+$0x4800] =	vst.msk vm0, v2;
	(v2sf) =	vpush v4, $0x0  }
0x13d: {  	v2 =	vld [tilespmem:s7+$0x4010];
	_ =	sdelay $0x4  }
0x13e: {  	v3 =	vshll.u32 v2, $0xE;
	_ =	sdelay $0x2  }
0x13f: {  	v2 =	vld.idx.msk [tilespmem:v2+s3+$0x0], $0xffff;
	_ =	sdelay $0x1  }
0x140: {  	v4 =	vld [tilespmem:s7+$0x3810];
	_ =	sdelay $0x3  }
0x141: {  	vm0 =	vgt.f32 v2, $0.0e+00;
	s12 =	spop (v2sf)  }
0x142: {  	s11 =	sadd.s32 s11, s12;
	v2 =	vadd.s32 v4, v3;
	v3 =	vmpcnt.ones.xlane vm0  }
0x143: {  	[tilespmem:s11+$0x4800] =	vst.msk vm0, v2  }
0x144: {  	v2 =	vld [tilespmem:s7+$0x4020];
	(v2sf) =	vpush v3, $0x0;
	_ =	sdelay $0x4  }
0x145: {  	v3 =	vshll.u32 v2, $0xE;
	_ =	sdelay $0x2  }
0x146: {  	v2 =	vld.idx.msk [tilespmem:v2+s3+$0x0], $0xffff;
	_ =	sdelay $0x2  }
0x147: {  	v4 =	vld [tilespmem:s7+$0x3820];
	_ =	sdelay $0x2  }
0x148: {  	vm0 =	vgt.f32 v2, $0.0e+00  }
0x149: {  	v2 =	vmpcnt.ones.xlane vm0;
	s12 =	spop (v2sf)  }
0x14a: {  	s11 =	sadd.s32 s11, s12;
	v3 =	vadd.s32 v4, v3  }
0x14b: {  	[tilespmem:s11+$0x4800] =	vst.msk vm0, v3;
	(v2sf) =	vpush v2, $0x0  }
0x14c: {  	v2 =	vld [tilespmem:s7+$0x4030]  }
0x14d: {  	v3 =	vld [tilespmem:s7+$0x3830];
	_ =	sdelay $0x3  }
0x14e: {  	v4 =	vshll.u32 v2, $0xE;
	_ =	sdelay $0x2  }
0x14f: {  	v2 =	vld.idx.msk [tilespmem:v2+s3+$0x0], $0xffff;
	_ =	sdelay $0x5  }
0x150: {  	vm0 =	vgt.f32 v2, $0.0e+00;
	s12 =	spop (v2sf)  }
0x151: {  	v2 =	vadd.s32 v3, v4;
	v3 =	vmpcnt.ones.xlane vm0;
	s11 =	sadd.s32 s11, s12  }
0x152: {  	[tilespmem:s11+$0x4800] =	vst.msk vm0, v2  }
0x153: {  	v2 =	vld [tilespmem:s7+$0x4040];
	(v2sf) =	vpush v3, $0x0  }
0x154: {  	v3 =	vld [tilespmem:s7+$0x3840];
	_ =	sdelay $0x3  }
0x155: {  	v4 =	vshll.u32 v2, $0xE;
	_ =	sdelay $0x2  }
0x156: {  	v2 =	vld.idx.msk [tilespmem:v2+s3+$0x0], $0xffff;
	_ =	sdelay $0x5  }
0x157: {  	vm0 =	vgt.f32 v2, $0.0e+00  }
0x158: {  	v2 =	vmpcnt.ones.xlane vm0;
	s7 =	spop (v2sf)  }
0x159: {  	v3 =	vadd.s32 v3, v4;
	s11 =	sadd.s32 s11, s7  }
0x15a: {  	s7 =	sshra.s32 s10, $0x2;
	[tilespmem:s11+$0x4800] =	vst.msk vm0, v3;
	(v2sf) =	vpush v2, $0x0  }
0x15b: {  	v3 =	vld [tilespmem:s7+$0x4000];
	_ =	sdelay $0x4  }
0x15c: {  	v2 =	vshll.u32 v3, $0xE;
	_ =	sdelay $0x2  }
0x15d: {  	v4 =	vld.idx.msk [tilespmem:v3+s3+$0x0], $0xffff;
	_ =	sdelay $0x1  }
.Ltmp3:
0x15e: {  	(pc) =	sbr.rel @p0 .LBB2_4-.Ltmp3, $2  }
0x15f: {  	v3 =	vld [tilespmem:s7+$0x3800];
	_ =	sdelay $0x2  }
0x160: {  	vm0 =	vgt.f32 v4, $0.0e+00;
	s10 =	spop (v2sf)  }
0x161: {  	v4 =	vmpcnt.ones.xlane vm0;
	_ =	sdelay $0x1  }
0x162: {  	(v2sf) =	vpush v4, $0x0  }
0x163: {  	s8 =	sadd.s32 s11, s10;
	v2 =	vadd.s32 v3, v2  }
0x164: {  	[tilespmem:s8+$0x4800] =	vst.msk vm0, v2  }
0x165: {  	v2 =	vld [tilespmem:s7+$0x4010];
	_ =	sdelay $0x6  }
0x166: {  	v4 =	vld [tilespmem:s7+$0x3810]  }
0x167: {  	v3 =	vld.idx.msk [tilespmem:v2+s3+$0x0], $0xffff;
	_ =	sdelay $0x3  }
0x168: {  	v2 =	vshll.u32 v2, $0xE;
	s12 =	spop (v2sf)  }
0x169: {  	v2 =	vadd.s32 v4, v2;
	vm0 =	vgt.f32 v3, $0.0e+00;
	s8 =	sadd.s32 s8, s12  }
0x16a: {  	v3 =	vmpcnt.ones.xlane vm0;
	[tilespmem:s8+$0x4800] =	vst.msk vm0, v2  }
0x16b: {  	v2 =	vld [tilespmem:s7+$0x4020]  }
0x16c: {  	(v2sf) =	vpush v3, $0x0;
	_ =	sdelay $0x6  }
0x16d: {  	v3 =	vld.idx.msk [tilespmem:v2+s3+$0x0], $0xffff;
	_ =	sdelay $0x3  }
0x16e: {  	v4 =	vld [tilespmem:s7+$0x3820]  }
0x16f: {  	vm0 =	vgt.f32 v3, $0.0e+00  }
0x170: {  	v3 =	vmpcnt.ones.xlane vm0;
	_ =	sdelay $0x1  }
0x171: {  	v2 =	vshll.u32 v2, $0xE;
	s11 =	spop (v2sf);
	(v2sf) =	vpush v3, $0x0  }
0x172: {  	v2 =	vadd.s32 v4, v2;
	s8 =	sadd.s32 s8, s11  }
0x173: {  	[tilespmem:s8+$0x4800] =	vst.msk vm0, v2  }
0x174: {  	v2 =	vld [tilespmem:s7+$0x4030];
	_ =	sdelay $0x6  }
0x175: {  	v3 =	vld [tilespmem:s7+$0x3830]  }
0x176: {  	v4 =	vld.idx.msk [tilespmem:v2+s3+$0x0], $0xffff;
	_ =	sdelay $0x3  }
0x177: {  	v2 =	vshll.u32 v2, $0xE;
	s12 =	spop (v2sf)  }
0x178: {  	v2 =	vadd.s32 v3, v2;
	vm0 =	vgt.f32 v4, $0.0e+00;
	s8 =	sadd.s32 s8, s12  }
0x179: {  	[tilespmem:s8+$0x4800] =	vst.msk vm0, v2  }
0x17a: {  	v2 =	vld [tilespmem:s7+$0x4040];
	_ =	sdelay $0x7  }
0x17b: {  	v4 =	vmpcnt.ones.xlane vm0;
	v3 =	vld.idx.msk [tilespmem:v2+s3+$0x0], $0xffff;
	_ =	sdelay $0x1  }
0x17c: {  	(v2sf) =	vpush v4, $0x0;
	_ =	sdelay $0x2  }
0x17d: {  	vm0 =	vgt.f32 v3, $0.0e+00  }
0x17e: {  	v3 =	vmpcnt.ones.xlane vm0;
	_ =	sdelay $0x1  }
0x17f: {  	(v2sf) =	vpush v3, $0x0;
	_ =	sdelay $0x4  }
0x180: {  	v3 =	vld [tilespmem:s7+$0x3840];
	_ =	sdelay $0x3  }
0x181: {  	v2 =	vshll.u32 v2, $0xE;
	s10 =	spop (v2sf)  }
0x182: {  	s7 =	sadd.s32 s8, s10;
	v2 =	vadd.s32 v3, v2  }
0x183: {  	s11 =	rddreg [dreg:$0xf];
	s8 =	simm.s32 $0x0;
	[tilespmem:s7+$0x4800] =	vst.msk vm0, v2  }
0x184: {  	[tilespmem:s22], [sflag:$0x2] =	stream.linear.gather [hbm4b:s11+s8], $0x7D0, $0x38;
	[tilespmem:$0x1EB80] =	vst v63  }
0x185: {  	s12 =	rddreg [dreg:$0x10]  }
0x186: {  	[tilespmem:s23], [sflag:$0x2] =	stream.linear.gather [hbm4b:s12+s8], $0x7D0, $0x38;
	[tilespmem:$0x1EB80] =	vst v63  }
0x187: {  	s10 =	spop (v2sf)  }
0x188: {  	_ =	swait.ge [sflag:s24], $0x7D0  }
0x189: {  	[sflag:s24] =	ssyncset.done $0x0  }
0x18a: {  	[sflag:s24] =	ssyncadd.s32 $0xFFFFF830  }
0x18b: {  	_ =	swait.ge [sflag:s24], $0x7D0  }
0x18c: {  	[sflag:s24] =	ssyncset.done $0x0  }
0x18d: {  	s8 =	simm.s32 $0x0;
	[sflag:s24] =	ssyncadd.s32 $0xFFFFF830  }
0x18e: {  	v2 =	vld [tilespmem:s8+$0x3000];
	_ =	sdelay $0x7  }
0x18f: {  	v3 =	vld.idx.msk [tilespmem:v2+s3+$0x0], $0xffff;
	_ =	sdelay $0x2  }
0x190: {  	v4 =	vld [tilespmem:s8+$0x2800];
	_ =	sdelay $0x1  }
0x191: {  	vm0 =	vgt.f32 v3, $0.0e+00  }
0x192: {  	v3 =	vmpcnt.ones.xlane vm0  }
0x193: {  	v2 =	vshll.u32 v2, $0xE  }
0x194: {  	s7 =	sadd.s32 s7, s10;
	v2 =	vadd.s32 v4, v2;
	(v2sf) =	vpush v3, $0x0  }
0x195: {  	[tilespmem:s7+$0x4800] =	vst.msk vm0, v2  }
0x196: {  	v2 =	vld [tilespmem:s8+$0x3010];
	_ =	sdelay $0x7  }
0x197: {  	v3 =	vld.idx.msk [tilespmem:v2+s3+$0x0], $0xffff  }
0x198: {  	v4 =	vld [tilespmem:s8+$0x2810];
	_ =	sdelay $0x3  }
0x199: {  	v2 =	vshll.u32 v2, $0xE;
	vm0 =	vgt.f32 v3, $0.0e+00;
	s11 =	spop (v2sf)  }
0x19a: {  	v2 =	vadd.s32 v4, v2;
	v3 =	vmpcnt.ones.xlane vm0;
	s7 =	sadd.s32 s7, s11  }
0x19b: {  	[tilespmem:s7+$0x4800] =	vst.msk vm0, v2  }
0x19c: {  	(v2sf) =	vpush v3, $0x0;
	v2 =	vld [tilespmem:s8+$0x3020];
	_ =	sdelay $0x7  }
0x19d: {  	v3 =	vld.idx.msk [tilespmem:v2+s3+$0x0], $0xffff;
	_ =	sdelay $0x2  }
0x19e: {  	v4 =	vld [tilespmem:s8+$0x2820];
	_ =	sdelay $0x1  }
0x19f: {  	vm0 =	vgt.f32 v3, $0.0e+00  }
0x1a0: {  	v3 =	vmpcnt.ones.xlane vm0  }
0x1a1: {  	v2 =	vshll.u32 v2, $0xE;
	s12 =	spop (v2sf)  }
0x1a2: {  	v2 =	vadd.s32 v4, v2;
	s7 =	sadd.s32 s7, s12;
	(v2sf) =	vpush v3, $0x0  }
0x1a3: {  	[tilespmem:s7+$0x4800] =	vst.msk vm0, v2  }
0x1a4: {  	v2 =	vld [tilespmem:s8+$0x3030];
	_ =	sdelay $0x7  }
0x1a5: {  	v3 =	vld.idx.msk [tilespmem:v2+s3+$0x0], $0xffff  }
0x1a6: {  	v4 =	vld [tilespmem:s8+$0x2830];
	_ =	sdelay $0x3  }
0x1a7: {  	v2 =	vshll.u32 v2, $0xE;
	vm0 =	vgt.f32 v3, $0.0e+00;
	s11 =	spop (v2sf)  }
0x1a8: {  	v2 =	vadd.s32 v4, v2;
	v3 =	vmpcnt.ones.xlane vm0;
	s7 =	sadd.s32 s7, s11  }
0x1a9: {  	[tilespmem:s7+$0x4800] =	vst.msk vm0, v2  }
0x1aa: {  	(v2sf) =	vpush v3, $0x0;
	v2 =	vld [tilespmem:s8+$0x3040];
	_ =	sdelay $0x7  }
0x1ab: {  	v3 =	vld.idx.msk [tilespmem:v2+s3+$0x0], $0xffff;
	_ =	sdelay $0x2  }
0x1ac: {  	v4 =	vld [tilespmem:s8+$0x2840];
	_ =	sdelay $0x1  }
0x1ad: {  	vm0 =	vgt.f32 v3, $0.0e+00  }
0x1ae: {  	v3 =	vmpcnt.ones.xlane vm0  }
0x1af: {  	v2 =	vshll.u32 v2, $0xE;
	s12 =	spop (v2sf)  }
0x1b0: {  	v2 =	vadd.s32 v4, v2;
	s11 =	sadd.s32 s7, s12;
	(v2sf) =	vpush v3, $0x0  }
0x1b1: {  	s7 =	simm.s32 $0x50;
	[tilespmem:s11+$0x4800] =	vst.msk vm0, v2  }
0x1b2: {  	v2 =	vld [tilespmem:s7+$0x3000];
	_ =	sdelay $0x7  }
0x1b3: {  	v4 =	vld.idx.msk [tilespmem:v2+s3+$0x0], $0xffff;
	_ =	sdelay $0x2  }
0x1b4: {  	v3 =	vld [tilespmem:s7+$0x2800];
	_ =	sdelay $0x1  }
0x1b5: {  	s8 =	simm.s32 $0x280;
	v2 =	vshll.u32 v2, $0xE;
	vm0 =	vgt.f32 v4, $0.0e+00;
	s10 =	spop (v2sf)  }
.LBB2_6:
0x1b6: {  	p0 =	sne.s32 s8, $0x1E00  }
0x1b7: {  	v4 =	vmpcnt.ones.xlane vm0;
	s11 =	sadd.s32 s11, s10;
	s10 =	smov.u32 s8;
	s8 =	sadd.s32 $0x140, s8  }
0x1b8: {  	v2 =	vadd.s32 v3, v2  }
0x1b9: {  	[tilespmem:s11+$0x4800] =	vst.msk vm0, v2;
	(v2sf) =	vpush v4, $0x0  }
0x1ba: {  	v2 =	vld [tilespmem:s7+$0x3010];
	_ =	sdelay $0x4  }
0x1bb: {  	v3 =	vshll.u32 v2, $0xE;
	_ =	sdelay $0x2  }
0x1bc: {  	v2 =	vld.idx.msk [tilespmem:v2+s3+$0x0], $0xffff;
	_ =	sdelay $0x1  }
0x1bd: {  	v4 =	vld [tilespmem:s7+$0x2810];
	_ =	sdelay $0x3  }
0x1be: {  	vm0 =	vgt.f32 v2, $0.0e+00;
	s12 =	spop (v2sf)  }
0x1bf: {  	s11 =	sadd.s32 s11, s12;
	v2 =	vadd.s32 v4, v3;
	v3 =	vmpcnt.ones.xlane vm0  }
0x1c0: {  	[tilespmem:s11+$0x4800] =	vst.msk vm0, v2  }
0x1c1: {  	v2 =	vld [tilespmem:s7+$0x3020];
	(v2sf) =	vpush v3, $0x0;
	_ =	sdelay $0x4  }
0x1c2: {  	v3 =	vshll.u32 v2, $0xE;
	_ =	sdelay $0x2  }
0x1c3: {  	v2 =	vld.idx.msk [tilespmem:v2+s3+$0x0], $0xffff;
	_ =	sdelay $0x2  }
0x1c4: {  	v4 =	vld [tilespmem:s7+$0x2820];
	_ =	sdelay $0x2  }
0x1c5: {  	vm0 =	vgt.f32 v2, $0.0e+00  }
0x1c6: {  	v2 =	vmpcnt.ones.xlane vm0;
	s12 =	spop (v2sf)  }
0x1c7: {  	s11 =	sadd.s32 s11, s12;
	v3 =	vadd.s32 v4, v3  }
0x1c8: {  	[tilespmem:s11+$0x4800] =	vst.msk vm0, v3;
	(v2sf) =	vpush v2, $0x0  }
0x1c9: {  	v2 =	vld [tilespmem:s7+$0x3030]  }
0x1ca: {  	v3 =	vld [tilespmem:s7+$0x2830];
	_ =	sdelay $0x3  }
0x1cb: {  	v4 =	vshll.u32 v2, $0xE;
	_ =	sdelay $0x2  }
0x1cc: {  	v2 =	vld.idx.msk [tilespmem:v2+s3+$0x0], $0xffff;
	_ =	sdelay $0x5  }
0x1cd: {  	vm0 =	vgt.f32 v2, $0.0e+00;
	s12 =	spop (v2sf)  }
0x1ce: {  	v2 =	vadd.s32 v3, v4;
	v3 =	vmpcnt.ones.xlane vm0;
	s11 =	sadd.s32 s11, s12  }
0x1cf: {  	[tilespmem:s11+$0x4800] =	vst.msk vm0, v2  }
0x1d0: {  	v2 =	vld [tilespmem:s7+$0x3040];
	(v2sf) =	vpush v3, $0x0  }
0x1d1: {  	v3 =	vld [tilespmem:s7+$0x2840];
	_ =	sdelay $0x3  }
0x1d2: {  	v4 =	vshll.u32 v2, $0xE;
	_ =	sdelay $0x2  }
0x1d3: {  	v2 =	vld.idx.msk [tilespmem:v2+s3+$0x0], $0xffff;
	_ =	sdelay $0x5  }
0x1d4: {  	vm0 =	vgt.f32 v2, $0.0e+00  }
0x1d5: {  	v2 =	vmpcnt.ones.xlane vm0;
	s7 =	spop (v2sf)  }
0x1d6: {  	v3 =	vadd.s32 v3, v4;
	s11 =	sadd.s32 s11, s7  }
0x1d7: {  	s7 =	sshra.s32 s10, $0x2;
	[tilespmem:s11+$0x4800] =	vst.msk vm0, v3;
	(v2sf) =	vpush v2, $0x0  }
0x1d8: {  	v3 =	vld [tilespmem:s7+$0x3000];
	_ =	sdelay $0x4  }
0x1d9: {  	v2 =	vshll.u32 v3, $0xE;
	_ =	sdelay $0x2  }
0x1da: {  	v4 =	vld.idx.msk [tilespmem:v3+s3+$0x0], $0xffff;
	_ =	sdelay $0x1  }
.Ltmp4:
0x1db: {  	(pc) =	sbr.rel @p0 .LBB2_6-.Ltmp4, $2  }
0x1dc: {  	v3 =	vld [tilespmem:s7+$0x2800];
	_ =	sdelay $0x2  }
0x1dd: {  	vm0 =	vgt.f32 v4, $0.0e+00;
	s10 =	spop (v2sf)  }
0x1de: {  	v4 =	vmpcnt.ones.xlane vm0;
	_ =	sdelay $0x1  }
0x1df: {  	(v2sf) =	vpush v4, $0x0  }
0x1e0: {  	s8 =	sadd.s32 s11, s10;
	v2 =	vadd.s32 v3, v2  }
0x1e1: {  	[tilespmem:s8+$0x4800] =	vst.msk vm0, v2  }
0x1e2: {  	v2 =	vld [tilespmem:s7+$0x3010];
	_ =	sdelay $0x6  }
0x1e3: {  	v4 =	vld [tilespmem:s7+$0x2810]  }
0x1e4: {  	v3 =	vld.idx.msk [tilespmem:v2+s3+$0x0], $0xffff;
	_ =	sdelay $0x3  }
0x1e5: {  	v2 =	vshll.u32 v2, $0xE;
	s12 =	spop (v2sf)  }
0x1e6: {  	v2 =	vadd.s32 v4, v2;
	vm0 =	vgt.f32 v3, $0.0e+00;
	s8 =	sadd.s32 s8, s12  }
0x1e7: {  	v3 =	vmpcnt.ones.xlane vm0;
	[tilespmem:s8+$0x4800] =	vst.msk vm0, v2  }
0x1e8: {  	v2 =	vld [tilespmem:s7+$0x3020]  }
0x1e9: {  	(v2sf) =	vpush v3, $0x0;
	_ =	sdelay $0x6  }
0x1ea: {  	v3 =	vld.idx.msk [tilespmem:v2+s3+$0x0], $0xffff;
	_ =	sdelay $0x3  }
0x1eb: {  	v4 =	vld [tilespmem:s7+$0x2820]  }
0x1ec: {  	vm0 =	vgt.f32 v3, $0.0e+00  }
0x1ed: {  	v3 =	vmpcnt.ones.xlane vm0;
	_ =	sdelay $0x1  }
0x1ee: {  	v2 =	vshll.u32 v2, $0xE;
	s11 =	spop (v2sf);
	(v2sf) =	vpush v3, $0x0  }
0x1ef: {  	v2 =	vadd.s32 v4, v2;
	s8 =	sadd.s32 s8, s11  }
0x1f0: {  	[tilespmem:s8+$0x4800] =	vst.msk vm0, v2  }
0x1f1: {  	v2 =	vld [tilespmem:s7+$0x3030];
	_ =	sdelay $0x6  }
0x1f2: {  	v3 =	vld [tilespmem:s7+$0x2830]  }
0x1f3: {  	v4 =	vld.idx.msk [tilespmem:v2+s3+$0x0], $0xffff;
	_ =	sdelay $0x3  }
0x1f4: {  	v2 =	vshll.u32 v2, $0xE;
	s12 =	spop (v2sf)  }
0x1f5: {  	v2 =	vadd.s32 v3, v2;
	vm0 =	vgt.f32 v4, $0.0e+00;
	s8 =	sadd.s32 s8, s12  }
0x1f6: {  	[tilespmem:s8+$0x4800] =	vst.msk vm0, v2  }
0x1f7: {  	v2 =	vld [tilespmem:s7+$0x3040];
	_ =	sdelay $0x7  }
0x1f8: {  	v4 =	vmpcnt.ones.xlane vm0;
	v3 =	vld.idx.msk [tilespmem:v2+s3+$0x0], $0xffff;
	_ =	sdelay $0x1  }
0x1f9: {  	(v2sf) =	vpush v4, $0x0;
	_ =	sdelay $0x2  }
0x1fa: {  	vm0 =	vgt.f32 v3, $0.0e+00  }
0x1fb: {  	v3 =	vmpcnt.ones.xlane vm0;
	_ =	sdelay $0x1  }
0x1fc: {  	(v2sf) =	vpush v3, $0x0;
	_ =	sdelay $0x4  }
0x1fd: {  	v3 =	vld [tilespmem:s7+$0x2840];
	_ =	sdelay $0x3  }
0x1fe: {  	v2 =	vshll.u32 v2, $0xE;
	s10 =	spop (v2sf)  }
0x1ff: {  	s7 =	sadd.s32 s8, s10;
	v2 =	vadd.s32 v3, v2  }
0x200: {  	s11 =	rddreg [dreg:$0x11];
	s8 =	simm.s32 $0x0;
	[tilespmem:s7+$0x4800] =	vst.msk vm0, v2  }
0x201: {  	[tilespmem:s18], [sflag:$0x1] =	stream.linear.gather [hbm4b:s11+s8], $0x7D0, $0x38;
	[tilespmem:$0x1EB80] =	vst v63  }
0x202: {  	s12 =	rddreg [dreg:$0x12]  }
0x203: {  	[tilespmem:s19], [sflag:$0x1] =	stream.linear.gather [hbm4b:s12+s8], $0x7D0, $0x38;
	[tilespmem:$0x1EB80] =	vst v63  }
0x204: {  	s10 =	spop (v2sf)  }
0x205: {  	_ =	swait.ge [sflag:s25], $0x7D0  }
0x206: {  	[sflag:s25] =	ssyncset.done $0x0  }
0x207: {  	[sflag:s25] =	ssyncadd.s32 $0xFFFFF830  }
0x208: {  	_ =	swait.ge [sflag:s25], $0x7D0  }
0x209: {  	[sflag:s25] =	ssyncset.done $0x0  }
0x20a: {  	s8 =	simm.s32 $0x0;
	[sflag:s25] =	ssyncadd.s32 $0xFFFFF830  }
0x20b: {  	v2 =	vld [tilespmem:s8+$0x4000];
	_ =	sdelay $0x7  }
0x20c: {  	v3 =	vld.idx.msk [tilespmem:v2+s3+$0x0], $0xffff;
	_ =	sdelay $0x2  }
0x20d: {  	v4 =	vld [tilespmem:s8+$0x3800];
	_ =	sdelay $0x1  }
0x20e: {  	vm0 =	vgt.f32 v3, $0.0e+00  }
0x20f: {  	v3 =	vmpcnt.ones.xlane vm0  }
0x210: {  	v2 =	vshll.u32 v2, $0xE  }
0x211: {  	s7 =	sadd.s32 s7, s10;
	v2 =	vadd.s32 v4, v2;
	(v2sf) =	vpush v3, $0x0  }
0x212: {  	[tilespmem:s7+$0x4800] =	vst.msk vm0, v2  }
0x213: {  	v2 =	vld [tilespmem:s8+$0x4010];
	_ =	sdelay $0x7  }
0x214: {  	v3 =	vld.idx.msk [tilespmem:v2+s3+$0x0], $0xffff  }
0x215: {  	v4 =	vld [tilespmem:s8+$0x3810];
	_ =	sdelay $0x3  }
0x216: {  	v2 =	vshll.u32 v2, $0xE;
	vm0 =	vgt.f32 v3, $0.0e+00;
	s11 =	spop (v2sf)  }
0x217: {  	v2 =	vadd.s32 v4, v2;
	v3 =	vmpcnt.ones.xlane vm0;
	s7 =	sadd.s32 s7, s11  }
0x218: {  	[tilespmem:s7+$0x4800] =	vst.msk vm0, v2  }
0x219: {  	(v2sf) =	vpush v3, $0x0;
	v2 =	vld [tilespmem:s8+$0x4020];
	_ =	sdelay $0x7  }
0x21a: {  	v3 =	vld.idx.msk [tilespmem:v2+s3+$0x0], $0xffff;
	_ =	sdelay $0x2  }
0x21b: {  	v4 =	vld [tilespmem:s8+$0x3820];
	_ =	sdelay $0x1  }
0x21c: {  	vm0 =	vgt.f32 v3, $0.0e+00  }
0x21d: {  	v3 =	vmpcnt.ones.xlane vm0  }
0x21e: {  	v2 =	vshll.u32 v2, $0xE;
	s12 =	spop (v2sf)  }
0x21f: {  	v2 =	vadd.s32 v4, v2;
	s7 =	sadd.s32 s7, s12;
	(v2sf) =	vpush v3, $0x0  }
0x220: {  	[tilespmem:s7+$0x4800] =	vst.msk vm0, v2  }
0x221: {  	v2 =	vld [tilespmem:s8+$0x4030];
	_ =	sdelay $0x7  }
0x222: {  	v3 =	vld.idx.msk [tilespmem:v2+s3+$0x0], $0xffff  }
0x223: {  	v4 =	vld [tilespmem:s8+$0x3830];
	_ =	sdelay $0x3  }
0x224: {  	v2 =	vshll.u32 v2, $0xE;
	vm0 =	vgt.f32 v3, $0.0e+00;
	s11 =	spop (v2sf)  }
0x225: {  	v2 =	vadd.s32 v4, v2;
	v3 =	vmpcnt.ones.xlane vm0;
	s7 =	sadd.s32 s7, s11  }
0x226: {  	[tilespmem:s7+$0x4800] =	vst.msk vm0, v2  }
0x227: {  	(v2sf) =	vpush v3, $0x0;
	v2 =	vld [tilespmem:s8+$0x4040];
	_ =	sdelay $0x7  }
0x228: {  	v3 =	vld.idx.msk [tilespmem:v2+s3+$0x0], $0xffff;
	_ =	sdelay $0x2  }
0x229: {  	v4 =	vld [tilespmem:s8+$0x3840];
	_ =	sdelay $0x1  }
0x22a: {  	vm0 =	vgt.f32 v3, $0.0e+00  }
0x22b: {  	v3 =	vmpcnt.ones.xlane vm0  }
0x22c: {  	v2 =	vshll.u32 v2, $0xE;
	s12 =	spop (v2sf)  }
0x22d: {  	v2 =	vadd.s32 v4, v2;
	s11 =	sadd.s32 s7, s12;
	(v2sf) =	vpush v3, $0x0  }
0x22e: {  	s7 =	simm.s32 $0x50;
	[tilespmem:s11+$0x4800] =	vst.msk vm0, v2  }
0x22f: {  	v2 =	vld [tilespmem:s7+$0x4000];
	_ =	sdelay $0x7  }
0x230: {  	v4 =	vld.idx.msk [tilespmem:v2+s3+$0x0], $0xffff;
	_ =	sdelay $0x2  }
0x231: {  	v3 =	vld [tilespmem:s7+$0x3800];
	_ =	sdelay $0x1  }
0x232: {  	s8 =	simm.s32 $0x280;
	v2 =	vshll.u32 v2, $0xE;
	vm0 =	vgt.f32 v4, $0.0e+00;
	s10 =	spop (v2sf)  }
.LBB2_8:
0x233: {  	p0 =	sne.s32 s8, $0x1E00  }
0x234: {  	v4 =	vmpcnt.ones.xlane vm0;
	s11 =	sadd.s32 s11, s10;
	s10 =	smov.u32 s8;
	s8 =	sadd.s32 $0x140, s8  }
0x235: {  	v2 =	vadd.s32 v3, v2  }
0x236: {  	[tilespmem:s11+$0x4800] =	vst.msk vm0, v2;
	(v2sf) =	vpush v4, $0x0  }
0x237: {  	v2 =	vld [tilespmem:s7+$0x4010];
	_ =	sdelay $0x4  }
0x238: {  	v3 =	vshll.u32 v2, $0xE;
	_ =	sdelay $0x2  }
0x239: {  	v2 =	vld.idx.msk [tilespmem:v2+s3+$0x0], $0xffff;
	_ =	sdelay $0x1  }
0x23a: {  	v4 =	vld [tilespmem:s7+$0x3810];
	_ =	sdelay $0x3  }
0x23b: {  	vm0 =	vgt.f32 v2, $0.0e+00;
	s12 =	spop (v2sf)  }
0x23c: {  	s11 =	sadd.s32 s11, s12;
	v2 =	vadd.s32 v4, v3;
	v3 =	vmpcnt.ones.xlane vm0  }
0x23d: {  	[tilespmem:s11+$0x4800] =	vst.msk vm0, v2  }
0x23e: {  	v2 =	vld [tilespmem:s7+$0x4020];
	(v2sf) =	vpush v3, $0x0;
	_ =	sdelay $0x4  }
0x23f: {  	v3 =	vshll.u32 v2, $0xE;
	_ =	sdelay $0x2  }
0x240: {  	v2 =	vld.idx.msk [tilespmem:v2+s3+$0x0], $0xffff;
	_ =	sdelay $0x2  }
0x241: {  	v4 =	vld [tilespmem:s7+$0x3820];
	_ =	sdelay $0x2  }
0x242: {  	vm0 =	vgt.f32 v2, $0.0e+00  }
0x243: {  	v2 =	vmpcnt.ones.xlane vm0;
	s12 =	spop (v2sf)  }
0x244: {  	s11 =	sadd.s32 s11, s12;
	v3 =	vadd.s32 v4, v3  }
0x245: {  	[tilespmem:s11+$0x4800] =	vst.msk vm0, v3;
	(v2sf) =	vpush v2, $0x0  }
0x246: {  	v2 =	vld [tilespmem:s7+$0x4030]  }
0x247: {  	v3 =	vld [tilespmem:s7+$0x3830];
	_ =	sdelay $0x3  }
0x248: {  	v4 =	vshll.u32 v2, $0xE;
	_ =	sdelay $0x2  }
0x249: {  	v2 =	vld.idx.msk [tilespmem:v2+s3+$0x0], $0xffff;
	_ =	sdelay $0x5  }
0x24a: {  	vm0 =	vgt.f32 v2, $0.0e+00;
	s12 =	spop (v2sf)  }
0x24b: {  	v2 =	vadd.s32 v3, v4;
	v3 =	vmpcnt.ones.xlane vm0;
	s11 =	sadd.s32 s11, s12  }
0x24c: {  	[tilespmem:s11+$0x4800] =	vst.msk vm0, v2  }
0x24d: {  	v2 =	vld [tilespmem:s7+$0x4040];
	(v2sf) =	vpush v3, $0x0  }
0x24e: {  	v3 =	vld [tilespmem:s7+$0x3840];
	_ =	sdelay $0x3  }
0x24f: {  	v4 =	vshll.u32 v2, $0xE;
	_ =	sdelay $0x2  }
0x250: {  	v2 =	vld.idx.msk [tilespmem:v2+s3+$0x0], $0xffff;
	_ =	sdelay $0x5  }
0x251: {  	vm0 =	vgt.f32 v2, $0.0e+00  }
0x252: {  	v2 =	vmpcnt.ones.xlane vm0;
	s7 =	spop (v2sf)  }
0x253: {  	v3 =	vadd.s32 v3, v4;
	s11 =	sadd.s32 s11, s7  }
0x254: {  	s7 =	sshra.s32 s10, $0x2;
	[tilespmem:s11+$0x4800] =	vst.msk vm0, v3;
	(v2sf) =	vpush v2, $0x0  }
0x255: {  	v3 =	vld [tilespmem:s7+$0x4000];
	_ =	sdelay $0x4  }
0x256: {  	v2 =	vshll.u32 v3, $0xE;
	_ =	sdelay $0x2  }
0x257: {  	v4 =	vld.idx.msk [tilespmem:v3+s3+$0x0], $0xffff;
	_ =	sdelay $0x1  }
.Ltmp5:
0x258: {  	(pc) =	sbr.rel @p0 .LBB2_8-.Ltmp5, $2  }
0x259: {  	v3 =	vld [tilespmem:s7+$0x3800];
	_ =	sdelay $0x2  }
0x25a: {  	vm0 =	vgt.f32 v4, $0.0e+00;
	s10 =	spop (v2sf)  }
0x25b: {  	v4 =	vmpcnt.ones.xlane vm0;
	_ =	sdelay $0x1  }
0x25c: {  	(v2sf) =	vpush v4, $0x0  }
0x25d: {  	s8 =	sadd.s32 s11, s10;
	v2 =	vadd.s32 v3, v2  }
0x25e: {  	[tilespmem:s8+$0x4800] =	vst.msk vm0, v2  }
0x25f: {  	v2 =	vld [tilespmem:s7+$0x4010];
	_ =	sdelay $0x6  }
0x260: {  	v4 =	vld [tilespmem:s7+$0x3810]  }
0x261: {  	v3 =	vld.idx.msk [tilespmem:v2+s3+$0x0], $0xffff;
	_ =	sdelay $0x3  }
0x262: {  	v2 =	vshll.u32 v2, $0xE;
	s12 =	spop (v2sf)  }
0x263: {  	v2 =	vadd.s32 v4, v2;
	vm0 =	vgt.f32 v3, $0.0e+00;
	s8 =	sadd.s32 s8, s12  }
0x264: {  	v3 =	vmpcnt.ones.xlane vm0;
	[tilespmem:s8+$0x4800] =	vst.msk vm0, v2  }
0x265: {  	v2 =	vld [tilespmem:s7+$0x4020]  }
0x266: {  	(v2sf) =	vpush v3, $0x0;
	_ =	sdelay $0x6  }
0x267: {  	v3 =	vld.idx.msk [tilespmem:v2+s3+$0x0], $0xffff;
	_ =	sdelay $0x3  }
0x268: {  	v4 =	vld [tilespmem:s7+$0x3820]  }
0x269: {  	vm0 =	vgt.f32 v3, $0.0e+00  }
0x26a: {  	v3 =	vmpcnt.ones.xlane vm0;
	_ =	sdelay $0x1  }
0x26b: {  	v2 =	vshll.u32 v2, $0xE;
	s11 =	spop (v2sf);
	(v2sf) =	vpush v3, $0x0  }
0x26c: {  	v2 =	vadd.s32 v4, v2;
	s8 =	sadd.s32 s8, s11  }
0x26d: {  	[tilespmem:s8+$0x4800] =	vst.msk vm0, v2  }
0x26e: {  	v2 =	vld [tilespmem:s7+$0x4030];
	_ =	sdelay $0x6  }
0x26f: {  	v3 =	vld [tilespmem:s7+$0x3830]  }
0x270: {  	v4 =	vld.idx.msk [tilespmem:v2+s3+$0x0], $0xffff;
	_ =	sdelay $0x3  }
0x271: {  	v2 =	vshll.u32 v2, $0xE;
	s12 =	spop (v2sf)  }
0x272: {  	v2 =	vadd.s32 v3, v2;
	vm0 =	vgt.f32 v4, $0.0e+00;
	s8 =	sadd.s32 s8, s12  }
0x273: {  	[tilespmem:s8+$0x4800] =	vst.msk vm0, v2  }
0x274: {  	v2 =	vld [tilespmem:s7+$0x4040];
	_ =	sdelay $0x7  }
0x275: {  	v4 =	vmpcnt.ones.xlane vm0;
	v3 =	vld.idx.msk [tilespmem:v2+s3+$0x0], $0xffff;
	_ =	sdelay $0x1  }
0x276: {  	(v2sf) =	vpush v4, $0x0;
	_ =	sdelay $0x2  }
0x277: {  	vm0 =	vgt.f32 v3, $0.0e+00  }
0x278: {  	v3 =	vmpcnt.ones.xlane vm0;
	_ =	sdelay $0x1  }
0x279: {  	(v2sf) =	vpush v3, $0x0;
	_ =	sdelay $0x4  }
0x27a: {  	v3 =	vld [tilespmem:s7+$0x3840];
	_ =	sdelay $0x3  }
0x27b: {  	v2 =	vshll.u32 v2, $0xE;
	s10 =	spop (v2sf)  }
0x27c: {  	s7 =	sadd.s32 s8, s10;
	v2 =	vadd.s32 v3, v2  }
0x27d: {  	s11 =	rddreg [dreg:$0x13];
	s8 =	simm.s32 $0x0;
	[tilespmem:s7+$0x4800] =	vst.msk vm0, v2  }
0x27e: {  	[tilespmem:s22], [sflag:$0x2] =	stream.linear.gather [hbm4b:s11+s8], $0x7D0, $0x38;
	[tilespmem:$0x1EB80] =	vst v63  }
0x27f: {  	s12 =	rddreg [dreg:$0x14]  }
0x280: {  	[tilespmem:s23], [sflag:$0x2] =	stream.linear.gather [hbm4b:s12+s8], $0x7D0, $0x38;
	[tilespmem:$0x1EB80] =	vst v63  }
0x281: {  	s10 =	spop (v2sf)  }
0x282: {  	_ =	swait.ge [sflag:s24], $0x7D0  }
0x283: {  	[sflag:s24] =	ssyncset.done $0x0  }
0x284: {  	[sflag:s24] =	ssyncadd.s32 $0xFFFFF830  }
0x285: {  	_ =	swait.ge [sflag:s24], $0x7D0  }
0x286: {  	[sflag:s24] =	ssyncset.done $0x0  }
0x287: {  	s8 =	simm.s32 $0x0;
	[sflag:s24] =	ssyncadd.s32 $0xFFFFF830  }
0x288: {  	v2 =	vld [tilespmem:s8+$0x3000];
	_ =	sdelay $0x7  }
0x289: {  	v3 =	vld.idx.msk [tilespmem:v2+s3+$0x0], $0xffff;
	_ =	sdelay $0x2  }
0x28a: {  	v4 =	vld [tilespmem:s8+$0x2800];
	_ =	sdelay $0x1  }
0x28b: {  	vm0 =	vgt.f32 v3, $0.0e+00  }
0x28c: {  	v3 =	vmpcnt.ones.xlane vm0  }
0x28d: {  	v2 =	vshll.u32 v2, $0xE  }
0x28e: {  	s7 =	sadd.s32 s7, s10;
	v2 =	vadd.s32 v4, v2;
	(v2sf) =	vpush v3, $0x0  }
0x28f: {  	[tilespmem:s7+$0x4800] =	vst.msk vm0, v2  }
0x290: {  	v2 =	vld [tilespmem:s8+$0x3010];
	_ =	sdelay $0x7  }
0x291: {  	v3 =	vld.idx.msk [tilespmem:v2+s3+$0x0], $0xffff  }
0x292: {  	v4 =	vld [tilespmem:s8+$0x2810];
	_ =	sdelay $0x3  }
0x293: {  	v2 =	vshll.u32 v2, $0xE;
	vm0 =	vgt.f32 v3, $0.0e+00;
	s11 =	spop (v2sf)  }
0x294: {  	v2 =	vadd.s32 v4, v2;
	v3 =	vmpcnt.ones.xlane vm0;
	s7 =	sadd.s32 s7, s11  }
0x295: {  	[tilespmem:s7+$0x4800] =	vst.msk vm0, v2  }
0x296: {  	(v2sf) =	vpush v3, $0x0;
	v2 =	vld [tilespmem:s8+$0x3020];
	_ =	sdelay $0x7  }
0x297: {  	v3 =	vld.idx.msk [tilespmem:v2+s3+$0x0], $0xffff;
	_ =	sdelay $0x2  }
0x298: {  	v4 =	vld [tilespmem:s8+$0x2820];
	_ =	sdelay $0x1  }
0x299: {  	vm0 =	vgt.f32 v3, $0.0e+00  }
0x29a: {  	v3 =	vmpcnt.ones.xlane vm0  }
0x29b: {  	v2 =	vshll.u32 v2, $0xE;
	s12 =	spop (v2sf)  }
0x29c: {  	v2 =	vadd.s32 v4, v2;
	s7 =	sadd.s32 s7, s12;
	(v2sf) =	vpush v3, $0x0  }
0x29d: {  	[tilespmem:s7+$0x4800] =	vst.msk vm0, v2  }
0x29e: {  	v2 =	vld [tilespmem:s8+$0x3030];
	_ =	sdelay $0x7  }
0x29f: {  	v3 =	vld.idx.msk [tilespmem:v2+s3+$0x0], $0xffff  }
0x2a0: {  	v4 =	vld [tilespmem:s8+$0x2830];
	_ =	sdelay $0x3  }
0x2a1: {  	v2 =	vshll.u32 v2, $0xE;
	vm0 =	vgt.f32 v3, $0.0e+00;
	s11 =	spop (v2sf)  }
0x2a2: {  	v2 =	vadd.s32 v4, v2;
	v3 =	vmpcnt.ones.xlane vm0;
	s7 =	sadd.s32 s7, s11  }
0x2a3: {  	[tilespmem:s7+$0x4800] =	vst.msk vm0, v2  }
0x2a4: {  	(v2sf) =	vpush v3, $0x0;
	v2 =	vld [tilespmem:s8+$0x3040];
	_ =	sdelay $0x7  }
0x2a5: {  	v3 =	vld.idx.msk [tilespmem:v2+s3+$0x0], $0xffff;
	_ =	sdelay $0x2  }
0x2a6: {  	v4 =	vld [tilespmem:s8+$0x2840];
	_ =	sdelay $0x1  }
0x2a7: {  	vm0 =	vgt.f32 v3, $0.0e+00  }
0x2a8: {  	v3 =	vmpcnt.ones.xlane vm0  }
0x2a9: {  	v2 =	vshll.u32 v2, $0xE;
	s12 =	spop (v2sf)  }
0x2aa: {  	v2 =	vadd.s32 v4, v2;
	s11 =	sadd.s32 s7, s12;
	(v2sf) =	vpush v3, $0x0  }
0x2ab: {  	s7 =	simm.s32 $0x50;
	[tilespmem:s11+$0x4800] =	vst.msk vm0, v2  }
0x2ac: {  	v2 =	vld [tilespmem:s7+$0x3000];
	_ =	sdelay $0x7  }
0x2ad: {  	v4 =	vld.idx.msk [tilespmem:v2+s3+$0x0], $0xffff;
	_ =	sdelay $0x2  }
0x2ae: {  	v3 =	vld [tilespmem:s7+$0x2800];
	_ =	sdelay $0x1  }
0x2af: {  	s8 =	simm.s32 $0x280;
	v2 =	vshll.u32 v2, $0xE;
	vm0 =	vgt.f32 v4, $0.0e+00;
	s10 =	spop (v2sf)  }
.LBB2_10:
0x2b0: {  	p0 =	sne.s32 s8, $0x1E00  }
0x2b1: {  	v4 =	vmpcnt.ones.xlane vm0;
	s11 =	sadd.s32 s11, s10;
	s10 =	smov.u32 s8;
	s8 =	sadd.s32 $0x140, s8  }
0x2b2: {  	v2 =	vadd.s32 v3, v2  }
0x2b3: {  	[tilespmem:s11+$0x4800] =	vst.msk vm0, v2;
	(v2sf) =	vpush v4, $0x0  }
0x2b4: {  	v2 =	vld [tilespmem:s7+$0x3010];
	_ =	sdelay $0x4  }
0x2b5: {  	v3 =	vshll.u32 v2, $0xE;
	_ =	sdelay $0x2  }
0x2b6: {  	v2 =	vld.idx.msk [tilespmem:v2+s3+$0x0], $0xffff;
	_ =	sdelay $0x1  }
0x2b7: {  	v4 =	vld [tilespmem:s7+$0x2810];
	_ =	sdelay $0x3  }
0x2b8: {  	vm0 =	vgt.f32 v2, $0.0e+00;
	s12 =	spop (v2sf)  }
0x2b9: {  	s11 =	sadd.s32 s11, s12;
	v2 =	vadd.s32 v4, v3;
	v3 =	vmpcnt.ones.xlane vm0  }
0x2ba: {  	[tilespmem:s11+$0x4800] =	vst.msk vm0, v2  }
0x2bb: {  	v2 =	vld [tilespmem:s7+$0x3020];
	(v2sf) =	vpush v3, $0x0;
	_ =	sdelay $0x4  }
0x2bc: {  	v3 =	vshll.u32 v2, $0xE;
	_ =	sdelay $0x2  }
0x2bd: {  	v2 =	vld.idx.msk [tilespmem:v2+s3+$0x0], $0xffff;
	_ =	sdelay $0x2  }
0x2be: {  	v4 =	vld [tilespmem:s7+$0x2820];
	_ =	sdelay $0x2  }
0x2bf: {  	vm0 =	vgt.f32 v2, $0.0e+00  }
0x2c0: {  	v2 =	vmpcnt.ones.xlane vm0;
	s12 =	spop (v2sf)  }
0x2c1: {  	s11 =	sadd.s32 s11, s12;
	v3 =	vadd.s32 v4, v3  }
0x2c2: {  	[tilespmem:s11+$0x4800] =	vst.msk vm0, v3;
	(v2sf) =	vpush v2, $0x0  }
0x2c3: {  	v2 =	vld [tilespmem:s7+$0x3030]  }
0x2c4: {  	v3 =	vld [tilespmem:s7+$0x2830];
	_ =	sdelay $0x3  }
0x2c5: {  	v4 =	vshll.u32 v2, $0xE;
	_ =	sdelay $0x2  }
0x2c6: {  	v2 =	vld.idx.msk [tilespmem:v2+s3+$0x0], $0xffff;
	_ =	sdelay $0x5  }
0x2c7: {  	vm0 =	vgt.f32 v2, $0.0e+00;
	s12 =	spop (v2sf)  }
0x2c8: {  	v2 =	vadd.s32 v3, v4;
	v3 =	vmpcnt.ones.xlane vm0;
	s11 =	sadd.s32 s11, s12  }
0x2c9: {  	[tilespmem:s11+$0x4800] =	vst.msk vm0, v2  }
0x2ca: {  	v2 =	vld [tilespmem:s7+$0x3040];
	(v2sf) =	vpush v3, $0x0  }
0x2cb: {  	v3 =	vld [tilespmem:s7+$0x2840];
	_ =	sdelay $0x3  }
0x2cc: {  	v4 =	vshll.u32 v2, $0xE;
	_ =	sdelay $0x2  }
0x2cd: {  	v2 =	vld.idx.msk [tilespmem:v2+s3+$0x0], $0xffff;
	_ =	sdelay $0x5  }
0x2ce: {  	vm0 =	vgt.f32 v2, $0.0e+00  }
0x2cf: {  	v2 =	vmpcnt.ones.xlane vm0;
	s7 =	spop (v2sf)  }
0x2d0: {  	v3 =	vadd.s32 v3, v4;
	s11 =	sadd.s32 s11, s7  }
0x2d1: {  	s7 =	sshra.s32 s10, $0x2;
	[tilespmem:s11+$0x4800] =	vst.msk vm0, v3;
	(v2sf) =	vpush v2, $0x0  }
0x2d2: {  	v3 =	vld [tilespmem:s7+$0x3000];
	_ =	sdelay $0x4  }
0x2d3: {  	v2 =	vshll.u32 v3, $0xE;
	_ =	sdelay $0x2  }
0x2d4: {  	v4 =	vld.idx.msk [tilespmem:v3+s3+$0x0], $0xffff;
	_ =	sdelay $0x1  }
.Ltmp6:
0x2d5: {  	(pc) =	sbr.rel @p0 .LBB2_10-.Ltmp6, $2  }
0x2d6: {  	v3 =	vld [tilespmem:s7+$0x2800];
	_ =	sdelay $0x2  }
0x2d7: {  	vm0 =	vgt.f32 v4, $0.0e+00;
	s10 =	spop (v2sf)  }
0x2d8: {  	v4 =	vmpcnt.ones.xlane vm0;
	_ =	sdelay $0x1  }
0x2d9: {  	(v2sf) =	vpush v4, $0x0  }
0x2da: {  	s8 =	sadd.s32 s11, s10;
	v2 =	vadd.s32 v3, v2  }
0x2db: {  	[tilespmem:s8+$0x4800] =	vst.msk vm0, v2  }
0x2dc: {  	v2 =	vld [tilespmem:s7+$0x3010];
	_ =	sdelay $0x6  }
0x2dd: {  	v4 =	vld [tilespmem:s7+$0x2810]  }
0x2de: {  	v3 =	vld.idx.msk [tilespmem:v2+s3+$0x0], $0xffff;
	_ =	sdelay $0x3  }
0x2df: {  	v2 =	vshll.u32 v2, $0xE;
	s12 =	spop (v2sf)  }
0x2e0: {  	v2 =	vadd.s32 v4, v2;
	vm0 =	vgt.f32 v3, $0.0e+00;
	s8 =	sadd.s32 s8, s12  }
0x2e1: {  	v3 =	vmpcnt.ones.xlane vm0;
	[tilespmem:s8+$0x4800] =	vst.msk vm0, v2  }
0x2e2: {  	v2 =	vld [tilespmem:s7+$0x3020]  }
0x2e3: {  	(v2sf) =	vpush v3, $0x0;
	_ =	sdelay $0x6  }
0x2e4: {  	v3 =	vld.idx.msk [tilespmem:v2+s3+$0x0], $0xffff;
	_ =	sdelay $0x3  }
0x2e5: {  	v4 =	vld [tilespmem:s7+$0x2820]  }
0x2e6: {  	vm0 =	vgt.f32 v3, $0.0e+00  }
0x2e7: {  	v3 =	vmpcnt.ones.xlane vm0;
	_ =	sdelay $0x1  }
0x2e8: {  	v2 =	vshll.u32 v2, $0xE;
	s11 =	spop (v2sf);
	(v2sf) =	vpush v3, $0x0  }
0x2e9: {  	v2 =	vadd.s32 v4, v2;
	s8 =	sadd.s32 s8, s11  }
0x2ea: {  	[tilespmem:s8+$0x4800] =	vst.msk vm0, v2  }
0x2eb: {  	v2 =	vld [tilespmem:s7+$0x3030];
	_ =	sdelay $0x6  }
0x2ec: {  	v3 =	vld [tilespmem:s7+$0x2830]  }
0x2ed: {  	v4 =	vld.idx.msk [tilespmem:v2+s3+$0x0], $0xffff;
	_ =	sdelay $0x3  }
0x2ee: {  	v2 =	vshll.u32 v2, $0xE;
	s12 =	spop (v2sf)  }
0x2ef: {  	v2 =	vadd.s32 v3, v2;
	vm0 =	vgt.f32 v4, $0.0e+00;
	s8 =	sadd.s32 s8, s12  }
0x2f0: {  	[tilespmem:s8+$0x4800] =	vst.msk vm0, v2  }
0x2f1: {  	v2 =	vld [tilespmem:s7+$0x3040];
	_ =	sdelay $0x7  }
0x2f2: {  	v4 =	vmpcnt.ones.xlane vm0;
	v3 =	vld.idx.msk [tilespmem:v2+s3+$0x0], $0xffff;
	_ =	sdelay $0x1  }
0x2f3: {  	(v2sf) =	vpush v4, $0x0;
	_ =	sdelay $0x2  }
0x2f4: {  	vm0 =	vgt.f32 v3, $0.0e+00  }
0x2f5: {  	v3 =	vmpcnt.ones.xlane vm0;
	_ =	sdelay $0x1  }
0x2f6: {  	(v2sf) =	vpush v3, $0x0;
	_ =	sdelay $0x4  }
0x2f7: {  	v3 =	vld [tilespmem:s7+$0x2840];
	_ =	sdelay $0x3  }
0x2f8: {  	v2 =	vshll.u32 v2, $0xE;
	s10 =	spop (v2sf)  }
0x2f9: {  	s7 =	sadd.s32 s8, s10;
	v2 =	vadd.s32 v3, v2  }
0x2fa: {  	s11 =	rddreg [dreg:$0x15];
	s8 =	simm.s32 $0x0;
	[tilespmem:s7+$0x4800] =	vst.msk vm0, v2  }
0x2fb: {  	[tilespmem:s18], [sflag:$0x1] =	stream.linear.gather [hbm4b:s11+s8], $0x7D0, $0x38;
	[tilespmem:$0x1EB80] =	vst v63  }
0x2fc: {  	s12 =	rddreg [dreg:$0x16]  }
0x2fd: {  	[tilespmem:s19], [sflag:$0x1] =	stream.linear.gather [hbm4b:s12+s8], $0x7D0, $0x38;
	[tilespmem:$0x1EB80] =	vst v63  }
0x2fe: {  	s10 =	spop (v2sf)  }
0x2ff: {  	_ =	swait.ge [sflag:s25], $0x7D0  }
0x300: {  	[sflag:s25] =	ssyncset.done $0x0  }
0x301: {  	[sflag:s25] =	ssyncadd.s32 $0xFFFFF830  }
0x302: {  	_ =	swait.ge [sflag:s25], $0x7D0  }
0x303: {  	[sflag:s25] =	ssyncset.done $0x0  }
0x304: {  	s8 =	simm.s32 $0x0;
	[sflag:s25] =	ssyncadd.s32 $0xFFFFF830  }
0x305: {  	v2 =	vld [tilespmem:s8+$0x4000];
	_ =	sdelay $0x7  }
0x306: {  	v3 =	vld.idx.msk [tilespmem:v2+s3+$0x0], $0xffff;
	_ =	sdelay $0x2  }
0x307: {  	v4 =	vld [tilespmem:s8+$0x3800];
	_ =	sdelay $0x1  }
0x308: {  	vm0 =	vgt.f32 v3, $0.0e+00  }
0x309: {  	v3 =	vmpcnt.ones.xlane vm0  }
0x30a: {  	v2 =	vshll.u32 v2, $0xE  }
0x30b: {  	s7 =	sadd.s32 s7, s10;
	v2 =	vadd.s32 v4, v2;
	(v2sf) =	vpush v3, $0x0  }
0x30c: {  	[tilespmem:s7+$0x4800] =	vst.msk vm0, v2  }
0x30d: {  	v2 =	vld [tilespmem:s8+$0x4010];
	_ =	sdelay $0x7  }
0x30e: {  	v3 =	vld.idx.msk [tilespmem:v2+s3+$0x0], $0xffff  }
0x30f: {  	v4 =	vld [tilespmem:s8+$0x3810];
	_ =	sdelay $0x3  }
0x310: {  	v2 =	vshll.u32 v2, $0xE;
	vm0 =	vgt.f32 v3, $0.0e+00;
	s11 =	spop (v2sf)  }
0x311: {  	v2 =	vadd.s32 v4, v2;
	v3 =	vmpcnt.ones.xlane vm0;
	s7 =	sadd.s32 s7, s11  }
0x312: {  	[tilespmem:s7+$0x4800] =	vst.msk vm0, v2  }
0x313: {  	(v2sf) =	vpush v3, $0x0;
	v2 =	vld [tilespmem:s8+$0x4020];
	_ =	sdelay $0x7  }
0x314: {  	v3 =	vld.idx.msk [tilespmem:v2+s3+$0x0], $0xffff;
	_ =	sdelay $0x2  }
0x315: {  	v4 =	vld [tilespmem:s8+$0x3820];
	_ =	sdelay $0x1  }
0x316: {  	vm0 =	vgt.f32 v3, $0.0e+00  }
0x317: {  	v3 =	vmpcnt.ones.xlane vm0  }
0x318: {  	v2 =	vshll.u32 v2, $0xE;
	s12 =	spop (v2sf)  }
0x319: {  	v2 =	vadd.s32 v4, v2;
	s7 =	sadd.s32 s7, s12;
	(v2sf) =	vpush v3, $0x0  }
0x31a: {  	[tilespmem:s7+$0x4800] =	vst.msk vm0, v2  }
0x31b: {  	v2 =	vld [tilespmem:s8+$0x4030];
	_ =	sdelay $0x7  }
0x31c: {  	v3 =	vld.idx.msk [tilespmem:v2+s3+$0x0], $0xffff  }
0x31d: {  	v4 =	vld [tilespmem:s8+$0x3830];
	_ =	sdelay $0x3  }
0x31e: {  	v2 =	vshll.u32 v2, $0xE;
	vm0 =	vgt.f32 v3, $0.0e+00;
	s11 =	spop (v2sf)  }
0x31f: {  	v2 =	vadd.s32 v4, v2;
	v3 =	vmpcnt.ones.xlane vm0;
	s7 =	sadd.s32 s7, s11  }
0x320: {  	[tilespmem:s7+$0x4800] =	vst.msk vm0, v2  }
0x321: {  	(v2sf) =	vpush v3, $0x0;
	v2 =	vld [tilespmem:s8+$0x4040];
	_ =	sdelay $0x7  }
0x322: {  	v3 =	vld.idx.msk [tilespmem:v2+s3+$0x0], $0xffff;
	_ =	sdelay $0x2  }
0x323: {  	v4 =	vld [tilespmem:s8+$0x3840];
	_ =	sdelay $0x1  }
0x324: {  	vm0 =	vgt.f32 v3, $0.0e+00  }
0x325: {  	v3 =	vmpcnt.ones.xlane vm0  }
0x326: {  	v2 =	vshll.u32 v2, $0xE;
	s12 =	spop (v2sf)  }
0x327: {  	v2 =	vadd.s32 v4, v2;
	s11 =	sadd.s32 s7, s12;
	(v2sf) =	vpush v3, $0x0  }
0x328: {  	s7 =	simm.s32 $0x50;
	[tilespmem:s11+$0x4800] =	vst.msk vm0, v2  }
0x329: {  	v2 =	vld [tilespmem:s7+$0x4000];
	_ =	sdelay $0x7  }
0x32a: {  	v4 =	vld.idx.msk [tilespmem:v2+s3+$0x0], $0xffff;
	_ =	sdelay $0x2  }
0x32b: {  	v3 =	vld [tilespmem:s7+$0x3800];
	_ =	sdelay $0x1  }
0x32c: {  	s8 =	simm.s32 $0x280;
	v2 =	vshll.u32 v2, $0xE;
	vm0 =	vgt.f32 v4, $0.0e+00;
	s10 =	spop (v2sf)  }
.LBB2_12:
0x32d: {  	p0 =	sne.s32 s8, $0x1E00  }
0x32e: {  	v4 =	vmpcnt.ones.xlane vm0;
	s11 =	sadd.s32 s11, s10;
	s10 =	smov.u32 s8;
	s8 =	sadd.s32 $0x140, s8  }
0x32f: {  	v2 =	vadd.s32 v3, v2  }
0x330: {  	[tilespmem:s11+$0x4800] =	vst.msk vm0, v2;
	(v2sf) =	vpush v4, $0x0  }
0x331: {  	v2 =	vld [tilespmem:s7+$0x4010];
	_ =	sdelay $0x4  }
0x332: {  	v3 =	vshll.u32 v2, $0xE;
	_ =	sdelay $0x2  }
0x333: {  	v2 =	vld.idx.msk [tilespmem:v2+s3+$0x0], $0xffff;
	_ =	sdelay $0x1  }
0x334: {  	v4 =	vld [tilespmem:s7+$0x3810];
	_ =	sdelay $0x3  }
0x335: {  	vm0 =	vgt.f32 v2, $0.0e+00;
	s12 =	spop (v2sf)  }
0x336: {  	s11 =	sadd.s32 s11, s12;
	v2 =	vadd.s32 v4, v3;
	v3 =	vmpcnt.ones.xlane vm0  }
0x337: {  	[tilespmem:s11+$0x4800] =	vst.msk vm0, v2  }
0x338: {  	v2 =	vld [tilespmem:s7+$0x4020];
	(v2sf) =	vpush v3, $0x0;
	_ =	sdelay $0x4  }
0x339: {  	v3 =	vshll.u32 v2, $0xE;
	_ =	sdelay $0x2  }
0x33a: {  	v2 =	vld.idx.msk [tilespmem:v2+s3+$0x0], $0xffff;
	_ =	sdelay $0x2  }
0x33b: {  	v4 =	vld [tilespmem:s7+$0x3820];
	_ =	sdelay $0x2  }
0x33c: {  	vm0 =	vgt.f32 v2, $0.0e+00  }
0x33d: {  	v2 =	vmpcnt.ones.xlane vm0;
	s12 =	spop (v2sf)  }
0x33e: {  	s11 =	sadd.s32 s11, s12;
	v3 =	vadd.s32 v4, v3  }
0x33f: {  	[tilespmem:s11+$0x4800] =	vst.msk vm0, v3;
	(v2sf) =	vpush v2, $0x0  }
0x340: {  	v2 =	vld [tilespmem:s7+$0x4030]  }
0x341: {  	v3 =	vld [tilespmem:s7+$0x3830];
	_ =	sdelay $0x3  }
0x342: {  	v4 =	vshll.u32 v2, $0xE;
	_ =	sdelay $0x2  }
0x343: {  	v2 =	vld.idx.msk [tilespmem:v2+s3+$0x0], $0xffff;
	_ =	sdelay $0x5  }
0x344: {  	vm0 =	vgt.f32 v2, $0.0e+00;
	s12 =	spop (v2sf)  }
0x345: {  	v2 =	vadd.s32 v3, v4;
	v3 =	vmpcnt.ones.xlane vm0;
	s11 =	sadd.s32 s11, s12  }
0x346: {  	[tilespmem:s11+$0x4800] =	vst.msk vm0, v2  }
0x347: {  	v2 =	vld [tilespmem:s7+$0x4040];
	(v2sf) =	vpush v3, $0x0  }
0x348: {  	v3 =	vld [tilespmem:s7+$0x3840];
	_ =	sdelay $0x3  }
0x349: {  	v4 =	vshll.u32 v2, $0xE;
	_ =	sdelay $0x2  }
0x34a: {  	v2 =	vld.idx.msk [tilespmem:v2+s3+$0x0], $0xffff;
	_ =	sdelay $0x5  }
0x34b: {  	vm0 =	vgt.f32 v2, $0.0e+00  }
0x34c: {  	v2 =	vmpcnt.ones.xlane vm0;
	s7 =	spop (v2sf)  }
0x34d: {  	v3 =	vadd.s32 v3, v4;
	s11 =	sadd.s32 s11, s7  }
0x34e: {  	s7 =	sshra.s32 s10, $0x2;
	[tilespmem:s11+$0x4800] =	vst.msk vm0, v3;
	(v2sf) =	vpush v2, $0x0  }
0x34f: {  	v3 =	vld [tilespmem:s7+$0x4000];
	_ =	sdelay $0x4  }
0x350: {  	v2 =	vshll.u32 v3, $0xE;
	_ =	sdelay $0x2  }
0x351: {  	v4 =	vld.idx.msk [tilespmem:v3+s3+$0x0], $0xffff;
	_ =	sdelay $0x1  }
.Ltmp7:
0x352: {  	(pc) =	sbr.rel @p0 .LBB2_12-.Ltmp7, $2  }
0x353: {  	v3 =	vld [tilespmem:s7+$0x3800];
	_ =	sdelay $0x2  }
0x354: {  	vm0 =	vgt.f32 v4, $0.0e+00;
	s10 =	spop (v2sf)  }
0x355: {  	v4 =	vmpcnt.ones.xlane vm0;
	_ =	sdelay $0x1  }
0x356: {  	(v2sf) =	vpush v4, $0x0  }
0x357: {  	s8 =	sadd.s32 s11, s10;
	v2 =	vadd.s32 v3, v2  }
0x358: {  	[tilespmem:s8+$0x4800] =	vst.msk vm0, v2  }
0x359: {  	v2 =	vld [tilespmem:s7+$0x4010];
	_ =	sdelay $0x6  }
0x35a: {  	v4 =	vld [tilespmem:s7+$0x3810]  }
0x35b: {  	v3 =	vld.idx.msk [tilespmem:v2+s3+$0x0], $0xffff;
	_ =	sdelay $0x3  }
0x35c: {  	v2 =	vshll.u32 v2, $0xE;
	s12 =	spop (v2sf)  }
0x35d: {  	v2 =	vadd.s32 v4, v2;
	vm0 =	vgt.f32 v3, $0.0e+00;
	s8 =	sadd.s32 s8, s12  }
0x35e: {  	v3 =	vmpcnt.ones.xlane vm0;
	[tilespmem:s8+$0x4800] =	vst.msk vm0, v2  }
0x35f: {  	v2 =	vld [tilespmem:s7+$0x4020]  }
0x360: {  	(v2sf) =	vpush v3, $0x0;
	_ =	sdelay $0x6  }
0x361: {  	v3 =	vld.idx.msk [tilespmem:v2+s3+$0x0], $0xffff;
	_ =	sdelay $0x3  }
0x362: {  	v4 =	vld [tilespmem:s7+$0x3820]  }
0x363: {  	vm0 =	vgt.f32 v3, $0.0e+00  }
0x364: {  	v3 =	vmpcnt.ones.xlane vm0;
	_ =	sdelay $0x1  }
0x365: {  	v2 =	vshll.u32 v2, $0xE;
	s11 =	spop (v2sf);
	(v2sf) =	vpush v3, $0x0  }
0x366: {  	v2 =	vadd.s32 v4, v2;
	s8 =	sadd.s32 s8, s11  }
0x367: {  	[tilespmem:s8+$0x4800] =	vst.msk vm0, v2  }
0x368: {  	v2 =	vld [tilespmem:s7+$0x4030];
	_ =	sdelay $0x6  }
0x369: {  	v3 =	vld [tilespmem:s7+$0x3830]  }
0x36a: {  	v4 =	vld.idx.msk [tilespmem:v2+s3+$0x0], $0xffff;
	_ =	sdelay $0x3  }
0x36b: {  	v2 =	vshll.u32 v2, $0xE;
	s12 =	spop (v2sf)  }
0x36c: {  	v2 =	vadd.s32 v3, v2;
	vm0 =	vgt.f32 v4, $0.0e+00;
	s8 =	sadd.s32 s8, s12  }
0x36d: {  	[tilespmem:s8+$0x4800] =	vst.msk vm0, v2  }
0x36e: {  	v2 =	vld [tilespmem:s7+$0x4040];
	_ =	sdelay $0x7  }
0x36f: {  	v4 =	vmpcnt.ones.xlane vm0;
	v3 =	vld.idx.msk [tilespmem:v2+s3+$0x0], $0xffff;
	_ =	sdelay $0x1  }
0x370: {  	(v2sf) =	vpush v4, $0x0;
	_ =	sdelay $0x2  }
0x371: {  	vm0 =	vgt.f32 v3, $0.0e+00  }
0x372: {  	v3 =	vmpcnt.ones.xlane vm0;
	_ =	sdelay $0x1  }
0x373: {  	(v2sf) =	vpush v3, $0x0;
	_ =	sdelay $0x4  }
0x374: {  	v3 =	vld [tilespmem:s7+$0x3840];
	_ =	sdelay $0x3  }
0x375: {  	v2 =	vshll.u32 v2, $0xE;
	s10 =	spop (v2sf)  }
0x376: {  	s7 =	sadd.s32 s8, s10;
	v2 =	vadd.s32 v3, v2  }
0x377: {  	s11 =	rddreg [dreg:$0x17];
	s8 =	simm.s32 $0x0;
	[tilespmem:s7+$0x4800] =	vst.msk vm0, v2  }
0x378: {  	[tilespmem:s22], [sflag:$0x2] =	stream.linear.gather [hbm4b:s11+s8], $0x7D0, $0x38;
	[tilespmem:$0x1EB80] =	vst v63  }
0x379: {  	s12 =	rddreg [dreg:$0x18]  }
0x37a: {  	[tilespmem:s23], [sflag:$0x2] =	stream.linear.gather [hbm4b:s12+s8], $0x7D0, $0x38;
	[tilespmem:$0x1EB80] =	vst v63  }
0x37b: {  	s10 =	spop (v2sf)  }
0x37c: {  	_ =	swait.ge [sflag:s24], $0x7D0  }
0x37d: {  	[sflag:s24] =	ssyncset.done $0x0  }
0x37e: {  	[sflag:s24] =	ssyncadd.s32 $0xFFFFF830  }
0x37f: {  	_ =	swait.ge [sflag:s24], $0x7D0  }
0x380: {  	[sflag:s24] =	ssyncset.done $0x0  }
0x381: {  	s8 =	simm.s32 $0x0;
	[sflag:s24] =	ssyncadd.s32 $0xFFFFF830  }
0x382: {  	v2 =	vld [tilespmem:s8+$0x3000];
	_ =	sdelay $0x7  }
0x383: {  	v3 =	vld.idx.msk [tilespmem:v2+s3+$0x0], $0xffff;
	_ =	sdelay $0x2  }
0x384: {  	v4 =	vld [tilespmem:s8+$0x2800];
	_ =	sdelay $0x1  }
0x385: {  	vm0 =	vgt.f32 v3, $0.0e+00  }
0x386: {  	v3 =	vmpcnt.ones.xlane vm0  }
0x387: {  	v2 =	vshll.u32 v2, $0xE  }
0x388: {  	s7 =	sadd.s32 s7, s10;
	v2 =	vadd.s32 v4, v2;
	(v2sf) =	vpush v3, $0x0  }
0x389: {  	[tilespmem:s7+$0x4800] =	vst.msk vm0, v2  }
0x38a: {  	v2 =	vld [tilespmem:s8+$0x3010];
	_ =	sdelay $0x7  }
0x38b: {  	v3 =	vld.idx.msk [tilespmem:v2+s3+$0x0], $0xffff  }
0x38c: {  	v4 =	vld [tilespmem:s8+$0x2810];
	_ =	sdelay $0x3  }
0x38d: {  	v2 =	vshll.u32 v2, $0xE;
	vm0 =	vgt.f32 v3, $0.0e+00;
	s11 =	spop (v2sf)  }
0x38e: {  	v2 =	vadd.s32 v4, v2;
	v3 =	vmpcnt.ones.xlane vm0;
	s7 =	sadd.s32 s7, s11  }
0x38f: {  	[tilespmem:s7+$0x4800] =	vst.msk vm0, v2  }
0x390: {  	(v2sf) =	vpush v3, $0x0;
	v2 =	vld [tilespmem:s8+$0x3020];
	_ =	sdelay $0x7  }
0x391: {  	v3 =	vld.idx.msk [tilespmem:v2+s3+$0x0], $0xffff;
	_ =	sdelay $0x2  }
0x392: {  	v4 =	vld [tilespmem:s8+$0x2820];
	_ =	sdelay $0x1  }
0x393: {  	vm0 =	vgt.f32 v3, $0.0e+00  }
0x394: {  	v3 =	vmpcnt.ones.xlane vm0  }
0x395: {  	v2 =	vshll.u32 v2, $0xE;
	s12 =	spop (v2sf)  }
0x396: {  	v2 =	vadd.s32 v4, v2;
	s7 =	sadd.s32 s7, s12;
	(v2sf) =	vpush v3, $0x0  }
0x397: {  	[tilespmem:s7+$0x4800] =	vst.msk vm0, v2  }
0x398: {  	v2 =	vld [tilespmem:s8+$0x3030];
	_ =	sdelay $0x7  }
0x399: {  	v3 =	vld.idx.msk [tilespmem:v2+s3+$0x0], $0xffff  }
0x39a: {  	v4 =	vld [tilespmem:s8+$0x2830];
	_ =	sdelay $0x3  }
0x39b: {  	v2 =	vshll.u32 v2, $0xE;
	vm0 =	vgt.f32 v3, $0.0e+00;
	s11 =	spop (v2sf)  }
0x39c: {  	v2 =	vadd.s32 v4, v2;
	v3 =	vmpcnt.ones.xlane vm0;
	s7 =	sadd.s32 s7, s11  }
0x39d: {  	[tilespmem:s7+$0x4800] =	vst.msk vm0, v2  }
0x39e: {  	(v2sf) =	vpush v3, $0x0;
	v2 =	vld [tilespmem:s8+$0x3040];
	_ =	sdelay $0x7  }
0x39f: {  	v3 =	vld.idx.msk [tilespmem:v2+s3+$0x0], $0xffff;
	_ =	sdelay $0x2  }
0x3a0: {  	v4 =	vld [tilespmem:s8+$0x2840];
	_ =	sdelay $0x1  }
0x3a1: {  	vm0 =	vgt.f32 v3, $0.0e+00  }
0x3a2: {  	v3 =	vmpcnt.ones.xlane vm0  }
0x3a3: {  	v2 =	vshll.u32 v2, $0xE;
	s12 =	spop (v2sf)  }
0x3a4: {  	v2 =	vadd.s32 v4, v2;
	s11 =	sadd.s32 s7, s12;
	(v2sf) =	vpush v3, $0x0  }
0x3a5: {  	s7 =	simm.s32 $0x50;
	[tilespmem:s11+$0x4800] =	vst.msk vm0, v2  }
0x3a6: {  	v2 =	vld [tilespmem:s7+$0x3000];
	_ =	sdelay $0x7  }
0x3a7: {  	v4 =	vld.idx.msk [tilespmem:v2+s3+$0x0], $0xffff;
	_ =	sdelay $0x2  }
0x3a8: {  	v3 =	vld [tilespmem:s7+$0x2800];
	_ =	sdelay $0x1  }
0x3a9: {  	s8 =	simm.s32 $0x280;
	v2 =	vshll.u32 v2, $0xE;
	vm0 =	vgt.f32 v4, $0.0e+00;
	s10 =	spop (v2sf)  }
.LBB2_14:
0x3aa: {  	p0 =	sne.s32 s8, $0x1E00  }
0x3ab: {  	v4 =	vmpcnt.ones.xlane vm0;
	s11 =	sadd.s32 s11, s10;
	s10 =	smov.u32 s8;
	s8 =	sadd.s32 $0x140, s8  }
0x3ac: {  	v2 =	vadd.s32 v3, v2  }
0x3ad: {  	[tilespmem:s11+$0x4800] =	vst.msk vm0, v2;
	(v2sf) =	vpush v4, $0x0  }
0x3ae: {  	v2 =	vld [tilespmem:s7+$0x3010];
	_ =	sdelay $0x4  }
0x3af: {  	v3 =	vshll.u32 v2, $0xE;
	_ =	sdelay $0x2  }
0x3b0: {  	v2 =	vld.idx.msk [tilespmem:v2+s3+$0x0], $0xffff;
	_ =	sdelay $0x1  }
0x3b1: {  	v4 =	vld [tilespmem:s7+$0x2810];
	_ =	sdelay $0x3  }
0x3b2: {  	vm0 =	vgt.f32 v2, $0.0e+00;
	s12 =	spop (v2sf)  }
0x3b3: {  	s11 =	sadd.s32 s11, s12;
	v2 =	vadd.s32 v4, v3;
	v3 =	vmpcnt.ones.xlane vm0  }
0x3b4: {  	[tilespmem:s11+$0x4800] =	vst.msk vm0, v2  }
0x3b5: {  	v2 =	vld [tilespmem:s7+$0x3020];
	(v2sf) =	vpush v3, $0x0;
	_ =	sdelay $0x4  }
0x3b6: {  	v3 =	vshll.u32 v2, $0xE;
	_ =	sdelay $0x2  }
0x3b7: {  	v2 =	vld.idx.msk [tilespmem:v2+s3+$0x0], $0xffff;
	_ =	sdelay $0x2  }
0x3b8: {  	v4 =	vld [tilespmem:s7+$0x2820];
	_ =	sdelay $0x2  }
0x3b9: {  	vm0 =	vgt.f32 v2, $0.0e+00  }
0x3ba: {  	v2 =	vmpcnt.ones.xlane vm0;
	s12 =	spop (v2sf)  }
0x3bb: {  	s11 =	sadd.s32 s11, s12;
	v3 =	vadd.s32 v4, v3  }
0x3bc: {  	[tilespmem:s11+$0x4800] =	vst.msk vm0, v3;
	(v2sf) =	vpush v2, $0x0  }
0x3bd: {  	v2 =	vld [tilespmem:s7+$0x3030]  }
0x3be: {  	v3 =	vld [tilespmem:s7+$0x2830];
	_ =	sdelay $0x3  }
0x3bf: {  	v4 =	vshll.u32 v2, $0xE;
	_ =	sdelay $0x2  }
0x3c0: {  	v2 =	vld.idx.msk [tilespmem:v2+s3+$0x0], $0xffff;
	_ =	sdelay $0x5  }
0x3c1: {  	vm0 =	vgt.f32 v2, $0.0e+00;
	s12 =	spop (v2sf)  }
0x3c2: {  	v2 =	vadd.s32 v3, v4;
	v3 =	vmpcnt.ones.xlane vm0;
	s11 =	sadd.s32 s11, s12  }
0x3c3: {  	[tilespmem:s11+$0x4800] =	vst.msk vm0, v2  }
0x3c4: {  	v2 =	vld [tilespmem:s7+$0x3040];
	(v2sf) =	vpush v3, $0x0  }
0x3c5: {  	v3 =	vld [tilespmem:s7+$0x2840];
	_ =	sdelay $0x3  }
0x3c6: {  	v4 =	vshll.u32 v2, $0xE;
	_ =	sdelay $0x2  }
0x3c7: {  	v2 =	vld.idx.msk [tilespmem:v2+s3+$0x0], $0xffff;
	_ =	sdelay $0x5  }
0x3c8: {  	vm0 =	vgt.f32 v2, $0.0e+00  }
0x3c9: {  	v2 =	vmpcnt.ones.xlane vm0;
	s7 =	spop (v2sf)  }
0x3ca: {  	v3 =	vadd.s32 v3, v4;
	s11 =	sadd.s32 s11, s7  }
0x3cb: {  	s7 =	sshra.s32 s10, $0x2;
	[tilespmem:s11+$0x4800] =	vst.msk vm0, v3;
	(v2sf) =	vpush v2, $0x0  }
0x3cc: {  	v3 =	vld [tilespmem:s7+$0x3000];
	_ =	sdelay $0x4  }
0x3cd: {  	v2 =	vshll.u32 v3, $0xE;
	_ =	sdelay $0x2  }
0x3ce: {  	v4 =	vld.idx.msk [tilespmem:v3+s3+$0x0], $0xffff;
	_ =	sdelay $0x1  }
.Ltmp8:
0x3cf: {  	(pc) =	sbr.rel @p0 .LBB2_14-.Ltmp8, $2  }
0x3d0: {  	v3 =	vld [tilespmem:s7+$0x2800];
	_ =	sdelay $0x2  }
0x3d1: {  	vm0 =	vgt.f32 v4, $0.0e+00;
	s10 =	spop (v2sf)  }
0x3d2: {  	v4 =	vmpcnt.ones.xlane vm0;
	_ =	sdelay $0x1  }
0x3d3: {  	(v2sf) =	vpush v4, $0x0  }
0x3d4: {  	s8 =	sadd.s32 s11, s10;
	v2 =	vadd.s32 v3, v2  }
0x3d5: {  	[tilespmem:s8+$0x4800] =	vst.msk vm0, v2  }
0x3d6: {  	v2 =	vld [tilespmem:s7+$0x3010];
	_ =	sdelay $0x6  }
0x3d7: {  	v4 =	vld [tilespmem:s7+$0x2810]  }
0x3d8: {  	v3 =	vld.idx.msk [tilespmem:v2+s3+$0x0], $0xffff;
	_ =	sdelay $0x3  }
0x3d9: {  	v2 =	vshll.u32 v2, $0xE;
	s12 =	spop (v2sf)  }
0x3da: {  	v2 =	vadd.s32 v4, v2;
	vm0 =	vgt.f32 v3, $0.0e+00;
	s8 =	sadd.s32 s8, s12  }
0x3db: {  	v3 =	vmpcnt.ones.xlane vm0;
	[tilespmem:s8+$0x4800] =	vst.msk vm0, v2  }
0x3dc: {  	v2 =	vld [tilespmem:s7+$0x3020]  }
0x3dd: {  	(v2sf) =	vpush v3, $0x0;
	_ =	sdelay $0x6  }
0x3de: {  	v3 =	vld.idx.msk [tilespmem:v2+s3+$0x0], $0xffff;
	_ =	sdelay $0x3  }
0x3df: {  	v4 =	vld [tilespmem:s7+$0x2820]  }
0x3e0: {  	vm0 =	vgt.f32 v3, $0.0e+00  }
0x3e1: {  	v3 =	vmpcnt.ones.xlane vm0;
	_ =	sdelay $0x1  }
0x3e2: {  	v2 =	vshll.u32 v2, $0xE;
	s11 =	spop (v2sf);
	(v2sf) =	vpush v3, $0x0  }
0x3e3: {  	v2 =	vadd.s32 v4, v2;
	s8 =	sadd.s32 s8, s11  }
0x3e4: {  	[tilespmem:s8+$0x4800] =	vst.msk vm0, v2  }
0x3e5: {  	v2 =	vld [tilespmem:s7+$0x3030];
	_ =	sdelay $0x6  }
0x3e6: {  	v3 =	vld [tilespmem:s7+$0x2830]  }
0x3e7: {  	v4 =	vld.idx.msk [tilespmem:v2+s3+$0x0], $0xffff;
	_ =	sdelay $0x3  }
0x3e8: {  	v2 =	vshll.u32 v2, $0xE;
	s12 =	spop (v2sf)  }
0x3e9: {  	v2 =	vadd.s32 v3, v2;
	vm0 =	vgt.f32 v4, $0.0e+00;
	s8 =	sadd.s32 s8, s12  }
0x3ea: {  	[tilespmem:s8+$0x4800] =	vst.msk vm0, v2  }
0x3eb: {  	v2 =	vld [tilespmem:s7+$0x3040];
	_ =	sdelay $0x7  }
0x3ec: {  	v4 =	vmpcnt.ones.xlane vm0;
	v3 =	vld.idx.msk [tilespmem:v2+s3+$0x0], $0xffff;
	_ =	sdelay $0x1  }
0x3ed: {  	(v2sf) =	vpush v4, $0x0;
	_ =	sdelay $0x2  }
0x3ee: {  	vm0 =	vgt.f32 v3, $0.0e+00  }
0x3ef: {  	v3 =	vmpcnt.ones.xlane vm0;
	_ =	sdelay $0x1  }
0x3f0: {  	(v2sf) =	vpush v3, $0x0;
	_ =	sdelay $0x4  }
0x3f1: {  	v3 =	vld [tilespmem:s7+$0x2840];
	_ =	sdelay $0x3  }
0x3f2: {  	v2 =	vshll.u32 v2, $0xE;
	s10 =	spop (v2sf)  }
0x3f3: {  	s7 =	sadd.s32 s8, s10;
	v2 =	vadd.s32 v3, v2  }
0x3f4: {  	s11 =	rddreg [dreg:$0x19];
	s8 =	simm.s32 $0x0;
	[tilespmem:s7+$0x4800] =	vst.msk vm0, v2  }
0x3f5: {  	[tilespmem:s18], [sflag:$0x1] =	stream.linear.gather [hbm4b:s11+s8], $0x7D0, $0x38;
	[tilespmem:$0x1EB80] =	vst v63  }
0x3f6: {  	s12 =	rddreg [dreg:$0x1a]  }
0x3f7: {  	[tilespmem:s19], [sflag:$0x1] =	stream.linear.gather [hbm4b:s12+s8], $0x7D0, $0x38;
	[tilespmem:$0x1EB80] =	vst v63  }
0x3f8: {  	s10 =	spop (v2sf)  }
0x3f9: {  	_ =	swait.ge [sflag:s25], $0x7D0  }
0x3fa: {  	[sflag:s25] =	ssyncset.done $0x0  }
0x3fb: {  	[sflag:s25] =	ssyncadd.s32 $0xFFFFF830  }
0x3fc: {  	_ =	swait.ge [sflag:s25], $0x7D0  }
0x3fd: {  	[sflag:s25] =	ssyncset.done $0x0  }
0x3fe: {  	s8 =	simm.s32 $0x0;
	[sflag:s25] =	ssyncadd.s32 $0xFFFFF830  }
0x3ff: {  	v2 =	vld [tilespmem:s8+$0x4000];
	_ =	sdelay $0x7  }
0x400: {  	v3 =	vld.idx.msk [tilespmem:v2+s3+$0x0], $0xffff;
	_ =	sdelay $0x2  }
0x401: {  	v4 =	vld [tilespmem:s8+$0x3800];
	_ =	sdelay $0x1  }
0x402: {  	vm0 =	vgt.f32 v3, $0.0e+00  }
0x403: {  	v3 =	vmpcnt.ones.xlane vm0  }
0x404: {  	v2 =	vshll.u32 v2, $0xE  }
0x405: {  	s7 =	sadd.s32 s7, s10;
	v2 =	vadd.s32 v4, v2;
	(v2sf) =	vpush v3, $0x0  }
0x406: {  	[tilespmem:s7+$0x4800] =	vst.msk vm0, v2  }
0x407: {  	v2 =	vld [tilespmem:s8+$0x4010];
	_ =	sdelay $0x7  }
0x408: {  	v3 =	vld.idx.msk [tilespmem:v2+s3+$0x0], $0xffff  }
0x409: {  	v4 =	vld [tilespmem:s8+$0x3810];
	_ =	sdelay $0x3  }
0x40a: {  	v2 =	vshll.u32 v2, $0xE;
	vm0 =	vgt.f32 v3, $0.0e+00;
	s11 =	spop (v2sf)  }
0x40b: {  	v2 =	vadd.s32 v4, v2;
	v3 =	vmpcnt.ones.xlane vm0;
	s7 =	sadd.s32 s7, s11  }
0x40c: {  	[tilespmem:s7+$0x4800] =	vst.msk vm0, v2  }
0x40d: {  	(v2sf) =	vpush v3, $0x0;
	v2 =	vld [tilespmem:s8+$0x4020];
	_ =	sdelay $0x7  }
0x40e: {  	v3 =	vld.idx.msk [tilespmem:v2+s3+$0x0], $0xffff;
	_ =	sdelay $0x2  }
0x40f: {  	v4 =	vld [tilespmem:s8+$0x3820];
	_ =	sdelay $0x1  }
0x410: {  	vm0 =	vgt.f32 v3, $0.0e+00  }
0x411: {  	v3 =	vmpcnt.ones.xlane vm0  }
0x412: {  	v2 =	vshll.u32 v2, $0xE;
	s12 =	spop (v2sf)  }
0x413: {  	v2 =	vadd.s32 v4, v2;
	s7 =	sadd.s32 s7, s12;
	(v2sf) =	vpush v3, $0x0  }
0x414: {  	[tilespmem:s7+$0x4800] =	vst.msk vm0, v2  }
0x415: {  	v2 =	vld [tilespmem:s8+$0x4030];
	_ =	sdelay $0x7  }
0x416: {  	v3 =	vld.idx.msk [tilespmem:v2+s3+$0x0], $0xffff  }
0x417: {  	v4 =	vld [tilespmem:s8+$0x3830];
	_ =	sdelay $0x3  }
0x418: {  	v2 =	vshll.u32 v2, $0xE;
	vm0 =	vgt.f32 v3, $0.0e+00;
	s11 =	spop (v2sf)  }
0x419: {  	v2 =	vadd.s32 v4, v2;
	v3 =	vmpcnt.ones.xlane vm0;
	s7 =	sadd.s32 s7, s11  }
0x41a: {  	[tilespmem:s7+$0x4800] =	vst.msk vm0, v2  }
0x41b: {  	(v2sf) =	vpush v3, $0x0;
	v2 =	vld [tilespmem:s8+$0x4040];
	_ =	sdelay $0x7  }
0x41c: {  	v3 =	vld.idx.msk [tilespmem:v2+s3+$0x0], $0xffff;
	_ =	sdelay $0x2  }
0x41d: {  	v4 =	vld [tilespmem:s8+$0x3840];
	_ =	sdelay $0x1  }
0x41e: {  	vm0 =	vgt.f32 v3, $0.0e+00  }
0x41f: {  	v3 =	vmpcnt.ones.xlane vm0  }
0x420: {  	v2 =	vshll.u32 v2, $0xE;
	s12 =	spop (v2sf)  }
0x421: {  	v2 =	vadd.s32 v4, v2;
	s11 =	sadd.s32 s7, s12;
	(v2sf) =	vpush v3, $0x0  }
0x422: {  	s7 =	simm.s32 $0x50;
	[tilespmem:s11+$0x4800] =	vst.msk vm0, v2  }
0x423: {  	v2 =	vld [tilespmem:s7+$0x4000];
	_ =	sdelay $0x7  }
0x424: {  	v4 =	vld.idx.msk [tilespmem:v2+s3+$0x0], $0xffff;
	_ =	sdelay $0x2  }
0x425: {  	v3 =	vld [tilespmem:s7+$0x3800];
	_ =	sdelay $0x1  }
0x426: {  	s8 =	simm.s32 $0x280;
	v2 =	vshll.u32 v2, $0xE;
	vm0 =	vgt.f32 v4, $0.0e+00;
	s10 =	spop (v2sf)  }
.LBB2_16:
0x427: {  	p0 =	sne.s32 s8, $0x1E00  }
0x428: {  	v4 =	vmpcnt.ones.xlane vm0;
	s11 =	sadd.s32 s11, s10;
	s10 =	smov.u32 s8;
	s8 =	sadd.s32 $0x140, s8  }
0x429: {  	v2 =	vadd.s32 v3, v2  }
0x42a: {  	[tilespmem:s11+$0x4800] =	vst.msk vm0, v2;
	(v2sf) =	vpush v4, $0x0  }
0x42b: {  	v2 =	vld [tilespmem:s7+$0x4010];
	_ =	sdelay $0x4  }
0x42c: {  	v3 =	vshll.u32 v2, $0xE;
	_ =	sdelay $0x2  }
0x42d: {  	v2 =	vld.idx.msk [tilespmem:v2+s3+$0x0], $0xffff;
	_ =	sdelay $0x1  }
0x42e: {  	v4 =	vld [tilespmem:s7+$0x3810];
	_ =	sdelay $0x3  }
0x42f: {  	vm0 =	vgt.f32 v2, $0.0e+00;
	s12 =	spop (v2sf)  }
0x430: {  	s11 =	sadd.s32 s11, s12;
	v2 =	vadd.s32 v4, v3;
	v3 =	vmpcnt.ones.xlane vm0  }
0x431: {  	[tilespmem:s11+$0x4800] =	vst.msk vm0, v2  }
0x432: {  	v2 =	vld [tilespmem:s7+$0x4020];
	(v2sf) =	vpush v3, $0x0;
	_ =	sdelay $0x4  }
0x433: {  	v3 =	vshll.u32 v2, $0xE;
	_ =	sdelay $0x2  }
0x434: {  	v2 =	vld.idx.msk [tilespmem:v2+s3+$0x0], $0xffff;
	_ =	sdelay $0x2  }
0x435: {  	v4 =	vld [tilespmem:s7+$0x3820];
	_ =	sdelay $0x2  }
0x436: {  	vm0 =	vgt.f32 v2, $0.0e+00  }
0x437: {  	v2 =	vmpcnt.ones.xlane vm0;
	s12 =	spop (v2sf)  }
0x438: {  	s11 =	sadd.s32 s11, s12;
	v3 =	vadd.s32 v4, v3  }
0x439: {  	[tilespmem:s11+$0x4800] =	vst.msk vm0, v3;
	(v2sf) =	vpush v2, $0x0  }
0x43a: {  	v2 =	vld [tilespmem:s7+$0x4030]  }
0x43b: {  	v3 =	vld [tilespmem:s7+$0x3830];
	_ =	sdelay $0x3  }
0x43c: {  	v4 =	vshll.u32 v2, $0xE;
	_ =	sdelay $0x2  }
0x43d: {  	v2 =	vld.idx.msk [tilespmem:v2+s3+$0x0], $0xffff;
	_ =	sdelay $0x5  }
0x43e: {  	vm0 =	vgt.f32 v2, $0.0e+00;
	s12 =	spop (v2sf)  }
0x43f: {  	v2 =	vadd.s32 v3, v4;
	v3 =	vmpcnt.ones.xlane vm0;
	s11 =	sadd.s32 s11, s12  }
0x440: {  	[tilespmem:s11+$0x4800] =	vst.msk vm0, v2  }
0x441: {  	v2 =	vld [tilespmem:s7+$0x4040];
	(v2sf) =	vpush v3, $0x0  }
0x442: {  	v3 =	vld [tilespmem:s7+$0x3840];
	_ =	sdelay $0x3  }
0x443: {  	v4 =	vshll.u32 v2, $0xE;
	_ =	sdelay $0x2  }
0x444: {  	v2 =	vld.idx.msk [tilespmem:v2+s3+$0x0], $0xffff;
	_ =	sdelay $0x5  }
0x445: {  	vm0 =	vgt.f32 v2, $0.0e+00  }
0x446: {  	v2 =	vmpcnt.ones.xlane vm0;
	s7 =	spop (v2sf)  }
0x447: {  	v3 =	vadd.s32 v3, v4;
	s11 =	sadd.s32 s11, s7  }
0x448: {  	s7 =	sshra.s32 s10, $0x2;
	[tilespmem:s11+$0x4800] =	vst.msk vm0, v3;
	(v2sf) =	vpush v2, $0x0  }
0x449: {  	v3 =	vld [tilespmem:s7+$0x4000];
	_ =	sdelay $0x4  }
0x44a: {  	v2 =	vshll.u32 v3, $0xE;
	_ =	sdelay $0x2  }
0x44b: {  	v4 =	vld.idx.msk [tilespmem:v3+s3+$0x0], $0xffff;
	_ =	sdelay $0x1  }
.Ltmp9:
0x44c: {  	(pc) =	sbr.rel @p0 .LBB2_16-.Ltmp9, $2  }
0x44d: {  	v3 =	vld [tilespmem:s7+$0x3800];
	_ =	sdelay $0x2  }
0x44e: {  	vm0 =	vgt.f32 v4, $0.0e+00;
	s10 =	spop (v2sf)  }
0x44f: {  	v4 =	vmpcnt.ones.xlane vm0;
	_ =	sdelay $0x1  }
0x450: {  	(v2sf) =	vpush v4, $0x0  }
0x451: {  	s8 =	sadd.s32 s11, s10;
	v2 =	vadd.s32 v3, v2  }
0x452: {  	[tilespmem:s8+$0x4800] =	vst.msk vm0, v2  }
0x453: {  	v2 =	vld [tilespmem:s7+$0x4010];
	_ =	sdelay $0x6  }
0x454: {  	v4 =	vld [tilespmem:s7+$0x3810]  }
0x455: {  	v3 =	vld.idx.msk [tilespmem:v2+s3+$0x0], $0xffff;
	_ =	sdelay $0x3  }
0x456: {  	v2 =	vshll.u32 v2, $0xE;
	s12 =	spop (v2sf)  }
0x457: {  	v2 =	vadd.s32 v4, v2;
	vm0 =	vgt.f32 v3, $0.0e+00;
	s8 =	sadd.s32 s8, s12  }
0x458: {  	v3 =	vmpcnt.ones.xlane vm0;
	[tilespmem:s8+$0x4800] =	vst.msk vm0, v2  }
0x459: {  	v2 =	vld [tilespmem:s7+$0x4020]  }
0x45a: {  	(v2sf) =	vpush v3, $0x0;
	_ =	sdelay $0x6  }
0x45b: {  	v3 =	vld.idx.msk [tilespmem:v2+s3+$0x0], $0xffff;
	_ =	sdelay $0x3  }
0x45c: {  	v4 =	vld [tilespmem:s7+$0x3820]  }
0x45d: {  	vm0 =	vgt.f32 v3, $0.0e+00  }
0x45e: {  	v3 =	vmpcnt.ones.xlane vm0;
	_ =	sdelay $0x1  }
0x45f: {  	v2 =	vshll.u32 v2, $0xE;
	s11 =	spop (v2sf);
	(v2sf) =	vpush v3, $0x0  }
0x460: {  	v2 =	vadd.s32 v4, v2;
	s8 =	sadd.s32 s8, s11  }
0x461: {  	[tilespmem:s8+$0x4800] =	vst.msk vm0, v2  }
0x462: {  	v2 =	vld [tilespmem:s7+$0x4030];
	_ =	sdelay $0x6  }
0x463: {  	v3 =	vld [tilespmem:s7+$0x3830]  }
0x464: {  	v4 =	vld.idx.msk [tilespmem:v2+s3+$0x0], $0xffff;
	_ =	sdelay $0x3  }
0x465: {  	v2 =	vshll.u32 v2, $0xE;
	s12 =	spop (v2sf)  }
0x466: {  	v2 =	vadd.s32 v3, v2;
	vm0 =	vgt.f32 v4, $0.0e+00;
	s8 =	sadd.s32 s8, s12  }
0x467: {  	[tilespmem:s8+$0x4800] =	vst.msk vm0, v2  }
0x468: {  	v2 =	vld [tilespmem:s7+$0x4040];
	_ =	sdelay $0x7  }
0x469: {  	v4 =	vmpcnt.ones.xlane vm0;
	v3 =	vld.idx.msk [tilespmem:v2+s3+$0x0], $0xffff;
	_ =	sdelay $0x1  }
0x46a: {  	(v2sf) =	vpush v4, $0x0;
	_ =	sdelay $0x2  }
0x46b: {  	vm0 =	vgt.f32 v3, $0.0e+00  }
0x46c: {  	v3 =	vmpcnt.ones.xlane vm0;
	_ =	sdelay $0x1  }
0x46d: {  	(v2sf) =	vpush v3, $0x0;
	_ =	sdelay $0x4  }
0x46e: {  	v3 =	vld [tilespmem:s7+$0x3840];
	_ =	sdelay $0x3  }
0x46f: {  	v2 =	vshll.u32 v2, $0xE;
	s10 =	spop (v2sf)  }
0x470: {  	s7 =	sadd.s32 s8, s10;
	v2 =	vadd.s32 v3, v2  }
0x471: {  	s11 =	rddreg [dreg:$0x1b];
	s8 =	simm.s32 $0x0;
	[tilespmem:s7+$0x4800] =	vst.msk vm0, v2  }
0x472: {  	[tilespmem:s22], [sflag:$0x2] =	stream.linear.gather [hbm4b:s11+s8], $0x7D0, $0x38;
	[tilespmem:$0x1EB80] =	vst v63  }
0x473: {  	s12 =	rddreg [dreg:$0x1c]  }
0x474: {  	[tilespmem:s23], [sflag:$0x2] =	stream.linear.gather [hbm4b:s12+s8], $0x7D0, $0x38;
	[tilespmem:$0x1EB80] =	vst v63  }
0x475: {  	s10 =	spop (v2sf)  }
0x476: {  	_ =	swait.ge [sflag:s24], $0x7D0  }
0x477: {  	[sflag:s24] =	ssyncset.done $0x0  }
0x478: {  	[sflag:s24] =	ssyncadd.s32 $0xFFFFF830  }
0x479: {  	_ =	swait.ge [sflag:s24], $0x7D0  }
0x47a: {  	[sflag:s24] =	ssyncset.done $0x0  }
0x47b: {  	s8 =	simm.s32 $0x0;
	[sflag:s24] =	ssyncadd.s32 $0xFFFFF830  }
0x47c: {  	v2 =	vld [tilespmem:s8+$0x3000];
	_ =	sdelay $0x7  }
0x47d: {  	v3 =	vld.idx.msk [tilespmem:v2+s3+$0x0], $0xffff;
	_ =	sdelay $0x2  }
0x47e: {  	v4 =	vld [tilespmem:s8+$0x2800];
	_ =	sdelay $0x1  }
0x47f: {  	vm0 =	vgt.f32 v3, $0.0e+00  }
0x480: {  	v3 =	vmpcnt.ones.xlane vm0  }
0x481: {  	v2 =	vshll.u32 v2, $0xE  }
0x482: {  	s7 =	sadd.s32 s7, s10;
	v2 =	vadd.s32 v4, v2;
	(v2sf) =	vpush v3, $0x0  }
0x483: {  	[tilespmem:s7+$0x4800] =	vst.msk vm0, v2  }
0x484: {  	v2 =	vld [tilespmem:s8+$0x3010];
	_ =	sdelay $0x7  }
0x485: {  	v3 =	vld.idx.msk [tilespmem:v2+s3+$0x0], $0xffff  }
0x486: {  	v4 =	vld [tilespmem:s8+$0x2810];
	_ =	sdelay $0x3  }
0x487: {  	v2 =	vshll.u32 v2, $0xE;
	vm0 =	vgt.f32 v3, $0.0e+00;
	s11 =	spop (v2sf)  }
0x488: {  	v2 =	vadd.s32 v4, v2;
	v3 =	vmpcnt.ones.xlane vm0;
	s7 =	sadd.s32 s7, s11  }
0x489: {  	[tilespmem:s7+$0x4800] =	vst.msk vm0, v2  }
0x48a: {  	(v2sf) =	vpush v3, $0x0;
	v2 =	vld [tilespmem:s8+$0x3020];
	_ =	sdelay $0x7  }
0x48b: {  	v3 =	vld.idx.msk [tilespmem:v2+s3+$0x0], $0xffff;
	_ =	sdelay $0x2  }
0x48c: {  	v4 =	vld [tilespmem:s8+$0x2820];
	_ =	sdelay $0x1  }
0x48d: {  	vm0 =	vgt.f32 v3, $0.0e+00  }
0x48e: {  	v3 =	vmpcnt.ones.xlane vm0  }
0x48f: {  	v2 =	vshll.u32 v2, $0xE;
	s12 =	spop (v2sf)  }
0x490: {  	v2 =	vadd.s32 v4, v2;
	s7 =	sadd.s32 s7, s12;
	(v2sf) =	vpush v3, $0x0  }
0x491: {  	[tilespmem:s7+$0x4800] =	vst.msk vm0, v2  }
0x492: {  	v2 =	vld [tilespmem:s8+$0x3030];
	_ =	sdelay $0x7  }
0x493: {  	v3 =	vld.idx.msk [tilespmem:v2+s3+$0x0], $0xffff  }
0x494: {  	v4 =	vld [tilespmem:s8+$0x2830];
	_ =	sdelay $0x3  }
0x495: {  	v2 =	vshll.u32 v2, $0xE;
	vm0 =	vgt.f32 v3, $0.0e+00;
	s11 =	spop (v2sf)  }
0x496: {  	v2 =	vadd.s32 v4, v2;
	v3 =	vmpcnt.ones.xlane vm0;
	s7 =	sadd.s32 s7, s11  }
0x497: {  	[tilespmem:s7+$0x4800] =	vst.msk vm0, v2  }
0x498: {  	(v2sf) =	vpush v3, $0x0;
	v2 =	vld [tilespmem:s8+$0x3040];
	_ =	sdelay $0x7  }
0x499: {  	v3 =	vld.idx.msk [tilespmem:v2+s3+$0x0], $0xffff;
	_ =	sdelay $0x2  }
0x49a: {  	v4 =	vld [tilespmem:s8+$0x2840];
	_ =	sdelay $0x1  }
0x49b: {  	vm0 =	vgt.f32 v3, $0.0e+00  }
0x49c: {  	v3 =	vmpcnt.ones.xlane vm0  }
0x49d: {  	v2 =	vshll.u32 v2, $0xE;
	s12 =	spop (v2sf)  }
0x49e: {  	v2 =	vadd.s32 v4, v2;
	s11 =	sadd.s32 s7, s12;
	(v2sf) =	vpush v3, $0x0  }
0x49f: {  	s7 =	simm.s32 $0x50;
	[tilespmem:s11+$0x4800] =	vst.msk vm0, v2  }
0x4a0: {  	v2 =	vld [tilespmem:s7+$0x3000];
	_ =	sdelay $0x7  }
0x4a1: {  	v4 =	vld.idx.msk [tilespmem:v2+s3+$0x0], $0xffff;
	_ =	sdelay $0x2  }
0x4a2: {  	v3 =	vld [tilespmem:s7+$0x2800];
	_ =	sdelay $0x1  }
0x4a3: {  	s8 =	simm.s32 $0x280;
	v2 =	vshll.u32 v2, $0xE;
	vm0 =	vgt.f32 v4, $0.0e+00;
	s10 =	spop (v2sf)  }
.LBB2_18:
0x4a4: {  	p0 =	sne.s32 s8, $0x1E00  }
0x4a5: {  	v4 =	vmpcnt.ones.xlane vm0;
	s11 =	sadd.s32 s11, s10;
	s10 =	smov.u32 s8;
	s8 =	sadd.s32 $0x140, s8  }
0x4a6: {  	v2 =	vadd.s32 v3, v2  }
0x4a7: {  	[tilespmem:s11+$0x4800] =	vst.msk vm0, v2;
	(v2sf) =	vpush v4, $0x0  }
0x4a8: {  	v2 =	vld [tilespmem:s7+$0x3010];
	_ =	sdelay $0x4  }
0x4a9: {  	v3 =	vshll.u32 v2, $0xE;
	_ =	sdelay $0x2  }
0x4aa: {  	v2 =	vld.idx.msk [tilespmem:v2+s3+$0x0], $0xffff;
	_ =	sdelay $0x1  }
0x4ab: {  	v4 =	vld [tilespmem:s7+$0x2810];
	_ =	sdelay $0x3  }
0x4ac: {  	vm0 =	vgt.f32 v2, $0.0e+00;
	s12 =	spop (v2sf)  }
0x4ad: {  	s11 =	sadd.s32 s11, s12;
	v2 =	vadd.s32 v4, v3;
	v3 =	vmpcnt.ones.xlane vm0  }
0x4ae: {  	[tilespmem:s11+$0x4800] =	vst.msk vm0, v2  }
0x4af: {  	v2 =	vld [tilespmem:s7+$0x3020];
	(v2sf) =	vpush v3, $0x0;
	_ =	sdelay $0x4  }
0x4b0: {  	v3 =	vshll.u32 v2, $0xE;
	_ =	sdelay $0x2  }
0x4b1: {  	v2 =	vld.idx.msk [tilespmem:v2+s3+$0x0], $0xffff;
	_ =	sdelay $0x2  }
0x4b2: {  	v4 =	vld [tilespmem:s7+$0x2820];
	_ =	sdelay $0x2  }
0x4b3: {  	vm0 =	vgt.f32 v2, $0.0e+00  }
0x4b4: {  	v2 =	vmpcnt.ones.xlane vm0;
	s12 =	spop (v2sf)  }
0x4b5: {  	s11 =	sadd.s32 s11, s12;
	v3 =	vadd.s32 v4, v3  }
0x4b6: {  	[tilespmem:s11+$0x4800] =	vst.msk vm0, v3;
	(v2sf) =	vpush v2, $0x0  }
0x4b7: {  	v2 =	vld [tilespmem:s7+$0x3030]  }
0x4b8: {  	v3 =	vld [tilespmem:s7+$0x2830];
	_ =	sdelay $0x3  }
0x4b9: {  	v4 =	vshll.u32 v2, $0xE;
	_ =	sdelay $0x2  }
0x4ba: {  	v2 =	vld.idx.msk [tilespmem:v2+s3+$0x0], $0xffff;
	_ =	sdelay $0x5  }
0x4bb: {  	vm0 =	vgt.f32 v2, $0.0e+00;
	s12 =	spop (v2sf)  }
0x4bc: {  	v2 =	vadd.s32 v3, v4;
	v3 =	vmpcnt.ones.xlane vm0;
	s11 =	sadd.s32 s11, s12  }
0x4bd: {  	[tilespmem:s11+$0x4800] =	vst.msk vm0, v2  }
0x4be: {  	v2 =	vld [tilespmem:s7+$0x3040];
	(v2sf) =	vpush v3, $0x0  }
0x4bf: {  	v3 =	vld [tilespmem:s7+$0x2840];
	_ =	sdelay $0x3  }
0x4c0: {  	v4 =	vshll.u32 v2, $0xE;
	_ =	sdelay $0x2  }
0x4c1: {  	v2 =	vld.idx.msk [tilespmem:v2+s3+$0x0], $0xffff;
	_ =	sdelay $0x5  }
0x4c2: {  	vm0 =	vgt.f32 v2, $0.0e+00  }
0x4c3: {  	v2 =	vmpcnt.ones.xlane vm0;
	s7 =	spop (v2sf)  }
0x4c4: {  	v3 =	vadd.s32 v3, v4;
	s11 =	sadd.s32 s11, s7  }
0x4c5: {  	s7 =	sshra.s32 s10, $0x2;
	[tilespmem:s11+$0x4800] =	vst.msk vm0, v3;
	(v2sf) =	vpush v2, $0x0  }
0x4c6: {  	v3 =	vld [tilespmem:s7+$0x3000];
	_ =	sdelay $0x4  }
0x4c7: {  	v2 =	vshll.u32 v3, $0xE;
	_ =	sdelay $0x2  }
0x4c8: {  	v4 =	vld.idx.msk [tilespmem:v3+s3+$0x0], $0xffff;
	_ =	sdelay $0x1  }
.Ltmp10:
0x4c9: {  	(pc) =	sbr.rel @p0 .LBB2_18-.Ltmp10, $2  }
0x4ca: {  	v3 =	vld [tilespmem:s7+$0x2800];
	_ =	sdelay $0x2  }
0x4cb: {  	vm0 =	vgt.f32 v4, $0.0e+00;
	s10 =	spop (v2sf)  }
0x4cc: {  	v4 =	vmpcnt.ones.xlane vm0;
	_ =	sdelay $0x1  }
0x4cd: {  	(v2sf) =	vpush v4, $0x0  }
0x4ce: {  	s8 =	sadd.s32 s11, s10;
	v2 =	vadd.s32 v3, v2  }
0x4cf: {  	[tilespmem:s8+$0x4800] =	vst.msk vm0, v2  }
0x4d0: {  	v2 =	vld [tilespmem:s7+$0x3010];
	_ =	sdelay $0x6  }
0x4d1: {  	v4 =	vld [tilespmem:s7+$0x2810]  }
0x4d2: {  	v3 =	vld.idx.msk [tilespmem:v2+s3+$0x0], $0xffff;
	_ =	sdelay $0x3  }
0x4d3: {  	v2 =	vshll.u32 v2, $0xE;
	s12 =	spop (v2sf)  }
0x4d4: {  	v2 =	vadd.s32 v4, v2;
	vm0 =	vgt.f32 v3, $0.0e+00;
	s8 =	sadd.s32 s8, s12  }
0x4d5: {  	v3 =	vmpcnt.ones.xlane vm0;
	[tilespmem:s8+$0x4800] =	vst.msk vm0, v2  }
0x4d6: {  	v2 =	vld [tilespmem:s7+$0x3020]  }
0x4d7: {  	(v2sf) =	vpush v3, $0x0;
	_ =	sdelay $0x6  }
0x4d8: {  	v3 =	vld.idx.msk [tilespmem:v2+s3+$0x0], $0xffff;
	_ =	sdelay $0x3  }
0x4d9: {  	v4 =	vld [tilespmem:s7+$0x2820]  }
0x4da: {  	vm0 =	vgt.f32 v3, $0.0e+00  }
0x4db: {  	v3 =	vmpcnt.ones.xlane vm0;
	_ =	sdelay $0x1  }
0x4dc: {  	v2 =	vshll.u32 v2, $0xE;
	s11 =	spop (v2sf);
	(v2sf) =	vpush v3, $0x0  }
0x4dd: {  	v2 =	vadd.s32 v4, v2;
	s8 =	sadd.s32 s8, s11  }
0x4de: {  	[tilespmem:s8+$0x4800] =	vst.msk vm0, v2  }
0x4df: {  	v2 =	vld [tilespmem:s7+$0x3030];
	_ =	sdelay $0x6  }
0x4e0: {  	v3 =	vld [tilespmem:s7+$0x2830]  }
0x4e1: {  	v4 =	vld.idx.msk [tilespmem:v2+s3+$0x0], $0xffff;
	_ =	sdelay $0x3  }
0x4e2: {  	v2 =	vshll.u32 v2, $0xE;
	s12 =	spop (v2sf)  }
0x4e3: {  	v2 =	vadd.s32 v3, v2;
	vm0 =	vgt.f32 v4, $0.0e+00;
	s8 =	sadd.s32 s8, s12  }
0x4e4: {  	[tilespmem:s8+$0x4800] =	vst.msk vm0, v2  }
0x4e5: {  	v2 =	vld [tilespmem:s7+$0x3040];
	_ =	sdelay $0x7  }
0x4e6: {  	v3 =	vld.idx.msk [tilespmem:v2+s3+$0x0], $0xffff;
	_ =	sdelay $0x3  }
0x4e7: {  	v4 =	vmpcnt.ones.xlane vm0  }
0x4e8: {  	vm0 =	vgt.f32 v3, $0.0e+00  }
0x4e9: {  	(v2sf) =	vpush v4, $0x0;
	v3 =	vmpcnt.ones.xlane vm0;
	_ =	sdelay $0x1  }
0x4ea: {  	(v2sf) =	vpush v3, $0x0;
	_ =	sdelay $0x8  }
0x4eb: {  	v3 =	vld [tilespmem:s7+$0x2840];
	_ =	sdelay $0x3  }
0x4ec: {  	v2 =	vshll.u32 v2, $0xE;
	s11 =	spop (v2sf)  }
0x4ed: {  	s7 =	sadd.s32 s8, s11;
	v2 =	vadd.s32 v3, v2  }
0x4ee: {  	[tilespmem:s7+$0x4800] =	vst.msk vm0, v2;
	s12 =	spop (v2sf)  }
0x4ef: {  	_ =	swait.ge [sflag:s25], $0x7D0  }
0x4f0: {  	[sflag:s25] =	ssyncset.done $0x0  }
0x4f1: {  	[sflag:s25] =	ssyncadd.s32 $0xFFFFF830  }
0x4f2: {  	_ =	swait.ge [sflag:s25], $0x7D0  }
0x4f3: {  	[sflag:s25] =	ssyncset.done $0x0  }
0x4f4: {  	s10 =	simm.s32 $0x0;
	[sflag:s25] =	ssyncadd.s32 $0xFFFFF830  }
0x4f5: {  	v2 =	vld [tilespmem:s10+$0x4000];
	_ =	sdelay $0x7  }
0x4f6: {  	v3 =	vld.idx.msk [tilespmem:v2+s3+$0x0], $0xffff;
	_ =	sdelay $0x2  }
0x4f7: {  	v4 =	vld [tilespmem:s10+$0x3800];
	_ =	sdelay $0x1  }
0x4f8: {  	vm0 =	vgt.f32 v3, $0.0e+00  }
0x4f9: {  	v3 =	vmpcnt.ones.xlane vm0  }
0x4fa: {  	v2 =	vshll.u32 v2, $0xE  }
0x4fb: {  	s7 =	sadd.s32 s7, s12;
	v2 =	vadd.s32 v4, v2;
	(v2sf) =	vpush v3, $0x0  }
0x4fc: {  	[tilespmem:s7+$0x4800] =	vst.msk vm0, v2  }
0x4fd: {  	v2 =	vld [tilespmem:s10+$0x4010];
	_ =	sdelay $0x7  }
0x4fe: {  	v3 =	vld.idx.msk [tilespmem:v2+s3+$0x0], $0xffff  }
0x4ff: {  	v4 =	vld [tilespmem:s10+$0x3810];
	_ =	sdelay $0x3  }
0x500: {  	v2 =	vshll.u32 v2, $0xE;
	vm0 =	vgt.f32 v3, $0.0e+00;
	s11 =	spop (v2sf)  }
0x501: {  	v2 =	vadd.s32 v4, v2;
	v3 =	vmpcnt.ones.xlane vm0;
	s7 =	sadd.s32 s7, s11  }
0x502: {  	[tilespmem:s7+$0x4800] =	vst.msk vm0, v2  }
0x503: {  	(v2sf) =	vpush v3, $0x0;
	v2 =	vld [tilespmem:s10+$0x4020];
	_ =	sdelay $0x7  }
0x504: {  	v3 =	vld.idx.msk [tilespmem:v2+s3+$0x0], $0xffff;
	_ =	sdelay $0x2  }
0x505: {  	v4 =	vld [tilespmem:s10+$0x3820];
	_ =	sdelay $0x1  }
0x506: {  	vm0 =	vgt.f32 v3, $0.0e+00  }
0x507: {  	v3 =	vmpcnt.ones.xlane vm0  }
0x508: {  	v2 =	vshll.u32 v2, $0xE;
	s12 =	spop (v2sf)  }
0x509: {  	v2 =	vadd.s32 v4, v2;
	s7 =	sadd.s32 s7, s12;
	(v2sf) =	vpush v3, $0x0  }
0x50a: {  	[tilespmem:s7+$0x4800] =	vst.msk vm0, v2  }
0x50b: {  	v2 =	vld [tilespmem:s10+$0x4030];
	_ =	sdelay $0x7  }
0x50c: {  	v3 =	vld.idx.msk [tilespmem:v2+s3+$0x0], $0xffff  }
0x50d: {  	v4 =	vld [tilespmem:s10+$0x3830];
	_ =	sdelay $0x3  }
0x50e: {  	v2 =	vshll.u32 v2, $0xE;
	vm0 =	vgt.f32 v3, $0.0e+00;
	s11 =	spop (v2sf)  }
0x50f: {  	v2 =	vadd.s32 v4, v2;
	v3 =	vmpcnt.ones.xlane vm0;
	s7 =	sadd.s32 s7, s11  }
0x510: {  	[tilespmem:s7+$0x4800] =	vst.msk vm0, v2  }
0x511: {  	(v2sf) =	vpush v3, $0x0;
	v2 =	vld [tilespmem:s10+$0x4040];
	_ =	sdelay $0x7  }
0x512: {  	v3 =	vld.idx.msk [tilespmem:v2+s3+$0x0], $0xffff;
	_ =	sdelay $0x2  }
0x513: {  	v4 =	vld [tilespmem:s10+$0x3840];
	_ =	sdelay $0x1  }
0x514: {  	vm0 =	vgt.f32 v3, $0.0e+00  }
0x515: {  	v3 =	vmpcnt.ones.xlane vm0  }
0x516: {  	v2 =	vshll.u32 v2, $0xE;
	s12 =	spop (v2sf)  }
0x517: {  	v2 =	vadd.s32 v4, v2;
	s11 =	sadd.s32 s7, s12;
	(v2sf) =	vpush v3, $0x0  }
0x518: {  	s7 =	simm.s32 $0x50;
	[tilespmem:s11+$0x4800] =	vst.msk vm0, v2  }
0x519: {  	v2 =	vld [tilespmem:s7+$0x4000];
	_ =	sdelay $0x7  }
0x51a: {  	v4 =	vld.idx.msk [tilespmem:v2+s3+$0x0], $0xffff;
	_ =	sdelay $0x2  }
0x51b: {  	v3 =	vld [tilespmem:s7+$0x3800];
	_ =	sdelay $0x1  }
0x51c: {  	s8 =	simm.s32 $0x280;
	v2 =	vshll.u32 v2, $0xE;
	vm0 =	vgt.f32 v4, $0.0e+00;
	s10 =	spop (v2sf)  }
.LBB2_20:
0x51d: {  	p0 =	sne.s32 s8, $0x1E00  }
0x51e: {  	v4 =	vmpcnt.ones.xlane vm0;
	s11 =	sadd.s32 s11, s10;
	s10 =	smov.u32 s8;
	s8 =	sadd.s32 $0x140, s8  }
0x51f: {  	v2 =	vadd.s32 v3, v2  }
0x520: {  	[tilespmem:s11+$0x4800] =	vst.msk vm0, v2;
	(v2sf) =	vpush v4, $0x0  }
0x521: {  	v2 =	vld [tilespmem:s7+$0x4010];
	_ =	sdelay $0x4  }
0x522: {  	v3 =	vshll.u32 v2, $0xE;
	_ =	sdelay $0x2  }
0x523: {  	v2 =	vld.idx.msk [tilespmem:v2+s3+$0x0], $0xffff;
	_ =	sdelay $0x1  }
0x524: {  	v4 =	vld [tilespmem:s7+$0x3810];
	_ =	sdelay $0x3  }
0x525: {  	vm0 =	vgt.f32 v2, $0.0e+00;
	s12 =	spop (v2sf)  }
0x526: {  	s11 =	sadd.s32 s11, s12;
	v2 =	vadd.s32 v4, v3;
	v3 =	vmpcnt.ones.xlane vm0  }
0x527: {  	[tilespmem:s11+$0x4800] =	vst.msk vm0, v2  }
0x528: {  	v2 =	vld [tilespmem:s7+$0x4020];
	(v2sf) =	vpush v3, $0x0;
	_ =	sdelay $0x4  }
0x529: {  	v3 =	vshll.u32 v2, $0xE;
	_ =	sdelay $0x2  }
0x52a: {  	v2 =	vld.idx.msk [tilespmem:v2+s3+$0x0], $0xffff;
	_ =	sdelay $0x2  }
0x52b: {  	v4 =	vld [tilespmem:s7+$0x3820];
	_ =	sdelay $0x2  }
0x52c: {  	vm0 =	vgt.f32 v2, $0.0e+00  }
0x52d: {  	v2 =	vmpcnt.ones.xlane vm0;
	s12 =	spop (v2sf)  }
0x52e: {  	s11 =	sadd.s32 s11, s12;
	v3 =	vadd.s32 v4, v3  }
0x52f: {  	[tilespmem:s11+$0x4800] =	vst.msk vm0, v3;
	(v2sf) =	vpush v2, $0x0  }
0x530: {  	v2 =	vld [tilespmem:s7+$0x4030]  }
0x531: {  	v3 =	vld [tilespmem:s7+$0x3830];
	_ =	sdelay $0x3  }
0x532: {  	v4 =	vshll.u32 v2, $0xE;
	_ =	sdelay $0x2  }
0x533: {  	v2 =	vld.idx.msk [tilespmem:v2+s3+$0x0], $0xffff;
	_ =	sdelay $0x5  }
0x534: {  	vm0 =	vgt.f32 v2, $0.0e+00;
	s12 =	spop (v2sf)  }
0x535: {  	v2 =	vadd.s32 v3, v4;
	v3 =	vmpcnt.ones.xlane vm0;
	s11 =	sadd.s32 s11, s12  }
0x536: {  	[tilespmem:s11+$0x4800] =	vst.msk vm0, v2  }
0x537: {  	v2 =	vld [tilespmem:s7+$0x4040];
	(v2sf) =	vpush v3, $0x0  }
0x538: {  	v3 =	vld [tilespmem:s7+$0x3840];
	_ =	sdelay $0x3  }
0x539: {  	v4 =	vshll.u32 v2, $0xE;
	_ =	sdelay $0x2  }
0x53a: {  	v2 =	vld.idx.msk [tilespmem:v2+s3+$0x0], $0xffff;
	_ =	sdelay $0x5  }
0x53b: {  	vm0 =	vgt.f32 v2, $0.0e+00  }
0x53c: {  	v2 =	vmpcnt.ones.xlane vm0;
	s7 =	spop (v2sf)  }
0x53d: {  	v3 =	vadd.s32 v3, v4;
	s11 =	sadd.s32 s11, s7  }
0x53e: {  	s7 =	sshra.s32 s10, $0x2;
	[tilespmem:s11+$0x4800] =	vst.msk vm0, v3;
	(v2sf) =	vpush v2, $0x0  }
0x53f: {  	v3 =	vld [tilespmem:s7+$0x4000];
	_ =	sdelay $0x4  }
0x540: {  	v2 =	vshll.u32 v3, $0xE;
	_ =	sdelay $0x2  }
0x541: {  	v4 =	vld.idx.msk [tilespmem:v3+s3+$0x0], $0xffff;
	_ =	sdelay $0x1  }
.Ltmp11:
0x542: {  	(pc) =	sbr.rel @p0 .LBB2_20-.Ltmp11, $2  }
0x543: {  	v3 =	vld [tilespmem:s7+$0x3800];
	_ =	sdelay $0x2  }
0x544: {  	vm0 =	vgt.f32 v4, $0.0e+00;
	s10 =	spop (v2sf)  }
0x545: {  	v4 =	vmpcnt.ones.xlane vm0;
	_ =	sdelay $0x1  }
0x546: {  	(v2sf) =	vpush v4, $0x0  }
0x547: {  	s8 =	sadd.s32 s11, s10;
	v2 =	vadd.s32 v3, v2  }
0x548: {  	[tilespmem:s8+$0x4800] =	vst.msk vm0, v2  }
0x549: {  	v2 =	vld [tilespmem:s7+$0x4010];
	_ =	sdelay $0x6  }
0x54a: {  	v61 =	vld [tilespmem:s7+$0x3810]  }
0x54b: {  	v3 =	vld.idx.msk [tilespmem:v2+s3+$0x0], $0xffff;
	_ =	sdelay $0x3  }
0x54c: {  	v2 =	vshll.u32 v2, $0xE;
	s11 =	spop (v2sf)  }
0x54d: {  	v2 =	vadd.s32 v61, v2;
	vm12 =	vgt.f32 v3, $0.0e+00;
	s8 =	sadd.s32 s8, s11  }
0x54e: {  	v3 =	vmpcnt.ones.xlane vm12;
	[tilespmem:s8+$0x4800] =	vst.msk vm12, v2  }
0x54f: {  	v2 =	vld [tilespmem:s7+$0x4020]  }
0x550: {  	(v2sf) =	vpush v3, $0x0;
	_ =	sdelay $0x6  }
0x551: {  	v3 =	vld.idx.msk [tilespmem:v2+s3+$0x0], $0xffff;
	_ =	sdelay $0x3  }
0x552: {  	v62 =	vld [tilespmem:s7+$0x3820]  }
0x553: {  	vm13 =	vgt.f32 v3, $0.0e+00  }
0x554: {  	v3 =	vmpcnt.ones.xlane vm13;
	_ =	sdelay $0x1  }
0x555: {  	v2 =	vshll.u32 v2, $0xE;
	s12 =	spop (v2sf);
	(v2sf) =	vpush v3, $0x0  }
0x556: {  	v2 =	vadd.s32 v62, v2;
	s8 =	sadd.s32 s8, s12  }
0x557: {  	[tilespmem:s8+$0x4800] =	vst.msk vm13, v2  }
0x558: {  	v2 =	vld [tilespmem:s7+$0x4030];
	_ =	sdelay $0x6  }
0x559: {  	v3 =	vld [tilespmem:s7+$0x3830]  }
0x55a: {  	v63 =	vld.idx.msk [tilespmem:v2+s3+$0x0], $0xffff;
	_ =	sdelay $0x3  }
0x55b: {  	v2 =	vshll.u32 v2, $0xE;
	s11 =	spop (v2sf)  }
0x55c: {  	v2 =	vadd.s32 v3, v2;
	vm14 =	vgt.f32 v63, $0.0e+00;
	s8 =	sadd.s32 s8, s11  }
0x55d: {  	[tilespmem:s8+$0x4800] =	vst.msk vm14, v2  }
0x55e: {  	v2 =	vld [tilespmem:s7+$0x4040];
	_ =	sdelay $0x7  }
0x55f: {  	v3 =	vld.idx.msk [tilespmem:v2+s3+$0x0], $0xffff;
	_ =	sdelay $0x4  }
0x560: {  	v4 =	vmpcnt.ones.xlane vm14;
	vm15 =	vgt.f32 v3, $0.0e+00  }
0x561: {  	v3 =	vmpcnt.ones.xlane vm15  }
0x562: {  	(v2sf) =	vpush v4, $0x0  }
0x563: {  	(v2sf) =	vpush v3, $0x0;
	_ =	sdelay $0xd  }
0x564: {  	s12 =	spop (v2sf)  }
0x565: {  	s10 =	sadd.s32 s8, s12;
	s11 =	spop (v2sf)  }
0x566: {  	v3 =	vld [tilespmem:s7+$0x3840];
	s7 =	sadd.s32 s10, s11  }
0x567: {  	s12 =	sadd.s32 $0x1F, s7  }
0x568: {  	s8 =	sshra.s32 s12, $0x5  }
0x569: {  	p0 =	slt.s32 s8, $0x1  }
.Ltmp12:
0x56a: {  	_ = 	snop;
	(pc) =	sbr.rel @p0 .LBB2_26-.Ltmp12, $4  }
0x56b: {  	_ = 	snop  }
0x56c: {  	v2 =	vshll.u32 v2, $0xE  }
0x56d: {  	v2 =	vadd.s32 v3, v2  }
0x56e: {  	[tilespmem:s10+$0x4800] =	vst.msk vm15, v2  }
0x56f: {  	p1 =	sne.s32 s8, $0x1  }
.Ltmp13:
0x570: {  	_ = 	snop;
	(pc) =	sbr.rel @!p1 .LBB2_25-.Ltmp13, $3  }
0x571: {  	_ =	sdelay $0x1  }
0x572: {  	s10 =	simm.s32 $0x0  }
0x573: {  	v2 =	vmov s7;
	s7 =	simm.s32 $0x10;
	s8 =	sadd.s32 $0xFFFFFFFF, s8;
	p0 =	por $0x0, $0x0;
	v4 =	vor.u32 s10, v1  }
0x574: {  	_ =	sdelay $0x3  }
0x575: {  	v3 =	vld.idx.msk [tilespmem:v4+s26+$0x0], $0xffff;
	_ =	sdelay $0x4  }
0x576: {  	v5 =	vor.u32 s7, v1;
	vm0 =	vlt.s32 v4, v2;
	v4 =	vand.u32 $0x3FFF, v3  }
0x577: {  	v4 =	vnsel vm0, $0x0, v4  }
0x578: {  	v3 =	vshra.s32 v3, $0xE;
	v4 =	vadd.s32 v0, v4  }
0x579: {  	v3 =	vnsel vm0, $0x2800, v3;
	[tilespmem:$0x9680] =	vst v4  }
0x57a: {  	[tilespmem:v1+s28+$0x0] =	vst.idx.msk $0xffff, v3  }
0x57b: {  	v4 =	vld.idx.msk [tilespmem:v5+s26+$0x0], $0xffff;
	_ =	sdelay $0x3  }
0x57c: {  	v3 =	vor.u32 $0x10, v1  }
0x57d: {  	vm15 =	vlt.s32 v5, v2;
	v5 =	vand.u32 $0x3FFF, v4  }
0x57e: {  	v5 =	vnsel vm15, $0x0, v5  }
0x57f: {  	v4 =	vshra.s32 v4, $0xE;
	v5 =	vadd.s32 v0, v5  }
0x580: {  	v4 =	vnsel vm15, $0x2800, v4;
	[tilespmem:$0x9690] =	vst v5  }
0x581: {  	[tilespmem:v3+s28+$0x0] =	vst.idx.msk $0xffff, v4  }
0x582: {  	[tilespmem:s31], [sflag:$0x3] =	stream.indirect.gather [hbm4b:s5+s29], $0x80, s30, s29, $0xb8;
	[tilespmem:$0x1EB80] =	vst v63  }
0x583: {  	p1 =	sne.s32 s8, $0x1;
	_ =	swait.ge [sflag:s1], $0x1000  }
.Ltmp14:
0x584: {  	s10 =	simm.s32 $0x20;
	[sflag:s1] =	ssyncset.done $0x0;
	(pc) =	sbr.rel @!p1 .LBB2_25-.Ltmp14, $4  }
0x585: {  	v4 =	vor.u32 s10, v1;
	[sflag:s1] =	ssyncadd.s32 $0xFFFFF000  }
0x586: {  	[spmem:s2] =	stream.indirect.scatter.add.f32 [tilespmem:s31], [sflag:$0x5], $0x80, s28, s29, $0xb8;
	[tilespmem:$0x1EB80] =	vst v63  }
0x587: {  	s8 =	sadd.s32 $0xFFFFFFFF, s8;
	_ =	swait.ge [sflag:s20], $0x1000  }
0x588: {  	s7 =	simm.s32 $0x30;
	p0 =	por $0x1, $0x1;
	[sflag:s20] =	ssyncset.done $0x0  }
.LBB2_24:
0x589: {  	p1 =	sne.s32 s8, $0x1;
	s8 =	sadd.s32 $0xFFFFFFFF, s8;
	[sflag:s20] =	ssyncadd.s32 $0xFFFFF000  }
0x58a: {  	v5 =	vld.idx.msk [tilespmem:v4+s26+$0x0], $0xffff;
	_ =	sdelay $0x4  }
0x58b: {  	v6 =	vor.u32 s7, v1  }
0x58c: {  	vm0 =	vlt.s32 v4, v2;
	v4 =	vshra.s32 v5, $0xE;
	v5 =	vand.u32 $0x3FFF, v5  }
0x58d: {  	v5 =	vnsel vm0, $0x0, v5  }
0x58e: {  	v5 =	vadd.s32 v0, v5  }
0x58f: {  	v4 =	vnsel vm0, $0x2800, v4;
	[tilespmem:$0x9680] =	vst v5  }
0x590: {  	[tilespmem:v1+s28+$0x0] =	vst.idx.msk $0xffff, v4  }
0x591: {  	v4 =	vld.idx.msk [tilespmem:v6+s26+$0x0], $0xffff;
	_ =	sdelay $0x5  }
0x592: {  	vm0 =	vlt.s32 v6, v2;
	v5 =	vshra.s32 v4, $0xE;
	v4 =	vand.u32 $0x3FFF, v4  }
0x593: {  	v4 =	vnsel vm0, $0x0, v4  }
0x594: {  	v4 =	vadd.s32 v0, v4  }
0x595: {  	v5 =	vnsel vm0, $0x2800, v5;
	[tilespmem:$0x9690] =	vst v4  }
0x596: {  	[tilespmem:v3+s28+$0x0] =	vst.idx.msk $0xffff, v5  }
0x597: {  	[tilespmem:s31], [sflag:$0x3] =	stream.indirect.gather [hbm4b:s5+s29], $0x80, s30, s29, $0xb8;
	[tilespmem:$0x1EB80] =	vst v63  }
0x598: {  	s7 =	sadd.s32 $0x20, s7;
	_ =	swait.ge [sflag:s1], $0x1000  }
.Ltmp15:
0x599: {  	s10 =	sadd.s32 $0xFFFFFFF0, s7;
	[sflag:s1] =	ssyncset.done $0x0;
	(pc) =	sbr.rel @p1 .LBB2_24-.Ltmp15, $4  }
0x59a: {  	v4 =	vor.u32 s10, v1;
	[sflag:s1] =	ssyncadd.s32 $0xFFFFF000  }
0x59b: {  	[spmem:s2] =	stream.indirect.scatter.add.f32 [tilespmem:s31], [sflag:$0x5], $0x80, s28, s29, $0xb8;
	[tilespmem:$0x1EB80] =	vst v63  }
0x59c: {  	_ =	swait.ge [sflag:s20], $0x1000  }
0x59d: {  	[sflag:s20] =	ssyncset.done $0x0  }
.Ltmp16:
0x59e: {  	_ = 	snop;
	(pc) =	sbr.rel .LBB2_25-.Ltmp16, $1  }
0x59f: {  	_ =	sdelay $0x3  }
.LBB2_27:
0x5a0: {  	_ =	sfence.sel $0x180000  }
0x5a1: {  	[bflag:$0x0] =	sbarrier.arrive $0xFFFF  }
0x5a2: {  	_ =	strace $0x9000004A  }
0x5a3: {  	s0 =	stileid.u32;
	[bflag:$0x2] =	sbarrier.arrive $0xFFFF  }
0x5a4: {  	p0 =	sne.s32 s0, $0x0;
	s0 =	rddreg [dreg:$0x2]  }
0x5a5: {  	s0 =	sadd.s32 @!p0 $0x100000, s0  }
0x5a6: {  	[sflag:s0] =	ssyncadd.tile.s32 @!p0 $0x1;
	_ =	shalt  }
.Lfunc_end2:
_tile_overlayer_lowered:
.L_overlay_start_2:
0x5a7: {  	(tag) =	ssettag $0x2  }
0x5a8: {  	s0 =	rddreg [dreg:$0x0];
	s2 =	stileid.u32  }
0x5a9: {  	s1 =	rddreg [dreg:$0x1];
	p0 =	sne.s32 s2, $0x0  }
0x5aa: {  	s3 =	rddreg [dreg:$0x2];
	[bflag:$0x3] =	sbarrier.arrive $0xFFFF;
	s2 =	simm.s32 @!p0 $0x1C05  }
0x5ab: {  	[timem:s3], [sflag:s2] =	dma.local @!p0 [hbm:s0], s1  }
0x5ac: {  	s0 =	simm.s32 @!p0 $0x5  }
0x5ad: {  	_ =	swait.ge @!p0 [sflag:s0], s1  }
0x5ae: {  	s1 =	ssub.s32 @!p0 $0x0, s1;
	[sflag:s0] =	ssyncset.done @!p0 $0x0  }
0x5af: {  	[sflag:s0] =	ssyncadd.s32 @!p0 s1  }
0x5b0: {  	[bflag:$0x3] =	sbarrier.arrive $0xFFFF  }
0x5b1: {  	_ =	shalt  }

</sc_bundles>
